<compile_context>
chip_gen: v7x
topology: tpu7x:2x2x1
jax: 0.10.2.dev20260603
libtpu: 0.0.44.dev20260713+nightly
codegen_flags: <defaults>
</compile_context>

<pallas_src>
import functools

import jax
import jax.numpy as jnp
from jax import lax
from jax.experimental import pallas as pl
from jax.experimental.pallas import tpu as pltpu
from jax.experimental.pallas import tpu_sc as plsc

N = 1_000_000
NUM_CLASSES = 7
LANES = 16
NUM_WORKERS = 32
PER_W = 31_232
BUF_W = 6_144
CHUNKS = (6144, 6144, 6144, 6144, 6144, 512)
NCHUNKS = len(CHUNKS)
EXTRA_COL = NUM_WORKERS * PER_W
EXTRA_W = N - EXTRA_COL
EXTRA_ALIGNED = 512
TAIL_W = EXTRA_W - EXTRA_ALIGNED


UNROLL = 8


def _zero_scatter_pass(nums_ref, out_ref, map_ref, val_ref, ngroups):
    zeros16 = jnp.zeros((LANES,), jnp.float32)
    col0 = lax.iota(jnp.int32, LANES)

    def body(it, col):
        cls_l, val_l = [], []
        for u in range(UNROLL):
            g = it * UNROLL + u
            nums = nums_ref[pl.ds(g * LANES, LANES)]
            cls_l.append(plsc.load_gather(map_ref, [nums]))
            val_l.append(plsc.load_gather(val_ref, [nums]))
        for u in range(UNROLL):
            g = it * UNROLL + u
            for j in range(NUM_CLASSES):
                out_ref[j, pl.ds(g * LANES, LANES)] = zeros16
        for u in range(UNROLL):
            plsc.store_scatter(out_ref, [cls_l[u], col + u * LANES], val_l[u])
        return col + UNROLL * LANES

    lax.fori_loop(0, ngroups // UNROLL, body, col0)


def _scatter_save_pass(nums_ref, out_ref, cls_buf, map_ref, val_ref, ngroups):
    col0 = lax.iota(jnp.int32, LANES)

    def body(it, col):
        cls_l, val_l = [], []
        for u in range(UNROLL):
            g = it * UNROLL + u
            nums = nums_ref[pl.ds(g * LANES, LANES)]
            cls_l.append(plsc.load_gather(map_ref, [nums]))
            val_l.append(plsc.load_gather(val_ref, [nums]))
        for u in range(UNROLL):
            g = it * UNROLL + u
            cls_buf[pl.ds(g * LANES, LANES)] = cls_l[u]
        for u in range(UNROLL):
            plsc.store_scatter(out_ref, [cls_l[u], col + u * LANES], val_l[u])
        return col + UNROLL * LANES

    lax.fori_loop(0, ngroups // UNROLL, body, col0)


def _clear_pass(out_ref, cls_buf, ngroups):
    zeros16 = jnp.zeros((LANES,), jnp.float32)
    col0 = lax.iota(jnp.int32, LANES)

    def body(it, col):
        cls_l = []
        for u in range(UNROLL):
            g = it * UNROLL + u
            cls_l.append(cls_buf[pl.ds(g * LANES, LANES)])
        for u in range(UNROLL):
            plsc.store_scatter(out_ref, [cls_l[u], col + u * LANES], zeros16)
        return col + UNROLL * LANES

    lax.fori_loop(0, ngroups // UNROLL, body, col0)


def _body(numbers_hbm, map_hbm, val_hbm, out_hbm,
          map_v, val_v, n0, n1, out0, out1, cls0, cls1, tail_n, tail_out,
          si0, si1, so0, so1, st0, st1):
    wid = lax.axis_index("s") * 2 + lax.axis_index("c")
    base = wid * PER_W

    pltpu.sync_copy(map_hbm, map_v)
    pltpu.sync_copy(val_hbm, val_v)

    nums_bufs = (n0, n1)
    out_bufs = (out0, out1)
    in_sems = (si0, si1)
    out_sems = (so0, so1)
    offs = []
    o = 0
    for w in CHUNKS:
        offs.append(o)
        o += w

    def issue_in(c):
        return pltpu.async_copy(
            numbers_hbm.at[pl.ds(base + offs[c], CHUNKS[c])],
            nums_bufs[c % 2].at[pl.ds(0, CHUNKS[c])], in_sems[c % 2])

    def issue_out(c):
        w = CHUNKS[c]
        return pltpu.async_copy(
            out_bufs[c % 2].at[:, pl.ds(0, w)],
            out_hbm.at[:, pl.ds(base + offs[c], w)], out_sems[c % 2])

    in_cps = [issue_in(0), issue_in(1)]
    out_cps = [None, None]
    cls_bufs = (cls0, cls1)
    is_last = wid == NUM_WORKERS - 1

    @pl.when(is_last)
    def _tail_prefetch():
        pltpu.async_copy(numbers_hbm.at[pl.ds(EXTRA_COL, EXTRA_W)],
                         tail_n, st0)

    zeros16 = jnp.zeros((LANES,), jnp.float32)

    def _zero_buf(buf):
        def zbody(z, _):
            for j in range(NUM_CLASSES):
                buf[j, pl.ds(z * LANES, LANES)] = zeros16
            return 0
        lax.fori_loop(0, BUF_W // LANES, zbody, 0)

    _zero_buf(out0)
    for c in range(NCHUNKS):
        b = c % 2
        in_cps[b].wait()
        if out_cps[b] is not None:
            out_cps[b].wait()
            _clear_pass(out_bufs[b], cls_bufs[b], CHUNKS[c - 2] // LANES)
        _scatter_save_pass(nums_bufs[b], out_bufs[b], cls_bufs[b],
                           map_v, val_v, CHUNKS[c] // LANES)
        out_cps[b] = issue_out(c)
        if c == 0:
            _zero_buf(out1)
        if c + 2 < NCHUNKS:
            in_cps[b] = issue_in(c + 2)

    @pl.when(is_last)
    def _tail_edge():
        pltpu.make_async_copy(numbers_hbm.at[pl.ds(EXTRA_COL, EXTRA_W)],
                              tail_n, st0).wait()

        def tbody(g, col):
            nums = tail_n[pl.ds(EXTRA_ALIGNED + g * LANES, LANES)]
            cls = plsc.load_gather(map_v, [nums])
            val = plsc.load_gather(val_v, [nums])
            for j in range(NUM_CLASSES):
                tail_out[j, pl.ds(g * LANES, LANES)] = zeros16
            plsc.store_scatter(tail_out, [cls, col], val)
            return col + LANES

        lax.fori_loop(0, TAIL_W // LANES, tbody, lax.iota(jnp.int32, LANES))
        pltpu.async_copy(
            tail_out,
            out_hbm.at[:, pl.ds(EXTRA_COL + EXTRA_ALIGNED, TAIL_W)], st1)

    out_cps[0].wait()

    @pl.when(is_last)
    def _tail_aligned():
        _zero_scatter_pass(tail_n, out0, map_v, val_v,
                           EXTRA_ALIGNED // LANES)
        pltpu.async_copy(out0.at[:, pl.ds(0, EXTRA_ALIGNED)],
                         out_hbm.at[:, pl.ds(EXTRA_COL, EXTRA_ALIGNED)],
                         st0).wait()
        pltpu.make_async_copy(
            tail_out,
            out_hbm.at[:, pl.ds(EXTRA_COL + EXTRA_ALIGNED, TAIL_W)],
            st1).wait()

    out_cps[1].wait()


@jax.jit
def _onehot_sc(numbers, map_tab, val_tab):
    mesh = plsc.VectorSubcoreMesh(core_axis_name="c", subcore_axis_name="s")
    run = functools.partial(
        pl.kernel,
        out_type=jax.ShapeDtypeStruct((NUM_CLASSES, N), jnp.float32),
        mesh=mesh,
        scratch_types=[
            pltpu.VMEM((32,), jnp.int32),
            pltpu.VMEM((32,), jnp.float32),
            pltpu.VMEM((BUF_W,), jnp.int32),
            pltpu.VMEM((BUF_W,), jnp.int32),
            pltpu.VMEM((NUM_CLASSES, BUF_W), jnp.float32),
            pltpu.VMEM((NUM_CLASSES, BUF_W), jnp.float32),
            pltpu.VMEM((BUF_W,), jnp.int32),
            pltpu.VMEM((BUF_W,), jnp.int32),
            pltpu.VMEM((EXTRA_W,), jnp.int32),
            pltpu.VMEM((NUM_CLASSES, TAIL_W), jnp.float32),
            pltpu.SemaphoreType.DMA,
            pltpu.SemaphoreType.DMA,
            pltpu.SemaphoreType.DMA,
            pltpu.SemaphoreType.DMA,
            pltpu.SemaphoreType.DMA,
            pltpu.SemaphoreType.DMA,
        ],
        compiler_params=pltpu.CompilerParams(needs_layout_passes=False),
    )(_body)
    return run(numbers, map_tab, val_tab)


def kernel(numbers, mapping, eye):
    map_tab = jnp.zeros((32,), jnp.int32).at[: mapping.shape[0]].set(mapping)
    val_tab = jnp.diagonal(eye)[map_tab]
    out_t = _onehot_sc(numbers, map_tab, val_tab)
    return out_t.T

# --- scband reference (transcript-rebuilt; emitter-appended) ---
"""Pipeline reference for scband-one-hot-11536282157547 (READ-ONLY COPY).

The authoritative reference and input builder live on the scoring server;
editing this copy changes nothing except your own understanding.
"""

import jax, jax.numpy as jnp
import numpy as np

# Mirrors the torch module: atomic_numbers global maps symbol -> atomic number,
# atomic_types_mapper maps symbol -> class index.
ATOMIC_NUMBERS = {"H": 1, "C": 6, "N": 7, "O": 8, "F": 9, "S": 16, "Cl": 17}
ATOMIC_TYPES_MAPPER = {"H": 0, "C": 1, "N": 2, "O": 3, "F": 4, "S": 5, "Cl": 6}


def _build_buffers():
    num_to_idx = {ATOMIC_NUMBERS[k]: v for k, v in ATOMIC_TYPES_MAPPER.items()}
    max_atomic_num = max(num_to_idx.keys())
    mapping = np.zeros(max_atomic_num + 1, dtype=np.int32)
    for num, idx in num_to_idx.items():
        mapping[num] = idx
    num_classes = len(ATOMIC_TYPES_MAPPER)
    eye = np.eye(num_classes, dtype=np.float32)
    return jnp.asarray(mapping), jnp.asarray(eye)


def setup_inputs(seed: int = 0) -> dict:
    key = jax.random.key(seed)
    numbers = jax.random.randint(key, (1000000,), 0, 18, dtype=jnp.int32)
    mapping, eye = _build_buffers()
    return {"numbers": numbers, "mapping": mapping, "eye": eye}


def reference(numbers, mapping, eye):
    # class_indices = self._precomputed_mapping[numbers]
    class_indices = jnp.take(mapping, numbers, axis=0)
    # return self._eye_matrix[class_indices]
    return jnp.take(eye, class_indices, axis=0)

if __name__ == "__main__":
    import jax
    _d = setup_inputs()
    print(jax.jit(kernel)(*tuple(_d.values())))

</pallas_src>

<mosaic_0001>
#map = affine_map<(d0, d1) -> (0)>
#map1 = affine_map<(d0, d1) -> (0, 0)>
module attributes {stable_mosaic.version = 14 : i64} {
  func.func @_body(%arg0: i32, %arg1: i32, %arg2: memref<1000000xi32, #tpu.memory_space<hbm>>, %arg3: memref<32xi32, #tpu.memory_space<hbm>>, %arg4: memref<32xf32, #tpu.memory_space<hbm>>, %arg5: memref<7x1000000xf32, #tpu.memory_space<hbm>>, %arg6: memref<32xi32, #tpu.memory_space<vmem>>, %arg7: memref<32xf32, #tpu.memory_space<vmem>>, %arg8: memref<6144xi32, #tpu.memory_space<vmem>>, %arg9: memref<6144xi32, #tpu.memory_space<vmem>>, %arg10: memref<7x6144xf32, #tpu.memory_space<vmem>>, %arg11: memref<7x6144xf32, #tpu.memory_space<vmem>>, %arg12: memref<6144xi32, #tpu.memory_space<vmem>>, %arg13: memref<6144xi32, #tpu.memory_space<vmem>>, %arg14: memref<576xi32, #tpu.memory_space<vmem>>, %arg15: memref<7x64xf32, #tpu.memory_space<vmem>>, %arg16: memref<!tpu.dma_semaphore, #tpu.memory_space<semaphore_mem>>, %arg17: memref<!tpu.dma_semaphore, #tpu.memory_space<semaphore_mem>>, %arg18: memref<!tpu.dma_semaphore, #tpu.memory_space<semaphore_mem>>, %arg19: memref<!tpu.dma_semaphore, #tpu.memory_space<semaphore_mem>>, %arg20: memref<!tpu.dma_semaphore, #tpu.memory_space<semaphore_mem>>, %arg21: memref<!tpu.dma_semaphore, #tpu.memory_space<semaphore_mem>>) attributes {dimension_semantics = [#tpu.dimension_semantics<core_parallel>, #tpu.dimension_semantics<subcore_parallel>], iteration_bounds = array<i64: 2, 16>, scalar_prefetch = 0 : i64, scratch_operands = 16 : i64, tpu.core_type = #tpu.core_type<sc_vector_subcore>, window_params = [{transform_indices = #map}, {transform_indices = #map}, {transform_indices = #map}, {transform_indices = #map1}]} {
    %mul3A = arith.constant 2 : i32
    %mul3A_0 = arith.muli %arg1, %mul3A : i32
    %add3A = arith.addi %mul3A_0, %arg0 : i32
    %mul3A_1 = arith.constant 31232 : i32
    %mul3A_2 = arith.muli %add3A, %mul3A_1 : i32
    "tpu.region"() ({
      %run_scoped3A = tpu.sem_alloc : memref<!tpu.dma_semaphore, #tpu.memory_space<semaphore_mem>>
      tpu.enqueue_dma source(%arg3 : memref<32xi32, #tpu.memory_space<hbm>>) target(%arg6 : memref<32xi32, #tpu.memory_space<vmem>>) target_semaphore(%run_scoped3A : memref<!tpu.dma_semaphore, #tpu.memory_space<semaphore_mem>>)
      tpu.wait_dma2 semaphore(%run_scoped3A : memref<!tpu.dma_semaphore, #tpu.memory_space<semaphore_mem>>) src(%arg3 : memref<32xi32, #tpu.memory_space<hbm>>) dst(%arg6 : memref<32xi32, #tpu.memory_space<vmem>>)
      tpu.yield
    }) : () -> ()
    "tpu.region"() ({
      %run_scoped3A = tpu.sem_alloc : memref<!tpu.dma_semaphore, #tpu.memory_space<semaphore_mem>>
      tpu.enqueue_dma source(%arg4 : memref<32xf32, #tpu.memory_space<hbm>>) target(%arg7 : memref<32xf32, #tpu.memory_space<vmem>>) target_semaphore(%run_scoped3A : memref<!tpu.dma_semaphore, #tpu.memory_space<semaphore_mem>>)
      tpu.wait_dma2 semaphore(%run_scoped3A : memref<!tpu.dma_semaphore, #tpu.memory_space<semaphore_mem>>) src(%arg4 : memref<32xf32, #tpu.memory_space<hbm>>) dst(%arg7 : memref<32xf32, #tpu.memory_space<vmem>>)
      tpu.yield
    }) : () -> ()
    %add3A_3 = arith.constant 0 : i32
    %add3A_4 = arith.addi %mul3A_2, %add3A_3 : i32
    %dma_start3A = arith.constant 0 : i32
    %dma_start3A_5 = tpu.memref_slice %arg8[%dma_start3A] : memref<6144xi32, #tpu.memory_space<vmem>> -> memref<6144xi32, #tpu.memory_space<vmem>>
    %dma_start3A_6 = tpu.memref_slice %arg2[%add3A_4] : memref<1000000xi32, #tpu.memory_space<hbm>> -> memref<6144xi32, #tpu.memory_space<hbm>>
    %dma_start3A_7 = arith.constant 0 : i32
    %dma_start3A_8 = tpu.memref_slice %arg8[%dma_start3A_7] : memref<6144xi32, #tpu.memory_space<vmem>> -> memref<6144xi32, #tpu.memory_space<vmem>>
    %dma_start3A_9 = tpu.memref_slice %arg2[%add3A_4] : memref<1000000xi32, #tpu.memory_space<hbm>> -> memref<6144xi32, #tpu.memory_space<hbm>>
    tpu.enqueue_dma source(%dma_start3A_9 : memref<6144xi32, #tpu.memory_space<hbm>>) target(%dma_start3A_8 : memref<6144xi32, #tpu.memory_space<vmem>>) target_semaphore(%arg16 : memref<!tpu.dma_semaphore, #tpu.memory_space<semaphore_mem>>)
    %add3A_10 = arith.constant 6144 : i32
    %add3A_11 = arith.addi %mul3A_2, %add3A_10 : i32
    %dma_start3A_12 = arith.constant 0 : i32
    %dma_start3A_13 = tpu.memref_slice %arg9[%dma_start3A_12] : memref<6144xi32, #tpu.memory_space<vmem>> -> memref<6144xi32, #tpu.memory_space<vmem>>
    %dma_start3A_14 = tpu.memref_slice %arg2[%add3A_11] : memref<1000000xi32, #tpu.memory_space<hbm>> -> memref<6144xi32, #tpu.memory_space<hbm>>
    %dma_start3A_15 = arith.constant 0 : i32
    %dma_start3A_16 = tpu.memref_slice %arg9[%dma_start3A_15] : memref<6144xi32, #tpu.memory_space<vmem>> -> memref<6144xi32, #tpu.memory_space<vmem>>
    %dma_start3A_17 = tpu.memref_slice %arg2[%add3A_11] : memref<1000000xi32, #tpu.memory_space<hbm>> -> memref<6144xi32, #tpu.memory_space<hbm>>
    tpu.enqueue_dma source(%dma_start3A_17 : memref<6144xi32, #tpu.memory_space<hbm>>) target(%dma_start3A_16 : memref<6144xi32, #tpu.memory_space<vmem>>) target_semaphore(%arg17 : memref<!tpu.dma_semaphore, #tpu.memory_space<semaphore_mem>>)
    %eq3A = arith.constant 31 : i32
    %eq3A_18 = arith.cmpi eq, %add3A, %eq3A : i32
    %convert_element_type3A = arith.extui %eq3A_18 : i1 to i32
    %cond3A = arith.constant 0 : i32
    %cond3A_19 = arith.cmpi ne, %convert_element_type3A, %cond3A : i32
    scf.if %cond3A_19 {
      %dma_start3A_316 = arith.constant 999424 : i32
      %dma_start3A_317 = tpu.memref_slice %arg2[%dma_start3A_316] : memref<1000000xi32, #tpu.memory_space<hbm>> -> memref<576xi32, #tpu.memory_space<hbm>>
      %dma_start3A_318 = arith.constant 999424 : i32
      %dma_start3A_319 = tpu.memref_slice %arg2[%dma_start3A_318] : memref<1000000xi32, #tpu.memory_space<hbm>> -> memref<576xi32, #tpu.memory_space<hbm>>
      tpu.enqueue_dma source(%dma_start3A_319 : memref<576xi32, #tpu.memory_space<hbm>>) target(%arg14 : memref<576xi32, #tpu.memory_space<vmem>>) target_semaphore(%arg20 : memref<!tpu.dma_semaphore, #tpu.memory_space<semaphore_mem>>)
    } else {
    }
    %broadcast_in_dim3A = arith.constant 0.000000e+00 : f32
    %broadcast_in_dim3A_20 = vector.broadcast %broadcast_in_dim3A : f32 to vector<16xf32>
    %scan3A = arith.constant 0 : i32
    %scan3A_21 = arith.constant 0 : i32
    %scan3A_22 = arith.constant 384 : i32
    %scan3A_23 = arith.addi %scan3A_21, %scan3A_22 : i32
    %scan3A_24 = arith.constant 1 : i32
    %scan3A_25 = scf.for %scan3A_316 = %scan3A_21 to %scan3A_23 step %scan3A_24 iter_args(%scan3A_317 = %scan3A) -> (i32)  : i32 {
      %mul3A_318 = arith.constant 16 : i32
      %mul3A_319 = arith.muli %scan3A_316, %mul3A_318 : i32
      %swap3A = arith.constant 0 : i32
      %swap3A_320 = arith.index_cast %swap3A : i32 to index
      %swap3A_321 = arith.index_cast %mul3A_319 : i32 to index
      %swap3A_322 = tpu.vector_load %arg10[%swap3A_320, %swap3A_321] {strides = array<i32>} : memref<7x6144xf32, #tpu.memory_space<vmem>>, vector<16xf32>,
      tpu.vector_store %arg10[%swap3A_320, %swap3A_321], %broadcast_in_dim3A_20 {strides = array<i32>} : memref<7x6144xf32, #tpu.memory_space<vmem>>, vector<16xf32>,
      %mul3A_323 = arith.constant 16 : i32
      %mul3A_324 = arith.muli %scan3A_316, %mul3A_323 : i32
      %swap3A_325 = arith.constant 1 : i32
      %swap3A_326 = arith.index_cast %swap3A_325 : i32 to index
      %swap3A_327 = arith.index_cast %mul3A_324 : i32 to index
      %swap3A_328 = tpu.vector_load %arg10[%swap3A_326, %swap3A_327] {strides = array<i32>} : memref<7x6144xf32, #tpu.memory_space<vmem>>, vector<16xf32>,
      tpu.vector_store %arg10[%swap3A_326, %swap3A_327], %broadcast_in_dim3A_20 {strides = array<i32>} : memref<7x6144xf32, #tpu.memory_space<vmem>>, vector<16xf32>,
      %mul3A_329 = arith.constant 16 : i32
      %mul3A_330 = arith.muli %scan3A_316, %mul3A_329 : i32
      %swap3A_331 = arith.constant 2 : i32
      %swap3A_332 = arith.index_cast %swap3A_331 : i32 to index
      %swap3A_333 = arith.index_cast %mul3A_330 : i32 to index
      %swap3A_334 = tpu.vector_load %arg10[%swap3A_332, %swap3A_333] {strides = array<i32>} : memref<7x6144xf32, #tpu.memory_space<vmem>>, vector<16xf32>,
      tpu.vector_store %arg10[%swap3A_332, %swap3A_333], %broadcast_in_dim3A_20 {strides = array<i32>} : memref<7x6144xf32, #tpu.memory_space<vmem>>, vector<16xf32>,
      %mul3A_335 = arith.constant 16 : i32
      %mul3A_336 = arith.muli %scan3A_316, %mul3A_335 : i32
      %swap3A_337 = arith.constant 3 : i32
      %swap3A_338 = arith.index_cast %swap3A_337 : i32 to index
      %swap3A_339 = arith.index_cast %mul3A_336 : i32 to index
      %swap3A_340 = tpu.vector_load %arg10[%swap3A_338, %swap3A_339] {strides = array<i32>} : memref<7x6144xf32, #tpu.memory_space<vmem>>, vector<16xf32>,
      tpu.vector_store %arg10[%swap3A_338, %swap3A_339], %broadcast_in_dim3A_20 {strides = array<i32>} : memref<7x6144xf32, #tpu.memory_space<vmem>>, vector<16xf32>,
      %mul3A_341 = arith.constant 16 : i32
      %mul3A_342 = arith.muli %scan3A_316, %mul3A_341 : i32
      %swap3A_343 = arith.constant 4 : i32
      %swap3A_344 = arith.index_cast %swap3A_343 : i32 to index
      %swap3A_345 = arith.index_cast %mul3A_342 : i32 to index
      %swap3A_346 = tpu.vector_load %arg10[%swap3A_344, %swap3A_345] {strides = array<i32>} : memref<7x6144xf32, #tpu.memory_space<vmem>>, vector<16xf32>,
      tpu.vector_store %arg10[%swap3A_344, %swap3A_345], %broadcast_in_dim3A_20 {strides = array<i32>} : memref<7x6144xf32, #tpu.memory_space<vmem>>, vector<16xf32>,
      %mul3A_347 = arith.constant 16 : i32
      %mul3A_348 = arith.muli %scan3A_316, %mul3A_347 : i32
      %swap3A_349 = arith.constant 5 : i32
      %swap3A_350 = arith.index_cast %swap3A_349 : i32 to index
      %swap3A_351 = arith.index_cast %mul3A_348 : i32 to index
      %swap3A_352 = tpu.vector_load %arg10[%swap3A_350, %swap3A_351] {strides = array<i32>} : memref<7x6144xf32, #tpu.memory_space<vmem>>, vector<16xf32>,
      tpu.vector_store %arg10[%swap3A_350, %swap3A_351], %broadcast_in_dim3A_20 {strides = array<i32>} : memref<7x6144xf32, #tpu.memory_space<vmem>>, vector<16xf32>,
      %mul3A_353 = arith.constant 16 : i32
      %mul3A_354 = arith.muli %scan3A_316, %mul3A_353 : i32
      %swap3A_355 = arith.constant 6 : i32
      %swap3A_356 = arith.index_cast %swap3A_355 : i32 to index
      %swap3A_357 = arith.index_cast %mul3A_354 : i32 to index
      %swap3A_358 = tpu.vector_load %arg10[%swap3A_356, %swap3A_357] {strides = array<i32>} : memref<7x6144xf32, #tpu.memory_space<vmem>>, vector<16xf32>,
      tpu.vector_store %arg10[%swap3A_356, %swap3A_357], %broadcast_in_dim3A_20 {strides = array<i32>} : memref<7x6144xf32, #tpu.memory_space<vmem>>, vector<16xf32>,
      %scan3A_359 = arith.constant 0 : i32
      scf.yield %scan3A_359 : i32
    }
    %scan3A_26 = arith.constant 384 : i32
    %dma_wait3A = arith.constant 0 : i32
    %dma_wait3A_27 = tpu.memref_slice %arg8[%dma_wait3A] : memref<6144xi32, #tpu.memory_space<vmem>> -> memref<6144xi32, #tpu.memory_space<vmem>>
    %dma_wait3A_28 = tpu.memref_slice %arg2[%add3A_4] : memref<1000000xi32, #tpu.memory_space<hbm>> -> memref<6144xi32, #tpu.memory_space<hbm>>
    %dma_wait3A_29 = arith.constant 0 : i32
    %dma_wait3A_30 = tpu.memref_slice %arg8[%dma_wait3A_29] : memref<6144xi32, #tpu.memory_space<vmem>> -> memref<6144xi32, #tpu.memory_space<vmem>>
    %dma_wait3A_31 = tpu.memref_slice %arg2[%add3A_4] : memref<1000000xi32, #tpu.memory_space<hbm>> -> memref<6144xi32, #tpu.memory_space<hbm>>
    tpu.wait_dma2 semaphore(%arg16 : memref<!tpu.dma_semaphore, #tpu.memory_space<semaphore_mem>>) src(%dma_wait3A_31 : memref<6144xi32, #tpu.memory_space<hbm>>) dst(%dma_wait3A_30 : memref<6144xi32, #tpu.memory_space<vmem>>)
    %iota3A = tpu.iota {dimensions = array<i32: 0>} : vector<16xi32>
    %scan3A_32 = arith.constant 0 : i32
    %scan3A_33 = arith.constant 48 : i32
    %scan3A_34 = arith.addi %scan3A_32, %scan3A_33 : i32
    %scan3A_35 = arith.constant 1 : i32
    %scan3A_36 = scf.for %scan3A_316 = %scan3A_32 to %scan3A_34 step %scan3A_35 iter_args(%scan3A_317 = %iota3A) -> (vector<16xi32>)  : i32 {
      %mul3A_318 = arith.constant 8 : i32
      %mul3A_319 = arith.muli %scan3A_316, %mul3A_318 : i32
      %add3A_320 = arith.constant 0 : i32
      %add3A_321 = arith.addi %mul3A_319, %add3A_320 : i32
      %mul3A_322 = arith.constant 16 : i32
      %mul3A_323 = arith.muli %add3A_321, %mul3A_322 : i32
      %get3A = arith.index_cast %mul3A_323 : i32 to index
      %get3A_324 = tpu.vector_load %arg8[%get3A] {strides = array<i32>} : memref<6144xi32, #tpu.memory_space<vmem>>, vector<16xi32>,
      %gather3A = tpu.vector_load_idx %arg6[%get3A_324] : memref<32xi32, #tpu.memory_space<vmem>>[vector<16xi32>], vector<16xi32>,
      %gather3A_325 = tpu.vector_load_idx %arg7[%get3A_324] : memref<32xf32, #tpu.memory_space<vmem>>[vector<16xi32>], vector<16xf32>,
      %mul3A_326 = arith.constant 8 : i32
      %mul3A_327 = arith.muli %scan3A_316, %mul3A_326 : i32
      %add3A_328 = arith.constant 1 : i32
      %add3A_329 = arith.addi %mul3A_327, %add3A_328 : i32
      %mul3A_330 = arith.constant 16 : i32
      %mul3A_331 = arith.muli %add3A_329, %mul3A_330 : i32
      %get3A_332 = arith.index_cast %mul3A_331 : i32 to index
      %get3A_333 = tpu.vector_load %arg8[%get3A_332] {strides = array<i32>} : memref<6144xi32, #tpu.memory_space<vmem>>, vector<16xi32>,
      %gather3A_334 = tpu.vector_load_idx %arg6[%get3A_333] : memref<32xi32, #tpu.memory_space<vmem>>[vector<16xi32>], vector<16xi32>,
      %gather3A_335 = tpu.vector_load_idx %arg7[%get3A_333] : memref<32xf32, #tpu.memory_space<vmem>>[vector<16xi32>], vector<16xf32>,
      %mul3A_336 = arith.constant 8 : i32
      %mul3A_337 = arith.muli %scan3A_316, %mul3A_336 : i32
      %add3A_338 = arith.constant 2 : i32
      %add3A_339 = arith.addi %mul3A_337, %add3A_338 : i32
      %mul3A_340 = arith.constant 16 : i32
      %mul3A_341 = arith.muli %add3A_339, %mul3A_340 : i32
      %get3A_342 = arith.index_cast %mul3A_341 : i32 to index
      %get3A_343 = tpu.vector_load %arg8[%get3A_342] {strides = array<i32>} : memref<6144xi32, #tpu.memory_space<vmem>>, vector<16xi32>,
      %gather3A_344 = tpu.vector_load_idx %arg6[%get3A_343] : memref<32xi32, #tpu.memory_space<vmem>>[vector<16xi32>], vector<16xi32>,
      %gather3A_345 = tpu.vector_load_idx %arg7[%get3A_343] : memref<32xf32, #tpu.memory_space<vmem>>[vector<16xi32>], vector<16xf32>,
      %mul3A_346 = arith.constant 8 : i32
      %mul3A_347 = arith.muli %scan3A_316, %mul3A_346 : i32
      %add3A_348 = arith.constant 3 : i32
      %add3A_349 = arith.addi %mul3A_347, %add3A_348 : i32
      %mul3A_350 = arith.constant 16 : i32
      %mul3A_351 = arith.muli %add3A_349, %mul3A_350 : i32
      %get3A_352 = arith.index_cast %mul3A_351 : i32 to index
      %get3A_353 = tpu.vector_load %arg8[%get3A_352] {strides = array<i32>} : memref<6144xi32, #tpu.memory_space<vmem>>, vector<16xi32>,
      %gather3A_354 = tpu.vector_load_idx %arg6[%get3A_353] : memref<32xi32, #tpu.memory_space<vmem>>[vector<16xi32>], vector<16xi32>,
      %gather3A_355 = tpu.vector_load_idx %arg7[%get3A_353] : memref<32xf32, #tpu.memory_space<vmem>>[vector<16xi32>], vector<16xf32>,
      %mul3A_356 = arith.constant 8 : i32
      %mul3A_357 = arith.muli %scan3A_316, %mul3A_356 : i32
      %add3A_358 = arith.constant 4 : i32
      %add3A_359 = arith.addi %mul3A_357, %add3A_358 : i32
      %mul3A_360 = arith.constant 16 : i32
      %mul3A_361 = arith.muli %add3A_359, %mul3A_360 : i32
      %get3A_362 = arith.index_cast %mul3A_361 : i32 to index
      %get3A_363 = tpu.vector_load %arg8[%get3A_362] {strides = array<i32>} : memref<6144xi32, #tpu.memory_space<vmem>>, vector<16xi32>,
      %gather3A_364 = tpu.vector_load_idx %arg6[%get3A_363] : memref<32xi32, #tpu.memory_space<vmem>>[vector<16xi32>], vector<16xi32>,
      %gather3A_365 = tpu.vector_load_idx %arg7[%get3A_363] : memref<32xf32, #tpu.memory_space<vmem>>[vector<16xi32>], vector<16xf32>,
      %mul3A_366 = arith.constant 8 : i32
      %mul3A_367 = arith.muli %scan3A_316, %mul3A_366 : i32
      %add3A_368 = arith.constant 5 : i32
      %add3A_369 = arith.addi %mul3A_367, %add3A_368 : i32
      %mul3A_370 = arith.constant 16 : i32
      %mul3A_371 = arith.muli %add3A_369, %mul3A_370 : i32
      %get3A_372 = arith.index_cast %mul3A_371 : i32 to index
      %get3A_373 = tpu.vector_load %arg8[%get3A_372] {strides = array<i32>} : memref<6144xi32, #tpu.memory_space<vmem>>, vector<16xi32>,
      %gather3A_374 = tpu.vector_load_idx %arg6[%get3A_373] : memref<32xi32, #tpu.memory_space<vmem>>[vector<16xi32>], vector<16xi32>,
      %gather3A_375 = tpu.vector_load_idx %arg7[%get3A_373] : memref<32xf32, #tpu.memory_space<vmem>>[vector<16xi32>], vector<16xf32>,
      %mul3A_376 = arith.constant 8 : i32
      %mul3A_377 = arith.muli %scan3A_316, %mul3A_376 : i32
      %add3A_378 = arith.constant 6 : i32
      %add3A_379 = arith.addi %mul3A_377, %add3A_378 : i32
      %mul3A_380 = arith.constant 16 : i32
      %mul3A_381 = arith.muli %add3A_379, %mul3A_380 : i32
      %get3A_382 = arith.index_cast %mul3A_381 : i32 to index
      %get3A_383 = tpu.vector_load %arg8[%get3A_382] {strides = array<i32>} : memref<6144xi32, #tpu.memory_space<vmem>>, vector<16xi32>,
      %gather3A_384 = tpu.vector_load_idx %arg6[%get3A_383] : memref<32xi32, #tpu.memory_space<vmem>>[vector<16xi32>], vector<16xi32>,
      %gather3A_385 = tpu.vector_load_idx %arg7[%get3A_383] : memref<32xf32, #tpu.memory_space<vmem>>[vector<16xi32>], vector<16xf32>,
      %mul3A_386 = arith.constant 8 : i32
      %mul3A_387 = arith.muli %scan3A_316, %mul3A_386 : i32
      %add3A_388 = arith.constant 7 : i32
      %add3A_389 = arith.addi %mul3A_387, %add3A_388 : i32
      %mul3A_390 = arith.constant 16 : i32
      %mul3A_391 = arith.muli %add3A_389, %mul3A_390 : i32
      %get3A_392 = arith.index_cast %mul3A_391 : i32 to index
      %get3A_393 = tpu.vector_load %arg8[%get3A_392] {strides = array<i32>} : memref<6144xi32, #tpu.memory_space<vmem>>, vector<16xi32>,
      %gather3A_394 = tpu.vector_load_idx %arg6[%get3A_393] : memref<32xi32, #tpu.memory_space<vmem>>[vector<16xi32>], vector<16xi32>,
      %gather3A_395 = tpu.vector_load_idx %arg7[%get3A_393] : memref<32xf32, #tpu.memory_space<vmem>>[vector<16xi32>], vector<16xf32>,
      %mul3A_396 = arith.constant 8 : i32
      %mul3A_397 = arith.muli %scan3A_316, %mul3A_396 : i32
      %add3A_398 = arith.constant 0 : i32
      %add3A_399 = arith.addi %mul3A_397, %add3A_398 : i32
      %mul3A_400 = arith.constant 16 : i32
      %mul3A_401 = arith.muli %add3A_399, %mul3A_400 : i32
      %swap3A = arith.index_cast %mul3A_401 : i32 to index
      %swap3A_402 = tpu.vector_load %arg12[%swap3A] {strides = array<i32>} : memref<6144xi32, #tpu.memory_space<vmem>>, vector<16xi32>,
      tpu.vector_store %arg12[%swap3A], %gather3A {strides = array<i32>} : memref<6144xi32, #tpu.memory_space<vmem>>, vector<16xi32>,
      %mul3A_403 = arith.constant 8 : i32
      %mul3A_404 = arith.muli %scan3A_316, %mul3A_403 : i32
      %add3A_405 = arith.constant 1 : i32
      %add3A_406 = arith.addi %mul3A_404, %add3A_405 : i32
      %mul3A_407 = arith.constant 16 : i32
      %mul3A_408 = arith.muli %add3A_406, %mul3A_407 : i32
      %swap3A_409 = arith.index_cast %mul3A_408 : i32 to index
      %swap3A_410 = tpu.vector_load %arg12[%swap3A_409] {strides = array<i32>} : memref<6144xi32, #tpu.memory_space<vmem>>, vector<16xi32>,
      tpu.vector_store %arg12[%swap3A_409], %gather3A_334 {strides = array<i32>} : memref<6144xi32, #tpu.memory_space<vmem>>, vector<16xi32>,
      %mul3A_411 = arith.constant 8 : i32
      %mul3A_412 = arith.muli %scan3A_316, %mul3A_411 : i32
      %add3A_413 = arith.constant 2 : i32
      %add3A_414 = arith.addi %mul3A_412, %add3A_413 : i32
      %mul3A_415 = arith.constant 16 : i32
      %mul3A_416 = arith.muli %add3A_414, %mul3A_415 : i32
      %swap3A_417 = arith.index_cast %mul3A_416 : i32 to index
      %swap3A_418 = tpu.vector_load %arg12[%swap3A_417] {strides = array<i32>} : memref<6144xi32, #tpu.memory_space<vmem>>, vector<16xi32>,
      tpu.vector_store %arg12[%swap3A_417], %gather3A_344 {strides = array<i32>} : memref<6144xi32, #tpu.memory_space<vmem>>, vector<16xi32>,
      %mul3A_419 = arith.constant 8 : i32
      %mul3A_420 = arith.muli %scan3A_316, %mul3A_419 : i32
      %add3A_421 = arith.constant 3 : i32
      %add3A_422 = arith.addi %mul3A_420, %add3A_421 : i32
      %mul3A_423 = arith.constant 16 : i32
      %mul3A_424 = arith.muli %add3A_422, %mul3A_423 : i32
      %swap3A_425 = arith.index_cast %mul3A_424 : i32 to index
      %swap3A_426 = tpu.vector_load %arg12[%swap3A_425] {strides = array<i32>} : memref<6144xi32, #tpu.memory_space<vmem>>, vector<16xi32>,
      tpu.vector_store %arg12[%swap3A_425], %gather3A_354 {strides = array<i32>} : memref<6144xi32, #tpu.memory_space<vmem>>, vector<16xi32>,
      %mul3A_427 = arith.constant 8 : i32
      %mul3A_428 = arith.muli %scan3A_316, %mul3A_427 : i32
      %add3A_429 = arith.constant 4 : i32
      %add3A_430 = arith.addi %mul3A_428, %add3A_429 : i32
      %mul3A_431 = arith.constant 16 : i32
      %mul3A_432 = arith.muli %add3A_430, %mul3A_431 : i32
      %swap3A_433 = arith.index_cast %mul3A_432 : i32 to index
      %swap3A_434 = tpu.vector_load %arg12[%swap3A_433] {strides = array<i32>} : memref<6144xi32, #tpu.memory_space<vmem>>, vector<16xi32>,
      tpu.vector_store %arg12[%swap3A_433], %gather3A_364 {strides = array<i32>} : memref<6144xi32, #tpu.memory_space<vmem>>, vector<16xi32>,
      %mul3A_435 = arith.constant 8 : i32
      %mul3A_436 = arith.muli %scan3A_316, %mul3A_435 : i32
      %add3A_437 = arith.constant 5 : i32
      %add3A_438 = arith.addi %mul3A_436, %add3A_437 : i32
      %mul3A_439 = arith.constant 16 : i32
      %mul3A_440 = arith.muli %add3A_438, %mul3A_439 : i32
      %swap3A_441 = arith.index_cast %mul3A_440 : i32 to index
      %swap3A_442 = tpu.vector_load %arg12[%swap3A_441] {strides = array<i32>} : memref<6144xi32, #tpu.memory_space<vmem>>, vector<16xi32>,
      tpu.vector_store %arg12[%swap3A_441], %gather3A_374 {strides = array<i32>} : memref<6144xi32, #tpu.memory_space<vmem>>, vector<16xi32>,
      %mul3A_443 = arith.constant 8 : i32
      %mul3A_444 = arith.muli %scan3A_316, %mul3A_443 : i32
      %add3A_445 = arith.constant 6 : i32
      %add3A_446 = arith.addi %mul3A_444, %add3A_445 : i32
      %mul3A_447 = arith.constant 16 : i32
      %mul3A_448 = arith.muli %add3A_446, %mul3A_447 : i32
      %swap3A_449 = arith.index_cast %mul3A_448 : i32 to index
      %swap3A_450 = tpu.vector_load %arg12[%swap3A_449] {strides = array<i32>} : memref<6144xi32, #tpu.memory_space<vmem>>, vector<16xi32>,
      tpu.vector_store %arg12[%swap3A_449], %gather3A_384 {strides = array<i32>} : memref<6144xi32, #tpu.memory_space<vmem>>, vector<16xi32>,
      %mul3A_451 = arith.constant 8 : i32
      %mul3A_452 = arith.muli %scan3A_316, %mul3A_451 : i32
      %add3A_453 = arith.constant 7 : i32
      %add3A_454 = arith.addi %mul3A_452, %add3A_453 : i32
      %mul3A_455 = arith.constant 16 : i32
      %mul3A_456 = arith.muli %add3A_454, %mul3A_455 : i32
      %swap3A_457 = arith.index_cast %mul3A_456 : i32 to index
      %swap3A_458 = tpu.vector_load %arg12[%swap3A_457] {strides = array<i32>} : memref<6144xi32, #tpu.memory_space<vmem>>, vector<16xi32>,
      tpu.vector_store %arg12[%swap3A_457], %gather3A_394 {strides = array<i32>} : memref<6144xi32, #tpu.memory_space<vmem>>, vector<16xi32>,
      %add3A_459 = arith.constant 0 : i32
      %add3A_460 = vector.broadcast %add3A_459 : i32 to vector<16xi32>
      %add3A_461 = arith.addi %scan3A_317, %add3A_460 : vector<16xi32>
      tpu.vector_store_idx %arg10[%gather3A, %add3A_461], %gather3A_325 : memref<7x6144xf32, #tpu.memory_space<vmem>>[vector<16xi32>, vector<16xi32>], vector<16xf32>,
      %add3A_462 = arith.constant 16 : i32
      %add3A_463 = vector.broadcast %add3A_462 : i32 to vector<16xi32>
      %add3A_464 = arith.addi %scan3A_317, %add3A_463 : vector<16xi32>
      tpu.vector_store_idx %arg10[%gather3A_334, %add3A_464], %gather3A_335 : memref<7x6144xf32, #tpu.memory_space<vmem>>[vector<16xi32>, vector<16xi32>], vector<16xf32>,
      %add3A_465 = arith.constant 32 : i32
      %add3A_466 = vector.broadcast %add3A_465 : i32 to vector<16xi32>
      %add3A_467 = arith.addi %scan3A_317, %add3A_466 : vector<16xi32>
      tpu.vector_store_idx %arg10[%gather3A_344, %add3A_467], %gather3A_345 : memref<7x6144xf32, #tpu.memory_space<vmem>>[vector<16xi32>, vector<16xi32>], vector<16xf32>,
      %add3A_468 = arith.constant 48 : i32
      %add3A_469 = vector.broadcast %add3A_468 : i32 to vector<16xi32>
      %add3A_470 = arith.addi %scan3A_317, %add3A_469 : vector<16xi32>
      tpu.vector_store_idx %arg10[%gather3A_354, %add3A_470], %gather3A_355 : memref<7x6144xf32, #tpu.memory_space<vmem>>[vector<16xi32>, vector<16xi32>], vector<16xf32>,
      %add3A_471 = arith.constant 64 : i32
      %add3A_472 = vector.broadcast %add3A_471 : i32 to vector<16xi32>
      %add3A_473 = arith.addi %scan3A_317, %add3A_472 : vector<16xi32>
      tpu.vector_store_idx %arg10[%gather3A_364, %add3A_473], %gather3A_365 : memref<7x6144xf32, #tpu.memory_space<vmem>>[vector<16xi32>, vector<16xi32>], vector<16xf32>,
      %add3A_474 = arith.constant 80 : i32
      %add3A_475 = vector.broadcast %add3A_474 : i32 to vector<16xi32>
      %add3A_476 = arith.addi %scan3A_317, %add3A_475 : vector<16xi32>
      tpu.vector_store_idx %arg10[%gather3A_374, %add3A_476], %gather3A_375 : memref<7x6144xf32, #tpu.memory_space<vmem>>[vector<16xi32>, vector<16xi32>], vector<16xf32>,
      %add3A_477 = arith.constant 96 : i32
      %add3A_478 = vector.broadcast %add3A_477 : i32 to vector<16xi32>
      %add3A_479 = arith.addi %scan3A_317, %add3A_478 : vector<16xi32>
      tpu.vector_store_idx %arg10[%gather3A_384, %add3A_479], %gather3A_385 : memref<7x6144xf32, #tpu.memory_space<vmem>>[vector<16xi32>, vector<16xi32>], vector<16xf32>,
      %add3A_480 = arith.constant 112 : i32
      %add3A_481 = vector.broadcast %add3A_480 : i32 to vector<16xi32>
      %add3A_482 = arith.addi %scan3A_317, %add3A_481 : vector<16xi32>
      tpu.vector_store_idx %arg10[%gather3A_394, %add3A_482], %gather3A_395 : memref<7x6144xf32, #tpu.memory_space<vmem>>[vector<16xi32>, vector<16xi32>], vector<16xf32>,
      %add3A_483 = arith.constant 128 : i32
      %add3A_484 = vector.broadcast %add3A_483 : i32 to vector<16xi32>
      %add3A_485 = arith.addi %scan3A_317, %add3A_484 : vector<16xi32>
      scf.yield %add3A_485 : vector<16xi32>
    }
    %scan3A_37 = arith.constant 48 : i32
    %add3A_38 = arith.constant 0 : i32
    %add3A_39 = arith.addi %mul3A_2, %add3A_38 : i32
    %dma_start3A_40 = arith.constant 0 : i32
    %dma_start3A_41 = arith.constant 0 : i32
    %dma_start3A_42 = tpu.memref_slice %arg10[%dma_start3A_40, %dma_start3A_41] : memref<7x6144xf32, #tpu.memory_space<vmem>> -> memref<7x6144xf32, #tpu.memory_space<vmem>>
    %dma_start3A_43 = arith.constant 0 : i32
    %dma_start3A_44 = tpu.memref_slice %arg5[%dma_start3A_43, %add3A_39] : memref<7x1000000xf32, #tpu.memory_space<hbm>> -> memref<7x6144xf32, #tpu.memory_space<hbm>>
    %dma_start3A_45 = arith.constant 0 : i32
    %dma_start3A_46 = tpu.memref_slice %arg5[%dma_start3A_45, %add3A_39] : memref<7x1000000xf32, #tpu.memory_space<hbm>> -> memref<7x6144xf32, #tpu.memory_space<hbm>>
    %dma_start3A_47 = arith.constant 0 : i32
    %dma_start3A_48 = arith.constant 0 : i32
    %dma_start3A_49 = tpu.memref_slice %arg10[%dma_start3A_47, %dma_start3A_48] : memref<7x6144xf32, #tpu.memory_space<vmem>> -> memref<7x6144xf32, #tpu.memory_space<vmem>>
    tpu.enqueue_dma source(%dma_start3A_49 : memref<7x6144xf32, #tpu.memory_space<vmem>>) target(%dma_start3A_46 : memref<7x6144xf32, #tpu.memory_space<hbm>>) target_semaphore(%arg18 : memref<!tpu.dma_semaphore, #tpu.memory_space<semaphore_mem>>)
    %scan3A_50 = arith.constant 0 : i32
    %scan3A_51 = arith.constant 0 : i32
    %scan3A_52 = arith.constant 384 : i32
    %scan3A_53 = arith.addi %scan3A_51, %scan3A_52 : i32
    %scan3A_54 = arith.constant 1 : i32
    %scan3A_55 = scf.for %scan3A_316 = %scan3A_51 to %scan3A_53 step %scan3A_54 iter_args(%scan3A_317 = %scan3A_50) -> (i32)  : i32 {
      %mul3A_318 = arith.constant 16 : i32
      %mul3A_319 = arith.muli %scan3A_316, %mul3A_318 : i32
      %swap3A = arith.constant 0 : i32
      %swap3A_320 = arith.index_cast %swap3A : i32 to index
      %swap3A_321 = arith.index_cast %mul3A_319 : i32 to index
      %swap3A_322 = tpu.vector_load %arg11[%swap3A_320, %swap3A_321] {strides = array<i32>} : memref<7x6144xf32, #tpu.memory_space<vmem>>, vector<16xf32>,
      tpu.vector_store %arg11[%swap3A_320, %swap3A_321], %broadcast_in_dim3A_20 {strides = array<i32>} : memref<7x6144xf32, #tpu.memory_space<vmem>>, vector<16xf32>,
      %mul3A_323 = arith.constant 16 : i32
      %mul3A_324 = arith.muli %scan3A_316, %mul3A_323 : i32
      %swap3A_325 = arith.constant 1 : i32
      %swap3A_326 = arith.index_cast %swap3A_325 : i32 to index
      %swap3A_327 = arith.index_cast %mul3A_324 : i32 to index
      %swap3A_328 = tpu.vector_load %arg11[%swap3A_326, %swap3A_327] {strides = array<i32>} : memref<7x6144xf32, #tpu.memory_space<vmem>>, vector<16xf32>,
      tpu.vector_store %arg11[%swap3A_326, %swap3A_327], %broadcast_in_dim3A_20 {strides = array<i32>} : memref<7x6144xf32, #tpu.memory_space<vmem>>, vector<16xf32>,
      %mul3A_329 = arith.constant 16 : i32
      %mul3A_330 = arith.muli %scan3A_316, %mul3A_329 : i32
      %swap3A_331 = arith.constant 2 : i32
      %swap3A_332 = arith.index_cast %swap3A_331 : i32 to index
      %swap3A_333 = arith.index_cast %mul3A_330 : i32 to index
      %swap3A_334 = tpu.vector_load %arg11[%swap3A_332, %swap3A_333] {strides = array<i32>} : memref<7x6144xf32, #tpu.memory_space<vmem>>, vector<16xf32>,
      tpu.vector_store %arg11[%swap3A_332, %swap3A_333], %broadcast_in_dim3A_20 {strides = array<i32>} : memref<7x6144xf32, #tpu.memory_space<vmem>>, vector<16xf32>,
      %mul3A_335 = arith.constant 16 : i32
      %mul3A_336 = arith.muli %scan3A_316, %mul3A_335 : i32
      %swap3A_337 = arith.constant 3 : i32
      %swap3A_338 = arith.index_cast %swap3A_337 : i32 to index
      %swap3A_339 = arith.index_cast %mul3A_336 : i32 to index
      %swap3A_340 = tpu.vector_load %arg11[%swap3A_338, %swap3A_339] {strides = array<i32>} : memref<7x6144xf32, #tpu.memory_space<vmem>>, vector<16xf32>,
      tpu.vector_store %arg11[%swap3A_338, %swap3A_339], %broadcast_in_dim3A_20 {strides = array<i32>} : memref<7x6144xf32, #tpu.memory_space<vmem>>, vector<16xf32>,
      %mul3A_341 = arith.constant 16 : i32
      %mul3A_342 = arith.muli %scan3A_316, %mul3A_341 : i32
      %swap3A_343 = arith.constant 4 : i32
      %swap3A_344 = arith.index_cast %swap3A_343 : i32 to index
      %swap3A_345 = arith.index_cast %mul3A_342 : i32 to index
      %swap3A_346 = tpu.vector_load %arg11[%swap3A_344, %swap3A_345] {strides = array<i32>} : memref<7x6144xf32, #tpu.memory_space<vmem>>, vector<16xf32>,
      tpu.vector_store %arg11[%swap3A_344, %swap3A_345], %broadcast_in_dim3A_20 {strides = array<i32>} : memref<7x6144xf32, #tpu.memory_space<vmem>>, vector<16xf32>,
      %mul3A_347 = arith.constant 16 : i32
      %mul3A_348 = arith.muli %scan3A_316, %mul3A_347 : i32
      %swap3A_349 = arith.constant 5 : i32
      %swap3A_350 = arith.index_cast %swap3A_349 : i32 to index
      %swap3A_351 = arith.index_cast %mul3A_348 : i32 to index
      %swap3A_352 = tpu.vector_load %arg11[%swap3A_350, %swap3A_351] {strides = array<i32>} : memref<7x6144xf32, #tpu.memory_space<vmem>>, vector<16xf32>,
      tpu.vector_store %arg11[%swap3A_350, %swap3A_351], %broadcast_in_dim3A_20 {strides = array<i32>} : memref<7x6144xf32, #tpu.memory_space<vmem>>, vector<16xf32>,
      %mul3A_353 = arith.constant 16 : i32
      %mul3A_354 = arith.muli %scan3A_316, %mul3A_353 : i32
      %swap3A_355 = arith.constant 6 : i32
      %swap3A_356 = arith.index_cast %swap3A_355 : i32 to index
      %swap3A_357 = arith.index_cast %mul3A_354 : i32 to index
      %swap3A_358 = tpu.vector_load %arg11[%swap3A_356, %swap3A_357] {strides = array<i32>} : memref<7x6144xf32, #tpu.memory_space<vmem>>, vector<16xf32>,
      tpu.vector_store %arg11[%swap3A_356, %swap3A_357], %broadcast_in_dim3A_20 {strides = array<i32>} : memref<7x6144xf32, #tpu.memory_space<vmem>>, vector<16xf32>,
      %scan3A_359 = arith.constant 0 : i32
      scf.yield %scan3A_359 : i32
    }
    %scan3A_56 = arith.constant 384 : i32
    %add3A_57 = arith.constant 12288 : i32
    %add3A_58 = arith.addi %mul3A_2, %add3A_57 : i32
    %dma_start3A_59 = arith.constant 0 : i32
    %dma_start3A_60 = tpu.memref_slice %arg8[%dma_start3A_59] : memref<6144xi32, #tpu.memory_space<vmem>> -> memref<6144xi32, #tpu.memory_space<vmem>>
    %dma_start3A_61 = tpu.memref_slice %arg2[%add3A_58] : memref<1000000xi32, #tpu.memory_space<hbm>> -> memref<6144xi32, #tpu.memory_space<hbm>>
    %dma_start3A_62 = arith.constant 0 : i32
    %dma_start3A_63 = tpu.memref_slice %arg8[%dma_start3A_62] : memref<6144xi32, #tpu.memory_space<vmem>> -> memref<6144xi32, #tpu.memory_space<vmem>>
    %dma_start3A_64 = tpu.memref_slice %arg2[%add3A_58] : memref<1000000xi32, #tpu.memory_space<hbm>> -> memref<6144xi32, #tpu.memory_space<hbm>>
    tpu.enqueue_dma source(%dma_start3A_64 : memref<6144xi32, #tpu.memory_space<hbm>>) target(%dma_start3A_63 : memref<6144xi32, #tpu.memory_space<vmem>>) target_semaphore(%arg16 : memref<!tpu.dma_semaphore, #tpu.memory_space<semaphore_mem>>)
    %dma_wait3A_65 = arith.constant 0 : i32
    %dma_wait3A_66 = tpu.memref_slice %arg9[%dma_wait3A_65] : memref<6144xi32, #tpu.memory_space<vmem>> -> memref<6144xi32, #tpu.memory_space<vmem>>
    %dma_wait3A_67 = tpu.memref_slice %arg2[%add3A_11] : memref<1000000xi32, #tpu.memory_space<hbm>> -> memref<6144xi32, #tpu.memory_space<hbm>>
    %dma_wait3A_68 = arith.constant 0 : i32
    %dma_wait3A_69 = tpu.memref_slice %arg9[%dma_wait3A_68] : memref<6144xi32, #tpu.memory_space<vmem>> -> memref<6144xi32, #tpu.memory_space<vmem>>
    %dma_wait3A_70 = tpu.memref_slice %arg2[%add3A_11] : memref<1000000xi32, #tpu.memory_space<hbm>> -> memref<6144xi32, #tpu.memory_space<hbm>>
    tpu.wait_dma2 semaphore(%arg17 : memref<!tpu.dma_semaphore, #tpu.memory_space<semaphore_mem>>) src(%dma_wait3A_70 : memref<6144xi32, #tpu.memory_space<hbm>>) dst(%dma_wait3A_69 : memref<6144xi32, #tpu.memory_space<vmem>>)
    %iota3A_71 = tpu.iota {dimensions = array<i32: 0>} : vector<16xi32>
    %scan3A_72 = arith.constant 0 : i32
    %scan3A_73 = arith.constant 48 : i32
    %scan3A_74 = arith.addi %scan3A_72, %scan3A_73 : i32
    %scan3A_75 = arith.constant 1 : i32
    %scan3A_76 = scf.for %scan3A_316 = %scan3A_72 to %scan3A_74 step %scan3A_75 iter_args(%scan3A_317 = %iota3A_71) -> (vector<16xi32>)  : i32 {
      %mul3A_318 = arith.constant 8 : i32
      %mul3A_319 = arith.muli %scan3A_316, %mul3A_318 : i32
      %add3A_320 = arith.constant 0 : i32
      %add3A_321 = arith.addi %mul3A_319, %add3A_320 : i32
      %mul3A_322 = arith.constant 16 : i32
      %mul3A_323 = arith.muli %add3A_321, %mul3A_322 : i32
      %get3A = arith.index_cast %mul3A_323 : i32 to index
      %get3A_324 = tpu.vector_load %arg9[%get3A] {strides = array<i32>} : memref<6144xi32, #tpu.memory_space<vmem>>, vector<16xi32>,
      %gather3A = tpu.vector_load_idx %arg6[%get3A_324] : memref<32xi32, #tpu.memory_space<vmem>>[vector<16xi32>], vector<16xi32>,
      %gather3A_325 = tpu.vector_load_idx %arg7[%get3A_324] : memref<32xf32, #tpu.memory_space<vmem>>[vector<16xi32>], vector<16xf32>,
      %mul3A_326 = arith.constant 8 : i32
      %mul3A_327 = arith.muli %scan3A_316, %mul3A_326 : i32
      %add3A_328 = arith.constant 1 : i32
      %add3A_329 = arith.addi %mul3A_327, %add3A_328 : i32
      %mul3A_330 = arith.constant 16 : i32
      %mul3A_331 = arith.muli %add3A_329, %mul3A_330 : i32
      %get3A_332 = arith.index_cast %mul3A_331 : i32 to index
      %get3A_333 = tpu.vector_load %arg9[%get3A_332] {strides = array<i32>} : memref<6144xi32, #tpu.memory_space<vmem>>, vector<16xi32>,
      %gather3A_334 = tpu.vector_load_idx %arg6[%get3A_333] : memref<32xi32, #tpu.memory_space<vmem>>[vector<16xi32>], vector<16xi32>,
      %gather3A_335 = tpu.vector_load_idx %arg7[%get3A_333] : memref<32xf32, #tpu.memory_space<vmem>>[vector<16xi32>], vector<16xf32>,
      %mul3A_336 = arith.constant 8 : i32
      %mul3A_337 = arith.muli %scan3A_316, %mul3A_336 : i32
      %add3A_338 = arith.constant 2 : i32
      %add3A_339 = arith.addi %mul3A_337, %add3A_338 : i32
      %mul3A_340 = arith.constant 16 : i32
      %mul3A_341 = arith.muli %add3A_339, %mul3A_340 : i32
      %get3A_342 = arith.index_cast %mul3A_341 : i32 to index
      %get3A_343 = tpu.vector_load %arg9[%get3A_342] {strides = array<i32>} : memref<6144xi32, #tpu.memory_space<vmem>>, vector<16xi32>,
      %gather3A_344 = tpu.vector_load_idx %arg6[%get3A_343] : memref<32xi32, #tpu.memory_space<vmem>>[vector<16xi32>], vector<16xi32>,
      %gather3A_345 = tpu.vector_load_idx %arg7[%get3A_343] : memref<32xf32, #tpu.memory_space<vmem>>[vector<16xi32>], vector<16xf32>,
      %mul3A_346 = arith.constant 8 : i32
      %mul3A_347 = arith.muli %scan3A_316, %mul3A_346 : i32
      %add3A_348 = arith.constant 3 : i32
      %add3A_349 = arith.addi %mul3A_347, %add3A_348 : i32
      %mul3A_350 = arith.constant 16 : i32
      %mul3A_351 = arith.muli %add3A_349, %mul3A_350 : i32
      %get3A_352 = arith.index_cast %mul3A_351 : i32 to index
      %get3A_353 = tpu.vector_load %arg9[%get3A_352] {strides = array<i32>} : memref<6144xi32, #tpu.memory_space<vmem>>, vector<16xi32>,
      %gather3A_354 = tpu.vector_load_idx %arg6[%get3A_353] : memref<32xi32, #tpu.memory_space<vmem>>[vector<16xi32>], vector<16xi32>,
      %gather3A_355 = tpu.vector_load_idx %arg7[%get3A_353] : memref<32xf32, #tpu.memory_space<vmem>>[vector<16xi32>], vector<16xf32>,
      %mul3A_356 = arith.constant 8 : i32
      %mul3A_357 = arith.muli %scan3A_316, %mul3A_356 : i32
      %add3A_358 = arith.constant 4 : i32
      %add3A_359 = arith.addi %mul3A_357, %add3A_358 : i32
      %mul3A_360 = arith.constant 16 : i32
      %mul3A_361 = arith.muli %add3A_359, %mul3A_360 : i32
      %get3A_362 = arith.index_cast %mul3A_361 : i32 to index
      %get3A_363 = tpu.vector_load %arg9[%get3A_362] {strides = array<i32>} : memref<6144xi32, #tpu.memory_space<vmem>>, vector<16xi32>,
      %gather3A_364 = tpu.vector_load_idx %arg6[%get3A_363] : memref<32xi32, #tpu.memory_space<vmem>>[vector<16xi32>], vector<16xi32>,
      %gather3A_365 = tpu.vector_load_idx %arg7[%get3A_363] : memref<32xf32, #tpu.memory_space<vmem>>[vector<16xi32>], vector<16xf32>,
      %mul3A_366 = arith.constant 8 : i32
      %mul3A_367 = arith.muli %scan3A_316, %mul3A_366 : i32
      %add3A_368 = arith.constant 5 : i32
      %add3A_369 = arith.addi %mul3A_367, %add3A_368 : i32
      %mul3A_370 = arith.constant 16 : i32
      %mul3A_371 = arith.muli %add3A_369, %mul3A_370 : i32
      %get3A_372 = arith.index_cast %mul3A_371 : i32 to index
      %get3A_373 = tpu.vector_load %arg9[%get3A_372] {strides = array<i32>} : memref<6144xi32, #tpu.memory_space<vmem>>, vector<16xi32>,
      %gather3A_374 = tpu.vector_load_idx %arg6[%get3A_373] : memref<32xi32, #tpu.memory_space<vmem>>[vector<16xi32>], vector<16xi32>,
      %gather3A_375 = tpu.vector_load_idx %arg7[%get3A_373] : memref<32xf32, #tpu.memory_space<vmem>>[vector<16xi32>], vector<16xf32>,
      %mul3A_376 = arith.constant 8 : i32
      %mul3A_377 = arith.muli %scan3A_316, %mul3A_376 : i32
      %add3A_378 = arith.constant 6 : i32
      %add3A_379 = arith.addi %mul3A_377, %add3A_378 : i32
      %mul3A_380 = arith.constant 16 : i32
      %mul3A_381 = arith.muli %add3A_379, %mul3A_380 : i32
      %get3A_382 = arith.index_cast %mul3A_381 : i32 to index
      %get3A_383 = tpu.vector_load %arg9[%get3A_382] {strides = array<i32>} : memref<6144xi32, #tpu.memory_space<vmem>>, vector<16xi32>,
      %gather3A_384 = tpu.vector_load_idx %arg6[%get3A_383] : memref<32xi32, #tpu.memory_space<vmem>>[vector<16xi32>], vector<16xi32>,
      %gather3A_385 = tpu.vector_load_idx %arg7[%get3A_383] : memref<32xf32, #tpu.memory_space<vmem>>[vector<16xi32>], vector<16xf32>,
      %mul3A_386 = arith.constant 8 : i32
      %mul3A_387 = arith.muli %scan3A_316, %mul3A_386 : i32
      %add3A_388 = arith.constant 7 : i32
      %add3A_389 = arith.addi %mul3A_387, %add3A_388 : i32
      %mul3A_390 = arith.constant 16 : i32
      %mul3A_391 = arith.muli %add3A_389, %mul3A_390 : i32
      %get3A_392 = arith.index_cast %mul3A_391 : i32 to index
      %get3A_393 = tpu.vector_load %arg9[%get3A_392] {strides = array<i32>} : memref<6144xi32, #tpu.memory_space<vmem>>, vector<16xi32>,
      %gather3A_394 = tpu.vector_load_idx %arg6[%get3A_393] : memref<32xi32, #tpu.memory_space<vmem>>[vector<16xi32>], vector<16xi32>,
      %gather3A_395 = tpu.vector_load_idx %arg7[%get3A_393] : memref<32xf32, #tpu.memory_space<vmem>>[vector<16xi32>], vector<16xf32>,
      %mul3A_396 = arith.constant 8 : i32
      %mul3A_397 = arith.muli %scan3A_316, %mul3A_396 : i32
      %add3A_398 = arith.constant 0 : i32
      %add3A_399 = arith.addi %mul3A_397, %add3A_398 : i32
      %mul3A_400 = arith.constant 16 : i32
      %mul3A_401 = arith.muli %add3A_399, %mul3A_400 : i32
      %swap3A = arith.index_cast %mul3A_401 : i32 to index
      %swap3A_402 = tpu.vector_load %arg13[%swap3A] {strides = array<i32>} : memref<6144xi32, #tpu.memory_space<vmem>>, vector<16xi32>,
      tpu.vector_store %arg13[%swap3A], %gather3A {strides = array<i32>} : memref<6144xi32, #tpu.memory_space<vmem>>, vector<16xi32>,
      %mul3A_403 = arith.constant 8 : i32
      %mul3A_404 = arith.muli %scan3A_316, %mul3A_403 : i32
      %add3A_405 = arith.constant 1 : i32
      %add3A_406 = arith.addi %mul3A_404, %add3A_405 : i32
      %mul3A_407 = arith.constant 16 : i32
      %mul3A_408 = arith.muli %add3A_406, %mul3A_407 : i32
      %swap3A_409 = arith.index_cast %mul3A_408 : i32 to index
      %swap3A_410 = tpu.vector_load %arg13[%swap3A_409] {strides = array<i32>} : memref<6144xi32, #tpu.memory_space<vmem>>, vector<16xi32>,
      tpu.vector_store %arg13[%swap3A_409], %gather3A_334 {strides = array<i32>} : memref<6144xi32, #tpu.memory_space<vmem>>, vector<16xi32>,
      %mul3A_411 = arith.constant 8 : i32
      %mul3A_412 = arith.muli %scan3A_316, %mul3A_411 : i32
      %add3A_413 = arith.constant 2 : i32
      %add3A_414 = arith.addi %mul3A_412, %add3A_413 : i32
      %mul3A_415 = arith.constant 16 : i32
      %mul3A_416 = arith.muli %add3A_414, %mul3A_415 : i32
      %swap3A_417 = arith.index_cast %mul3A_416 : i32 to index
      %swap3A_418 = tpu.vector_load %arg13[%swap3A_417] {strides = array<i32>} : memref<6144xi32, #tpu.memory_space<vmem>>, vector<16xi32>,
      tpu.vector_store %arg13[%swap3A_417], %gather3A_344 {strides = array<i32>} : memref<6144xi32, #tpu.memory_space<vmem>>, vector<16xi32>,
      %mul3A_419 = arith.constant 8 : i32
      %mul3A_420 = arith.muli %scan3A_316, %mul3A_419 : i32
      %add3A_421 = arith.constant 3 : i32
      %add3A_422 = arith.addi %mul3A_420, %add3A_421 : i32
      %mul3A_423 = arith.constant 16 : i32
      %mul3A_424 = arith.muli %add3A_422, %mul3A_423 : i32
      %swap3A_425 = arith.index_cast %mul3A_424 : i32 to index
      %swap3A_426 = tpu.vector_load %arg13[%swap3A_425] {strides = array<i32>} : memref<6144xi32, #tpu.memory_space<vmem>>, vector<16xi32>,
      tpu.vector_store %arg13[%swap3A_425], %gather3A_354 {strides = array<i32>} : memref<6144xi32, #tpu.memory_space<vmem>>, vector<16xi32>,
      %mul3A_427 = arith.constant 8 : i32
      %mul3A_428 = arith.muli %scan3A_316, %mul3A_427 : i32
      %add3A_429 = arith.constant 4 : i32
      %add3A_430 = arith.addi %mul3A_428, %add3A_429 : i32
      %mul3A_431 = arith.constant 16 : i32
      %mul3A_432 = arith.muli %add3A_430, %mul3A_431 : i32
      %swap3A_433 = arith.index_cast %mul3A_432 : i32 to index
      %swap3A_434 = tpu.vector_load %arg13[%swap3A_433] {strides = array<i32>} : memref<6144xi32, #tpu.memory_space<vmem>>, vector<16xi32>,
      tpu.vector_store %arg13[%swap3A_433], %gather3A_364 {strides = array<i32>} : memref<6144xi32, #tpu.memory_space<vmem>>, vector<16xi32>,
      %mul3A_435 = arith.constant 8 : i32
      %mul3A_436 = arith.muli %scan3A_316, %mul3A_435 : i32
      %add3A_437 = arith.constant 5 : i32
      %add3A_438 = arith.addi %mul3A_436, %add3A_437 : i32
      %mul3A_439 = arith.constant 16 : i32
      %mul3A_440 = arith.muli %add3A_438, %mul3A_439 : i32
      %swap3A_441 = arith.index_cast %mul3A_440 : i32 to index
      %swap3A_442 = tpu.vector_load %arg13[%swap3A_441] {strides = array<i32>} : memref<6144xi32, #tpu.memory_space<vmem>>, vector<16xi32>,
      tpu.vector_store %arg13[%swap3A_441], %gather3A_374 {strides = array<i32>} : memref<6144xi32, #tpu.memory_space<vmem>>, vector<16xi32>,
      %mul3A_443 = arith.constant 8 : i32
      %mul3A_444 = arith.muli %scan3A_316, %mul3A_443 : i32
      %add3A_445 = arith.constant 6 : i32
      %add3A_446 = arith.addi %mul3A_444, %add3A_445 : i32
      %mul3A_447 = arith.constant 16 : i32
      %mul3A_448 = arith.muli %add3A_446, %mul3A_447 : i32
      %swap3A_449 = arith.index_cast %mul3A_448 : i32 to index
      %swap3A_450 = tpu.vector_load %arg13[%swap3A_449] {strides = array<i32>} : memref<6144xi32, #tpu.memory_space<vmem>>, vector<16xi32>,
      tpu.vector_store %arg13[%swap3A_449], %gather3A_384 {strides = array<i32>} : memref<6144xi32, #tpu.memory_space<vmem>>, vector<16xi32>,
      %mul3A_451 = arith.constant 8 : i32
      %mul3A_452 = arith.muli %scan3A_316, %mul3A_451 : i32
      %add3A_453 = arith.constant 7 : i32
      %add3A_454 = arith.addi %mul3A_452, %add3A_453 : i32
      %mul3A_455 = arith.constant 16 : i32
      %mul3A_456 = arith.muli %add3A_454, %mul3A_455 : i32
      %swap3A_457 = arith.index_cast %mul3A_456 : i32 to index
      %swap3A_458 = tpu.vector_load %arg13[%swap3A_457] {strides = array<i32>} : memref<6144xi32, #tpu.memory_space<vmem>>, vector<16xi32>,
      tpu.vector_store %arg13[%swap3A_457], %gather3A_394 {strides = array<i32>} : memref<6144xi32, #tpu.memory_space<vmem>>, vector<16xi32>,
      %add3A_459 = arith.constant 0 : i32
      %add3A_460 = vector.broadcast %add3A_459 : i32 to vector<16xi32>
      %add3A_461 = arith.addi %scan3A_317, %add3A_460 : vector<16xi32>
      tpu.vector_store_idx %arg11[%gather3A, %add3A_461], %gather3A_325 : memref<7x6144xf32, #tpu.memory_space<vmem>>[vector<16xi32>, vector<16xi32>], vector<16xf32>,
      %add3A_462 = arith.constant 16 : i32
      %add3A_463 = vector.broadcast %add3A_462 : i32 to vector<16xi32>
      %add3A_464 = arith.addi %scan3A_317, %add3A_463 : vector<16xi32>
      tpu.vector_store_idx %arg11[%gather3A_334, %add3A_464], %gather3A_335 : memref<7x6144xf32, #tpu.memory_space<vmem>>[vector<16xi32>, vector<16xi32>], vector<16xf32>,
      %add3A_465 = arith.constant 32 : i32
      %add3A_466 = vector.broadcast %add3A_465 : i32 to vector<16xi32>
      %add3A_467 = arith.addi %scan3A_317, %add3A_466 : vector<16xi32>
      tpu.vector_store_idx %arg11[%gather3A_344, %add3A_467], %gather3A_345 : memref<7x6144xf32, #tpu.memory_space<vmem>>[vector<16xi32>, vector<16xi32>], vector<16xf32>,
      %add3A_468 = arith.constant 48 : i32
      %add3A_469 = vector.broadcast %add3A_468 : i32 to vector<16xi32>
      %add3A_470 = arith.addi %scan3A_317, %add3A_469 : vector<16xi32>
      tpu.vector_store_idx %arg11[%gather3A_354, %add3A_470], %gather3A_355 : memref<7x6144xf32, #tpu.memory_space<vmem>>[vector<16xi32>, vector<16xi32>], vector<16xf32>,
      %add3A_471 = arith.constant 64 : i32
      %add3A_472 = vector.broadcast %add3A_471 : i32 to vector<16xi32>
      %add3A_473 = arith.addi %scan3A_317, %add3A_472 : vector<16xi32>
      tpu.vector_store_idx %arg11[%gather3A_364, %add3A_473], %gather3A_365 : memref<7x6144xf32, #tpu.memory_space<vmem>>[vector<16xi32>, vector<16xi32>], vector<16xf32>,
      %add3A_474 = arith.constant 80 : i32
      %add3A_475 = vector.broadcast %add3A_474 : i32 to vector<16xi32>
      %add3A_476 = arith.addi %scan3A_317, %add3A_475 : vector<16xi32>
      tpu.vector_store_idx %arg11[%gather3A_374, %add3A_476], %gather3A_375 : memref<7x6144xf32, #tpu.memory_space<vmem>>[vector<16xi32>, vector<16xi32>], vector<16xf32>,
      %add3A_477 = arith.constant 96 : i32
      %add3A_478 = vector.broadcast %add3A_477 : i32 to vector<16xi32>
      %add3A_479 = arith.addi %scan3A_317, %add3A_478 : vector<16xi32>
      tpu.vector_store_idx %arg11[%gather3A_384, %add3A_479], %gather3A_385 : memref<7x6144xf32, #tpu.memory_space<vmem>>[vector<16xi32>, vector<16xi32>], vector<16xf32>,
      %add3A_480 = arith.constant 112 : i32
      %add3A_481 = vector.broadcast %add3A_480 : i32 to vector<16xi32>
      %add3A_482 = arith.addi %scan3A_317, %add3A_481 : vector<16xi32>
      tpu.vector_store_idx %arg11[%gather3A_394, %add3A_482], %gather3A_395 : memref<7x6144xf32, #tpu.memory_space<vmem>>[vector<16xi32>, vector<16xi32>], vector<16xf32>,
      %add3A_483 = arith.constant 128 : i32
      %add3A_484 = vector.broadcast %add3A_483 : i32 to vector<16xi32>
      %add3A_485 = arith.addi %scan3A_317, %add3A_484 : vector<16xi32>
      scf.yield %add3A_485 : vector<16xi32>
    }
    %scan3A_77 = arith.constant 48 : i32
    %add3A_78 = arith.constant 6144 : i32
    %add3A_79 = arith.addi %mul3A_2, %add3A_78 : i32
    %dma_start3A_80 = arith.constant 0 : i32
    %dma_start3A_81 = arith.constant 0 : i32
    %dma_start3A_82 = tpu.memref_slice %arg11[%dma_start3A_80, %dma_start3A_81] : memref<7x6144xf32, #tpu.memory_space<vmem>> -> memref<7x6144xf32, #tpu.memory_space<vmem>>
    %dma_start3A_83 = arith.constant 0 : i32
    %dma_start3A_84 = tpu.memref_slice %arg5[%dma_start3A_83, %add3A_79] : memref<7x1000000xf32, #tpu.memory_space<hbm>> -> memref<7x6144xf32, #tpu.memory_space<hbm>>
    %dma_start3A_85 = arith.constant 0 : i32
    %dma_start3A_86 = tpu.memref_slice %arg5[%dma_start3A_85, %add3A_79] : memref<7x1000000xf32, #tpu.memory_space<hbm>> -> memref<7x6144xf32, #tpu.memory_space<hbm>>
    %dma_start3A_87 = arith.constant 0 : i32
    %dma_start3A_88 = arith.constant 0 : i32
    %dma_start3A_89 = tpu.memref_slice %arg11[%dma_start3A_87, %dma_start3A_88] : memref<7x6144xf32, #tpu.memory_space<vmem>> -> memref<7x6144xf32, #tpu.memory_space<vmem>>
    tpu.enqueue_dma source(%dma_start3A_89 : memref<7x6144xf32, #tpu.memory_space<vmem>>) target(%dma_start3A_86 : memref<7x6144xf32, #tpu.memory_space<hbm>>) target_semaphore(%arg19 : memref<!tpu.dma_semaphore, #tpu.memory_space<semaphore_mem>>)
    %add3A_90 = arith.constant 18432 : i32
    %add3A_91 = arith.addi %mul3A_2, %add3A_90 : i32
    %dma_start3A_92 = arith.constant 0 : i32
    %dma_start3A_93 = tpu.memref_slice %arg9[%dma_start3A_92] : memref<6144xi32, #tpu.memory_space<vmem>> -> memref<6144xi32, #tpu.memory_space<vmem>>
    %dma_start3A_94 = tpu.memref_slice %arg2[%add3A_91] : memref<1000000xi32, #tpu.memory_space<hbm>> -> memref<6144xi32, #tpu.memory_space<hbm>>
    %dma_start3A_95 = arith.constant 0 : i32
    %dma_start3A_96 = tpu.memref_slice %arg9[%dma_start3A_95] : memref<6144xi32, #tpu.memory_space<vmem>> -> memref<6144xi32, #tpu.memory_space<vmem>>
    %dma_start3A_97 = tpu.memref_slice %arg2[%add3A_91] : memref<1000000xi32, #tpu.memory_space<hbm>> -> memref<6144xi32, #tpu.memory_space<hbm>>
    tpu.enqueue_dma source(%dma_start3A_97 : memref<6144xi32, #tpu.memory_space<hbm>>) target(%dma_start3A_96 : memref<6144xi32, #tpu.memory_space<vmem>>) target_semaphore(%arg17 : memref<!tpu.dma_semaphore, #tpu.memory_space<semaphore_mem>>)
    %dma_wait3A_98 = arith.constant 0 : i32
    %dma_wait3A_99 = tpu.memref_slice %arg8[%dma_wait3A_98] : memref<6144xi32, #tpu.memory_space<vmem>> -> memref<6144xi32, #tpu.memory_space<vmem>>
    %dma_wait3A_100 = tpu.memref_slice %arg2[%add3A_58] : memref<1000000xi32, #tpu.memory_space<hbm>> -> memref<6144xi32, #tpu.memory_space<hbm>>
    %dma_wait3A_101 = arith.constant 0 : i32
    %dma_wait3A_102 = tpu.memref_slice %arg8[%dma_wait3A_101] : memref<6144xi32, #tpu.memory_space<vmem>> -> memref<6144xi32, #tpu.memory_space<vmem>>
    %dma_wait3A_103 = tpu.memref_slice %arg2[%add3A_58] : memref<1000000xi32, #tpu.memory_space<hbm>> -> memref<6144xi32, #tpu.memory_space<hbm>>
    tpu.wait_dma2 semaphore(%arg16 : memref<!tpu.dma_semaphore, #tpu.memory_space<semaphore_mem>>) src(%dma_wait3A_103 : memref<6144xi32, #tpu.memory_space<hbm>>) dst(%dma_wait3A_102 : memref<6144xi32, #tpu.memory_space<vmem>>)
    %dma_wait3A_104 = arith.constant 0 : i32
    %dma_wait3A_105 = arith.constant 0 : i32
    %dma_wait3A_106 = tpu.memref_slice %arg10[%dma_wait3A_104, %dma_wait3A_105] : memref<7x6144xf32, #tpu.memory_space<vmem>> -> memref<7x6144xf32, #tpu.memory_space<vmem>>
    %dma_wait3A_107 = arith.constant 0 : i32
    %dma_wait3A_108 = tpu.memref_slice %arg5[%dma_wait3A_107, %add3A_39] : memref<7x1000000xf32, #tpu.memory_space<hbm>> -> memref<7x6144xf32, #tpu.memory_space<hbm>>
    %dma_wait3A_109 = arith.constant 0 : i32
    %dma_wait3A_110 = tpu.memref_slice %arg5[%dma_wait3A_109, %add3A_39] : memref<7x1000000xf32, #tpu.memory_space<hbm>> -> memref<7x6144xf32, #tpu.memory_space<hbm>>
    %dma_wait3A_111 = arith.constant 0 : i32
    %dma_wait3A_112 = arith.constant 0 : i32
    %dma_wait3A_113 = tpu.memref_slice %arg10[%dma_wait3A_111, %dma_wait3A_112] : memref<7x6144xf32, #tpu.memory_space<vmem>> -> memref<7x6144xf32, #tpu.memory_space<vmem>>
    tpu.wait_dma2 semaphore(%arg18 : memref<!tpu.dma_semaphore, #tpu.memory_space<semaphore_mem>>) src(%dma_wait3A_113 : memref<7x6144xf32, #tpu.memory_space<vmem>>) dst(%dma_wait3A_110 : memref<7x6144xf32, #tpu.memory_space<hbm>>)
    %broadcast_in_dim3A_114 = arith.constant 0.000000e+00 : f32
    %broadcast_in_dim3A_115 = vector.broadcast %broadcast_in_dim3A_114 : f32 to vector<16xf32>
    %iota3A_116 = tpu.iota {dimensions = array<i32: 0>} : vector<16xi32>
    %scan3A_117 = arith.constant 0 : i32
    %scan3A_118 = arith.constant 48 : i32
    %scan3A_119 = arith.addi %scan3A_117, %scan3A_118 : i32
    %scan3A_120 = arith.constant 1 : i32
    %scan3A_121 = scf.for %scan3A_316 = %scan3A_117 to %scan3A_119 step %scan3A_120 iter_args(%scan3A_317 = %iota3A_116) -> (vector<16xi32>)  : i32 {
      %mul3A_318 = arith.constant 8 : i32
      %mul3A_319 = arith.muli %scan3A_316, %mul3A_318 : i32
      %add3A_320 = arith.constant 0 : i32
      %add3A_321 = arith.addi %mul3A_319, %add3A_320 : i32
      %mul3A_322 = arith.constant 16 : i32
      %mul3A_323 = arith.muli %add3A_321, %mul3A_322 : i32
      %get3A = arith.index_cast %mul3A_323 : i32 to index
      %get3A_324 = tpu.vector_load %arg12[%get3A] {strides = array<i32>} : memref<6144xi32, #tpu.memory_space<vmem>>, vector<16xi32>,
      %mul3A_325 = arith.constant 8 : i32
      %mul3A_326 = arith.muli %scan3A_316, %mul3A_325 : i32
      %add3A_327 = arith.constant 1 : i32
      %add3A_328 = arith.addi %mul3A_326, %add3A_327 : i32
      %mul3A_329 = arith.constant 16 : i32
      %mul3A_330 = arith.muli %add3A_328, %mul3A_329 : i32
      %get3A_331 = arith.index_cast %mul3A_330 : i32 to index
      %get3A_332 = tpu.vector_load %arg12[%get3A_331] {strides = array<i32>} : memref<6144xi32, #tpu.memory_space<vmem>>, vector<16xi32>,
      %mul3A_333 = arith.constant 8 : i32
      %mul3A_334 = arith.muli %scan3A_316, %mul3A_333 : i32
      %add3A_335 = arith.constant 2 : i32
      %add3A_336 = arith.addi %mul3A_334, %add3A_335 : i32
      %mul3A_337 = arith.constant 16 : i32
      %mul3A_338 = arith.muli %add3A_336, %mul3A_337 : i32
      %get3A_339 = arith.index_cast %mul3A_338 : i32 to index
      %get3A_340 = tpu.vector_load %arg12[%get3A_339] {strides = array<i32>} : memref<6144xi32, #tpu.memory_space<vmem>>, vector<16xi32>,
      %mul3A_341 = arith.constant 8 : i32
      %mul3A_342 = arith.muli %scan3A_316, %mul3A_341 : i32
      %add3A_343 = arith.constant 3 : i32
      %add3A_344 = arith.addi %mul3A_342, %add3A_343 : i32
      %mul3A_345 = arith.constant 16 : i32
      %mul3A_346 = arith.muli %add3A_344, %mul3A_345 : i32
      %get3A_347 = arith.index_cast %mul3A_346 : i32 to index
      %get3A_348 = tpu.vector_load %arg12[%get3A_347] {strides = array<i32>} : memref<6144xi32, #tpu.memory_space<vmem>>, vector<16xi32>,
      %mul3A_349 = arith.constant 8 : i32
      %mul3A_350 = arith.muli %scan3A_316, %mul3A_349 : i32
      %add3A_351 = arith.constant 4 : i32
      %add3A_352 = arith.addi %mul3A_350, %add3A_351 : i32
      %mul3A_353 = arith.constant 16 : i32
      %mul3A_354 = arith.muli %add3A_352, %mul3A_353 : i32
      %get3A_355 = arith.index_cast %mul3A_354 : i32 to index
      %get3A_356 = tpu.vector_load %arg12[%get3A_355] {strides = array<i32>} : memref<6144xi32, #tpu.memory_space<vmem>>, vector<16xi32>,
      %mul3A_357 = arith.constant 8 : i32
      %mul3A_358 = arith.muli %scan3A_316, %mul3A_357 : i32
      %add3A_359 = arith.constant 5 : i32
      %add3A_360 = arith.addi %mul3A_358, %add3A_359 : i32
      %mul3A_361 = arith.constant 16 : i32
      %mul3A_362 = arith.muli %add3A_360, %mul3A_361 : i32
      %get3A_363 = arith.index_cast %mul3A_362 : i32 to index
      %get3A_364 = tpu.vector_load %arg12[%get3A_363] {strides = array<i32>} : memref<6144xi32, #tpu.memory_space<vmem>>, vector<16xi32>,
      %mul3A_365 = arith.constant 8 : i32
      %mul3A_366 = arith.muli %scan3A_316, %mul3A_365 : i32
      %add3A_367 = arith.constant 6 : i32
      %add3A_368 = arith.addi %mul3A_366, %add3A_367 : i32
      %mul3A_369 = arith.constant 16 : i32
      %mul3A_370 = arith.muli %add3A_368, %mul3A_369 : i32
      %get3A_371 = arith.index_cast %mul3A_370 : i32 to index
      %get3A_372 = tpu.vector_load %arg12[%get3A_371] {strides = array<i32>} : memref<6144xi32, #tpu.memory_space<vmem>>, vector<16xi32>,
      %mul3A_373 = arith.constant 8 : i32
      %mul3A_374 = arith.muli %scan3A_316, %mul3A_373 : i32
      %add3A_375 = arith.constant 7 : i32
      %add3A_376 = arith.addi %mul3A_374, %add3A_375 : i32
      %mul3A_377 = arith.constant 16 : i32
      %mul3A_378 = arith.muli %add3A_376, %mul3A_377 : i32
      %get3A_379 = arith.index_cast %mul3A_378 : i32 to index
      %get3A_380 = tpu.vector_load %arg12[%get3A_379] {strides = array<i32>} : memref<6144xi32, #tpu.memory_space<vmem>>, vector<16xi32>,
      %add3A_381 = arith.constant 0 : i32
      %add3A_382 = vector.broadcast %add3A_381 : i32 to vector<16xi32>
      %add3A_383 = arith.addi %scan3A_317, %add3A_382 : vector<16xi32>
      tpu.vector_store_idx %arg10[%get3A_324, %add3A_383], %broadcast_in_dim3A_115 : memref<7x6144xf32, #tpu.memory_space<vmem>>[vector<16xi32>, vector<16xi32>], vector<16xf32>,
      %add3A_384 = arith.constant 16 : i32
      %add3A_385 = vector.broadcast %add3A_384 : i32 to vector<16xi32>
      %add3A_386 = arith.addi %scan3A_317, %add3A_385 : vector<16xi32>
      tpu.vector_store_idx %arg10[%get3A_332, %add3A_386], %broadcast_in_dim3A_115 : memref<7x6144xf32, #tpu.memory_space<vmem>>[vector<16xi32>, vector<16xi32>], vector<16xf32>,
      %add3A_387 = arith.constant 32 : i32
      %add3A_388 = vector.broadcast %add3A_387 : i32 to vector<16xi32>
      %add3A_389 = arith.addi %scan3A_317, %add3A_388 : vector<16xi32>
      tpu.vector_store_idx %arg10[%get3A_340, %add3A_389], %broadcast_in_dim3A_115 : memref<7x6144xf32, #tpu.memory_space<vmem>>[vector<16xi32>, vector<16xi32>], vector<16xf32>,
      %add3A_390 = arith.constant 48 : i32
      %add3A_391 = vector.broadcast %add3A_390 : i32 to vector<16xi32>
      %add3A_392 = arith.addi %scan3A_317, %add3A_391 : vector<16xi32>
      tpu.vector_store_idx %arg10[%get3A_348, %add3A_392], %broadcast_in_dim3A_115 : memref<7x6144xf32, #tpu.memory_space<vmem>>[vector<16xi32>, vector<16xi32>], vector<16xf32>,
      %add3A_393 = arith.constant 64 : i32
      %add3A_394 = vector.broadcast %add3A_393 : i32 to vector<16xi32>
      %add3A_395 = arith.addi %scan3A_317, %add3A_394 : vector<16xi32>
      tpu.vector_store_idx %arg10[%get3A_356, %add3A_395], %broadcast_in_dim3A_115 : memref<7x6144xf32, #tpu.memory_space<vmem>>[vector<16xi32>, vector<16xi32>], vector<16xf32>,
      %add3A_396 = arith.constant 80 : i32
      %add3A_397 = vector.broadcast %add3A_396 : i32 to vector<16xi32>
      %add3A_398 = arith.addi %scan3A_317, %add3A_397 : vector<16xi32>
      tpu.vector_store_idx %arg10[%get3A_364, %add3A_398], %broadcast_in_dim3A_115 : memref<7x6144xf32, #tpu.memory_space<vmem>>[vector<16xi32>, vector<16xi32>], vector<16xf32>,
      %add3A_399 = arith.constant 96 : i32
      %add3A_400 = vector.broadcast %add3A_399 : i32 to vector<16xi32>
      %add3A_401 = arith.addi %scan3A_317, %add3A_400 : vector<16xi32>
      tpu.vector_store_idx %arg10[%get3A_372, %add3A_401], %broadcast_in_dim3A_115 : memref<7x6144xf32, #tpu.memory_space<vmem>>[vector<16xi32>, vector<16xi32>], vector<16xf32>,
      %add3A_402 = arith.constant 112 : i32
      %add3A_403 = vector.broadcast %add3A_402 : i32 to vector<16xi32>
      %add3A_404 = arith.addi %scan3A_317, %add3A_403 : vector<16xi32>
      tpu.vector_store_idx %arg10[%get3A_380, %add3A_404], %broadcast_in_dim3A_115 : memref<7x6144xf32, #tpu.memory_space<vmem>>[vector<16xi32>, vector<16xi32>], vector<16xf32>,
      %add3A_405 = arith.constant 128 : i32
      %add3A_406 = vector.broadcast %add3A_405 : i32 to vector<16xi32>
      %add3A_407 = arith.addi %scan3A_317, %add3A_406 : vector<16xi32>
      scf.yield %add3A_407 : vector<16xi32>
    }
    %scan3A_122 = arith.constant 48 : i32
    %iota3A_123 = tpu.iota {dimensions = array<i32: 0>} : vector<16xi32>
    %scan3A_124 = arith.constant 0 : i32
    %scan3A_125 = arith.constant 48 : i32
    %scan3A_126 = arith.addi %scan3A_124, %scan3A_125 : i32
    %scan3A_127 = arith.constant 1 : i32
    %scan3A_128 = scf.for %scan3A_316 = %scan3A_124 to %scan3A_126 step %scan3A_127 iter_args(%scan3A_317 = %iota3A_123) -> (vector<16xi32>)  : i32 {
      %mul3A_318 = arith.constant 8 : i32
      %mul3A_319 = arith.muli %scan3A_316, %mul3A_318 : i32
      %add3A_320 = arith.constant 0 : i32
      %add3A_321 = arith.addi %mul3A_319, %add3A_320 : i32
      %mul3A_322 = arith.constant 16 : i32
      %mul3A_323 = arith.muli %add3A_321, %mul3A_322 : i32
      %get3A = arith.index_cast %mul3A_323 : i32 to index
      %get3A_324 = tpu.vector_load %arg8[%get3A] {strides = array<i32>} : memref<6144xi32, #tpu.memory_space<vmem>>, vector<16xi32>,
      %gather3A = tpu.vector_load_idx %arg6[%get3A_324] : memref<32xi32, #tpu.memory_space<vmem>>[vector<16xi32>], vector<16xi32>,
      %gather3A_325 = tpu.vector_load_idx %arg7[%get3A_324] : memref<32xf32, #tpu.memory_space<vmem>>[vector<16xi32>], vector<16xf32>,
      %mul3A_326 = arith.constant 8 : i32
      %mul3A_327 = arith.muli %scan3A_316, %mul3A_326 : i32
      %add3A_328 = arith.constant 1 : i32
      %add3A_329 = arith.addi %mul3A_327, %add3A_328 : i32
      %mul3A_330 = arith.constant 16 : i32
      %mul3A_331 = arith.muli %add3A_329, %mul3A_330 : i32
      %get3A_332 = arith.index_cast %mul3A_331 : i32 to index
      %get3A_333 = tpu.vector_load %arg8[%get3A_332] {strides = array<i32>} : memref<6144xi32, #tpu.memory_space<vmem>>, vector<16xi32>,
      %gather3A_334 = tpu.vector_load_idx %arg6[%get3A_333] : memref<32xi32, #tpu.memory_space<vmem>>[vector<16xi32>], vector<16xi32>,
      %gather3A_335 = tpu.vector_load_idx %arg7[%get3A_333] : memref<32xf32, #tpu.memory_space<vmem>>[vector<16xi32>], vector<16xf32>,
      %mul3A_336 = arith.constant 8 : i32
      %mul3A_337 = arith.muli %scan3A_316, %mul3A_336 : i32
      %add3A_338 = arith.constant 2 : i32
      %add3A_339 = arith.addi %mul3A_337, %add3A_338 : i32
      %mul3A_340 = arith.constant 16 : i32
      %mul3A_341 = arith.muli %add3A_339, %mul3A_340 : i32
      %get3A_342 = arith.index_cast %mul3A_341 : i32 to index
      %get3A_343 = tpu.vector_load %arg8[%get3A_342] {strides = array<i32>} : memref<6144xi32, #tpu.memory_space<vmem>>, vector<16xi32>,
      %gather3A_344 = tpu.vector_load_idx %arg6[%get3A_343] : memref<32xi32, #tpu.memory_space<vmem>>[vector<16xi32>], vector<16xi32>,
      %gather3A_345 = tpu.vector_load_idx %arg7[%get3A_343] : memref<32xf32, #tpu.memory_space<vmem>>[vector<16xi32>], vector<16xf32>,
      %mul3A_346 = arith.constant 8 : i32
      %mul3A_347 = arith.muli %scan3A_316, %mul3A_346 : i32
      %add3A_348 = arith.constant 3 : i32
      %add3A_349 = arith.addi %mul3A_347, %add3A_348 : i32
      %mul3A_350 = arith.constant 16 : i32
      %mul3A_351 = arith.muli %add3A_349, %mul3A_350 : i32
      %get3A_352 = arith.index_cast %mul3A_351 : i32 to index
      %get3A_353 = tpu.vector_load %arg8[%get3A_352] {strides = array<i32>} : memref<6144xi32, #tpu.memory_space<vmem>>, vector<16xi32>,
      %gather3A_354 = tpu.vector_load_idx %arg6[%get3A_353] : memref<32xi32, #tpu.memory_space<vmem>>[vector<16xi32>], vector<16xi32>,
      %gather3A_355 = tpu.vector_load_idx %arg7[%get3A_353] : memref<32xf32, #tpu.memory_space<vmem>>[vector<16xi32>], vector<16xf32>,
      %mul3A_356 = arith.constant 8 : i32
      %mul3A_357 = arith.muli %scan3A_316, %mul3A_356 : i32
      %add3A_358 = arith.constant 4 : i32
      %add3A_359 = arith.addi %mul3A_357, %add3A_358 : i32
      %mul3A_360 = arith.constant 16 : i32
      %mul3A_361 = arith.muli %add3A_359, %mul3A_360 : i32
      %get3A_362 = arith.index_cast %mul3A_361 : i32 to index
      %get3A_363 = tpu.vector_load %arg8[%get3A_362] {strides = array<i32>} : memref<6144xi32, #tpu.memory_space<vmem>>, vector<16xi32>,
      %gather3A_364 = tpu.vector_load_idx %arg6[%get3A_363] : memref<32xi32, #tpu.memory_space<vmem>>[vector<16xi32>], vector<16xi32>,
      %gather3A_365 = tpu.vector_load_idx %arg7[%get3A_363] : memref<32xf32, #tpu.memory_space<vmem>>[vector<16xi32>], vector<16xf32>,
      %mul3A_366 = arith.constant 8 : i32
      %mul3A_367 = arith.muli %scan3A_316, %mul3A_366 : i32
      %add3A_368 = arith.constant 5 : i32
      %add3A_369 = arith.addi %mul3A_367, %add3A_368 : i32
      %mul3A_370 = arith.constant 16 : i32
      %mul3A_371 = arith.muli %add3A_369, %mul3A_370 : i32
      %get3A_372 = arith.index_cast %mul3A_371 : i32 to index
      %get3A_373 = tpu.vector_load %arg8[%get3A_372] {strides = array<i32>} : memref<6144xi32, #tpu.memory_space<vmem>>, vector<16xi32>,
      %gather3A_374 = tpu.vector_load_idx %arg6[%get3A_373] : memref<32xi32, #tpu.memory_space<vmem>>[vector<16xi32>], vector<16xi32>,
      %gather3A_375 = tpu.vector_load_idx %arg7[%get3A_373] : memref<32xf32, #tpu.memory_space<vmem>>[vector<16xi32>], vector<16xf32>,
      %mul3A_376 = arith.constant 8 : i32
      %mul3A_377 = arith.muli %scan3A_316, %mul3A_376 : i32
      %add3A_378 = arith.constant 6 : i32
      %add3A_379 = arith.addi %mul3A_377, %add3A_378 : i32
      %mul3A_380 = arith.constant 16 : i32
      %mul3A_381 = arith.muli %add3A_379, %mul3A_380 : i32
      %get3A_382 = arith.index_cast %mul3A_381 : i32 to index
      %get3A_383 = tpu.vector_load %arg8[%get3A_382] {strides = array<i32>} : memref<6144xi32, #tpu.memory_space<vmem>>, vector<16xi32>,
      %gather3A_384 = tpu.vector_load_idx %arg6[%get3A_383] : memref<32xi32, #tpu.memory_space<vmem>>[vector<16xi32>], vector<16xi32>,
      %gather3A_385 = tpu.vector_load_idx %arg7[%get3A_383] : memref<32xf32, #tpu.memory_space<vmem>>[vector<16xi32>], vector<16xf32>,
      %mul3A_386 = arith.constant 8 : i32
      %mul3A_387 = arith.muli %scan3A_316, %mul3A_386 : i32
      %add3A_388 = arith.constant 7 : i32
      %add3A_389 = arith.addi %mul3A_387, %add3A_388 : i32
      %mul3A_390 = arith.constant 16 : i32
      %mul3A_391 = arith.muli %add3A_389, %mul3A_390 : i32
      %get3A_392 = arith.index_cast %mul3A_391 : i32 to index
      %get3A_393 = tpu.vector_load %arg8[%get3A_392] {strides = array<i32>} : memref<6144xi32, #tpu.memory_space<vmem>>, vector<16xi32>,
      %gather3A_394 = tpu.vector_load_idx %arg6[%get3A_393] : memref<32xi32, #tpu.memory_space<vmem>>[vector<16xi32>], vector<16xi32>,
      %gather3A_395 = tpu.vector_load_idx %arg7[%get3A_393] : memref<32xf32, #tpu.memory_space<vmem>>[vector<16xi32>], vector<16xf32>,
      %mul3A_396 = arith.constant 8 : i32
      %mul3A_397 = arith.muli %scan3A_316, %mul3A_396 : i32
      %add3A_398 = arith.constant 0 : i32
      %add3A_399 = arith.addi %mul3A_397, %add3A_398 : i32
      %mul3A_400 = arith.constant 16 : i32
      %mul3A_401 = arith.muli %add3A_399, %mul3A_400 : i32
      %swap3A = arith.index_cast %mul3A_401 : i32 to index
      %swap3A_402 = tpu.vector_load %arg12[%swap3A] {strides = array<i32>} : memref<6144xi32, #tpu.memory_space<vmem>>, vector<16xi32>,
      tpu.vector_store %arg12[%swap3A], %gather3A {strides = array<i32>} : memref<6144xi32, #tpu.memory_space<vmem>>, vector<16xi32>,
      %mul3A_403 = arith.constant 8 : i32
      %mul3A_404 = arith.muli %scan3A_316, %mul3A_403 : i32
      %add3A_405 = arith.constant 1 : i32
      %add3A_406 = arith.addi %mul3A_404, %add3A_405 : i32
      %mul3A_407 = arith.constant 16 : i32
      %mul3A_408 = arith.muli %add3A_406, %mul3A_407 : i32
      %swap3A_409 = arith.index_cast %mul3A_408 : i32 to index
      %swap3A_410 = tpu.vector_load %arg12[%swap3A_409] {strides = array<i32>} : memref<6144xi32, #tpu.memory_space<vmem>>, vector<16xi32>,
      tpu.vector_store %arg12[%swap3A_409], %gather3A_334 {strides = array<i32>} : memref<6144xi32, #tpu.memory_space<vmem>>, vector<16xi32>,
      %mul3A_411 = arith.constant 8 : i32
      %mul3A_412 = arith.muli %scan3A_316, %mul3A_411 : i32
      %add3A_413 = arith.constant 2 : i32
      %add3A_414 = arith.addi %mul3A_412, %add3A_413 : i32
      %mul3A_415 = arith.constant 16 : i32
      %mul3A_416 = arith.muli %add3A_414, %mul3A_415 : i32
      %swap3A_417 = arith.index_cast %mul3A_416 : i32 to index
      %swap3A_418 = tpu.vector_load %arg12[%swap3A_417] {strides = array<i32>} : memref<6144xi32, #tpu.memory_space<vmem>>, vector<16xi32>,
      tpu.vector_store %arg12[%swap3A_417], %gather3A_344 {strides = array<i32>} : memref<6144xi32, #tpu.memory_space<vmem>>, vector<16xi32>,
      %mul3A_419 = arith.constant 8 : i32
      %mul3A_420 = arith.muli %scan3A_316, %mul3A_419 : i32
      %add3A_421 = arith.constant 3 : i32
      %add3A_422 = arith.addi %mul3A_420, %add3A_421 : i32
      %mul3A_423 = arith.constant 16 : i32
      %mul3A_424 = arith.muli %add3A_422, %mul3A_423 : i32
      %swap3A_425 = arith.index_cast %mul3A_424 : i32 to index
      %swap3A_426 = tpu.vector_load %arg12[%swap3A_425] {strides = array<i32>} : memref<6144xi32, #tpu.memory_space<vmem>>, vector<16xi32>,
      tpu.vector_store %arg12[%swap3A_425], %gather3A_354 {strides = array<i32>} : memref<6144xi32, #tpu.memory_space<vmem>>, vector<16xi32>,
      %mul3A_427 = arith.constant 8 : i32
      %mul3A_428 = arith.muli %scan3A_316, %mul3A_427 : i32
      %add3A_429 = arith.constant 4 : i32
      %add3A_430 = arith.addi %mul3A_428, %add3A_429 : i32
      %mul3A_431 = arith.constant 16 : i32
      %mul3A_432 = arith.muli %add3A_430, %mul3A_431 : i32
      %swap3A_433 = arith.index_cast %mul3A_432 : i32 to index
      %swap3A_434 = tpu.vector_load %arg12[%swap3A_433] {strides = array<i32>} : memref<6144xi32, #tpu.memory_space<vmem>>, vector<16xi32>,
      tpu.vector_store %arg12[%swap3A_433], %gather3A_364 {strides = array<i32>} : memref<6144xi32, #tpu.memory_space<vmem>>, vector<16xi32>,
      %mul3A_435 = arith.constant 8 : i32
      %mul3A_436 = arith.muli %scan3A_316, %mul3A_435 : i32
      %add3A_437 = arith.constant 5 : i32
      %add3A_438 = arith.addi %mul3A_436, %add3A_437 : i32
      %mul3A_439 = arith.constant 16 : i32
      %mul3A_440 = arith.muli %add3A_438, %mul3A_439 : i32
      %swap3A_441 = arith.index_cast %mul3A_440 : i32 to index
      %swap3A_442 = tpu.vector_load %arg12[%swap3A_441] {strides = array<i32>} : memref<6144xi32, #tpu.memory_space<vmem>>, vector<16xi32>,
      tpu.vector_store %arg12[%swap3A_441], %gather3A_374 {strides = array<i32>} : memref<6144xi32, #tpu.memory_space<vmem>>, vector<16xi32>,
      %mul3A_443 = arith.constant 8 : i32
      %mul3A_444 = arith.muli %scan3A_316, %mul3A_443 : i32
      %add3A_445 = arith.constant 6 : i32
      %add3A_446 = arith.addi %mul3A_444, %add3A_445 : i32
      %mul3A_447 = arith.constant 16 : i32
      %mul3A_448 = arith.muli %add3A_446, %mul3A_447 : i32
      %swap3A_449 = arith.index_cast %mul3A_448 : i32 to index
      %swap3A_450 = tpu.vector_load %arg12[%swap3A_449] {strides = array<i32>} : memref<6144xi32, #tpu.memory_space<vmem>>, vector<16xi32>,
      tpu.vector_store %arg12[%swap3A_449], %gather3A_384 {strides = array<i32>} : memref<6144xi32, #tpu.memory_space<vmem>>, vector<16xi32>,
      %mul3A_451 = arith.constant 8 : i32
      %mul3A_452 = arith.muli %scan3A_316, %mul3A_451 : i32
      %add3A_453 = arith.constant 7 : i32
      %add3A_454 = arith.addi %mul3A_452, %add3A_453 : i32
      %mul3A_455 = arith.constant 16 : i32
      %mul3A_456 = arith.muli %add3A_454, %mul3A_455 : i32
      %swap3A_457 = arith.index_cast %mul3A_456 : i32 to index
      %swap3A_458 = tpu.vector_load %arg12[%swap3A_457] {strides = array<i32>} : memref<6144xi32, #tpu.memory_space<vmem>>, vector<16xi32>,
      tpu.vector_store %arg12[%swap3A_457], %gather3A_394 {strides = array<i32>} : memref<6144xi32, #tpu.memory_space<vmem>>, vector<16xi32>,
      %add3A_459 = arith.constant 0 : i32
      %add3A_460 = vector.broadcast %add3A_459 : i32 to vector<16xi32>
      %add3A_461 = arith.addi %scan3A_317, %add3A_460 : vector<16xi32>
      tpu.vector_store_idx %arg10[%gather3A, %add3A_461], %gather3A_325 : memref<7x6144xf32, #tpu.memory_space<vmem>>[vector<16xi32>, vector<16xi32>], vector<16xf32>,
      %add3A_462 = arith.constant 16 : i32
      %add3A_463 = vector.broadcast %add3A_462 : i32 to vector<16xi32>
      %add3A_464 = arith.addi %scan3A_317, %add3A_463 : vector<16xi32>
      tpu.vector_store_idx %arg10[%gather3A_334, %add3A_464], %gather3A_335 : memref<7x6144xf32, #tpu.memory_space<vmem>>[vector<16xi32>, vector<16xi32>], vector<16xf32>,
      %add3A_465 = arith.constant 32 : i32
      %add3A_466 = vector.broadcast %add3A_465 : i32 to vector<16xi32>
      %add3A_467 = arith.addi %scan3A_317, %add3A_466 : vector<16xi32>
      tpu.vector_store_idx %arg10[%gather3A_344, %add3A_467], %gather3A_345 : memref<7x6144xf32, #tpu.memory_space<vmem>>[vector<16xi32>, vector<16xi32>], vector<16xf32>,
      %add3A_468 = arith.constant 48 : i32
      %add3A_469 = vector.broadcast %add3A_468 : i32 to vector<16xi32>
      %add3A_470 = arith.addi %scan3A_317, %add3A_469 : vector<16xi32>
      tpu.vector_store_idx %arg10[%gather3A_354, %add3A_470], %gather3A_355 : memref<7x6144xf32, #tpu.memory_space<vmem>>[vector<16xi32>, vector<16xi32>], vector<16xf32>,
      %add3A_471 = arith.constant 64 : i32
      %add3A_472 = vector.broadcast %add3A_471 : i32 to vector<16xi32>
      %add3A_473 = arith.addi %scan3A_317, %add3A_472 : vector<16xi32>
      tpu.vector_store_idx %arg10[%gather3A_364, %add3A_473], %gather3A_365 : memref<7x6144xf32, #tpu.memory_space<vmem>>[vector<16xi32>, vector<16xi32>], vector<16xf32>,
      %add3A_474 = arith.constant 80 : i32
      %add3A_475 = vector.broadcast %add3A_474 : i32 to vector<16xi32>
      %add3A_476 = arith.addi %scan3A_317, %add3A_475 : vector<16xi32>
      tpu.vector_store_idx %arg10[%gather3A_374, %add3A_476], %gather3A_375 : memref<7x6144xf32, #tpu.memory_space<vmem>>[vector<16xi32>, vector<16xi32>], vector<16xf32>,
      %add3A_477 = arith.constant 96 : i32
      %add3A_478 = vector.broadcast %add3A_477 : i32 to vector<16xi32>
      %add3A_479 = arith.addi %scan3A_317, %add3A_478 : vector<16xi32>
      tpu.vector_store_idx %arg10[%gather3A_384, %add3A_479], %gather3A_385 : memref<7x6144xf32, #tpu.memory_space<vmem>>[vector<16xi32>, vector<16xi32>], vector<16xf32>,
      %add3A_480 = arith.constant 112 : i32
      %add3A_481 = vector.broadcast %add3A_480 : i32 to vector<16xi32>
      %add3A_482 = arith.addi %scan3A_317, %add3A_481 : vector<16xi32>
      tpu.vector_store_idx %arg10[%gather3A_394, %add3A_482], %gather3A_395 : memref<7x6144xf32, #tpu.memory_space<vmem>>[vector<16xi32>, vector<16xi32>], vector<16xf32>,
      %add3A_483 = arith.constant 128 : i32
      %add3A_484 = vector.broadcast %add3A_483 : i32 to vector<16xi32>
      %add3A_485 = arith.addi %scan3A_317, %add3A_484 : vector<16xi32>
      scf.yield %add3A_485 : vector<16xi32>
    }
    %scan3A_129 = arith.constant 48 : i32
    %add3A_130 = arith.constant 12288 : i32
    %add3A_131 = arith.addi %mul3A_2, %add3A_130 : i32
    %dma_start3A_132 = arith.constant 0 : i32
    %dma_start3A_133 = arith.constant 0 : i32
    %dma_start3A_134 = tpu.memref_slice %arg10[%dma_start3A_132, %dma_start3A_133] : memref<7x6144xf32, #tpu.memory_space<vmem>> -> memref<7x6144xf32, #tpu.memory_space<vmem>>
    %dma_start3A_135 = arith.constant 0 : i32
    %dma_start3A_136 = tpu.memref_slice %arg5[%dma_start3A_135, %add3A_131] : memref<7x1000000xf32, #tpu.memory_space<hbm>> -> memref<7x6144xf32, #tpu.memory_space<hbm>>
    %dma_start3A_137 = arith.constant 0 : i32
    %dma_start3A_138 = tpu.memref_slice %arg5[%dma_start3A_137, %add3A_131] : memref<7x1000000xf32, #tpu.memory_space<hbm>> -> memref<7x6144xf32, #tpu.memory_space<hbm>>
    %dma_start3A_139 = arith.constant 0 : i32
    %dma_start3A_140 = arith.constant 0 : i32
    %dma_start3A_141 = tpu.memref_slice %arg10[%dma_start3A_139, %dma_start3A_140] : memref<7x6144xf32, #tpu.memory_space<vmem>> -> memref<7x6144xf32, #tpu.memory_space<vmem>>
    tpu.enqueue_dma source(%dma_start3A_141 : memref<7x6144xf32, #tpu.memory_space<vmem>>) target(%dma_start3A_138 : memref<7x6144xf32, #tpu.memory_space<hbm>>) target_semaphore(%arg18 : memref<!tpu.dma_semaphore, #tpu.memory_space<semaphore_mem>>)
    %add3A_142 = arith.constant 24576 : i32
    %add3A_143 = arith.addi %mul3A_2, %add3A_142 : i32
    %dma_start3A_144 = arith.constant 0 : i32
    %dma_start3A_145 = tpu.memref_slice %arg8[%dma_start3A_144] : memref<6144xi32, #tpu.memory_space<vmem>> -> memref<6144xi32, #tpu.memory_space<vmem>>
    %dma_start3A_146 = tpu.memref_slice %arg2[%add3A_143] : memref<1000000xi32, #tpu.memory_space<hbm>> -> memref<6144xi32, #tpu.memory_space<hbm>>
    %dma_start3A_147 = arith.constant 0 : i32
    %dma_start3A_148 = tpu.memref_slice %arg8[%dma_start3A_147] : memref<6144xi32, #tpu.memory_space<vmem>> -> memref<6144xi32, #tpu.memory_space<vmem>>
    %dma_start3A_149 = tpu.memref_slice %arg2[%add3A_143] : memref<1000000xi32, #tpu.memory_space<hbm>> -> memref<6144xi32, #tpu.memory_space<hbm>>
    tpu.enqueue_dma source(%dma_start3A_149 : memref<6144xi32, #tpu.memory_space<hbm>>) target(%dma_start3A_148 : memref<6144xi32, #tpu.memory_space<vmem>>) target_semaphore(%arg16 : memref<!tpu.dma_semaphore, #tpu.memory_space<semaphore_mem>>)
    %dma_wait3A_150 = arith.constant 0 : i32
    %dma_wait3A_151 = tpu.memref_slice %arg9[%dma_wait3A_150] : memref<6144xi32, #tpu.memory_space<vmem>> -> memref<6144xi32, #tpu.memory_space<vmem>>
    %dma_wait3A_152 = tpu.memref_slice %arg2[%add3A_91] : memref<1000000xi32, #tpu.memory_space<hbm>> -> memref<6144xi32, #tpu.memory_space<hbm>>
    %dma_wait3A_153 = arith.constant 0 : i32
    %dma_wait3A_154 = tpu.memref_slice %arg9[%dma_wait3A_153] : memref<6144xi32, #tpu.memory_space<vmem>> -> memref<6144xi32, #tpu.memory_space<vmem>>
    %dma_wait3A_155 = tpu.memref_slice %arg2[%add3A_91] : memref<1000000xi32, #tpu.memory_space<hbm>> -> memref<6144xi32, #tpu.memory_space<hbm>>
    tpu.wait_dma2 semaphore(%arg17 : memref<!tpu.dma_semaphore, #tpu.memory_space<semaphore_mem>>) src(%dma_wait3A_155 : memref<6144xi32, #tpu.memory_space<hbm>>) dst(%dma_wait3A_154 : memref<6144xi32, #tpu.memory_space<vmem>>)
    %dma_wait3A_156 = arith.constant 0 : i32
    %dma_wait3A_157 = arith.constant 0 : i32
    %dma_wait3A_158 = tpu.memref_slice %arg11[%dma_wait3A_156, %dma_wait3A_157] : memref<7x6144xf32, #tpu.memory_space<vmem>> -> memref<7x6144xf32, #tpu.memory_space<vmem>>
    %dma_wait3A_159 = arith.constant 0 : i32
    %dma_wait3A_160 = tpu.memref_slice %arg5[%dma_wait3A_159, %add3A_79] : memref<7x1000000xf32, #tpu.memory_space<hbm>> -> memref<7x6144xf32, #tpu.memory_space<hbm>>
    %dma_wait3A_161 = arith.constant 0 : i32
    %dma_wait3A_162 = tpu.memref_slice %arg5[%dma_wait3A_161, %add3A_79] : memref<7x1000000xf32, #tpu.memory_space<hbm>> -> memref<7x6144xf32, #tpu.memory_space<hbm>>
    %dma_wait3A_163 = arith.constant 0 : i32
    %dma_wait3A_164 = arith.constant 0 : i32
    %dma_wait3A_165 = tpu.memref_slice %arg11[%dma_wait3A_163, %dma_wait3A_164] : memref<7x6144xf32, #tpu.memory_space<vmem>> -> memref<7x6144xf32, #tpu.memory_space<vmem>>
    tpu.wait_dma2 semaphore(%arg19 : memref<!tpu.dma_semaphore, #tpu.memory_space<semaphore_mem>>) src(%dma_wait3A_165 : memref<7x6144xf32, #tpu.memory_space<vmem>>) dst(%dma_wait3A_162 : memref<7x6144xf32, #tpu.memory_space<hbm>>)
    %broadcast_in_dim3A_166 = arith.constant 0.000000e+00 : f32
    %broadcast_in_dim3A_167 = vector.broadcast %broadcast_in_dim3A_166 : f32 to vector<16xf32>
    %iota3A_168 = tpu.iota {dimensions = array<i32: 0>} : vector<16xi32>
    %scan3A_169 = arith.constant 0 : i32
    %scan3A_170 = arith.constant 48 : i32
    %scan3A_171 = arith.addi %scan3A_169, %scan3A_170 : i32
    %scan3A_172 = arith.constant 1 : i32
    %scan3A_173 = scf.for %scan3A_316 = %scan3A_169 to %scan3A_171 step %scan3A_172 iter_args(%scan3A_317 = %iota3A_168) -> (vector<16xi32>)  : i32 {
      %mul3A_318 = arith.constant 8 : i32
      %mul3A_319 = arith.muli %scan3A_316, %mul3A_318 : i32
      %add3A_320 = arith.constant 0 : i32
      %add3A_321 = arith.addi %mul3A_319, %add3A_320 : i32
      %mul3A_322 = arith.constant 16 : i32
      %mul3A_323 = arith.muli %add3A_321, %mul3A_322 : i32
      %get3A = arith.index_cast %mul3A_323 : i32 to index
      %get3A_324 = tpu.vector_load %arg13[%get3A] {strides = array<i32>} : memref<6144xi32, #tpu.memory_space<vmem>>, vector<16xi32>,
      %mul3A_325 = arith.constant 8 : i32
      %mul3A_326 = arith.muli %scan3A_316, %mul3A_325 : i32
      %add3A_327 = arith.constant 1 : i32
      %add3A_328 = arith.addi %mul3A_326, %add3A_327 : i32
      %mul3A_329 = arith.constant 16 : i32
      %mul3A_330 = arith.muli %add3A_328, %mul3A_329 : i32
      %get3A_331 = arith.index_cast %mul3A_330 : i32 to index
      %get3A_332 = tpu.vector_load %arg13[%get3A_331] {strides = array<i32>} : memref<6144xi32, #tpu.memory_space<vmem>>, vector<16xi32>,
      %mul3A_333 = arith.constant 8 : i32
      %mul3A_334 = arith.muli %scan3A_316, %mul3A_333 : i32
      %add3A_335 = arith.constant 2 : i32
      %add3A_336 = arith.addi %mul3A_334, %add3A_335 : i32
      %mul3A_337 = arith.constant 16 : i32
      %mul3A_338 = arith.muli %add3A_336, %mul3A_337 : i32
      %get3A_339 = arith.index_cast %mul3A_338 : i32 to index
      %get3A_340 = tpu.vector_load %arg13[%get3A_339] {strides = array<i32>} : memref<6144xi32, #tpu.memory_space<vmem>>, vector<16xi32>,
      %mul3A_341 = arith.constant 8 : i32
      %mul3A_342 = arith.muli %scan3A_316, %mul3A_341 : i32
      %add3A_343 = arith.constant 3 : i32
      %add3A_344 = arith.addi %mul3A_342, %add3A_343 : i32
      %mul3A_345 = arith.constant 16 : i32
      %mul3A_346 = arith.muli %add3A_344, %mul3A_345 : i32
      %get3A_347 = arith.index_cast %mul3A_346 : i32 to index
      %get3A_348 = tpu.vector_load %arg13[%get3A_347] {strides = array<i32>} : memref<6144xi32, #tpu.memory_space<vmem>>, vector<16xi32>,
      %mul3A_349 = arith.constant 8 : i32
      %mul3A_350 = arith.muli %scan3A_316, %mul3A_349 : i32
      %add3A_351 = arith.constant 4 : i32
      %add3A_352 = arith.addi %mul3A_350, %add3A_351 : i32
      %mul3A_353 = arith.constant 16 : i32
      %mul3A_354 = arith.muli %add3A_352, %mul3A_353 : i32
      %get3A_355 = arith.index_cast %mul3A_354 : i32 to index
      %get3A_356 = tpu.vector_load %arg13[%get3A_355] {strides = array<i32>} : memref<6144xi32, #tpu.memory_space<vmem>>, vector<16xi32>,
      %mul3A_357 = arith.constant 8 : i32
      %mul3A_358 = arith.muli %scan3A_316, %mul3A_357 : i32
      %add3A_359 = arith.constant 5 : i32
      %add3A_360 = arith.addi %mul3A_358, %add3A_359 : i32
      %mul3A_361 = arith.constant 16 : i32
      %mul3A_362 = arith.muli %add3A_360, %mul3A_361 : i32
      %get3A_363 = arith.index_cast %mul3A_362 : i32 to index
      %get3A_364 = tpu.vector_load %arg13[%get3A_363] {strides = array<i32>} : memref<6144xi32, #tpu.memory_space<vmem>>, vector<16xi32>,
      %mul3A_365 = arith.constant 8 : i32
      %mul3A_366 = arith.muli %scan3A_316, %mul3A_365 : i32
      %add3A_367 = arith.constant 6 : i32
      %add3A_368 = arith.addi %mul3A_366, %add3A_367 : i32
      %mul3A_369 = arith.constant 16 : i32
      %mul3A_370 = arith.muli %add3A_368, %mul3A_369 : i32
      %get3A_371 = arith.index_cast %mul3A_370 : i32 to index
      %get3A_372 = tpu.vector_load %arg13[%get3A_371] {strides = array<i32>} : memref<6144xi32, #tpu.memory_space<vmem>>, vector<16xi32>,
      %mul3A_373 = arith.constant 8 : i32
      %mul3A_374 = arith.muli %scan3A_316, %mul3A_373 : i32
      %add3A_375 = arith.constant 7 : i32
      %add3A_376 = arith.addi %mul3A_374, %add3A_375 : i32
      %mul3A_377 = arith.constant 16 : i32
      %mul3A_378 = arith.muli %add3A_376, %mul3A_377 : i32
      %get3A_379 = arith.index_cast %mul3A_378 : i32 to index
      %get3A_380 = tpu.vector_load %arg13[%get3A_379] {strides = array<i32>} : memref<6144xi32, #tpu.memory_space<vmem>>, vector<16xi32>,
      %add3A_381 = arith.constant 0 : i32
      %add3A_382 = vector.broadcast %add3A_381 : i32 to vector<16xi32>
      %add3A_383 = arith.addi %scan3A_317, %add3A_382 : vector<16xi32>
      tpu.vector_store_idx %arg11[%get3A_324, %add3A_383], %broadcast_in_dim3A_167 : memref<7x6144xf32, #tpu.memory_space<vmem>>[vector<16xi32>, vector<16xi32>], vector<16xf32>,
      %add3A_384 = arith.constant 16 : i32
      %add3A_385 = vector.broadcast %add3A_384 : i32 to vector<16xi32>
      %add3A_386 = arith.addi %scan3A_317, %add3A_385 : vector<16xi32>
      tpu.vector_store_idx %arg11[%get3A_332, %add3A_386], %broadcast_in_dim3A_167 : memref<7x6144xf32, #tpu.memory_space<vmem>>[vector<16xi32>, vector<16xi32>], vector<16xf32>,
      %add3A_387 = arith.constant 32 : i32
      %add3A_388 = vector.broadcast %add3A_387 : i32 to vector<16xi32>
      %add3A_389 = arith.addi %scan3A_317, %add3A_388 : vector<16xi32>
      tpu.vector_store_idx %arg11[%get3A_340, %add3A_389], %broadcast_in_dim3A_167 : memref<7x6144xf32, #tpu.memory_space<vmem>>[vector<16xi32>, vector<16xi32>], vector<16xf32>,
      %add3A_390 = arith.constant 48 : i32
      %add3A_391 = vector.broadcast %add3A_390 : i32 to vector<16xi32>
      %add3A_392 = arith.addi %scan3A_317, %add3A_391 : vector<16xi32>
      tpu.vector_store_idx %arg11[%get3A_348, %add3A_392], %broadcast_in_dim3A_167 : memref<7x6144xf32, #tpu.memory_space<vmem>>[vector<16xi32>, vector<16xi32>], vector<16xf32>,
      %add3A_393 = arith.constant 64 : i32
      %add3A_394 = vector.broadcast %add3A_393 : i32 to vector<16xi32>
      %add3A_395 = arith.addi %scan3A_317, %add3A_394 : vector<16xi32>
      tpu.vector_store_idx %arg11[%get3A_356, %add3A_395], %broadcast_in_dim3A_167 : memref<7x6144xf32, #tpu.memory_space<vmem>>[vector<16xi32>, vector<16xi32>], vector<16xf32>,
      %add3A_396 = arith.constant 80 : i32
      %add3A_397 = vector.broadcast %add3A_396 : i32 to vector<16xi32>
      %add3A_398 = arith.addi %scan3A_317, %add3A_397 : vector<16xi32>
      tpu.vector_store_idx %arg11[%get3A_364, %add3A_398], %broadcast_in_dim3A_167 : memref<7x6144xf32, #tpu.memory_space<vmem>>[vector<16xi32>, vector<16xi32>], vector<16xf32>,
      %add3A_399 = arith.constant 96 : i32
      %add3A_400 = vector.broadcast %add3A_399 : i32 to vector<16xi32>
      %add3A_401 = arith.addi %scan3A_317, %add3A_400 : vector<16xi32>
      tpu.vector_store_idx %arg11[%get3A_372, %add3A_401], %broadcast_in_dim3A_167 : memref<7x6144xf32, #tpu.memory_space<vmem>>[vector<16xi32>, vector<16xi32>], vector<16xf32>,
      %add3A_402 = arith.constant 112 : i32
      %add3A_403 = vector.broadcast %add3A_402 : i32 to vector<16xi32>
      %add3A_404 = arith.addi %scan3A_317, %add3A_403 : vector<16xi32>
      tpu.vector_store_idx %arg11[%get3A_380, %add3A_404], %broadcast_in_dim3A_167 : memref<7x6144xf32, #tpu.memory_space<vmem>>[vector<16xi32>, vector<16xi32>], vector<16xf32>,
      %add3A_405 = arith.constant 128 : i32
      %add3A_406 = vector.broadcast %add3A_405 : i32 to vector<16xi32>
      %add3A_407 = arith.addi %scan3A_317, %add3A_406 : vector<16xi32>
      scf.yield %add3A_407 : vector<16xi32>
    }
    %scan3A_174 = arith.constant 48 : i32
    %iota3A_175 = tpu.iota {dimensions = array<i32: 0>} : vector<16xi32>
    %scan3A_176 = arith.constant 0 : i32
    %scan3A_177 = arith.constant 48 : i32
    %scan3A_178 = arith.addi %scan3A_176, %scan3A_177 : i32
    %scan3A_179 = arith.constant 1 : i32
    %scan3A_180 = scf.for %scan3A_316 = %scan3A_176 to %scan3A_178 step %scan3A_179 iter_args(%scan3A_317 = %iota3A_175) -> (vector<16xi32>)  : i32 {
      %mul3A_318 = arith.constant 8 : i32
      %mul3A_319 = arith.muli %scan3A_316, %mul3A_318 : i32
      %add3A_320 = arith.constant 0 : i32
      %add3A_321 = arith.addi %mul3A_319, %add3A_320 : i32
      %mul3A_322 = arith.constant 16 : i32
      %mul3A_323 = arith.muli %add3A_321, %mul3A_322 : i32
      %get3A = arith.index_cast %mul3A_323 : i32 to index
      %get3A_324 = tpu.vector_load %arg9[%get3A] {strides = array<i32>} : memref<6144xi32, #tpu.memory_space<vmem>>, vector<16xi32>,
      %gather3A = tpu.vector_load_idx %arg6[%get3A_324] : memref<32xi32, #tpu.memory_space<vmem>>[vector<16xi32>], vector<16xi32>,
      %gather3A_325 = tpu.vector_load_idx %arg7[%get3A_324] : memref<32xf32, #tpu.memory_space<vmem>>[vector<16xi32>], vector<16xf32>,
      %mul3A_326 = arith.constant 8 : i32
      %mul3A_327 = arith.muli %scan3A_316, %mul3A_326 : i32
      %add3A_328 = arith.constant 1 : i32
      %add3A_329 = arith.addi %mul3A_327, %add3A_328 : i32
      %mul3A_330 = arith.constant 16 : i32
      %mul3A_331 = arith.muli %add3A_329, %mul3A_330 : i32
      %get3A_332 = arith.index_cast %mul3A_331 : i32 to index
      %get3A_333 = tpu.vector_load %arg9[%get3A_332] {strides = array<i32>} : memref<6144xi32, #tpu.memory_space<vmem>>, vector<16xi32>,
      %gather3A_334 = tpu.vector_load_idx %arg6[%get3A_333] : memref<32xi32, #tpu.memory_space<vmem>>[vector<16xi32>], vector<16xi32>,
      %gather3A_335 = tpu.vector_load_idx %arg7[%get3A_333] : memref<32xf32, #tpu.memory_space<vmem>>[vector<16xi32>], vector<16xf32>,
      %mul3A_336 = arith.constant 8 : i32
      %mul3A_337 = arith.muli %scan3A_316, %mul3A_336 : i32
      %add3A_338 = arith.constant 2 : i32
      %add3A_339 = arith.addi %mul3A_337, %add3A_338 : i32
      %mul3A_340 = arith.constant 16 : i32
      %mul3A_341 = arith.muli %add3A_339, %mul3A_340 : i32
      %get3A_342 = arith.index_cast %mul3A_341 : i32 to index
      %get3A_343 = tpu.vector_load %arg9[%get3A_342] {strides = array<i32>} : memref<6144xi32, #tpu.memory_space<vmem>>, vector<16xi32>,
      %gather3A_344 = tpu.vector_load_idx %arg6[%get3A_343] : memref<32xi32, #tpu.memory_space<vmem>>[vector<16xi32>], vector<16xi32>,
      %gather3A_345 = tpu.vector_load_idx %arg7[%get3A_343] : memref<32xf32, #tpu.memory_space<vmem>>[vector<16xi32>], vector<16xf32>,
      %mul3A_346 = arith.constant 8 : i32
      %mul3A_347 = arith.muli %scan3A_316, %mul3A_346 : i32
      %add3A_348 = arith.constant 3 : i32
      %add3A_349 = arith.addi %mul3A_347, %add3A_348 : i32
      %mul3A_350 = arith.constant 16 : i32
      %mul3A_351 = arith.muli %add3A_349, %mul3A_350 : i32
      %get3A_352 = arith.index_cast %mul3A_351 : i32 to index
      %get3A_353 = tpu.vector_load %arg9[%get3A_352] {strides = array<i32>} : memref<6144xi32, #tpu.memory_space<vmem>>, vector<16xi32>,
      %gather3A_354 = tpu.vector_load_idx %arg6[%get3A_353] : memref<32xi32, #tpu.memory_space<vmem>>[vector<16xi32>], vector<16xi32>,
      %gather3A_355 = tpu.vector_load_idx %arg7[%get3A_353] : memref<32xf32, #tpu.memory_space<vmem>>[vector<16xi32>], vector<16xf32>,
      %mul3A_356 = arith.constant 8 : i32
      %mul3A_357 = arith.muli %scan3A_316, %mul3A_356 : i32
      %add3A_358 = arith.constant 4 : i32
      %add3A_359 = arith.addi %mul3A_357, %add3A_358 : i32
      %mul3A_360 = arith.constant 16 : i32
      %mul3A_361 = arith.muli %add3A_359, %mul3A_360 : i32
      %get3A_362 = arith.index_cast %mul3A_361 : i32 to index
      %get3A_363 = tpu.vector_load %arg9[%get3A_362] {strides = array<i32>} : memref<6144xi32, #tpu.memory_space<vmem>>, vector<16xi32>,
      %gather3A_364 = tpu.vector_load_idx %arg6[%get3A_363] : memref<32xi32, #tpu.memory_space<vmem>>[vector<16xi32>], vector<16xi32>,
      %gather3A_365 = tpu.vector_load_idx %arg7[%get3A_363] : memref<32xf32, #tpu.memory_space<vmem>>[vector<16xi32>], vector<16xf32>,
      %mul3A_366 = arith.constant 8 : i32
      %mul3A_367 = arith.muli %scan3A_316, %mul3A_366 : i32
      %add3A_368 = arith.constant 5 : i32
      %add3A_369 = arith.addi %mul3A_367, %add3A_368 : i32
      %mul3A_370 = arith.constant 16 : i32
      %mul3A_371 = arith.muli %add3A_369, %mul3A_370 : i32
      %get3A_372 = arith.index_cast %mul3A_371 : i32 to index
      %get3A_373 = tpu.vector_load %arg9[%get3A_372] {strides = array<i32>} : memref<6144xi32, #tpu.memory_space<vmem>>, vector<16xi32>,
      %gather3A_374 = tpu.vector_load_idx %arg6[%get3A_373] : memref<32xi32, #tpu.memory_space<vmem>>[vector<16xi32>], vector<16xi32>,
      %gather3A_375 = tpu.vector_load_idx %arg7[%get3A_373] : memref<32xf32, #tpu.memory_space<vmem>>[vector<16xi32>], vector<16xf32>,
      %mul3A_376 = arith.constant 8 : i32
      %mul3A_377 = arith.muli %scan3A_316, %mul3A_376 : i32
      %add3A_378 = arith.constant 6 : i32
      %add3A_379 = arith.addi %mul3A_377, %add3A_378 : i32
      %mul3A_380 = arith.constant 16 : i32
      %mul3A_381 = arith.muli %add3A_379, %mul3A_380 : i32
      %get3A_382 = arith.index_cast %mul3A_381 : i32 to index
      %get3A_383 = tpu.vector_load %arg9[%get3A_382] {strides = array<i32>} : memref<6144xi32, #tpu.memory_space<vmem>>, vector<16xi32>,
      %gather3A_384 = tpu.vector_load_idx %arg6[%get3A_383] : memref<32xi32, #tpu.memory_space<vmem>>[vector<16xi32>], vector<16xi32>,
      %gather3A_385 = tpu.vector_load_idx %arg7[%get3A_383] : memref<32xf32, #tpu.memory_space<vmem>>[vector<16xi32>], vector<16xf32>,
      %mul3A_386 = arith.constant 8 : i32
      %mul3A_387 = arith.muli %scan3A_316, %mul3A_386 : i32
      %add3A_388 = arith.constant 7 : i32
      %add3A_389 = arith.addi %mul3A_387, %add3A_388 : i32
      %mul3A_390 = arith.constant 16 : i32
      %mul3A_391 = arith.muli %add3A_389, %mul3A_390 : i32
      %get3A_392 = arith.index_cast %mul3A_391 : i32 to index
      %get3A_393 = tpu.vector_load %arg9[%get3A_392] {strides = array<i32>} : memref<6144xi32, #tpu.memory_space<vmem>>, vector<16xi32>,
      %gather3A_394 = tpu.vector_load_idx %arg6[%get3A_393] : memref<32xi32, #tpu.memory_space<vmem>>[vector<16xi32>], vector<16xi32>,
      %gather3A_395 = tpu.vector_load_idx %arg7[%get3A_393] : memref<32xf32, #tpu.memory_space<vmem>>[vector<16xi32>], vector<16xf32>,
      %mul3A_396 = arith.constant 8 : i32
      %mul3A_397 = arith.muli %scan3A_316, %mul3A_396 : i32
      %add3A_398 = arith.constant 0 : i32
      %add3A_399 = arith.addi %mul3A_397, %add3A_398 : i32
      %mul3A_400 = arith.constant 16 : i32
      %mul3A_401 = arith.muli %add3A_399, %mul3A_400 : i32
      %swap3A = arith.index_cast %mul3A_401 : i32 to index
      %swap3A_402 = tpu.vector_load %arg13[%swap3A] {strides = array<i32>} : memref<6144xi32, #tpu.memory_space<vmem>>, vector<16xi32>,
      tpu.vector_store %arg13[%swap3A], %gather3A {strides = array<i32>} : memref<6144xi32, #tpu.memory_space<vmem>>, vector<16xi32>,
      %mul3A_403 = arith.constant 8 : i32
      %mul3A_404 = arith.muli %scan3A_316, %mul3A_403 : i32
      %add3A_405 = arith.constant 1 : i32
      %add3A_406 = arith.addi %mul3A_404, %add3A_405 : i32
      %mul3A_407 = arith.constant 16 : i32
      %mul3A_408 = arith.muli %add3A_406, %mul3A_407 : i32
      %swap3A_409 = arith.index_cast %mul3A_408 : i32 to index
      %swap3A_410 = tpu.vector_load %arg13[%swap3A_409] {strides = array<i32>} : memref<6144xi32, #tpu.memory_space<vmem>>, vector<16xi32>,
      tpu.vector_store %arg13[%swap3A_409], %gather3A_334 {strides = array<i32>} : memref<6144xi32, #tpu.memory_space<vmem>>, vector<16xi32>,
      %mul3A_411 = arith.constant 8 : i32
      %mul3A_412 = arith.muli %scan3A_316, %mul3A_411 : i32
      %add3A_413 = arith.constant 2 : i32
      %add3A_414 = arith.addi %mul3A_412, %add3A_413 : i32
      %mul3A_415 = arith.constant 16 : i32
      %mul3A_416 = arith.muli %add3A_414, %mul3A_415 : i32
      %swap3A_417 = arith.index_cast %mul3A_416 : i32 to index
      %swap3A_418 = tpu.vector_load %arg13[%swap3A_417] {strides = array<i32>} : memref<6144xi32, #tpu.memory_space<vmem>>, vector<16xi32>,
      tpu.vector_store %arg13[%swap3A_417], %gather3A_344 {strides = array<i32>} : memref<6144xi32, #tpu.memory_space<vmem>>, vector<16xi32>,
      %mul3A_419 = arith.constant 8 : i32
      %mul3A_420 = arith.muli %scan3A_316, %mul3A_419 : i32
      %add3A_421 = arith.constant 3 : i32
      %add3A_422 = arith.addi %mul3A_420, %add3A_421 : i32
      %mul3A_423 = arith.constant 16 : i32
      %mul3A_424 = arith.muli %add3A_422, %mul3A_423 : i32
      %swap3A_425 = arith.index_cast %mul3A_424 : i32 to index
      %swap3A_426 = tpu.vector_load %arg13[%swap3A_425] {strides = array<i32>} : memref<6144xi32, #tpu.memory_space<vmem>>, vector<16xi32>,
      tpu.vector_store %arg13[%swap3A_425], %gather3A_354 {strides = array<i32>} : memref<6144xi32, #tpu.memory_space<vmem>>, vector<16xi32>,
      %mul3A_427 = arith.constant 8 : i32
      %mul3A_428 = arith.muli %scan3A_316, %mul3A_427 : i32
      %add3A_429 = arith.constant 4 : i32
      %add3A_430 = arith.addi %mul3A_428, %add3A_429 : i32
      %mul3A_431 = arith.constant 16 : i32
      %mul3A_432 = arith.muli %add3A_430, %mul3A_431 : i32
      %swap3A_433 = arith.index_cast %mul3A_432 : i32 to index
      %swap3A_434 = tpu.vector_load %arg13[%swap3A_433] {strides = array<i32>} : memref<6144xi32, #tpu.memory_space<vmem>>, vector<16xi32>,
      tpu.vector_store %arg13[%swap3A_433], %gather3A_364 {strides = array<i32>} : memref<6144xi32, #tpu.memory_space<vmem>>, vector<16xi32>,
      %mul3A_435 = arith.constant 8 : i32
      %mul3A_436 = arith.muli %scan3A_316, %mul3A_435 : i32
      %add3A_437 = arith.constant 5 : i32
      %add3A_438 = arith.addi %mul3A_436, %add3A_437 : i32
      %mul3A_439 = arith.constant 16 : i32
      %mul3A_440 = arith.muli %add3A_438, %mul3A_439 : i32
      %swap3A_441 = arith.index_cast %mul3A_440 : i32 to index
      %swap3A_442 = tpu.vector_load %arg13[%swap3A_441] {strides = array<i32>} : memref<6144xi32, #tpu.memory_space<vmem>>, vector<16xi32>,
      tpu.vector_store %arg13[%swap3A_441], %gather3A_374 {strides = array<i32>} : memref<6144xi32, #tpu.memory_space<vmem>>, vector<16xi32>,
      %mul3A_443 = arith.constant 8 : i32
      %mul3A_444 = arith.muli %scan3A_316, %mul3A_443 : i32
      %add3A_445 = arith.constant 6 : i32
      %add3A_446 = arith.addi %mul3A_444, %add3A_445 : i32
      %mul3A_447 = arith.constant 16 : i32
      %mul3A_448 = arith.muli %add3A_446, %mul3A_447 : i32
      %swap3A_449 = arith.index_cast %mul3A_448 : i32 to index
      %swap3A_450 = tpu.vector_load %arg13[%swap3A_449] {strides = array<i32>} : memref<6144xi32, #tpu.memory_space<vmem>>, vector<16xi32>,
      tpu.vector_store %arg13[%swap3A_449], %gather3A_384 {strides = array<i32>} : memref<6144xi32, #tpu.memory_space<vmem>>, vector<16xi32>,
      %mul3A_451 = arith.constant 8 : i32
      %mul3A_452 = arith.muli %scan3A_316, %mul3A_451 : i32
      %add3A_453 = arith.constant 7 : i32
      %add3A_454 = arith.addi %mul3A_452, %add3A_453 : i32
      %mul3A_455 = arith.constant 16 : i32
      %mul3A_456 = arith.muli %add3A_454, %mul3A_455 : i32
      %swap3A_457 = arith.index_cast %mul3A_456 : i32 to index
      %swap3A_458 = tpu.vector_load %arg13[%swap3A_457] {strides = array<i32>} : memref<6144xi32, #tpu.memory_space<vmem>>, vector<16xi32>,
      tpu.vector_store %arg13[%swap3A_457], %gather3A_394 {strides = array<i32>} : memref<6144xi32, #tpu.memory_space<vmem>>, vector<16xi32>,
      %add3A_459 = arith.constant 0 : i32
      %add3A_460 = vector.broadcast %add3A_459 : i32 to vector<16xi32>
      %add3A_461 = arith.addi %scan3A_317, %add3A_460 : vector<16xi32>
      tpu.vector_store_idx %arg11[%gather3A, %add3A_461], %gather3A_325 : memref<7x6144xf32, #tpu.memory_space<vmem>>[vector<16xi32>, vector<16xi32>], vector<16xf32>,
      %add3A_462 = arith.constant 16 : i32
      %add3A_463 = vector.broadcast %add3A_462 : i32 to vector<16xi32>
      %add3A_464 = arith.addi %scan3A_317, %add3A_463 : vector<16xi32>
      tpu.vector_store_idx %arg11[%gather3A_334, %add3A_464], %gather3A_335 : memref<7x6144xf32, #tpu.memory_space<vmem>>[vector<16xi32>, vector<16xi32>], vector<16xf32>,
      %add3A_465 = arith.constant 32 : i32
      %add3A_466 = vector.broadcast %add3A_465 : i32 to vector<16xi32>
      %add3A_467 = arith.addi %scan3A_317, %add3A_466 : vector<16xi32>
      tpu.vector_store_idx %arg11[%gather3A_344, %add3A_467], %gather3A_345 : memref<7x6144xf32, #tpu.memory_space<vmem>>[vector<16xi32>, vector<16xi32>], vector<16xf32>,
      %add3A_468 = arith.constant 48 : i32
      %add3A_469 = vector.broadcast %add3A_468 : i32 to vector<16xi32>
      %add3A_470 = arith.addi %scan3A_317, %add3A_469 : vector<16xi32>
      tpu.vector_store_idx %arg11[%gather3A_354, %add3A_470], %gather3A_355 : memref<7x6144xf32, #tpu.memory_space<vmem>>[vector<16xi32>, vector<16xi32>], vector<16xf32>,
      %add3A_471 = arith.constant 64 : i32
      %add3A_472 = vector.broadcast %add3A_471 : i32 to vector<16xi32>
      %add3A_473 = arith.addi %scan3A_317, %add3A_472 : vector<16xi32>
      tpu.vector_store_idx %arg11[%gather3A_364, %add3A_473], %gather3A_365 : memref<7x6144xf32, #tpu.memory_space<vmem>>[vector<16xi32>, vector<16xi32>], vector<16xf32>,
      %add3A_474 = arith.constant 80 : i32
      %add3A_475 = vector.broadcast %add3A_474 : i32 to vector<16xi32>
      %add3A_476 = arith.addi %scan3A_317, %add3A_475 : vector<16xi32>
      tpu.vector_store_idx %arg11[%gather3A_374, %add3A_476], %gather3A_375 : memref<7x6144xf32, #tpu.memory_space<vmem>>[vector<16xi32>, vector<16xi32>], vector<16xf32>,
      %add3A_477 = arith.constant 96 : i32
      %add3A_478 = vector.broadcast %add3A_477 : i32 to vector<16xi32>
      %add3A_479 = arith.addi %scan3A_317, %add3A_478 : vector<16xi32>
      tpu.vector_store_idx %arg11[%gather3A_384, %add3A_479], %gather3A_385 : memref<7x6144xf32, #tpu.memory_space<vmem>>[vector<16xi32>, vector<16xi32>], vector<16xf32>,
      %add3A_480 = arith.constant 112 : i32
      %add3A_481 = vector.broadcast %add3A_480 : i32 to vector<16xi32>
      %add3A_482 = arith.addi %scan3A_317, %add3A_481 : vector<16xi32>
      tpu.vector_store_idx %arg11[%gather3A_394, %add3A_482], %gather3A_395 : memref<7x6144xf32, #tpu.memory_space<vmem>>[vector<16xi32>, vector<16xi32>], vector<16xf32>,
      %add3A_483 = arith.constant 128 : i32
      %add3A_484 = vector.broadcast %add3A_483 : i32 to vector<16xi32>
      %add3A_485 = arith.addi %scan3A_317, %add3A_484 : vector<16xi32>
      scf.yield %add3A_485 : vector<16xi32>
    }
    %scan3A_181 = arith.constant 48 : i32
    %add3A_182 = arith.constant 18432 : i32
    %add3A_183 = arith.addi %mul3A_2, %add3A_182 : i32
    %dma_start3A_184 = arith.constant 0 : i32
    %dma_start3A_185 = arith.constant 0 : i32
    %dma_start3A_186 = tpu.memref_slice %arg11[%dma_start3A_184, %dma_start3A_185] : memref<7x6144xf32, #tpu.memory_space<vmem>> -> memref<7x6144xf32, #tpu.memory_space<vmem>>
    %dma_start3A_187 = arith.constant 0 : i32
    %dma_start3A_188 = tpu.memref_slice %arg5[%dma_start3A_187, %add3A_183] : memref<7x1000000xf32, #tpu.memory_space<hbm>> -> memref<7x6144xf32, #tpu.memory_space<hbm>>
    %dma_start3A_189 = arith.constant 0 : i32
    %dma_start3A_190 = tpu.memref_slice %arg5[%dma_start3A_189, %add3A_183] : memref<7x1000000xf32, #tpu.memory_space<hbm>> -> memref<7x6144xf32, #tpu.memory_space<hbm>>
    %dma_start3A_191 = arith.constant 0 : i32
    %dma_start3A_192 = arith.constant 0 : i32
    %dma_start3A_193 = tpu.memref_slice %arg11[%dma_start3A_191, %dma_start3A_192] : memref<7x6144xf32, #tpu.memory_space<vmem>> -> memref<7x6144xf32, #tpu.memory_space<vmem>>
    tpu.enqueue_dma source(%dma_start3A_193 : memref<7x6144xf32, #tpu.memory_space<vmem>>) target(%dma_start3A_190 : memref<7x6144xf32, #tpu.memory_space<hbm>>) target_semaphore(%arg19 : memref<!tpu.dma_semaphore, #tpu.memory_space<semaphore_mem>>)
    %add3A_194 = arith.constant 30720 : i32
    %add3A_195 = arith.addi %mul3A_2, %add3A_194 : i32
    %dma_start3A_196 = arith.constant 0 : i32
    %dma_start3A_197 = tpu.memref_slice %arg9[%dma_start3A_196] : memref<6144xi32, #tpu.memory_space<vmem>> -> memref<512xi32, #tpu.memory_space<vmem>>
    %dma_start3A_198 = tpu.memref_slice %arg2[%add3A_195] : memref<1000000xi32, #tpu.memory_space<hbm>> -> memref<512xi32, #tpu.memory_space<hbm>>
    %dma_start3A_199 = arith.constant 0 : i32
    %dma_start3A_200 = tpu.memref_slice %arg9[%dma_start3A_199] : memref<6144xi32, #tpu.memory_space<vmem>> -> memref<512xi32, #tpu.memory_space<vmem>>
    %dma_start3A_201 = tpu.memref_slice %arg2[%add3A_195] : memref<1000000xi32, #tpu.memory_space<hbm>> -> memref<512xi32, #tpu.memory_space<hbm>>
    tpu.enqueue_dma source(%dma_start3A_201 : memref<512xi32, #tpu.memory_space<hbm>>) target(%dma_start3A_200 : memref<512xi32, #tpu.memory_space<vmem>>) target_semaphore(%arg17 : memref<!tpu.dma_semaphore, #tpu.memory_space<semaphore_mem>>)
    %dma_wait3A_202 = arith.constant 0 : i32
    %dma_wait3A_203 = tpu.memref_slice %arg8[%dma_wait3A_202] : memref<6144xi32, #tpu.memory_space<vmem>> -> memref<6144xi32, #tpu.memory_space<vmem>>
    %dma_wait3A_204 = tpu.memref_slice %arg2[%add3A_143] : memref<1000000xi32, #tpu.memory_space<hbm>> -> memref<6144xi32, #tpu.memory_space<hbm>>
    %dma_wait3A_205 = arith.constant 0 : i32
    %dma_wait3A_206 = tpu.memref_slice %arg8[%dma_wait3A_205] : memref<6144xi32, #tpu.memory_space<vmem>> -> memref<6144xi32, #tpu.memory_space<vmem>>
    %dma_wait3A_207 = tpu.memref_slice %arg2[%add3A_143] : memref<1000000xi32, #tpu.memory_space<hbm>> -> memref<6144xi32, #tpu.memory_space<hbm>>
    tpu.wait_dma2 semaphore(%arg16 : memref<!tpu.dma_semaphore, #tpu.memory_space<semaphore_mem>>) src(%dma_wait3A_207 : memref<6144xi32, #tpu.memory_space<hbm>>) dst(%dma_wait3A_206 : memref<6144xi32, #tpu.memory_space<vmem>>)
    %dma_wait3A_208 = arith.constant 0 : i32
    %dma_wait3A_209 = arith.constant 0 : i32
    %dma_wait3A_210 = tpu.memref_slice %arg10[%dma_wait3A_208, %dma_wait3A_209] : memref<7x6144xf32, #tpu.memory_space<vmem>> -> memref<7x6144xf32, #tpu.memory_space<vmem>>
    %dma_wait3A_211 = arith.constant 0 : i32
    %dma_wait3A_212 = tpu.memref_slice %arg5[%dma_wait3A_211, %add3A_131] : memref<7x1000000xf32, #tpu.memory_space<hbm>> -> memref<7x6144xf32, #tpu.memory_space<hbm>>
    %dma_wait3A_213 = arith.constant 0 : i32
    %dma_wait3A_214 = tpu.memref_slice %arg5[%dma_wait3A_213, %add3A_131] : memref<7x1000000xf32, #tpu.memory_space<hbm>> -> memref<7x6144xf32, #tpu.memory_space<hbm>>
    %dma_wait3A_215 = arith.constant 0 : i32
    %dma_wait3A_216 = arith.constant 0 : i32
    %dma_wait3A_217 = tpu.memref_slice %arg10[%dma_wait3A_215, %dma_wait3A_216] : memref<7x6144xf32, #tpu.memory_space<vmem>> -> memref<7x6144xf32, #tpu.memory_space<vmem>>
    tpu.wait_dma2 semaphore(%arg18 : memref<!tpu.dma_semaphore, #tpu.memory_space<semaphore_mem>>) src(%dma_wait3A_217 : memref<7x6144xf32, #tpu.memory_space<vmem>>) dst(%dma_wait3A_214 : memref<7x6144xf32, #tpu.memory_space<hbm>>)
    %broadcast_in_dim3A_218 = arith.constant 0.000000e+00 : f32
    %broadcast_in_dim3A_219 = vector.broadcast %broadcast_in_dim3A_218 : f32 to vector<16xf32>
    %iota3A_220 = tpu.iota {dimensions = array<i32: 0>} : vector<16xi32>
    %scan3A_221 = arith.constant 0 : i32
    %scan3A_222 = arith.constant 48 : i32
    %scan3A_223 = arith.addi %scan3A_221, %scan3A_222 : i32
    %scan3A_224 = arith.constant 1 : i32
    %scan3A_225 = scf.for %scan3A_316 = %scan3A_221 to %scan3A_223 step %scan3A_224 iter_args(%scan3A_317 = %iota3A_220) -> (vector<16xi32>)  : i32 {
      %mul3A_318 = arith.constant 8 : i32
      %mul3A_319 = arith.muli %scan3A_316, %mul3A_318 : i32
      %add3A_320 = arith.constant 0 : i32
      %add3A_321 = arith.addi %mul3A_319, %add3A_320 : i32
      %mul3A_322 = arith.constant 16 : i32
      %mul3A_323 = arith.muli %add3A_321, %mul3A_322 : i32
      %get3A = arith.index_cast %mul3A_323 : i32 to index
      %get3A_324 = tpu.vector_load %arg12[%get3A] {strides = array<i32>} : memref<6144xi32, #tpu.memory_space<vmem>>, vector<16xi32>,
      %mul3A_325 = arith.constant 8 : i32
      %mul3A_326 = arith.muli %scan3A_316, %mul3A_325 : i32
      %add3A_327 = arith.constant 1 : i32
      %add3A_328 = arith.addi %mul3A_326, %add3A_327 : i32
      %mul3A_329 = arith.constant 16 : i32
      %mul3A_330 = arith.muli %add3A_328, %mul3A_329 : i32
      %get3A_331 = arith.index_cast %mul3A_330 : i32 to index
      %get3A_332 = tpu.vector_load %arg12[%get3A_331] {strides = array<i32>} : memref<6144xi32, #tpu.memory_space<vmem>>, vector<16xi32>,
      %mul3A_333 = arith.constant 8 : i32
      %mul3A_334 = arith.muli %scan3A_316, %mul3A_333 : i32
      %add3A_335 = arith.constant 2 : i32
      %add3A_336 = arith.addi %mul3A_334, %add3A_335 : i32
      %mul3A_337 = arith.constant 16 : i32
      %mul3A_338 = arith.muli %add3A_336, %mul3A_337 : i32
      %get3A_339 = arith.index_cast %mul3A_338 : i32 to index
      %get3A_340 = tpu.vector_load %arg12[%get3A_339] {strides = array<i32>} : memref<6144xi32, #tpu.memory_space<vmem>>, vector<16xi32>,
      %mul3A_341 = arith.constant 8 : i32
      %mul3A_342 = arith.muli %scan3A_316, %mul3A_341 : i32
      %add3A_343 = arith.constant 3 : i32
      %add3A_344 = arith.addi %mul3A_342, %add3A_343 : i32
      %mul3A_345 = arith.constant 16 : i32
      %mul3A_346 = arith.muli %add3A_344, %mul3A_345 : i32
      %get3A_347 = arith.index_cast %mul3A_346 : i32 to index
      %get3A_348 = tpu.vector_load %arg12[%get3A_347] {strides = array<i32>} : memref<6144xi32, #tpu.memory_space<vmem>>, vector<16xi32>,
      %mul3A_349 = arith.constant 8 : i32
      %mul3A_350 = arith.muli %scan3A_316, %mul3A_349 : i32
      %add3A_351 = arith.constant 4 : i32
      %add3A_352 = arith.addi %mul3A_350, %add3A_351 : i32
      %mul3A_353 = arith.constant 16 : i32
      %mul3A_354 = arith.muli %add3A_352, %mul3A_353 : i32
      %get3A_355 = arith.index_cast %mul3A_354 : i32 to index
      %get3A_356 = tpu.vector_load %arg12[%get3A_355] {strides = array<i32>} : memref<6144xi32, #tpu.memory_space<vmem>>, vector<16xi32>,
      %mul3A_357 = arith.constant 8 : i32
      %mul3A_358 = arith.muli %scan3A_316, %mul3A_357 : i32
      %add3A_359 = arith.constant 5 : i32
      %add3A_360 = arith.addi %mul3A_358, %add3A_359 : i32
      %mul3A_361 = arith.constant 16 : i32
      %mul3A_362 = arith.muli %add3A_360, %mul3A_361 : i32
      %get3A_363 = arith.index_cast %mul3A_362 : i32 to index
      %get3A_364 = tpu.vector_load %arg12[%get3A_363] {strides = array<i32>} : memref<6144xi32, #tpu.memory_space<vmem>>, vector<16xi32>,
      %mul3A_365 = arith.constant 8 : i32
      %mul3A_366 = arith.muli %scan3A_316, %mul3A_365 : i32
      %add3A_367 = arith.constant 6 : i32
      %add3A_368 = arith.addi %mul3A_366, %add3A_367 : i32
      %mul3A_369 = arith.constant 16 : i32
      %mul3A_370 = arith.muli %add3A_368, %mul3A_369 : i32
      %get3A_371 = arith.index_cast %mul3A_370 : i32 to index
      %get3A_372 = tpu.vector_load %arg12[%get3A_371] {strides = array<i32>} : memref<6144xi32, #tpu.memory_space<vmem>>, vector<16xi32>,
      %mul3A_373 = arith.constant 8 : i32
      %mul3A_374 = arith.muli %scan3A_316, %mul3A_373 : i32
      %add3A_375 = arith.constant 7 : i32
      %add3A_376 = arith.addi %mul3A_374, %add3A_375 : i32
      %mul3A_377 = arith.constant 16 : i32
      %mul3A_378 = arith.muli %add3A_376, %mul3A_377 : i32
      %get3A_379 = arith.index_cast %mul3A_378 : i32 to index
      %get3A_380 = tpu.vector_load %arg12[%get3A_379] {strides = array<i32>} : memref<6144xi32, #tpu.memory_space<vmem>>, vector<16xi32>,
      %add3A_381 = arith.constant 0 : i32
      %add3A_382 = vector.broadcast %add3A_381 : i32 to vector<16xi32>
      %add3A_383 = arith.addi %scan3A_317, %add3A_382 : vector<16xi32>
      tpu.vector_store_idx %arg10[%get3A_324, %add3A_383], %broadcast_in_dim3A_219 : memref<7x6144xf32, #tpu.memory_space<vmem>>[vector<16xi32>, vector<16xi32>], vector<16xf32>,
      %add3A_384 = arith.constant 16 : i32
      %add3A_385 = vector.broadcast %add3A_384 : i32 to vector<16xi32>
      %add3A_386 = arith.addi %scan3A_317, %add3A_385 : vector<16xi32>
      tpu.vector_store_idx %arg10[%get3A_332, %add3A_386], %broadcast_in_dim3A_219 : memref<7x6144xf32, #tpu.memory_space<vmem>>[vector<16xi32>, vector<16xi32>], vector<16xf32>,
      %add3A_387 = arith.constant 32 : i32
      %add3A_388 = vector.broadcast %add3A_387 : i32 to vector<16xi32>
      %add3A_389 = arith.addi %scan3A_317, %add3A_388 : vector<16xi32>
      tpu.vector_store_idx %arg10[%get3A_340, %add3A_389], %broadcast_in_dim3A_219 : memref<7x6144xf32, #tpu.memory_space<vmem>>[vector<16xi32>, vector<16xi32>], vector<16xf32>,
      %add3A_390 = arith.constant 48 : i32
      %add3A_391 = vector.broadcast %add3A_390 : i32 to vector<16xi32>
      %add3A_392 = arith.addi %scan3A_317, %add3A_391 : vector<16xi32>
      tpu.vector_store_idx %arg10[%get3A_348, %add3A_392], %broadcast_in_dim3A_219 : memref<7x6144xf32, #tpu.memory_space<vmem>>[vector<16xi32>, vector<16xi32>], vector<16xf32>,
      %add3A_393 = arith.constant 64 : i32
      %add3A_394 = vector.broadcast %add3A_393 : i32 to vector<16xi32>
      %add3A_395 = arith.addi %scan3A_317, %add3A_394 : vector<16xi32>
      tpu.vector_store_idx %arg10[%get3A_356, %add3A_395], %broadcast_in_dim3A_219 : memref<7x6144xf32, #tpu.memory_space<vmem>>[vector<16xi32>, vector<16xi32>], vector<16xf32>,
      %add3A_396 = arith.constant 80 : i32
      %add3A_397 = vector.broadcast %add3A_396 : i32 to vector<16xi32>
      %add3A_398 = arith.addi %scan3A_317, %add3A_397 : vector<16xi32>
      tpu.vector_store_idx %arg10[%get3A_364, %add3A_398], %broadcast_in_dim3A_219 : memref<7x6144xf32, #tpu.memory_space<vmem>>[vector<16xi32>, vector<16xi32>], vector<16xf32>,
      %add3A_399 = arith.constant 96 : i32
      %add3A_400 = vector.broadcast %add3A_399 : i32 to vector<16xi32>
      %add3A_401 = arith.addi %scan3A_317, %add3A_400 : vector<16xi32>
      tpu.vector_store_idx %arg10[%get3A_372, %add3A_401], %broadcast_in_dim3A_219 : memref<7x6144xf32, #tpu.memory_space<vmem>>[vector<16xi32>, vector<16xi32>], vector<16xf32>,
      %add3A_402 = arith.constant 112 : i32
      %add3A_403 = vector.broadcast %add3A_402 : i32 to vector<16xi32>
      %add3A_404 = arith.addi %scan3A_317, %add3A_403 : vector<16xi32>
      tpu.vector_store_idx %arg10[%get3A_380, %add3A_404], %broadcast_in_dim3A_219 : memref<7x6144xf32, #tpu.memory_space<vmem>>[vector<16xi32>, vector<16xi32>], vector<16xf32>,
      %add3A_405 = arith.constant 128 : i32
      %add3A_406 = vector.broadcast %add3A_405 : i32 to vector<16xi32>
      %add3A_407 = arith.addi %scan3A_317, %add3A_406 : vector<16xi32>
      scf.yield %add3A_407 : vector<16xi32>
    }
    %scan3A_226 = arith.constant 48 : i32
    %iota3A_227 = tpu.iota {dimensions = array<i32: 0>} : vector<16xi32>
    %scan3A_228 = arith.constant 0 : i32
    %scan3A_229 = arith.constant 48 : i32
    %scan3A_230 = arith.addi %scan3A_228, %scan3A_229 : i32
    %scan3A_231 = arith.constant 1 : i32
    %scan3A_232 = scf.for %scan3A_316 = %scan3A_228 to %scan3A_230 step %scan3A_231 iter_args(%scan3A_317 = %iota3A_227) -> (vector<16xi32>)  : i32 {
      %mul3A_318 = arith.constant 8 : i32
      %mul3A_319 = arith.muli %scan3A_316, %mul3A_318 : i32
      %add3A_320 = arith.constant 0 : i32
      %add3A_321 = arith.addi %mul3A_319, %add3A_320 : i32
      %mul3A_322 = arith.constant 16 : i32
      %mul3A_323 = arith.muli %add3A_321, %mul3A_322 : i32
      %get3A = arith.index_cast %mul3A_323 : i32 to index
      %get3A_324 = tpu.vector_load %arg8[%get3A] {strides = array<i32>} : memref<6144xi32, #tpu.memory_space<vmem>>, vector<16xi32>,
      %gather3A = tpu.vector_load_idx %arg6[%get3A_324] : memref<32xi32, #tpu.memory_space<vmem>>[vector<16xi32>], vector<16xi32>,
      %gather3A_325 = tpu.vector_load_idx %arg7[%get3A_324] : memref<32xf32, #tpu.memory_space<vmem>>[vector<16xi32>], vector<16xf32>,
      %mul3A_326 = arith.constant 8 : i32
      %mul3A_327 = arith.muli %scan3A_316, %mul3A_326 : i32
      %add3A_328 = arith.constant 1 : i32
      %add3A_329 = arith.addi %mul3A_327, %add3A_328 : i32
      %mul3A_330 = arith.constant 16 : i32
      %mul3A_331 = arith.muli %add3A_329, %mul3A_330 : i32
      %get3A_332 = arith.index_cast %mul3A_331 : i32 to index
      %get3A_333 = tpu.vector_load %arg8[%get3A_332] {strides = array<i32>} : memref<6144xi32, #tpu.memory_space<vmem>>, vector<16xi32>,
      %gather3A_334 = tpu.vector_load_idx %arg6[%get3A_333] : memref<32xi32, #tpu.memory_space<vmem>>[vector<16xi32>], vector<16xi32>,
      %gather3A_335 = tpu.vector_load_idx %arg7[%get3A_333] : memref<32xf32, #tpu.memory_space<vmem>>[vector<16xi32>], vector<16xf32>,
      %mul3A_336 = arith.constant 8 : i32
      %mul3A_337 = arith.muli %scan3A_316, %mul3A_336 : i32
      %add3A_338 = arith.constant 2 : i32
      %add3A_339 = arith.addi %mul3A_337, %add3A_338 : i32
      %mul3A_340 = arith.constant 16 : i32
      %mul3A_341 = arith.muli %add3A_339, %mul3A_340 : i32
      %get3A_342 = arith.index_cast %mul3A_341 : i32 to index
      %get3A_343 = tpu.vector_load %arg8[%get3A_342] {strides = array<i32>} : memref<6144xi32, #tpu.memory_space<vmem>>, vector<16xi32>,
      %gather3A_344 = tpu.vector_load_idx %arg6[%get3A_343] : memref<32xi32, #tpu.memory_space<vmem>>[vector<16xi32>], vector<16xi32>,
      %gather3A_345 = tpu.vector_load_idx %arg7[%get3A_343] : memref<32xf32, #tpu.memory_space<vmem>>[vector<16xi32>], vector<16xf32>,
      %mul3A_346 = arith.constant 8 : i32
      %mul3A_347 = arith.muli %scan3A_316, %mul3A_346 : i32
      %add3A_348 = arith.constant 3 : i32
      %add3A_349 = arith.addi %mul3A_347, %add3A_348 : i32
      %mul3A_350 = arith.constant 16 : i32
      %mul3A_351 = arith.muli %add3A_349, %mul3A_350 : i32
      %get3A_352 = arith.index_cast %mul3A_351 : i32 to index
      %get3A_353 = tpu.vector_load %arg8[%get3A_352] {strides = array<i32>} : memref<6144xi32, #tpu.memory_space<vmem>>, vector<16xi32>,
      %gather3A_354 = tpu.vector_load_idx %arg6[%get3A_353] : memref<32xi32, #tpu.memory_space<vmem>>[vector<16xi32>], vector<16xi32>,
      %gather3A_355 = tpu.vector_load_idx %arg7[%get3A_353] : memref<32xf32, #tpu.memory_space<vmem>>[vector<16xi32>], vector<16xf32>,
      %mul3A_356 = arith.constant 8 : i32
      %mul3A_357 = arith.muli %scan3A_316, %mul3A_356 : i32
      %add3A_358 = arith.constant 4 : i32
      %add3A_359 = arith.addi %mul3A_357, %add3A_358 : i32
      %mul3A_360 = arith.constant 16 : i32
      %mul3A_361 = arith.muli %add3A_359, %mul3A_360 : i32
      %get3A_362 = arith.index_cast %mul3A_361 : i32 to index
      %get3A_363 = tpu.vector_load %arg8[%get3A_362] {strides = array<i32>} : memref<6144xi32, #tpu.memory_space<vmem>>, vector<16xi32>,
      %gather3A_364 = tpu.vector_load_idx %arg6[%get3A_363] : memref<32xi32, #tpu.memory_space<vmem>>[vector<16xi32>], vector<16xi32>,
      %gather3A_365 = tpu.vector_load_idx %arg7[%get3A_363] : memref<32xf32, #tpu.memory_space<vmem>>[vector<16xi32>], vector<16xf32>,
      %mul3A_366 = arith.constant 8 : i32
      %mul3A_367 = arith.muli %scan3A_316, %mul3A_366 : i32
      %add3A_368 = arith.constant 5 : i32
      %add3A_369 = arith.addi %mul3A_367, %add3A_368 : i32
      %mul3A_370 = arith.constant 16 : i32
      %mul3A_371 = arith.muli %add3A_369, %mul3A_370 : i32
      %get3A_372 = arith.index_cast %mul3A_371 : i32 to index
      %get3A_373 = tpu.vector_load %arg8[%get3A_372] {strides = array<i32>} : memref<6144xi32, #tpu.memory_space<vmem>>, vector<16xi32>,
      %gather3A_374 = tpu.vector_load_idx %arg6[%get3A_373] : memref<32xi32, #tpu.memory_space<vmem>>[vector<16xi32>], vector<16xi32>,
      %gather3A_375 = tpu.vector_load_idx %arg7[%get3A_373] : memref<32xf32, #tpu.memory_space<vmem>>[vector<16xi32>], vector<16xf32>,
      %mul3A_376 = arith.constant 8 : i32
      %mul3A_377 = arith.muli %scan3A_316, %mul3A_376 : i32
      %add3A_378 = arith.constant 6 : i32
      %add3A_379 = arith.addi %mul3A_377, %add3A_378 : i32
      %mul3A_380 = arith.constant 16 : i32
      %mul3A_381 = arith.muli %add3A_379, %mul3A_380 : i32
      %get3A_382 = arith.index_cast %mul3A_381 : i32 to index
      %get3A_383 = tpu.vector_load %arg8[%get3A_382] {strides = array<i32>} : memref<6144xi32, #tpu.memory_space<vmem>>, vector<16xi32>,
      %gather3A_384 = tpu.vector_load_idx %arg6[%get3A_383] : memref<32xi32, #tpu.memory_space<vmem>>[vector<16xi32>], vector<16xi32>,
      %gather3A_385 = tpu.vector_load_idx %arg7[%get3A_383] : memref<32xf32, #tpu.memory_space<vmem>>[vector<16xi32>], vector<16xf32>,
      %mul3A_386 = arith.constant 8 : i32
      %mul3A_387 = arith.muli %scan3A_316, %mul3A_386 : i32
      %add3A_388 = arith.constant 7 : i32
      %add3A_389 = arith.addi %mul3A_387, %add3A_388 : i32
      %mul3A_390 = arith.constant 16 : i32
      %mul3A_391 = arith.muli %add3A_389, %mul3A_390 : i32
      %get3A_392 = arith.index_cast %mul3A_391 : i32 to index
      %get3A_393 = tpu.vector_load %arg8[%get3A_392] {strides = array<i32>} : memref<6144xi32, #tpu.memory_space<vmem>>, vector<16xi32>,
      %gather3A_394 = tpu.vector_load_idx %arg6[%get3A_393] : memref<32xi32, #tpu.memory_space<vmem>>[vector<16xi32>], vector<16xi32>,
      %gather3A_395 = tpu.vector_load_idx %arg7[%get3A_393] : memref<32xf32, #tpu.memory_space<vmem>>[vector<16xi32>], vector<16xf32>,
      %mul3A_396 = arith.constant 8 : i32
      %mul3A_397 = arith.muli %scan3A_316, %mul3A_396 : i32
      %add3A_398 = arith.constant 0 : i32
      %add3A_399 = arith.addi %mul3A_397, %add3A_398 : i32
      %mul3A_400 = arith.constant 16 : i32
      %mul3A_401 = arith.muli %add3A_399, %mul3A_400 : i32
      %swap3A = arith.index_cast %mul3A_401 : i32 to index
      %swap3A_402 = tpu.vector_load %arg12[%swap3A] {strides = array<i32>} : memref<6144xi32, #tpu.memory_space<vmem>>, vector<16xi32>,
      tpu.vector_store %arg12[%swap3A], %gather3A {strides = array<i32>} : memref<6144xi32, #tpu.memory_space<vmem>>, vector<16xi32>,
      %mul3A_403 = arith.constant 8 : i32
      %mul3A_404 = arith.muli %scan3A_316, %mul3A_403 : i32
      %add3A_405 = arith.constant 1 : i32
      %add3A_406 = arith.addi %mul3A_404, %add3A_405 : i32
      %mul3A_407 = arith.constant 16 : i32
      %mul3A_408 = arith.muli %add3A_406, %mul3A_407 : i32
      %swap3A_409 = arith.index_cast %mul3A_408 : i32 to index
      %swap3A_410 = tpu.vector_load %arg12[%swap3A_409] {strides = array<i32>} : memref<6144xi32, #tpu.memory_space<vmem>>, vector<16xi32>,
      tpu.vector_store %arg12[%swap3A_409], %gather3A_334 {strides = array<i32>} : memref<6144xi32, #tpu.memory_space<vmem>>, vector<16xi32>,
      %mul3A_411 = arith.constant 8 : i32
      %mul3A_412 = arith.muli %scan3A_316, %mul3A_411 : i32
      %add3A_413 = arith.constant 2 : i32
      %add3A_414 = arith.addi %mul3A_412, %add3A_413 : i32
      %mul3A_415 = arith.constant 16 : i32
      %mul3A_416 = arith.muli %add3A_414, %mul3A_415 : i32
      %swap3A_417 = arith.index_cast %mul3A_416 : i32 to index
      %swap3A_418 = tpu.vector_load %arg12[%swap3A_417] {strides = array<i32>} : memref<6144xi32, #tpu.memory_space<vmem>>, vector<16xi32>,
      tpu.vector_store %arg12[%swap3A_417], %gather3A_344 {strides = array<i32>} : memref<6144xi32, #tpu.memory_space<vmem>>, vector<16xi32>,
      %mul3A_419 = arith.constant 8 : i32
      %mul3A_420 = arith.muli %scan3A_316, %mul3A_419 : i32
      %add3A_421 = arith.constant 3 : i32
      %add3A_422 = arith.addi %mul3A_420, %add3A_421 : i32
      %mul3A_423 = arith.constant 16 : i32
      %mul3A_424 = arith.muli %add3A_422, %mul3A_423 : i32
      %swap3A_425 = arith.index_cast %mul3A_424 : i32 to index
      %swap3A_426 = tpu.vector_load %arg12[%swap3A_425] {strides = array<i32>} : memref<6144xi32, #tpu.memory_space<vmem>>, vector<16xi32>,
      tpu.vector_store %arg12[%swap3A_425], %gather3A_354 {strides = array<i32>} : memref<6144xi32, #tpu.memory_space<vmem>>, vector<16xi32>,
      %mul3A_427 = arith.constant 8 : i32
      %mul3A_428 = arith.muli %scan3A_316, %mul3A_427 : i32
      %add3A_429 = arith.constant 4 : i32
      %add3A_430 = arith.addi %mul3A_428, %add3A_429 : i32
      %mul3A_431 = arith.constant 16 : i32
      %mul3A_432 = arith.muli %add3A_430, %mul3A_431 : i32
      %swap3A_433 = arith.index_cast %mul3A_432 : i32 to index
      %swap3A_434 = tpu.vector_load %arg12[%swap3A_433] {strides = array<i32>} : memref<6144xi32, #tpu.memory_space<vmem>>, vector<16xi32>,
      tpu.vector_store %arg12[%swap3A_433], %gather3A_364 {strides = array<i32>} : memref<6144xi32, #tpu.memory_space<vmem>>, vector<16xi32>,
      %mul3A_435 = arith.constant 8 : i32
      %mul3A_436 = arith.muli %scan3A_316, %mul3A_435 : i32
      %add3A_437 = arith.constant 5 : i32
      %add3A_438 = arith.addi %mul3A_436, %add3A_437 : i32
      %mul3A_439 = arith.constant 16 : i32
      %mul3A_440 = arith.muli %add3A_438, %mul3A_439 : i32
      %swap3A_441 = arith.index_cast %mul3A_440 : i32 to index
      %swap3A_442 = tpu.vector_load %arg12[%swap3A_441] {strides = array<i32>} : memref<6144xi32, #tpu.memory_space<vmem>>, vector<16xi32>,
      tpu.vector_store %arg12[%swap3A_441], %gather3A_374 {strides = array<i32>} : memref<6144xi32, #tpu.memory_space<vmem>>, vector<16xi32>,
      %mul3A_443 = arith.constant 8 : i32
      %mul3A_444 = arith.muli %scan3A_316, %mul3A_443 : i32
      %add3A_445 = arith.constant 6 : i32
      %add3A_446 = arith.addi %mul3A_444, %add3A_445 : i32
      %mul3A_447 = arith.constant 16 : i32
      %mul3A_448 = arith.muli %add3A_446, %mul3A_447 : i32
      %swap3A_449 = arith.index_cast %mul3A_448 : i32 to index
      %swap3A_450 = tpu.vector_load %arg12[%swap3A_449] {strides = array<i32>} : memref<6144xi32, #tpu.memory_space<vmem>>, vector<16xi32>,
      tpu.vector_store %arg12[%swap3A_449], %gather3A_384 {strides = array<i32>} : memref<6144xi32, #tpu.memory_space<vmem>>, vector<16xi32>,
      %mul3A_451 = arith.constant 8 : i32
      %mul3A_452 = arith.muli %scan3A_316, %mul3A_451 : i32
      %add3A_453 = arith.constant 7 : i32
      %add3A_454 = arith.addi %mul3A_452, %add3A_453 : i32
      %mul3A_455 = arith.constant 16 : i32
      %mul3A_456 = arith.muli %add3A_454, %mul3A_455 : i32
      %swap3A_457 = arith.index_cast %mul3A_456 : i32 to index
      %swap3A_458 = tpu.vector_load %arg12[%swap3A_457] {strides = array<i32>} : memref<6144xi32, #tpu.memory_space<vmem>>, vector<16xi32>,
      tpu.vector_store %arg12[%swap3A_457], %gather3A_394 {strides = array<i32>} : memref<6144xi32, #tpu.memory_space<vmem>>, vector<16xi32>,
      %add3A_459 = arith.constant 0 : i32
      %add3A_460 = vector.broadcast %add3A_459 : i32 to vector<16xi32>
      %add3A_461 = arith.addi %scan3A_317, %add3A_460 : vector<16xi32>
      tpu.vector_store_idx %arg10[%gather3A, %add3A_461], %gather3A_325 : memref<7x6144xf32, #tpu.memory_space<vmem>>[vector<16xi32>, vector<16xi32>], vector<16xf32>,
      %add3A_462 = arith.constant 16 : i32
      %add3A_463 = vector.broadcast %add3A_462 : i32 to vector<16xi32>
      %add3A_464 = arith.addi %scan3A_317, %add3A_463 : vector<16xi32>
      tpu.vector_store_idx %arg10[%gather3A_334, %add3A_464], %gather3A_335 : memref<7x6144xf32, #tpu.memory_space<vmem>>[vector<16xi32>, vector<16xi32>], vector<16xf32>,
      %add3A_465 = arith.constant 32 : i32
      %add3A_466 = vector.broadcast %add3A_465 : i32 to vector<16xi32>
      %add3A_467 = arith.addi %scan3A_317, %add3A_466 : vector<16xi32>
      tpu.vector_store_idx %arg10[%gather3A_344, %add3A_467], %gather3A_345 : memref<7x6144xf32, #tpu.memory_space<vmem>>[vector<16xi32>, vector<16xi32>], vector<16xf32>,
      %add3A_468 = arith.constant 48 : i32
      %add3A_469 = vector.broadcast %add3A_468 : i32 to vector<16xi32>
      %add3A_470 = arith.addi %scan3A_317, %add3A_469 : vector<16xi32>
      tpu.vector_store_idx %arg10[%gather3A_354, %add3A_470], %gather3A_355 : memref<7x6144xf32, #tpu.memory_space<vmem>>[vector<16xi32>, vector<16xi32>], vector<16xf32>,
      %add3A_471 = arith.constant 64 : i32
      %add3A_472 = vector.broadcast %add3A_471 : i32 to vector<16xi32>
      %add3A_473 = arith.addi %scan3A_317, %add3A_472 : vector<16xi32>
      tpu.vector_store_idx %arg10[%gather3A_364, %add3A_473], %gather3A_365 : memref<7x6144xf32, #tpu.memory_space<vmem>>[vector<16xi32>, vector<16xi32>], vector<16xf32>,
      %add3A_474 = arith.constant 80 : i32
      %add3A_475 = vector.broadcast %add3A_474 : i32 to vector<16xi32>
      %add3A_476 = arith.addi %scan3A_317, %add3A_475 : vector<16xi32>
      tpu.vector_store_idx %arg10[%gather3A_374, %add3A_476], %gather3A_375 : memref<7x6144xf32, #tpu.memory_space<vmem>>[vector<16xi32>, vector<16xi32>], vector<16xf32>,
      %add3A_477 = arith.constant 96 : i32
      %add3A_478 = vector.broadcast %add3A_477 : i32 to vector<16xi32>
      %add3A_479 = arith.addi %scan3A_317, %add3A_478 : vector<16xi32>
      tpu.vector_store_idx %arg10[%gather3A_384, %add3A_479], %gather3A_385 : memref<7x6144xf32, #tpu.memory_space<vmem>>[vector<16xi32>, vector<16xi32>], vector<16xf32>,
      %add3A_480 = arith.constant 112 : i32
      %add3A_481 = vector.broadcast %add3A_480 : i32 to vector<16xi32>
      %add3A_482 = arith.addi %scan3A_317, %add3A_481 : vector<16xi32>
      tpu.vector_store_idx %arg10[%gather3A_394, %add3A_482], %gather3A_395 : memref<7x6144xf32, #tpu.memory_space<vmem>>[vector<16xi32>, vector<16xi32>], vector<16xf32>,
      %add3A_483 = arith.constant 128 : i32
      %add3A_484 = vector.broadcast %add3A_483 : i32 to vector<16xi32>
      %add3A_485 = arith.addi %scan3A_317, %add3A_484 : vector<16xi32>
      scf.yield %add3A_485 : vector<16xi32>
    }
    %scan3A_233 = arith.constant 48 : i32
    %add3A_234 = arith.constant 24576 : i32
    %add3A_235 = arith.addi %mul3A_2, %add3A_234 : i32
    %dma_start3A_236 = arith.constant 0 : i32
    %dma_start3A_237 = arith.constant 0 : i32
    %dma_start3A_238 = tpu.memref_slice %arg10[%dma_start3A_236, %dma_start3A_237] : memref<7x6144xf32, #tpu.memory_space<vmem>> -> memref<7x6144xf32, #tpu.memory_space<vmem>>
    %dma_start3A_239 = arith.constant 0 : i32
    %dma_start3A_240 = tpu.memref_slice %arg5[%dma_start3A_239, %add3A_235] : memref<7x1000000xf32, #tpu.memory_space<hbm>> -> memref<7x6144xf32, #tpu.memory_space<hbm>>
    %dma_start3A_241 = arith.constant 0 : i32
    %dma_start3A_242 = tpu.memref_slice %arg5[%dma_start3A_241, %add3A_235] : memref<7x1000000xf32, #tpu.memory_space<hbm>> -> memref<7x6144xf32, #tpu.memory_space<hbm>>
    %dma_start3A_243 = arith.constant 0 : i32
    %dma_start3A_244 = arith.constant 0 : i32
    %dma_start3A_245 = tpu.memref_slice %arg10[%dma_start3A_243, %dma_start3A_244] : memref<7x6144xf32, #tpu.memory_space<vmem>> -> memref<7x6144xf32, #tpu.memory_space<vmem>>
    tpu.enqueue_dma source(%dma_start3A_245 : memref<7x6144xf32, #tpu.memory_space<vmem>>) target(%dma_start3A_242 : memref<7x6144xf32, #tpu.memory_space<hbm>>) target_semaphore(%arg18 : memref<!tpu.dma_semaphore, #tpu.memory_space<semaphore_mem>>)
    %dma_wait3A_246 = arith.constant 0 : i32
    %dma_wait3A_247 = tpu.memref_slice %arg9[%dma_wait3A_246] : memref<6144xi32, #tpu.memory_space<vmem>> -> memref<512xi32, #tpu.memory_space<vmem>>
    %dma_wait3A_248 = tpu.memref_slice %arg2[%add3A_195] : memref<1000000xi32, #tpu.memory_space<hbm>> -> memref<512xi32, #tpu.memory_space<hbm>>
    %dma_wait3A_249 = arith.constant 0 : i32
    %dma_wait3A_250 = tpu.memref_slice %arg9[%dma_wait3A_249] : memref<6144xi32, #tpu.memory_space<vmem>> -> memref<512xi32, #tpu.memory_space<vmem>>
    %dma_wait3A_251 = tpu.memref_slice %arg2[%add3A_195] : memref<1000000xi32, #tpu.memory_space<hbm>> -> memref<512xi32, #tpu.memory_space<hbm>>
    tpu.wait_dma2 semaphore(%arg17 : memref<!tpu.dma_semaphore, #tpu.memory_space<semaphore_mem>>) src(%dma_wait3A_251 : memref<512xi32, #tpu.memory_space<hbm>>) dst(%dma_wait3A_250 : memref<512xi32, #tpu.memory_space<vmem>>)
    %dma_wait3A_252 = arith.constant 0 : i32
    %dma_wait3A_253 = arith.constant 0 : i32
    %dma_wait3A_254 = tpu.memref_slice %arg11[%dma_wait3A_252, %dma_wait3A_253] : memref<7x6144xf32, #tpu.memory_space<vmem>> -> memref<7x6144xf32, #tpu.memory_space<vmem>>
    %dma_wait3A_255 = arith.constant 0 : i32
    %dma_wait3A_256 = tpu.memref_slice %arg5[%dma_wait3A_255, %add3A_183] : memref<7x1000000xf32, #tpu.memory_space<hbm>> -> memref<7x6144xf32, #tpu.memory_space<hbm>>
    %dma_wait3A_257 = arith.constant 0 : i32
    %dma_wait3A_258 = tpu.memref_slice %arg5[%dma_wait3A_257, %add3A_183] : memref<7x1000000xf32, #tpu.memory_space<hbm>> -> memref<7x6144xf32, #tpu.memory_space<hbm>>
    %dma_wait3A_259 = arith.constant 0 : i32
    %dma_wait3A_260 = arith.constant 0 : i32
    %dma_wait3A_261 = tpu.memref_slice %arg11[%dma_wait3A_259, %dma_wait3A_260] : memref<7x6144xf32, #tpu.memory_space<vmem>> -> memref<7x6144xf32, #tpu.memory_space<vmem>>
    tpu.wait_dma2 semaphore(%arg19 : memref<!tpu.dma_semaphore, #tpu.memory_space<semaphore_mem>>) src(%dma_wait3A_261 : memref<7x6144xf32, #tpu.memory_space<vmem>>) dst(%dma_wait3A_258 : memref<7x6144xf32, #tpu.memory_space<hbm>>)
    %broadcast_in_dim3A_262 = arith.constant 0.000000e+00 : f32
    %broadcast_in_dim3A_263 = vector.broadcast %broadcast_in_dim3A_262 : f32 to vector<16xf32>
    %iota3A_264 = tpu.iota {dimensions = array<i32: 0>} : vector<16xi32>
    %scan3A_265 = arith.constant 0 : i32
    %scan3A_266 = arith.constant 48 : i32
    %scan3A_267 = arith.addi %scan3A_265, %scan3A_266 : i32
    %scan3A_268 = arith.constant 1 : i32
    %scan3A_269 = scf.for %scan3A_316 = %scan3A_265 to %scan3A_267 step %scan3A_268 iter_args(%scan3A_317 = %iota3A_264) -> (vector<16xi32>)  : i32 {
      %mul3A_318 = arith.constant 8 : i32
      %mul3A_319 = arith.muli %scan3A_316, %mul3A_318 : i32
      %add3A_320 = arith.constant 0 : i32
      %add3A_321 = arith.addi %mul3A_319, %add3A_320 : i32
      %mul3A_322 = arith.constant 16 : i32
      %mul3A_323 = arith.muli %add3A_321, %mul3A_322 : i32
      %get3A = arith.index_cast %mul3A_323 : i32 to index
      %get3A_324 = tpu.vector_load %arg13[%get3A] {strides = array<i32>} : memref<6144xi32, #tpu.memory_space<vmem>>, vector<16xi32>,
      %mul3A_325 = arith.constant 8 : i32
      %mul3A_326 = arith.muli %scan3A_316, %mul3A_325 : i32
      %add3A_327 = arith.constant 1 : i32
      %add3A_328 = arith.addi %mul3A_326, %add3A_327 : i32
      %mul3A_329 = arith.constant 16 : i32
      %mul3A_330 = arith.muli %add3A_328, %mul3A_329 : i32
      %get3A_331 = arith.index_cast %mul3A_330 : i32 to index
      %get3A_332 = tpu.vector_load %arg13[%get3A_331] {strides = array<i32>} : memref<6144xi32, #tpu.memory_space<vmem>>, vector<16xi32>,
      %mul3A_333 = arith.constant 8 : i32
      %mul3A_334 = arith.muli %scan3A_316, %mul3A_333 : i32
      %add3A_335 = arith.constant 2 : i32
      %add3A_336 = arith.addi %mul3A_334, %add3A_335 : i32
      %mul3A_337 = arith.constant 16 : i32
      %mul3A_338 = arith.muli %add3A_336, %mul3A_337 : i32
      %get3A_339 = arith.index_cast %mul3A_338 : i32 to index
      %get3A_340 = tpu.vector_load %arg13[%get3A_339] {strides = array<i32>} : memref<6144xi32, #tpu.memory_space<vmem>>, vector<16xi32>,
      %mul3A_341 = arith.constant 8 : i32
      %mul3A_342 = arith.muli %scan3A_316, %mul3A_341 : i32
      %add3A_343 = arith.constant 3 : i32
      %add3A_344 = arith.addi %mul3A_342, %add3A_343 : i32
      %mul3A_345 = arith.constant 16 : i32
      %mul3A_346 = arith.muli %add3A_344, %mul3A_345 : i32
      %get3A_347 = arith.index_cast %mul3A_346 : i32 to index
      %get3A_348 = tpu.vector_load %arg13[%get3A_347] {strides = array<i32>} : memref<6144xi32, #tpu.memory_space<vmem>>, vector<16xi32>,
      %mul3A_349 = arith.constant 8 : i32
      %mul3A_350 = arith.muli %scan3A_316, %mul3A_349 : i32
      %add3A_351 = arith.constant 4 : i32
      %add3A_352 = arith.addi %mul3A_350, %add3A_351 : i32
      %mul3A_353 = arith.constant 16 : i32
      %mul3A_354 = arith.muli %add3A_352, %mul3A_353 : i32
      %get3A_355 = arith.index_cast %mul3A_354 : i32 to index
      %get3A_356 = tpu.vector_load %arg13[%get3A_355] {strides = array<i32>} : memref<6144xi32, #tpu.memory_space<vmem>>, vector<16xi32>,
      %mul3A_357 = arith.constant 8 : i32
      %mul3A_358 = arith.muli %scan3A_316, %mul3A_357 : i32
      %add3A_359 = arith.constant 5 : i32
      %add3A_360 = arith.addi %mul3A_358, %add3A_359 : i32
      %mul3A_361 = arith.constant 16 : i32
      %mul3A_362 = arith.muli %add3A_360, %mul3A_361 : i32
      %get3A_363 = arith.index_cast %mul3A_362 : i32 to index
      %get3A_364 = tpu.vector_load %arg13[%get3A_363] {strides = array<i32>} : memref<6144xi32, #tpu.memory_space<vmem>>, vector<16xi32>,
      %mul3A_365 = arith.constant 8 : i32
      %mul3A_366 = arith.muli %scan3A_316, %mul3A_365 : i32
      %add3A_367 = arith.constant 6 : i32
      %add3A_368 = arith.addi %mul3A_366, %add3A_367 : i32
      %mul3A_369 = arith.constant 16 : i32
      %mul3A_370 = arith.muli %add3A_368, %mul3A_369 : i32
      %get3A_371 = arith.index_cast %mul3A_370 : i32 to index
      %get3A_372 = tpu.vector_load %arg13[%get3A_371] {strides = array<i32>} : memref<6144xi32, #tpu.memory_space<vmem>>, vector<16xi32>,
      %mul3A_373 = arith.constant 8 : i32
      %mul3A_374 = arith.muli %scan3A_316, %mul3A_373 : i32
      %add3A_375 = arith.constant 7 : i32
      %add3A_376 = arith.addi %mul3A_374, %add3A_375 : i32
      %mul3A_377 = arith.constant 16 : i32
      %mul3A_378 = arith.muli %add3A_376, %mul3A_377 : i32
      %get3A_379 = arith.index_cast %mul3A_378 : i32 to index
      %get3A_380 = tpu.vector_load %arg13[%get3A_379] {strides = array<i32>} : memref<6144xi32, #tpu.memory_space<vmem>>, vector<16xi32>,
      %add3A_381 = arith.constant 0 : i32
      %add3A_382 = vector.broadcast %add3A_381 : i32 to vector<16xi32>
      %add3A_383 = arith.addi %scan3A_317, %add3A_382 : vector<16xi32>
      tpu.vector_store_idx %arg11[%get3A_324, %add3A_383], %broadcast_in_dim3A_263 : memref<7x6144xf32, #tpu.memory_space<vmem>>[vector<16xi32>, vector<16xi32>], vector<16xf32>,
      %add3A_384 = arith.constant 16 : i32
      %add3A_385 = vector.broadcast %add3A_384 : i32 to vector<16xi32>
      %add3A_386 = arith.addi %scan3A_317, %add3A_385 : vector<16xi32>
      tpu.vector_store_idx %arg11[%get3A_332, %add3A_386], %broadcast_in_dim3A_263 : memref<7x6144xf32, #tpu.memory_space<vmem>>[vector<16xi32>, vector<16xi32>], vector<16xf32>,
      %add3A_387 = arith.constant 32 : i32
      %add3A_388 = vector.broadcast %add3A_387 : i32 to vector<16xi32>
      %add3A_389 = arith.addi %scan3A_317, %add3A_388 : vector<16xi32>
      tpu.vector_store_idx %arg11[%get3A_340, %add3A_389], %broadcast_in_dim3A_263 : memref<7x6144xf32, #tpu.memory_space<vmem>>[vector<16xi32>, vector<16xi32>], vector<16xf32>,
      %add3A_390 = arith.constant 48 : i32
      %add3A_391 = vector.broadcast %add3A_390 : i32 to vector<16xi32>
      %add3A_392 = arith.addi %scan3A_317, %add3A_391 : vector<16xi32>
      tpu.vector_store_idx %arg11[%get3A_348, %add3A_392], %broadcast_in_dim3A_263 : memref<7x6144xf32, #tpu.memory_space<vmem>>[vector<16xi32>, vector<16xi32>], vector<16xf32>,
      %add3A_393 = arith.constant 64 : i32
      %add3A_394 = vector.broadcast %add3A_393 : i32 to vector<16xi32>
      %add3A_395 = arith.addi %scan3A_317, %add3A_394 : vector<16xi32>
      tpu.vector_store_idx %arg11[%get3A_356, %add3A_395], %broadcast_in_dim3A_263 : memref<7x6144xf32, #tpu.memory_space<vmem>>[vector<16xi32>, vector<16xi32>], vector<16xf32>,
      %add3A_396 = arith.constant 80 : i32
      %add3A_397 = vector.broadcast %add3A_396 : i32 to vector<16xi32>
      %add3A_398 = arith.addi %scan3A_317, %add3A_397 : vector<16xi32>
      tpu.vector_store_idx %arg11[%get3A_364, %add3A_398], %broadcast_in_dim3A_263 : memref<7x6144xf32, #tpu.memory_space<vmem>>[vector<16xi32>, vector<16xi32>], vector<16xf32>,
      %add3A_399 = arith.constant 96 : i32
      %add3A_400 = vector.broadcast %add3A_399 : i32 to vector<16xi32>
      %add3A_401 = arith.addi %scan3A_317, %add3A_400 : vector<16xi32>
      tpu.vector_store_idx %arg11[%get3A_372, %add3A_401], %broadcast_in_dim3A_263 : memref<7x6144xf32, #tpu.memory_space<vmem>>[vector<16xi32>, vector<16xi32>], vector<16xf32>,
      %add3A_402 = arith.constant 112 : i32
      %add3A_403 = vector.broadcast %add3A_402 : i32 to vector<16xi32>
      %add3A_404 = arith.addi %scan3A_317, %add3A_403 : vector<16xi32>
      tpu.vector_store_idx %arg11[%get3A_380, %add3A_404], %broadcast_in_dim3A_263 : memref<7x6144xf32, #tpu.memory_space<vmem>>[vector<16xi32>, vector<16xi32>], vector<16xf32>,
      %add3A_405 = arith.constant 128 : i32
      %add3A_406 = vector.broadcast %add3A_405 : i32 to vector<16xi32>
      %add3A_407 = arith.addi %scan3A_317, %add3A_406 : vector<16xi32>
      scf.yield %add3A_407 : vector<16xi32>
    }
    %scan3A_270 = arith.constant 48 : i32
    %iota3A_271 = tpu.iota {dimensions = array<i32: 0>} : vector<16xi32>
    %scan3A_272 = arith.constant 0 : i32
    %scan3A_273 = arith.constant 4 : i32
    %scan3A_274 = arith.addi %scan3A_272, %scan3A_273 : i32
    %scan3A_275 = arith.constant 1 : i32
    %scan3A_276 = scf.for %scan3A_316 = %scan3A_272 to %scan3A_274 step %scan3A_275 iter_args(%scan3A_317 = %iota3A_271) -> (vector<16xi32>)  : i32 {
      %mul3A_318 = arith.constant 8 : i32
      %mul3A_319 = arith.muli %scan3A_316, %mul3A_318 : i32
      %add3A_320 = arith.constant 0 : i32
      %add3A_321 = arith.addi %mul3A_319, %add3A_320 : i32
      %mul3A_322 = arith.constant 16 : i32
      %mul3A_323 = arith.muli %add3A_321, %mul3A_322 : i32
      %get3A = arith.index_cast %mul3A_323 : i32 to index
      %get3A_324 = tpu.vector_load %arg9[%get3A] {strides = array<i32>} : memref<6144xi32, #tpu.memory_space<vmem>>, vector<16xi32>,
      %gather3A = tpu.vector_load_idx %arg6[%get3A_324] : memref<32xi32, #tpu.memory_space<vmem>>[vector<16xi32>], vector<16xi32>,
      %gather3A_325 = tpu.vector_load_idx %arg7[%get3A_324] : memref<32xf32, #tpu.memory_space<vmem>>[vector<16xi32>], vector<16xf32>,
      %mul3A_326 = arith.constant 8 : i32
      %mul3A_327 = arith.muli %scan3A_316, %mul3A_326 : i32
      %add3A_328 = arith.constant 1 : i32
      %add3A_329 = arith.addi %mul3A_327, %add3A_328 : i32
      %mul3A_330 = arith.constant 16 : i32
      %mul3A_331 = arith.muli %add3A_329, %mul3A_330 : i32
      %get3A_332 = arith.index_cast %mul3A_331 : i32 to index
      %get3A_333 = tpu.vector_load %arg9[%get3A_332] {strides = array<i32>} : memref<6144xi32, #tpu.memory_space<vmem>>, vector<16xi32>,
      %gather3A_334 = tpu.vector_load_idx %arg6[%get3A_333] : memref<32xi32, #tpu.memory_space<vmem>>[vector<16xi32>], vector<16xi32>,
      %gather3A_335 = tpu.vector_load_idx %arg7[%get3A_333] : memref<32xf32, #tpu.memory_space<vmem>>[vector<16xi32>], vector<16xf32>,
      %mul3A_336 = arith.constant 8 : i32
      %mul3A_337 = arith.muli %scan3A_316, %mul3A_336 : i32
      %add3A_338 = arith.constant 2 : i32
      %add3A_339 = arith.addi %mul3A_337, %add3A_338 : i32
      %mul3A_340 = arith.constant 16 : i32
      %mul3A_341 = arith.muli %add3A_339, %mul3A_340 : i32
      %get3A_342 = arith.index_cast %mul3A_341 : i32 to index
      %get3A_343 = tpu.vector_load %arg9[%get3A_342] {strides = array<i32>} : memref<6144xi32, #tpu.memory_space<vmem>>, vector<16xi32>,
      %gather3A_344 = tpu.vector_load_idx %arg6[%get3A_343] : memref<32xi32, #tpu.memory_space<vmem>>[vector<16xi32>], vector<16xi32>,
      %gather3A_345 = tpu.vector_load_idx %arg7[%get3A_343] : memref<32xf32, #tpu.memory_space<vmem>>[vector<16xi32>], vector<16xf32>,
      %mul3A_346 = arith.constant 8 : i32
      %mul3A_347 = arith.muli %scan3A_316, %mul3A_346 : i32
      %add3A_348 = arith.constant 3 : i32
      %add3A_349 = arith.addi %mul3A_347, %add3A_348 : i32
      %mul3A_350 = arith.constant 16 : i32
      %mul3A_351 = arith.muli %add3A_349, %mul3A_350 : i32
      %get3A_352 = arith.index_cast %mul3A_351 : i32 to index
      %get3A_353 = tpu.vector_load %arg9[%get3A_352] {strides = array<i32>} : memref<6144xi32, #tpu.memory_space<vmem>>, vector<16xi32>,
      %gather3A_354 = tpu.vector_load_idx %arg6[%get3A_353] : memref<32xi32, #tpu.memory_space<vmem>>[vector<16xi32>], vector<16xi32>,
      %gather3A_355 = tpu.vector_load_idx %arg7[%get3A_353] : memref<32xf32, #tpu.memory_space<vmem>>[vector<16xi32>], vector<16xf32>,
      %mul3A_356 = arith.constant 8 : i32
      %mul3A_357 = arith.muli %scan3A_316, %mul3A_356 : i32
      %add3A_358 = arith.constant 4 : i32
      %add3A_359 = arith.addi %mul3A_357, %add3A_358 : i32
      %mul3A_360 = arith.constant 16 : i32
      %mul3A_361 = arith.muli %add3A_359, %mul3A_360 : i32
      %get3A_362 = arith.index_cast %mul3A_361 : i32 to index
      %get3A_363 = tpu.vector_load %arg9[%get3A_362] {strides = array<i32>} : memref<6144xi32, #tpu.memory_space<vmem>>, vector<16xi32>,
      %gather3A_364 = tpu.vector_load_idx %arg6[%get3A_363] : memref<32xi32, #tpu.memory_space<vmem>>[vector<16xi32>], vector<16xi32>,
      %gather3A_365 = tpu.vector_load_idx %arg7[%get3A_363] : memref<32xf32, #tpu.memory_space<vmem>>[vector<16xi32>], vector<16xf32>,
      %mul3A_366 = arith.constant 8 : i32
      %mul3A_367 = arith.muli %scan3A_316, %mul3A_366 : i32
      %add3A_368 = arith.constant 5 : i32
      %add3A_369 = arith.addi %mul3A_367, %add3A_368 : i32
      %mul3A_370 = arith.constant 16 : i32
      %mul3A_371 = arith.muli %add3A_369, %mul3A_370 : i32
      %get3A_372 = arith.index_cast %mul3A_371 : i32 to index
      %get3A_373 = tpu.vector_load %arg9[%get3A_372] {strides = array<i32>} : memref<6144xi32, #tpu.memory_space<vmem>>, vector<16xi32>,
      %gather3A_374 = tpu.vector_load_idx %arg6[%get3A_373] : memref<32xi32, #tpu.memory_space<vmem>>[vector<16xi32>], vector<16xi32>,
      %gather3A_375 = tpu.vector_load_idx %arg7[%get3A_373] : memref<32xf32, #tpu.memory_space<vmem>>[vector<16xi32>], vector<16xf32>,
      %mul3A_376 = arith.constant 8 : i32
      %mul3A_377 = arith.muli %scan3A_316, %mul3A_376 : i32
      %add3A_378 = arith.constant 6 : i32
      %add3A_379 = arith.addi %mul3A_377, %add3A_378 : i32
      %mul3A_380 = arith.constant 16 : i32
      %mul3A_381 = arith.muli %add3A_379, %mul3A_380 : i32
      %get3A_382 = arith.index_cast %mul3A_381 : i32 to index
      %get3A_383 = tpu.vector_load %arg9[%get3A_382] {strides = array<i32>} : memref<6144xi32, #tpu.memory_space<vmem>>, vector<16xi32>,
      %gather3A_384 = tpu.vector_load_idx %arg6[%get3A_383] : memref<32xi32, #tpu.memory_space<vmem>>[vector<16xi32>], vector<16xi32>,
      %gather3A_385 = tpu.vector_load_idx %arg7[%get3A_383] : memref<32xf32, #tpu.memory_space<vmem>>[vector<16xi32>], vector<16xf32>,
      %mul3A_386 = arith.constant 8 : i32
      %mul3A_387 = arith.muli %scan3A_316, %mul3A_386 : i32
      %add3A_388 = arith.constant 7 : i32
      %add3A_389 = arith.addi %mul3A_387, %add3A_388 : i32
      %mul3A_390 = arith.constant 16 : i32
      %mul3A_391 = arith.muli %add3A_389, %mul3A_390 : i32
      %get3A_392 = arith.index_cast %mul3A_391 : i32 to index
      %get3A_393 = tpu.vector_load %arg9[%get3A_392] {strides = array<i32>} : memref<6144xi32, #tpu.memory_space<vmem>>, vector<16xi32>,
      %gather3A_394 = tpu.vector_load_idx %arg6[%get3A_393] : memref<32xi32, #tpu.memory_space<vmem>>[vector<16xi32>], vector<16xi32>,
      %gather3A_395 = tpu.vector_load_idx %arg7[%get3A_393] : memref<32xf32, #tpu.memory_space<vmem>>[vector<16xi32>], vector<16xf32>,
      %mul3A_396 = arith.constant 8 : i32
      %mul3A_397 = arith.muli %scan3A_316, %mul3A_396 : i32
      %add3A_398 = arith.constant 0 : i32
      %add3A_399 = arith.addi %mul3A_397, %add3A_398 : i32
      %mul3A_400 = arith.constant 16 : i32
      %mul3A_401 = arith.muli %add3A_399, %mul3A_400 : i32
      %swap3A = arith.index_cast %mul3A_401 : i32 to index
      %swap3A_402 = tpu.vector_load %arg13[%swap3A] {strides = array<i32>} : memref<6144xi32, #tpu.memory_space<vmem>>, vector<16xi32>,
      tpu.vector_store %arg13[%swap3A], %gather3A {strides = array<i32>} : memref<6144xi32, #tpu.memory_space<vmem>>, vector<16xi32>,
      %mul3A_403 = arith.constant 8 : i32
      %mul3A_404 = arith.muli %scan3A_316, %mul3A_403 : i32
      %add3A_405 = arith.constant 1 : i32
      %add3A_406 = arith.addi %mul3A_404, %add3A_405 : i32
      %mul3A_407 = arith.constant 16 : i32
      %mul3A_408 = arith.muli %add3A_406, %mul3A_407 : i32
      %swap3A_409 = arith.index_cast %mul3A_408 : i32 to index
      %swap3A_410 = tpu.vector_load %arg13[%swap3A_409] {strides = array<i32>} : memref<6144xi32, #tpu.memory_space<vmem>>, vector<16xi32>,
      tpu.vector_store %arg13[%swap3A_409], %gather3A_334 {strides = array<i32>} : memref<6144xi32, #tpu.memory_space<vmem>>, vector<16xi32>,
      %mul3A_411 = arith.constant 8 : i32
      %mul3A_412 = arith.muli %scan3A_316, %mul3A_411 : i32
      %add3A_413 = arith.constant 2 : i32
      %add3A_414 = arith.addi %mul3A_412, %add3A_413 : i32
      %mul3A_415 = arith.constant 16 : i32
      %mul3A_416 = arith.muli %add3A_414, %mul3A_415 : i32
      %swap3A_417 = arith.index_cast %mul3A_416 : i32 to index
      %swap3A_418 = tpu.vector_load %arg13[%swap3A_417] {strides = array<i32>} : memref<6144xi32, #tpu.memory_space<vmem>>, vector<16xi32>,
      tpu.vector_store %arg13[%swap3A_417], %gather3A_344 {strides = array<i32>} : memref<6144xi32, #tpu.memory_space<vmem>>, vector<16xi32>,
      %mul3A_419 = arith.constant 8 : i32
      %mul3A_420 = arith.muli %scan3A_316, %mul3A_419 : i32
      %add3A_421 = arith.constant 3 : i32
      %add3A_422 = arith.addi %mul3A_420, %add3A_421 : i32
      %mul3A_423 = arith.constant 16 : i32
      %mul3A_424 = arith.muli %add3A_422, %mul3A_423 : i32
      %swap3A_425 = arith.index_cast %mul3A_424 : i32 to index
      %swap3A_426 = tpu.vector_load %arg13[%swap3A_425] {strides = array<i32>} : memref<6144xi32, #tpu.memory_space<vmem>>, vector<16xi32>,
      tpu.vector_store %arg13[%swap3A_425], %gather3A_354 {strides = array<i32>} : memref<6144xi32, #tpu.memory_space<vmem>>, vector<16xi32>,
      %mul3A_427 = arith.constant 8 : i32
      %mul3A_428 = arith.muli %scan3A_316, %mul3A_427 : i32
      %add3A_429 = arith.constant 4 : i32
      %add3A_430 = arith.addi %mul3A_428, %add3A_429 : i32
      %mul3A_431 = arith.constant 16 : i32
      %mul3A_432 = arith.muli %add3A_430, %mul3A_431 : i32
      %swap3A_433 = arith.index_cast %mul3A_432 : i32 to index
      %swap3A_434 = tpu.vector_load %arg13[%swap3A_433] {strides = array<i32>} : memref<6144xi32, #tpu.memory_space<vmem>>, vector<16xi32>,
      tpu.vector_store %arg13[%swap3A_433], %gather3A_364 {strides = array<i32>} : memref<6144xi32, #tpu.memory_space<vmem>>, vector<16xi32>,
      %mul3A_435 = arith.constant 8 : i32
      %mul3A_436 = arith.muli %scan3A_316, %mul3A_435 : i32
      %add3A_437 = arith.constant 5 : i32
      %add3A_438 = arith.addi %mul3A_436, %add3A_437 : i32
      %mul3A_439 = arith.constant 16 : i32
      %mul3A_440 = arith.muli %add3A_438, %mul3A_439 : i32
      %swap3A_441 = arith.index_cast %mul3A_440 : i32 to index
      %swap3A_442 = tpu.vector_load %arg13[%swap3A_441] {strides = array<i32>} : memref<6144xi32, #tpu.memory_space<vmem>>, vector<16xi32>,
      tpu.vector_store %arg13[%swap3A_441], %gather3A_374 {strides = array<i32>} : memref<6144xi32, #tpu.memory_space<vmem>>, vector<16xi32>,
      %mul3A_443 = arith.constant 8 : i32
      %mul3A_444 = arith.muli %scan3A_316, %mul3A_443 : i32
      %add3A_445 = arith.constant 6 : i32
      %add3A_446 = arith.addi %mul3A_444, %add3A_445 : i32
      %mul3A_447 = arith.constant 16 : i32
      %mul3A_448 = arith.muli %add3A_446, %mul3A_447 : i32
      %swap3A_449 = arith.index_cast %mul3A_448 : i32 to index
      %swap3A_450 = tpu.vector_load %arg13[%swap3A_449] {strides = array<i32>} : memref<6144xi32, #tpu.memory_space<vmem>>, vector<16xi32>,
      tpu.vector_store %arg13[%swap3A_449], %gather3A_384 {strides = array<i32>} : memref<6144xi32, #tpu.memory_space<vmem>>, vector<16xi32>,
      %mul3A_451 = arith.constant 8 : i32
      %mul3A_452 = arith.muli %scan3A_316, %mul3A_451 : i32
      %add3A_453 = arith.constant 7 : i32
      %add3A_454 = arith.addi %mul3A_452, %add3A_453 : i32
      %mul3A_455 = arith.constant 16 : i32
      %mul3A_456 = arith.muli %add3A_454, %mul3A_455 : i32
      %swap3A_457 = arith.index_cast %mul3A_456 : i32 to index
      %swap3A_458 = tpu.vector_load %arg13[%swap3A_457] {strides = array<i32>} : memref<6144xi32, #tpu.memory_space<vmem>>, vector<16xi32>,
      tpu.vector_store %arg13[%swap3A_457], %gather3A_394 {strides = array<i32>} : memref<6144xi32, #tpu.memory_space<vmem>>, vector<16xi32>,
      %add3A_459 = arith.constant 0 : i32
      %add3A_460 = vector.broadcast %add3A_459 : i32 to vector<16xi32>
      %add3A_461 = arith.addi %scan3A_317, %add3A_460 : vector<16xi32>
      tpu.vector_store_idx %arg11[%gather3A, %add3A_461], %gather3A_325 : memref<7x6144xf32, #tpu.memory_space<vmem>>[vector<16xi32>, vector<16xi32>], vector<16xf32>,
      %add3A_462 = arith.constant 16 : i32
      %add3A_463 = vector.broadcast %add3A_462 : i32 to vector<16xi32>
      %add3A_464 = arith.addi %scan3A_317, %add3A_463 : vector<16xi32>
      tpu.vector_store_idx %arg11[%gather3A_334, %add3A_464], %gather3A_335 : memref<7x6144xf32, #tpu.memory_space<vmem>>[vector<16xi32>, vector<16xi32>], vector<16xf32>,
      %add3A_465 = arith.constant 32 : i32
      %add3A_466 = vector.broadcast %add3A_465 : i32 to vector<16xi32>
      %add3A_467 = arith.addi %scan3A_317, %add3A_466 : vector<16xi32>
      tpu.vector_store_idx %arg11[%gather3A_344, %add3A_467], %gather3A_345 : memref<7x6144xf32, #tpu.memory_space<vmem>>[vector<16xi32>, vector<16xi32>], vector<16xf32>,
      %add3A_468 = arith.constant 48 : i32
      %add3A_469 = vector.broadcast %add3A_468 : i32 to vector<16xi32>
      %add3A_470 = arith.addi %scan3A_317, %add3A_469 : vector<16xi32>
      tpu.vector_store_idx %arg11[%gather3A_354, %add3A_470], %gather3A_355 : memref<7x6144xf32, #tpu.memory_space<vmem>>[vector<16xi32>, vector<16xi32>], vector<16xf32>,
      %add3A_471 = arith.constant 64 : i32
      %add3A_472 = vector.broadcast %add3A_471 : i32 to vector<16xi32>
      %add3A_473 = arith.addi %scan3A_317, %add3A_472 : vector<16xi32>
      tpu.vector_store_idx %arg11[%gather3A_364, %add3A_473], %gather3A_365 : memref<7x6144xf32, #tpu.memory_space<vmem>>[vector<16xi32>, vector<16xi32>], vector<16xf32>,
      %add3A_474 = arith.constant 80 : i32
      %add3A_475 = vector.broadcast %add3A_474 : i32 to vector<16xi32>
      %add3A_476 = arith.addi %scan3A_317, %add3A_475 : vector<16xi32>
      tpu.vector_store_idx %arg11[%gather3A_374, %add3A_476], %gather3A_375 : memref<7x6144xf32, #tpu.memory_space<vmem>>[vector<16xi32>, vector<16xi32>], vector<16xf32>,
      %add3A_477 = arith.constant 96 : i32
      %add3A_478 = vector.broadcast %add3A_477 : i32 to vector<16xi32>
      %add3A_479 = arith.addi %scan3A_317, %add3A_478 : vector<16xi32>
      tpu.vector_store_idx %arg11[%gather3A_384, %add3A_479], %gather3A_385 : memref<7x6144xf32, #tpu.memory_space<vmem>>[vector<16xi32>, vector<16xi32>], vector<16xf32>,
      %add3A_480 = arith.constant 112 : i32
      %add3A_481 = vector.broadcast %add3A_480 : i32 to vector<16xi32>
      %add3A_482 = arith.addi %scan3A_317, %add3A_481 : vector<16xi32>
      tpu.vector_store_idx %arg11[%gather3A_394, %add3A_482], %gather3A_395 : memref<7x6144xf32, #tpu.memory_space<vmem>>[vector<16xi32>, vector<16xi32>], vector<16xf32>,
      %add3A_483 = arith.constant 128 : i32
      %add3A_484 = vector.broadcast %add3A_483 : i32 to vector<16xi32>
      %add3A_485 = arith.addi %scan3A_317, %add3A_484 : vector<16xi32>
      scf.yield %add3A_485 : vector<16xi32>
    }
    %scan3A_277 = arith.constant 4 : i32
    %add3A_278 = arith.constant 30720 : i32
    %add3A_279 = arith.addi %mul3A_2, %add3A_278 : i32
    %dma_start3A_280 = arith.constant 0 : i32
    %dma_start3A_281 = arith.constant 0 : i32
    %dma_start3A_282 = tpu.memref_slice %arg11[%dma_start3A_280, %dma_start3A_281] : memref<7x6144xf32, #tpu.memory_space<vmem>> -> memref<7x512xf32, #tpu.memory_space<vmem>>
    %dma_start3A_283 = arith.constant 0 : i32
    %dma_start3A_284 = tpu.memref_slice %arg5[%dma_start3A_283, %add3A_279] : memref<7x1000000xf32, #tpu.memory_space<hbm>> -> memref<7x512xf32, #tpu.memory_space<hbm>>
    %dma_start3A_285 = arith.constant 0 : i32
    %dma_start3A_286 = tpu.memref_slice %arg5[%dma_start3A_285, %add3A_279] : memref<7x1000000xf32, #tpu.memory_space<hbm>> -> memref<7x512xf32, #tpu.memory_space<hbm>>
    %dma_start3A_287 = arith.constant 0 : i32
    %dma_start3A_288 = arith.constant 0 : i32
    %dma_start3A_289 = tpu.memref_slice %arg11[%dma_start3A_287, %dma_start3A_288] : memref<7x6144xf32, #tpu.memory_space<vmem>> -> memref<7x512xf32, #tpu.memory_space<vmem>>
    tpu.enqueue_dma source(%dma_start3A_289 : memref<7x512xf32, #tpu.memory_space<vmem>>) target(%dma_start3A_286 : memref<7x512xf32, #tpu.memory_space<hbm>>) target_semaphore(%arg19 : memref<!tpu.dma_semaphore, #tpu.memory_space<semaphore_mem>>)
    %convert_element_type3A_290 = arith.extui %eq3A_18 : i1 to i32
    %cond3A_291 = arith.constant 0 : i32
    %cond3A_292 = arith.cmpi ne, %convert_element_type3A_290, %cond3A_291 : i32
    scf.if %cond3A_292 {
      %dma_wait3A_316 = arith.constant 999424 : i32
      %dma_wait3A_317 = tpu.memref_slice %arg2[%dma_wait3A_316] : memref<1000000xi32, #tpu.memory_space<hbm>> -> memref<576xi32, #tpu.memory_space<hbm>>
      %dma_wait3A_318 = arith.constant 999424 : i32
      %dma_wait3A_319 = tpu.memref_slice %arg2[%dma_wait3A_318] : memref<1000000xi32, #tpu.memory_space<hbm>> -> memref<576xi32, #tpu.memory_space<hbm>>
      tpu.wait_dma2 semaphore(%arg20 : memref<!tpu.dma_semaphore, #tpu.memory_space<semaphore_mem>>) src(%dma_wait3A_319 : memref<576xi32, #tpu.memory_space<hbm>>) dst(%arg14 : memref<576xi32, #tpu.memory_space<vmem>>)
      %iota3A_320 = tpu.iota {dimensions = array<i32: 0>} : vector<16xi32>
      %scan3A_321 = arith.constant 0 : i32
      %scan3A_322 = arith.constant 4 : i32
      %scan3A_323 = arith.addi %scan3A_321, %scan3A_322 : i32
      %scan3A_324 = arith.constant 1 : i32
      %scan3A_325 = scf.for %scan3A_333 = %scan3A_321 to %scan3A_323 step %scan3A_324 iter_args(%scan3A_334 = %iota3A_320) -> (vector<16xi32>)  : i32 {
        %mul3A_335 = arith.constant 16 : i32
        %mul3A_336 = arith.muli %scan3A_333, %mul3A_335 : i32
        %add3A_337 = arith.constant 512 : i32
        %add3A_338 = arith.addi %add3A_337, %mul3A_336 : i32
        %get3A = arith.index_cast %add3A_338 : i32 to index
        %get3A_339 = tpu.vector_load %arg14[%get3A] {strides = array<i32>} : memref<576xi32, #tpu.memory_space<vmem>>, vector<16xi32>,
        %gather3A = tpu.vector_load_idx %arg6[%get3A_339] : memref<32xi32, #tpu.memory_space<vmem>>[vector<16xi32>], vector<16xi32>,
        %gather3A_340 = tpu.vector_load_idx %arg7[%get3A_339] : memref<32xf32, #tpu.memory_space<vmem>>[vector<16xi32>], vector<16xf32>,
        %mul3A_341 = arith.constant 16 : i32
        %mul3A_342 = arith.muli %scan3A_333, %mul3A_341 : i32
        %swap3A = arith.constant 0 : i32
        %swap3A_343 = arith.index_cast %swap3A : i32 to index
        %swap3A_344 = arith.index_cast %mul3A_342 : i32 to index
        %swap3A_345 = tpu.vector_load %arg15[%swap3A_343, %swap3A_344] {strides = array<i32>} : memref<7x64xf32, #tpu.memory_space<vmem>>, vector<16xf32>,
        tpu.vector_store %arg15[%swap3A_343, %swap3A_344], %broadcast_in_dim3A_20 {strides = array<i32>} : memref<7x64xf32, #tpu.memory_space<vmem>>, vector<16xf32>,
        %mul3A_346 = arith.constant 16 : i32
        %mul3A_347 = arith.muli %scan3A_333, %mul3A_346 : i32
        %swap3A_348 = arith.constant 1 : i32
        %swap3A_349 = arith.index_cast %swap3A_348 : i32 to index
        %swap3A_350 = arith.index_cast %mul3A_347 : i32 to index
        %swap3A_351 = tpu.vector_load %arg15[%swap3A_349, %swap3A_350] {strides = array<i32>} : memref<7x64xf32, #tpu.memory_space<vmem>>, vector<16xf32>,
        tpu.vector_store %arg15[%swap3A_349, %swap3A_350], %broadcast_in_dim3A_20 {strides = array<i32>} : memref<7x64xf32, #tpu.memory_space<vmem>>, vector<16xf32>,
        %mul3A_352 = arith.constant 16 : i32
        %mul3A_353 = arith.muli %scan3A_333, %mul3A_352 : i32
        %swap3A_354 = arith.constant 2 : i32
        %swap3A_355 = arith.index_cast %swap3A_354 : i32 to index
        %swap3A_356 = arith.index_cast %mul3A_353 : i32 to index
        %swap3A_357 = tpu.vector_load %arg15[%swap3A_355, %swap3A_356] {strides = array<i32>} : memref<7x64xf32, #tpu.memory_space<vmem>>, vector<16xf32>,
        tpu.vector_store %arg15[%swap3A_355, %swap3A_356], %broadcast_in_dim3A_20 {strides = array<i32>} : memref<7x64xf32, #tpu.memory_space<vmem>>, vector<16xf32>,
        %mul3A_358 = arith.constant 16 : i32
        %mul3A_359 = arith.muli %scan3A_333, %mul3A_358 : i32
        %swap3A_360 = arith.constant 3 : i32
        %swap3A_361 = arith.index_cast %swap3A_360 : i32 to index
        %swap3A_362 = arith.index_cast %mul3A_359 : i32 to index
        %swap3A_363 = tpu.vector_load %arg15[%swap3A_361, %swap3A_362] {strides = array<i32>} : memref<7x64xf32, #tpu.memory_space<vmem>>, vector<16xf32>,
        tpu.vector_store %arg15[%swap3A_361, %swap3A_362], %broadcast_in_dim3A_20 {strides = array<i32>} : memref<7x64xf32, #tpu.memory_space<vmem>>, vector<16xf32>,
        %mul3A_364 = arith.constant 16 : i32
        %mul3A_365 = arith.muli %scan3A_333, %mul3A_364 : i32
        %swap3A_366 = arith.constant 4 : i32
        %swap3A_367 = arith.index_cast %swap3A_366 : i32 to index
        %swap3A_368 = arith.index_cast %mul3A_365 : i32 to index
        %swap3A_369 = tpu.vector_load %arg15[%swap3A_367, %swap3A_368] {strides = array<i32>} : memref<7x64xf32, #tpu.memory_space<vmem>>, vector<16xf32>,
        tpu.vector_store %arg15[%swap3A_367, %swap3A_368], %broadcast_in_dim3A_20 {strides = array<i32>} : memref<7x64xf32, #tpu.memory_space<vmem>>, vector<16xf32>,
        %mul3A_370 = arith.constant 16 : i32
        %mul3A_371 = arith.muli %scan3A_333, %mul3A_370 : i32
        %swap3A_372 = arith.constant 5 : i32
        %swap3A_373 = arith.index_cast %swap3A_372 : i32 to index
        %swap3A_374 = arith.index_cast %mul3A_371 : i32 to index
        %swap3A_375 = tpu.vector_load %arg15[%swap3A_373, %swap3A_374] {strides = array<i32>} : memref<7x64xf32, #tpu.memory_space<vmem>>, vector<16xf32>,
        tpu.vector_store %arg15[%swap3A_373, %swap3A_374], %broadcast_in_dim3A_20 {strides = array<i32>} : memref<7x64xf32, #tpu.memory_space<vmem>>, vector<16xf32>,
        %mul3A_376 = arith.constant 16 : i32
        %mul3A_377 = arith.muli %scan3A_333, %mul3A_376 : i32
        %swap3A_378 = arith.constant 6 : i32
        %swap3A_379 = arith.index_cast %swap3A_378 : i32 to index
        %swap3A_380 = arith.index_cast %mul3A_377 : i32 to index
        %swap3A_381 = tpu.vector_load %arg15[%swap3A_379, %swap3A_380] {strides = array<i32>} : memref<7x64xf32, #tpu.memory_space<vmem>>, vector<16xf32>,
        tpu.vector_store %arg15[%swap3A_379, %swap3A_380], %broadcast_in_dim3A_20 {strides = array<i32>} : memref<7x64xf32, #tpu.memory_space<vmem>>, vector<16xf32>,
        tpu.vector_store_idx %arg15[%gather3A, %scan3A_334], %gather3A_340 : memref<7x64xf32, #tpu.memory_space<vmem>>[vector<16xi32>, vector<16xi32>], vector<16xf32>,
        %add3A_382 = arith.constant 16 : i32
        %add3A_383 = vector.broadcast %add3A_382 : i32 to vector<16xi32>
        %add3A_384 = arith.addi %scan3A_334, %add3A_383 : vector<16xi32>
        scf.yield %add3A_384 : vector<16xi32>
      }
      %scan3A_326 = arith.constant 4 : i32
      %dma_start3A_327 = arith.constant 0 : i32
      %dma_start3A_328 = arith.constant 999936 : i32
      %dma_start3A_329 = tpu.memref_slice %arg5[%dma_start3A_327, %dma_start3A_328] : memref<7x1000000xf32, #tpu.memory_space<hbm>> -> memref<7x64xf32, #tpu.memory_space<hbm>>
      %dma_start3A_330 = arith.constant 0 : i32
      %dma_start3A_331 = arith.constant 999936 : i32
      %dma_start3A_332 = tpu.memref_slice %arg5[%dma_start3A_330, %dma_start3A_331] : memref<7x1000000xf32, #tpu.memory_space<hbm>> -> memref<7x64xf32, #tpu.memory_space<hbm>>
      tpu.enqueue_dma source(%arg15 : memref<7x64xf32, #tpu.memory_space<vmem>>) target(%dma_start3A_332 : memref<7x64xf32, #tpu.memory_space<hbm>>) target_semaphore(%arg21 : memref<!tpu.dma_semaphore, #tpu.memory_space<semaphore_mem>>)
    } else {
    }
    %dma_wait3A_293 = arith.constant 0 : i32
    %dma_wait3A_294 = arith.constant 0 : i32
    %dma_wait3A_295 = tpu.memref_slice %arg10[%dma_wait3A_293, %dma_wait3A_294] : memref<7x6144xf32, #tpu.memory_space<vmem>> -> memref<7x6144xf32, #tpu.memory_space<vmem>>
    %dma_wait3A_296 = arith.constant 0 : i32
    %dma_wait3A_297 = tpu.memref_slice %arg5[%dma_wait3A_296, %add3A_235] : memref<7x1000000xf32, #tpu.memory_space<hbm>> -> memref<7x6144xf32, #tpu.memory_space<hbm>>
    %dma_wait3A_298 = arith.constant 0 : i32
    %dma_wait3A_299 = tpu.memref_slice %arg5[%dma_wait3A_298, %add3A_235] : memref<7x1000000xf32, #tpu.memory_space<hbm>> -> memref<7x6144xf32, #tpu.memory_space<hbm>>
    %dma_wait3A_300 = arith.constant 0 : i32
    %dma_wait3A_301 = arith.constant 0 : i32
    %dma_wait3A_302 = tpu.memref_slice %arg10[%dma_wait3A_300, %dma_wait3A_301] : memref<7x6144xf32, #tpu.memory_space<vmem>> -> memref<7x6144xf32, #tpu.memory_space<vmem>>
    tpu.wait_dma2 semaphore(%arg18 : memref<!tpu.dma_semaphore, #tpu.memory_space<semaphore_mem>>) src(%dma_wait3A_302 : memref<7x6144xf32, #tpu.memory_space<vmem>>) dst(%dma_wait3A_299 : memref<7x6144xf32, #tpu.memory_space<hbm>>)
    %convert_element_type3A_303 = arith.extui %eq3A_18 : i1 to i32
    %cond3A_304 = arith.constant 0 : i32
    %cond3A_305 = arith.cmpi ne, %convert_element_type3A_303, %cond3A_304 : i32
    scf.if %cond3A_305 {
      %broadcast_in_dim3A_316 = arith.constant 0.000000e+00 : f32
      %broadcast_in_dim3A_317 = vector.broadcast %broadcast_in_dim3A_316 : f32 to vector<16xf32>
      %iota3A_318 = tpu.iota {dimensions = array<i32: 0>} : vector<16xi32>
      %scan3A_319 = arith.constant 0 : i32
      %scan3A_320 = arith.constant 4 : i32
      %scan3A_321 = arith.addi %scan3A_319, %scan3A_320 : i32
      %scan3A_322 = arith.constant 1 : i32
      %scan3A_323 = scf.for %scan3A_355 = %scan3A_319 to %scan3A_321 step %scan3A_322 iter_args(%scan3A_356 = %iota3A_318) -> (vector<16xi32>)  : i32 {
        %mul3A_357 = arith.constant 8 : i32
        %mul3A_358 = arith.muli %scan3A_355, %mul3A_357 : i32
        %add3A_359 = arith.constant 0 : i32
        %add3A_360 = arith.addi %mul3A_358, %add3A_359 : i32
        %mul3A_361 = arith.constant 16 : i32
        %mul3A_362 = arith.muli %add3A_360, %mul3A_361 : i32
        %get3A = arith.index_cast %mul3A_362 : i32 to index
        %get3A_363 = tpu.vector_load %arg14[%get3A] {strides = array<i32>} : memref<576xi32, #tpu.memory_space<vmem>>, vector<16xi32>,
        %gather3A = tpu.vector_load_idx %arg6[%get3A_363] : memref<32xi32, #tpu.memory_space<vmem>>[vector<16xi32>], vector<16xi32>,
        %gather3A_364 = tpu.vector_load_idx %arg7[%get3A_363] : memref<32xf32, #tpu.memory_space<vmem>>[vector<16xi32>], vector<16xf32>,
        %mul3A_365 = arith.constant 8 : i32
        %mul3A_366 = arith.muli %scan3A_355, %mul3A_365 : i32
        %add3A_367 = arith.constant 1 : i32
        %add3A_368 = arith.addi %mul3A_366, %add3A_367 : i32
        %mul3A_369 = arith.constant 16 : i32
        %mul3A_370 = arith.muli %add3A_368, %mul3A_369 : i32
        %get3A_371 = arith.index_cast %mul3A_370 : i32 to index
        %get3A_372 = tpu.vector_load %arg14[%get3A_371] {strides = array<i32>} : memref<576xi32, #tpu.memory_space<vmem>>, vector<16xi32>,
        %gather3A_373 = tpu.vector_load_idx %arg6[%get3A_372] : memref<32xi32, #tpu.memory_space<vmem>>[vector<16xi32>], vector<16xi32>,
        %gather3A_374 = tpu.vector_load_idx %arg7[%get3A_372] : memref<32xf32, #tpu.memory_space<vmem>>[vector<16xi32>], vector<16xf32>,
        %mul3A_375 = arith.constant 8 : i32
        %mul3A_376 = arith.muli %scan3A_355, %mul3A_375 : i32
        %add3A_377 = arith.constant 2 : i32
        %add3A_378 = arith.addi %mul3A_376, %add3A_377 : i32
        %mul3A_379 = arith.constant 16 : i32
        %mul3A_380 = arith.muli %add3A_378, %mul3A_379 : i32
        %get3A_381 = arith.index_cast %mul3A_380 : i32 to index
        %get3A_382 = tpu.vector_load %arg14[%get3A_381] {strides = array<i32>} : memref<576xi32, #tpu.memory_space<vmem>>, vector<16xi32>,
        %gather3A_383 = tpu.vector_load_idx %arg6[%get3A_382] : memref<32xi32, #tpu.memory_space<vmem>>[vector<16xi32>], vector<16xi32>,
        %gather3A_384 = tpu.vector_load_idx %arg7[%get3A_382] : memref<32xf32, #tpu.memory_space<vmem>>[vector<16xi32>], vector<16xf32>,
        %mul3A_385 = arith.constant 8 : i32
        %mul3A_386 = arith.muli %scan3A_355, %mul3A_385 : i32
        %add3A_387 = arith.constant 3 : i32
        %add3A_388 = arith.addi %mul3A_386, %add3A_387 : i32
        %mul3A_389 = arith.constant 16 : i32
        %mul3A_390 = arith.muli %add3A_388, %mul3A_389 : i32
        %get3A_391 = arith.index_cast %mul3A_390 : i32 to index
        %get3A_392 = tpu.vector_load %arg14[%get3A_391] {strides = array<i32>} : memref<576xi32, #tpu.memory_space<vmem>>, vector<16xi32>,
        %gather3A_393 = tpu.vector_load_idx %arg6[%get3A_392] : memref<32xi32, #tpu.memory_space<vmem>>[vector<16xi32>], vector<16xi32>,
        %gather3A_394 = tpu.vector_load_idx %arg7[%get3A_392] : memref<32xf32, #tpu.memory_space<vmem>>[vector<16xi32>], vector<16xf32>,
        %mul3A_395 = arith.constant 8 : i32
        %mul3A_396 = arith.muli %scan3A_355, %mul3A_395 : i32
        %add3A_397 = arith.constant 4 : i32
        %add3A_398 = arith.addi %mul3A_396, %add3A_397 : i32
        %mul3A_399 = arith.constant 16 : i32
        %mul3A_400 = arith.muli %add3A_398, %mul3A_399 : i32
        %get3A_401 = arith.index_cast %mul3A_400 : i32 to index
        %get3A_402 = tpu.vector_load %arg14[%get3A_401] {strides = array<i32>} : memref<576xi32, #tpu.memory_space<vmem>>, vector<16xi32>,
        %gather3A_403 = tpu.vector_load_idx %arg6[%get3A_402] : memref<32xi32, #tpu.memory_space<vmem>>[vector<16xi32>], vector<16xi32>,
        %gather3A_404 = tpu.vector_load_idx %arg7[%get3A_402] : memref<32xf32, #tpu.memory_space<vmem>>[vector<16xi32>], vector<16xf32>,
        %mul3A_405 = arith.constant 8 : i32
        %mul3A_406 = arith.muli %scan3A_355, %mul3A_405 : i32
        %add3A_407 = arith.constant 5 : i32
        %add3A_408 = arith.addi %mul3A_406, %add3A_407 : i32
        %mul3A_409 = arith.constant 16 : i32
        %mul3A_410 = arith.muli %add3A_408, %mul3A_409 : i32
        %get3A_411 = arith.index_cast %mul3A_410 : i32 to index
        %get3A_412 = tpu.vector_load %arg14[%get3A_411] {strides = array<i32>} : memref<576xi32, #tpu.memory_space<vmem>>, vector<16xi32>,
        %gather3A_413 = tpu.vector_load_idx %arg6[%get3A_412] : memref<32xi32, #tpu.memory_space<vmem>>[vector<16xi32>], vector<16xi32>,
        %gather3A_414 = tpu.vector_load_idx %arg7[%get3A_412] : memref<32xf32, #tpu.memory_space<vmem>>[vector<16xi32>], vector<16xf32>,
        %mul3A_415 = arith.constant 8 : i32
        %mul3A_416 = arith.muli %scan3A_355, %mul3A_415 : i32
        %add3A_417 = arith.constant 6 : i32
        %add3A_418 = arith.addi %mul3A_416, %add3A_417 : i32
        %mul3A_419 = arith.constant 16 : i32
        %mul3A_420 = arith.muli %add3A_418, %mul3A_419 : i32
        %get3A_421 = arith.index_cast %mul3A_420 : i32 to index
        %get3A_422 = tpu.vector_load %arg14[%get3A_421] {strides = array<i32>} : memref<576xi32, #tpu.memory_space<vmem>>, vector<16xi32>,
        %gather3A_423 = tpu.vector_load_idx %arg6[%get3A_422] : memref<32xi32, #tpu.memory_space<vmem>>[vector<16xi32>], vector<16xi32>,
        %gather3A_424 = tpu.vector_load_idx %arg7[%get3A_422] : memref<32xf32, #tpu.memory_space<vmem>>[vector<16xi32>], vector<16xf32>,
        %mul3A_425 = arith.constant 8 : i32
        %mul3A_426 = arith.muli %scan3A_355, %mul3A_425 : i32
        %add3A_427 = arith.constant 7 : i32
        %add3A_428 = arith.addi %mul3A_426, %add3A_427 : i32
        %mul3A_429 = arith.constant 16 : i32
        %mul3A_430 = arith.muli %add3A_428, %mul3A_429 : i32
        %get3A_431 = arith.index_cast %mul3A_430 : i32 to index
        %get3A_432 = tpu.vector_load %arg14[%get3A_431] {strides = array<i32>} : memref<576xi32, #tpu.memory_space<vmem>>, vector<16xi32>,
        %gather3A_433 = tpu.vector_load_idx %arg6[%get3A_432] : memref<32xi32, #tpu.memory_space<vmem>>[vector<16xi32>], vector<16xi32>,
        %gather3A_434 = tpu.vector_load_idx %arg7[%get3A_432] : memref<32xf32, #tpu.memory_space<vmem>>[vector<16xi32>], vector<16xf32>,
        %mul3A_435 = arith.constant 8 : i32
        %mul3A_436 = arith.muli %scan3A_355, %mul3A_435 : i32
        %add3A_437 = arith.constant 0 : i32
        %add3A_438 = arith.addi %mul3A_436, %add3A_437 : i32
        %mul3A_439 = arith.constant 16 : i32
        %mul3A_440 = arith.muli %add3A_438, %mul3A_439 : i32
        %swap3A = arith.constant 0 : i32
        %swap3A_441 = arith.index_cast %swap3A : i32 to index
        %swap3A_442 = arith.index_cast %mul3A_440 : i32 to index
        %swap3A_443 = tpu.vector_load %arg10[%swap3A_441, %swap3A_442] {strides = array<i32>} : memref<7x6144xf32, #tpu.memory_space<vmem>>, vector<16xf32>,
        tpu.vector_store %arg10[%swap3A_441, %swap3A_442], %broadcast_in_dim3A_317 {strides = array<i32>} : memref<7x6144xf32, #tpu.memory_space<vmem>>, vector<16xf32>,
        %mul3A_444 = arith.constant 16 : i32
        %mul3A_445 = arith.muli %add3A_438, %mul3A_444 : i32
        %swap3A_446 = arith.constant 1 : i32
        %swap3A_447 = arith.index_cast %swap3A_446 : i32 to index
        %swap3A_448 = arith.index_cast %mul3A_445 : i32 to index
        %swap3A_449 = tpu.vector_load %arg10[%swap3A_447, %swap3A_448] {strides = array<i32>} : memref<7x6144xf32, #tpu.memory_space<vmem>>, vector<16xf32>,
        tpu.vector_store %arg10[%swap3A_447, %swap3A_448], %broadcast_in_dim3A_317 {strides = array<i32>} : memref<7x6144xf32, #tpu.memory_space<vmem>>, vector<16xf32>,
        %mul3A_450 = arith.constant 16 : i32
        %mul3A_451 = arith.muli %add3A_438, %mul3A_450 : i32
        %swap3A_452 = arith.constant 2 : i32
        %swap3A_453 = arith.index_cast %swap3A_452 : i32 to index
        %swap3A_454 = arith.index_cast %mul3A_451 : i32 to index
        %swap3A_455 = tpu.vector_load %arg10[%swap3A_453, %swap3A_454] {strides = array<i32>} : memref<7x6144xf32, #tpu.memory_space<vmem>>, vector<16xf32>,
        tpu.vector_store %arg10[%swap3A_453, %swap3A_454], %broadcast_in_dim3A_317 {strides = array<i32>} : memref<7x6144xf32, #tpu.memory_space<vmem>>, vector<16xf32>,
        %mul3A_456 = arith.constant 16 : i32
        %mul3A_457 = arith.muli %add3A_438, %mul3A_456 : i32
        %swap3A_458 = arith.constant 3 : i32
        %swap3A_459 = arith.index_cast %swap3A_458 : i32 to index
        %swap3A_460 = arith.index_cast %mul3A_457 : i32 to index
        %swap3A_461 = tpu.vector_load %arg10[%swap3A_459, %swap3A_460] {strides = array<i32>} : memref<7x6144xf32, #tpu.memory_space<vmem>>, vector<16xf32>,
        tpu.vector_store %arg10[%swap3A_459, %swap3A_460], %broadcast_in_dim3A_317 {strides = array<i32>} : memref<7x6144xf32, #tpu.memory_space<vmem>>, vector<16xf32>,
        %mul3A_462 = arith.constant 16 : i32
        %mul3A_463 = arith.muli %add3A_438, %mul3A_462 : i32
        %swap3A_464 = arith.constant 4 : i32
        %swap3A_465 = arith.index_cast %swap3A_464 : i32 to index
        %swap3A_466 = arith.index_cast %mul3A_463 : i32 to index
        %swap3A_467 = tpu.vector_load %arg10[%swap3A_465, %swap3A_466] {strides = array<i32>} : memref<7x6144xf32, #tpu.memory_space<vmem>>, vector<16xf32>,
        tpu.vector_store %arg10[%swap3A_465, %swap3A_466], %broadcast_in_dim3A_317 {strides = array<i32>} : memref<7x6144xf32, #tpu.memory_space<vmem>>, vector<16xf32>,
        %mul3A_468 = arith.constant 16 : i32
        %mul3A_469 = arith.muli %add3A_438, %mul3A_468 : i32
        %swap3A_470 = arith.constant 5 : i32
        %swap3A_471 = arith.index_cast %swap3A_470 : i32 to index
        %swap3A_472 = arith.index_cast %mul3A_469 : i32 to index
        %swap3A_473 = tpu.vector_load %arg10[%swap3A_471, %swap3A_472] {strides = array<i32>} : memref<7x6144xf32, #tpu.memory_space<vmem>>, vector<16xf32>,
        tpu.vector_store %arg10[%swap3A_471, %swap3A_472], %broadcast_in_dim3A_317 {strides = array<i32>} : memref<7x6144xf32, #tpu.memory_space<vmem>>, vector<16xf32>,
        %mul3A_474 = arith.constant 16 : i32
        %mul3A_475 = arith.muli %add3A_438, %mul3A_474 : i32
        %swap3A_476 = arith.constant 6 : i32
        %swap3A_477 = arith.index_cast %swap3A_476 : i32 to index
        %swap3A_478 = arith.index_cast %mul3A_475 : i32 to index
        %swap3A_479 = tpu.vector_load %arg10[%swap3A_477, %swap3A_478] {strides = array<i32>} : memref<7x6144xf32, #tpu.memory_space<vmem>>, vector<16xf32>,
        tpu.vector_store %arg10[%swap3A_477, %swap3A_478], %broadcast_in_dim3A_317 {strides = array<i32>} : memref<7x6144xf32, #tpu.memory_space<vmem>>, vector<16xf32>,
        %mul3A_480 = arith.constant 8 : i32
        %mul3A_481 = arith.muli %scan3A_355, %mul3A_480 : i32
        %add3A_482 = arith.constant 1 : i32
        %add3A_483 = arith.addi %mul3A_481, %add3A_482 : i32
        %mul3A_484 = arith.constant 16 : i32
        %mul3A_485 = arith.muli %add3A_483, %mul3A_484 : i32
        %swap3A_486 = arith.constant 0 : i32
        %swap3A_487 = arith.index_cast %swap3A_486 : i32 to index
        %swap3A_488 = arith.index_cast %mul3A_485 : i32 to index
        %swap3A_489 = tpu.vector_load %arg10[%swap3A_487, %swap3A_488] {strides = array<i32>} : memref<7x6144xf32, #tpu.memory_space<vmem>>, vector<16xf32>,
        tpu.vector_store %arg10[%swap3A_487, %swap3A_488], %broadcast_in_dim3A_317 {strides = array<i32>} : memref<7x6144xf32, #tpu.memory_space<vmem>>, vector<16xf32>,
        %mul3A_490 = arith.constant 16 : i32
        %mul3A_491 = arith.muli %add3A_483, %mul3A_490 : i32
        %swap3A_492 = arith.constant 1 : i32
        %swap3A_493 = arith.index_cast %swap3A_492 : i32 to index
        %swap3A_494 = arith.index_cast %mul3A_491 : i32 to index
        %swap3A_495 = tpu.vector_load %arg10[%swap3A_493, %swap3A_494] {strides = array<i32>} : memref<7x6144xf32, #tpu.memory_space<vmem>>, vector<16xf32>,
        tpu.vector_store %arg10[%swap3A_493, %swap3A_494], %broadcast_in_dim3A_317 {strides = array<i32>} : memref<7x6144xf32, #tpu.memory_space<vmem>>, vector<16xf32>,
        %mul3A_496 = arith.constant 16 : i32
        %mul3A_497 = arith.muli %add3A_483, %mul3A_496 : i32
        %swap3A_498 = arith.constant 2 : i32
        %swap3A_499 = arith.index_cast %swap3A_498 : i32 to index
        %swap3A_500 = arith.index_cast %mul3A_497 : i32 to index
        %swap3A_501 = tpu.vector_load %arg10[%swap3A_499, %swap3A_500] {strides = array<i32>} : memref<7x6144xf32, #tpu.memory_space<vmem>>, vector<16xf32>,
        tpu.vector_store %arg10[%swap3A_499, %swap3A_500], %broadcast_in_dim3A_317 {strides = array<i32>} : memref<7x6144xf32, #tpu.memory_space<vmem>>, vector<16xf32>,
        %mul3A_502 = arith.constant 16 : i32
        %mul3A_503 = arith.muli %add3A_483, %mul3A_502 : i32
        %swap3A_504 = arith.constant 3 : i32
        %swap3A_505 = arith.index_cast %swap3A_504 : i32 to index
        %swap3A_506 = arith.index_cast %mul3A_503 : i32 to index
        %swap3A_507 = tpu.vector_load %arg10[%swap3A_505, %swap3A_506] {strides = array<i32>} : memref<7x6144xf32, #tpu.memory_space<vmem>>, vector<16xf32>,
        tpu.vector_store %arg10[%swap3A_505, %swap3A_506], %broadcast_in_dim3A_317 {strides = array<i32>} : memref<7x6144xf32, #tpu.memory_space<vmem>>, vector<16xf32>,
        %mul3A_508 = arith.constant 16 : i32
        %mul3A_509 = arith.muli %add3A_483, %mul3A_508 : i32
        %swap3A_510 = arith.constant 4 : i32
        %swap3A_511 = arith.index_cast %swap3A_510 : i32 to index
        %swap3A_512 = arith.index_cast %mul3A_509 : i32 to index
        %swap3A_513 = tpu.vector_load %arg10[%swap3A_511, %swap3A_512] {strides = array<i32>} : memref<7x6144xf32, #tpu.memory_space<vmem>>, vector<16xf32>,
        tpu.vector_store %arg10[%swap3A_511, %swap3A_512], %broadcast_in_dim3A_317 {strides = array<i32>} : memref<7x6144xf32, #tpu.memory_space<vmem>>, vector<16xf32>,
        %mul3A_514 = arith.constant 16 : i32
        %mul3A_515 = arith.muli %add3A_483, %mul3A_514 : i32
        %swap3A_516 = arith.constant 5 : i32
        %swap3A_517 = arith.index_cast %swap3A_516 : i32 to index
        %swap3A_518 = arith.index_cast %mul3A_515 : i32 to index
        %swap3A_519 = tpu.vector_load %arg10[%swap3A_517, %swap3A_518] {strides = array<i32>} : memref<7x6144xf32, #tpu.memory_space<vmem>>, vector<16xf32>,
        tpu.vector_store %arg10[%swap3A_517, %swap3A_518], %broadcast_in_dim3A_317 {strides = array<i32>} : memref<7x6144xf32, #tpu.memory_space<vmem>>, vector<16xf32>,
        %mul3A_520 = arith.constant 16 : i32
        %mul3A_521 = arith.muli %add3A_483, %mul3A_520 : i32
        %swap3A_522 = arith.constant 6 : i32
        %swap3A_523 = arith.index_cast %swap3A_522 : i32 to index
        %swap3A_524 = arith.index_cast %mul3A_521 : i32 to index
        %swap3A_525 = tpu.vector_load %arg10[%swap3A_523, %swap3A_524] {strides = array<i32>} : memref<7x6144xf32, #tpu.memory_space<vmem>>, vector<16xf32>,
        tpu.vector_store %arg10[%swap3A_523, %swap3A_524], %broadcast_in_dim3A_317 {strides = array<i32>} : memref<7x6144xf32, #tpu.memory_space<vmem>>, vector<16xf32>,
        %mul3A_526 = arith.constant 8 : i32
        %mul3A_527 = arith.muli %scan3A_355, %mul3A_526 : i32
        %add3A_528 = arith.constant 2 : i32
        %add3A_529 = arith.addi %mul3A_527, %add3A_528 : i32
        %mul3A_530 = arith.constant 16 : i32
        %mul3A_531 = arith.muli %add3A_529, %mul3A_530 : i32
        %swap3A_532 = arith.constant 0 : i32
        %swap3A_533 = arith.index_cast %swap3A_532 : i32 to index
        %swap3A_534 = arith.index_cast %mul3A_531 : i32 to index
        %swap3A_535 = tpu.vector_load %arg10[%swap3A_533, %swap3A_534] {strides = array<i32>} : memref<7x6144xf32, #tpu.memory_space<vmem>>, vector<16xf32>,
        tpu.vector_store %arg10[%swap3A_533, %swap3A_534], %broadcast_in_dim3A_317 {strides = array<i32>} : memref<7x6144xf32, #tpu.memory_space<vmem>>, vector<16xf32>,
        %mul3A_536 = arith.constant 16 : i32
        %mul3A_537 = arith.muli %add3A_529, %mul3A_536 : i32
        %swap3A_538 = arith.constant 1 : i32
        %swap3A_539 = arith.index_cast %swap3A_538 : i32 to index
        %swap3A_540 = arith.index_cast %mul3A_537 : i32 to index
        %swap3A_541 = tpu.vector_load %arg10[%swap3A_539, %swap3A_540] {strides = array<i32>} : memref<7x6144xf32, #tpu.memory_space<vmem>>, vector<16xf32>,
        tpu.vector_store %arg10[%swap3A_539, %swap3A_540], %broadcast_in_dim3A_317 {strides = array<i32>} : memref<7x6144xf32, #tpu.memory_space<vmem>>, vector<16xf32>,
        %mul3A_542 = arith.constant 16 : i32
        %mul3A_543 = arith.muli %add3A_529, %mul3A_542 : i32
        %swap3A_544 = arith.constant 2 : i32
        %swap3A_545 = arith.index_cast %swap3A_544 : i32 to index
        %swap3A_546 = arith.index_cast %mul3A_543 : i32 to index
        %swap3A_547 = tpu.vector_load %arg10[%swap3A_545, %swap3A_546] {strides = array<i32>} : memref<7x6144xf32, #tpu.memory_space<vmem>>, vector<16xf32>,
        tpu.vector_store %arg10[%swap3A_545, %swap3A_546], %broadcast_in_dim3A_317 {strides = array<i32>} : memref<7x6144xf32, #tpu.memory_space<vmem>>, vector<16xf32>,
        %mul3A_548 = arith.constant 16 : i32
        %mul3A_549 = arith.muli %add3A_529, %mul3A_548 : i32
        %swap3A_550 = arith.constant 3 : i32
        %swap3A_551 = arith.index_cast %swap3A_550 : i32 to index
        %swap3A_552 = arith.index_cast %mul3A_549 : i32 to index
        %swap3A_553 = tpu.vector_load %arg10[%swap3A_551, %swap3A_552] {strides = array<i32>} : memref<7x6144xf32, #tpu.memory_space<vmem>>, vector<16xf32>,
        tpu.vector_store %arg10[%swap3A_551, %swap3A_552], %broadcast_in_dim3A_317 {strides = array<i32>} : memref<7x6144xf32, #tpu.memory_space<vmem>>, vector<16xf32>,
        %mul3A_554 = arith.constant 16 : i32
        %mul3A_555 = arith.muli %add3A_529, %mul3A_554 : i32
        %swap3A_556 = arith.constant 4 : i32
        %swap3A_557 = arith.index_cast %swap3A_556 : i32 to index
        %swap3A_558 = arith.index_cast %mul3A_555 : i32 to index
        %swap3A_559 = tpu.vector_load %arg10[%swap3A_557, %swap3A_558] {strides = array<i32>} : memref<7x6144xf32, #tpu.memory_space<vmem>>, vector<16xf32>,
        tpu.vector_store %arg10[%swap3A_557, %swap3A_558], %broadcast_in_dim3A_317 {strides = array<i32>} : memref<7x6144xf32, #tpu.memory_space<vmem>>, vector<16xf32>,
        %mul3A_560 = arith.constant 16 : i32
        %mul3A_561 = arith.muli %add3A_529, %mul3A_560 : i32
        %swap3A_562 = arith.constant 5 : i32
        %swap3A_563 = arith.index_cast %swap3A_562 : i32 to index
        %swap3A_564 = arith.index_cast %mul3A_561 : i32 to index
        %swap3A_565 = tpu.vector_load %arg10[%swap3A_563, %swap3A_564] {strides = array<i32>} : memref<7x6144xf32, #tpu.memory_space<vmem>>, vector<16xf32>,
        tpu.vector_store %arg10[%swap3A_563, %swap3A_564], %broadcast_in_dim3A_317 {strides = array<i32>} : memref<7x6144xf32, #tpu.memory_space<vmem>>, vector<16xf32>,
        %mul3A_566 = arith.constant 16 : i32
        %mul3A_567 = arith.muli %add3A_529, %mul3A_566 : i32
        %swap3A_568 = arith.constant 6 : i32
        %swap3A_569 = arith.index_cast %swap3A_568 : i32 to index
        %swap3A_570 = arith.index_cast %mul3A_567 : i32 to index
        %swap3A_571 = tpu.vector_load %arg10[%swap3A_569, %swap3A_570] {strides = array<i32>} : memref<7x6144xf32, #tpu.memory_space<vmem>>, vector<16xf32>,
        tpu.vector_store %arg10[%swap3A_569, %swap3A_570], %broadcast_in_dim3A_317 {strides = array<i32>} : memref<7x6144xf32, #tpu.memory_space<vmem>>, vector<16xf32>,
        %mul3A_572 = arith.constant 8 : i32
        %mul3A_573 = arith.muli %scan3A_355, %mul3A_572 : i32
        %add3A_574 = arith.constant 3 : i32
        %add3A_575 = arith.addi %mul3A_573, %add3A_574 : i32
        %mul3A_576 = arith.constant 16 : i32
        %mul3A_577 = arith.muli %add3A_575, %mul3A_576 : i32
        %swap3A_578 = arith.constant 0 : i32
        %swap3A_579 = arith.index_cast %swap3A_578 : i32 to index
        %swap3A_580 = arith.index_cast %mul3A_577 : i32 to index
        %swap3A_581 = tpu.vector_load %arg10[%swap3A_579, %swap3A_580] {strides = array<i32>} : memref<7x6144xf32, #tpu.memory_space<vmem>>, vector<16xf32>,
        tpu.vector_store %arg10[%swap3A_579, %swap3A_580], %broadcast_in_dim3A_317 {strides = array<i32>} : memref<7x6144xf32, #tpu.memory_space<vmem>>, vector<16xf32>,
        %mul3A_582 = arith.constant 16 : i32
        %mul3A_583 = arith.muli %add3A_575, %mul3A_582 : i32
        %swap3A_584 = arith.constant 1 : i32
        %swap3A_585 = arith.index_cast %swap3A_584 : i32 to index
        %swap3A_586 = arith.index_cast %mul3A_583 : i32 to index
        %swap3A_587 = tpu.vector_load %arg10[%swap3A_585, %swap3A_586] {strides = array<i32>} : memref<7x6144xf32, #tpu.memory_space<vmem>>, vector<16xf32>,
        tpu.vector_store %arg10[%swap3A_585, %swap3A_586], %broadcast_in_dim3A_317 {strides = array<i32>} : memref<7x6144xf32, #tpu.memory_space<vmem>>, vector<16xf32>,
        %mul3A_588 = arith.constant 16 : i32
        %mul3A_589 = arith.muli %add3A_575, %mul3A_588 : i32
        %swap3A_590 = arith.constant 2 : i32
        %swap3A_591 = arith.index_cast %swap3A_590 : i32 to index
        %swap3A_592 = arith.index_cast %mul3A_589 : i32 to index
        %swap3A_593 = tpu.vector_load %arg10[%swap3A_591, %swap3A_592] {strides = array<i32>} : memref<7x6144xf32, #tpu.memory_space<vmem>>, vector<16xf32>,
        tpu.vector_store %arg10[%swap3A_591, %swap3A_592], %broadcast_in_dim3A_317 {strides = array<i32>} : memref<7x6144xf32, #tpu.memory_space<vmem>>, vector<16xf32>,
        %mul3A_594 = arith.constant 16 : i32
        %mul3A_595 = arith.muli %add3A_575, %mul3A_594 : i32
        %swap3A_596 = arith.constant 3 : i32
        %swap3A_597 = arith.index_cast %swap3A_596 : i32 to index
        %swap3A_598 = arith.index_cast %mul3A_595 : i32 to index
        %swap3A_599 = tpu.vector_load %arg10[%swap3A_597, %swap3A_598] {strides = array<i32>} : memref<7x6144xf32, #tpu.memory_space<vmem>>, vector<16xf32>,
        tpu.vector_store %arg10[%swap3A_597, %swap3A_598], %broadcast_in_dim3A_317 {strides = array<i32>} : memref<7x6144xf32, #tpu.memory_space<vmem>>, vector<16xf32>,
        %mul3A_600 = arith.constant 16 : i32
        %mul3A_601 = arith.muli %add3A_575, %mul3A_600 : i32
        %swap3A_602 = arith.constant 4 : i32
        %swap3A_603 = arith.index_cast %swap3A_602 : i32 to index
        %swap3A_604 = arith.index_cast %mul3A_601 : i32 to index
        %swap3A_605 = tpu.vector_load %arg10[%swap3A_603, %swap3A_604] {strides = array<i32>} : memref<7x6144xf32, #tpu.memory_space<vmem>>, vector<16xf32>,
        tpu.vector_store %arg10[%swap3A_603, %swap3A_604], %broadcast_in_dim3A_317 {strides = array<i32>} : memref<7x6144xf32, #tpu.memory_space<vmem>>, vector<16xf32>,
        %mul3A_606 = arith.constant 16 : i32
        %mul3A_607 = arith.muli %add3A_575, %mul3A_606 : i32
        %swap3A_608 = arith.constant 5 : i32
        %swap3A_609 = arith.index_cast %swap3A_608 : i32 to index
        %swap3A_610 = arith.index_cast %mul3A_607 : i32 to index
        %swap3A_611 = tpu.vector_load %arg10[%swap3A_609, %swap3A_610] {strides = array<i32>} : memref<7x6144xf32, #tpu.memory_space<vmem>>, vector<16xf32>,
        tpu.vector_store %arg10[%swap3A_609, %swap3A_610], %broadcast_in_dim3A_317 {strides = array<i32>} : memref<7x6144xf32, #tpu.memory_space<vmem>>, vector<16xf32>,
        %mul3A_612 = arith.constant 16 : i32
        %mul3A_613 = arith.muli %add3A_575, %mul3A_612 : i32
        %swap3A_614 = arith.constant 6 : i32
        %swap3A_615 = arith.index_cast %swap3A_614 : i32 to index
        %swap3A_616 = arith.index_cast %mul3A_613 : i32 to index
        %swap3A_617 = tpu.vector_load %arg10[%swap3A_615, %swap3A_616] {strides = array<i32>} : memref<7x6144xf32, #tpu.memory_space<vmem>>, vector<16xf32>,
        tpu.vector_store %arg10[%swap3A_615, %swap3A_616], %broadcast_in_dim3A_317 {strides = array<i32>} : memref<7x6144xf32, #tpu.memory_space<vmem>>, vector<16xf32>,
        %mul3A_618 = arith.constant 8 : i32
        %mul3A_619 = arith.muli %scan3A_355, %mul3A_618 : i32
        %add3A_620 = arith.constant 4 : i32
        %add3A_621 = arith.addi %mul3A_619, %add3A_620 : i32
        %mul3A_622 = arith.constant 16 : i32
        %mul3A_623 = arith.muli %add3A_621, %mul3A_622 : i32
        %swap3A_624 = arith.constant 0 : i32
        %swap3A_625 = arith.index_cast %swap3A_624 : i32 to index
        %swap3A_626 = arith.index_cast %mul3A_623 : i32 to index
        %swap3A_627 = tpu.vector_load %arg10[%swap3A_625, %swap3A_626] {strides = array<i32>} : memref<7x6144xf32, #tpu.memory_space<vmem>>, vector<16xf32>,
        tpu.vector_store %arg10[%swap3A_625, %swap3A_626], %broadcast_in_dim3A_317 {strides = array<i32>} : memref<7x6144xf32, #tpu.memory_space<vmem>>, vector<16xf32>,
        %mul3A_628 = arith.constant 16 : i32
        %mul3A_629 = arith.muli %add3A_621, %mul3A_628 : i32
        %swap3A_630 = arith.constant 1 : i32
        %swap3A_631 = arith.index_cast %swap3A_630 : i32 to index
        %swap3A_632 = arith.index_cast %mul3A_629 : i32 to index
        %swap3A_633 = tpu.vector_load %arg10[%swap3A_631, %swap3A_632] {strides = array<i32>} : memref<7x6144xf32, #tpu.memory_space<vmem>>, vector<16xf32>,
        tpu.vector_store %arg10[%swap3A_631, %swap3A_632], %broadcast_in_dim3A_317 {strides = array<i32>} : memref<7x6144xf32, #tpu.memory_space<vmem>>, vector<16xf32>,
        %mul3A_634 = arith.constant 16 : i32
        %mul3A_635 = arith.muli %add3A_621, %mul3A_634 : i32
        %swap3A_636 = arith.constant 2 : i32
        %swap3A_637 = arith.index_cast %swap3A_636 : i32 to index
        %swap3A_638 = arith.index_cast %mul3A_635 : i32 to index
        %swap3A_639 = tpu.vector_load %arg10[%swap3A_637, %swap3A_638] {strides = array<i32>} : memref<7x6144xf32, #tpu.memory_space<vmem>>, vector<16xf32>,
        tpu.vector_store %arg10[%swap3A_637, %swap3A_638], %broadcast_in_dim3A_317 {strides = array<i32>} : memref<7x6144xf32, #tpu.memory_space<vmem>>, vector<16xf32>,
        %mul3A_640 = arith.constant 16 : i32
        %mul3A_641 = arith.muli %add3A_621, %mul3A_640 : i32
        %swap3A_642 = arith.constant 3 : i32
        %swap3A_643 = arith.index_cast %swap3A_642 : i32 to index
        %swap3A_644 = arith.index_cast %mul3A_641 : i32 to index
        %swap3A_645 = tpu.vector_load %arg10[%swap3A_643, %swap3A_644] {strides = array<i32>} : memref<7x6144xf32, #tpu.memory_space<vmem>>, vector<16xf32>,
        tpu.vector_store %arg10[%swap3A_643, %swap3A_644], %broadcast_in_dim3A_317 {strides = array<i32>} : memref<7x6144xf32, #tpu.memory_space<vmem>>, vector<16xf32>,
        %mul3A_646 = arith.constant 16 : i32
        %mul3A_647 = arith.muli %add3A_621, %mul3A_646 : i32
        %swap3A_648 = arith.constant 4 : i32
        %swap3A_649 = arith.index_cast %swap3A_648 : i32 to index
        %swap3A_650 = arith.index_cast %mul3A_647 : i32 to index
        %swap3A_651 = tpu.vector_load %arg10[%swap3A_649, %swap3A_650] {strides = array<i32>} : memref<7x6144xf32, #tpu.memory_space<vmem>>, vector<16xf32>,
        tpu.vector_store %arg10[%swap3A_649, %swap3A_650], %broadcast_in_dim3A_317 {strides = array<i32>} : memref<7x6144xf32, #tpu.memory_space<vmem>>, vector<16xf32>,
        %mul3A_652 = arith.constant 16 : i32
        %mul3A_653 = arith.muli %add3A_621, %mul3A_652 : i32
        %swap3A_654 = arith.constant 5 : i32
        %swap3A_655 = arith.index_cast %swap3A_654 : i32 to index
        %swap3A_656 = arith.index_cast %mul3A_653 : i32 to index
        %swap3A_657 = tpu.vector_load %arg10[%swap3A_655, %swap3A_656] {strides = array<i32>} : memref<7x6144xf32, #tpu.memory_space<vmem>>, vector<16xf32>,
        tpu.vector_store %arg10[%swap3A_655, %swap3A_656], %broadcast_in_dim3A_317 {strides = array<i32>} : memref<7x6144xf32, #tpu.memory_space<vmem>>, vector<16xf32>,
        %mul3A_658 = arith.constant 16 : i32
        %mul3A_659 = arith.muli %add3A_621, %mul3A_658 : i32
        %swap3A_660 = arith.constant 6 : i32
        %swap3A_661 = arith.index_cast %swap3A_660 : i32 to index
        %swap3A_662 = arith.index_cast %mul3A_659 : i32 to index
        %swap3A_663 = tpu.vector_load %arg10[%swap3A_661, %swap3A_662] {strides = array<i32>} : memref<7x6144xf32, #tpu.memory_space<vmem>>, vector<16xf32>,
        tpu.vector_store %arg10[%swap3A_661, %swap3A_662], %broadcast_in_dim3A_317 {strides = array<i32>} : memref<7x6144xf32, #tpu.memory_space<vmem>>, vector<16xf32>,
        %mul3A_664 = arith.constant 8 : i32
        %mul3A_665 = arith.muli %scan3A_355, %mul3A_664 : i32
        %add3A_666 = arith.constant 5 : i32
        %add3A_667 = arith.addi %mul3A_665, %add3A_666 : i32
        %mul3A_668 = arith.constant 16 : i32
        %mul3A_669 = arith.muli %add3A_667, %mul3A_668 : i32
        %swap3A_670 = arith.constant 0 : i32
        %swap3A_671 = arith.index_cast %swap3A_670 : i32 to index
        %swap3A_672 = arith.index_cast %mul3A_669 : i32 to index
        %swap3A_673 = tpu.vector_load %arg10[%swap3A_671, %swap3A_672] {strides = array<i32>} : memref<7x6144xf32, #tpu.memory_space<vmem>>, vector<16xf32>,
        tpu.vector_store %arg10[%swap3A_671, %swap3A_672], %broadcast_in_dim3A_317 {strides = array<i32>} : memref<7x6144xf32, #tpu.memory_space<vmem>>, vector<16xf32>,
        %mul3A_674 = arith.constant 16 : i32
        %mul3A_675 = arith.muli %add3A_667, %mul3A_674 : i32
        %swap3A_676 = arith.constant 1 : i32
        %swap3A_677 = arith.index_cast %swap3A_676 : i32 to index
        %swap3A_678 = arith.index_cast %mul3A_675 : i32 to index
        %swap3A_679 = tpu.vector_load %arg10[%swap3A_677, %swap3A_678] {strides = array<i32>} : memref<7x6144xf32, #tpu.memory_space<vmem>>, vector<16xf32>,
        tpu.vector_store %arg10[%swap3A_677, %swap3A_678], %broadcast_in_dim3A_317 {strides = array<i32>} : memref<7x6144xf32, #tpu.memory_space<vmem>>, vector<16xf32>,
        %mul3A_680 = arith.constant 16 : i32
        %mul3A_681 = arith.muli %add3A_667, %mul3A_680 : i32
        %swap3A_682 = arith.constant 2 : i32
        %swap3A_683 = arith.index_cast %swap3A_682 : i32 to index
        %swap3A_684 = arith.index_cast %mul3A_681 : i32 to index
        %swap3A_685 = tpu.vector_load %arg10[%swap3A_683, %swap3A_684] {strides = array<i32>} : memref<7x6144xf32, #tpu.memory_space<vmem>>, vector<16xf32>,
        tpu.vector_store %arg10[%swap3A_683, %swap3A_684], %broadcast_in_dim3A_317 {strides = array<i32>} : memref<7x6144xf32, #tpu.memory_space<vmem>>, vector<16xf32>,
        %mul3A_686 = arith.constant 16 : i32
        %mul3A_687 = arith.muli %add3A_667, %mul3A_686 : i32
        %swap3A_688 = arith.constant 3 : i32
        %swap3A_689 = arith.index_cast %swap3A_688 : i32 to index
        %swap3A_690 = arith.index_cast %mul3A_687 : i32 to index
        %swap3A_691 = tpu.vector_load %arg10[%swap3A_689, %swap3A_690] {strides = array<i32>} : memref<7x6144xf32, #tpu.memory_space<vmem>>, vector<16xf32>,
        tpu.vector_store %arg10[%swap3A_689, %swap3A_690], %broadcast_in_dim3A_317 {strides = array<i32>} : memref<7x6144xf32, #tpu.memory_space<vmem>>, vector<16xf32>,
        %mul3A_692 = arith.constant 16 : i32
        %mul3A_693 = arith.muli %add3A_667, %mul3A_692 : i32
        %swap3A_694 = arith.constant 4 : i32
        %swap3A_695 = arith.index_cast %swap3A_694 : i32 to index
        %swap3A_696 = arith.index_cast %mul3A_693 : i32 to index
        %swap3A_697 = tpu.vector_load %arg10[%swap3A_695, %swap3A_696] {strides = array<i32>} : memref<7x6144xf32, #tpu.memory_space<vmem>>, vector<16xf32>,
        tpu.vector_store %arg10[%swap3A_695, %swap3A_696], %broadcast_in_dim3A_317 {strides = array<i32>} : memref<7x6144xf32, #tpu.memory_space<vmem>>, vector<16xf32>,
        %mul3A_698 = arith.constant 16 : i32
        %mul3A_699 = arith.muli %add3A_667, %mul3A_698 : i32
        %swap3A_700 = arith.constant 5 : i32
        %swap3A_701 = arith.index_cast %swap3A_700 : i32 to index
        %swap3A_702 = arith.index_cast %mul3A_699 : i32 to index
        %swap3A_703 = tpu.vector_load %arg10[%swap3A_701, %swap3A_702] {strides = array<i32>} : memref<7x6144xf32, #tpu.memory_space<vmem>>, vector<16xf32>,
        tpu.vector_store %arg10[%swap3A_701, %swap3A_702], %broadcast_in_dim3A_317 {strides = array<i32>} : memref<7x6144xf32, #tpu.memory_space<vmem>>, vector<16xf32>,
        %mul3A_704 = arith.constant 16 : i32
        %mul3A_705 = arith.muli %add3A_667, %mul3A_704 : i32
        %swap3A_706 = arith.constant 6 : i32
        %swap3A_707 = arith.index_cast %swap3A_706 : i32 to index
        %swap3A_708 = arith.index_cast %mul3A_705 : i32 to index
        %swap3A_709 = tpu.vector_load %arg10[%swap3A_707, %swap3A_708] {strides = array<i32>} : memref<7x6144xf32, #tpu.memory_space<vmem>>, vector<16xf32>,
        tpu.vector_store %arg10[%swap3A_707, %swap3A_708], %broadcast_in_dim3A_317 {strides = array<i32>} : memref<7x6144xf32, #tpu.memory_space<vmem>>, vector<16xf32>,
        %mul3A_710 = arith.constant 8 : i32
        %mul3A_711 = arith.muli %scan3A_355, %mul3A_710 : i32
        %add3A_712 = arith.constant 6 : i32
        %add3A_713 = arith.addi %mul3A_711, %add3A_712 : i32
        %mul3A_714 = arith.constant 16 : i32
        %mul3A_715 = arith.muli %add3A_713, %mul3A_714 : i32
        %swap3A_716 = arith.constant 0 : i32
        %swap3A_717 = arith.index_cast %swap3A_716 : i32 to index
        %swap3A_718 = arith.index_cast %mul3A_715 : i32 to index
        %swap3A_719 = tpu.vector_load %arg10[%swap3A_717, %swap3A_718] {strides = array<i32>} : memref<7x6144xf32, #tpu.memory_space<vmem>>, vector<16xf32>,
        tpu.vector_store %arg10[%swap3A_717, %swap3A_718], %broadcast_in_dim3A_317 {strides = array<i32>} : memref<7x6144xf32, #tpu.memory_space<vmem>>, vector<16xf32>,
        %mul3A_720 = arith.constant 16 : i32
        %mul3A_721 = arith.muli %add3A_713, %mul3A_720 : i32
        %swap3A_722 = arith.constant 1 : i32
        %swap3A_723 = arith.index_cast %swap3A_722 : i32 to index
        %swap3A_724 = arith.index_cast %mul3A_721 : i32 to index
        %swap3A_725 = tpu.vector_load %arg10[%swap3A_723, %swap3A_724] {strides = array<i32>} : memref<7x6144xf32, #tpu.memory_space<vmem>>, vector<16xf32>,
        tpu.vector_store %arg10[%swap3A_723, %swap3A_724], %broadcast_in_dim3A_317 {strides = array<i32>} : memref<7x6144xf32, #tpu.memory_space<vmem>>, vector<16xf32>,
        %mul3A_726 = arith.constant 16 : i32
        %mul3A_727 = arith.muli %add3A_713, %mul3A_726 : i32
        %swap3A_728 = arith.constant 2 : i32
        %swap3A_729 = arith.index_cast %swap3A_728 : i32 to index
        %swap3A_730 = arith.index_cast %mul3A_727 : i32 to index
        %swap3A_731 = tpu.vector_load %arg10[%swap3A_729, %swap3A_730] {strides = array<i32>} : memref<7x6144xf32, #tpu.memory_space<vmem>>, vector<16xf32>,
        tpu.vector_store %arg10[%swap3A_729, %swap3A_730], %broadcast_in_dim3A_317 {strides = array<i32>} : memref<7x6144xf32, #tpu.memory_space<vmem>>, vector<16xf32>,
        %mul3A_732 = arith.constant 16 : i32
        %mul3A_733 = arith.muli %add3A_713, %mul3A_732 : i32
        %swap3A_734 = arith.constant 3 : i32
        %swap3A_735 = arith.index_cast %swap3A_734 : i32 to index
        %swap3A_736 = arith.index_cast %mul3A_733 : i32 to index
        %swap3A_737 = tpu.vector_load %arg10[%swap3A_735, %swap3A_736] {strides = array<i32>} : memref<7x6144xf32, #tpu.memory_space<vmem>>, vector<16xf32>,
        tpu.vector_store %arg10[%swap3A_735, %swap3A_736], %broadcast_in_dim3A_317 {strides = array<i32>} : memref<7x6144xf32, #tpu.memory_space<vmem>>, vector<16xf32>,
        %mul3A_738 = arith.constant 16 : i32
        %mul3A_739 = arith.muli %add3A_713, %mul3A_738 : i32
        %swap3A_740 = arith.constant 4 : i32
        %swap3A_741 = arith.index_cast %swap3A_740 : i32 to index
        %swap3A_742 = arith.index_cast %mul3A_739 : i32 to index
        %swap3A_743 = tpu.vector_load %arg10[%swap3A_741, %swap3A_742] {strides = array<i32>} : memref<7x6144xf32, #tpu.memory_space<vmem>>, vector<16xf32>,
        tpu.vector_store %arg10[%swap3A_741, %swap3A_742], %broadcast_in_dim3A_317 {strides = array<i32>} : memref<7x6144xf32, #tpu.memory_space<vmem>>, vector<16xf32>,
        %mul3A_744 = arith.constant 16 : i32
        %mul3A_745 = arith.muli %add3A_713, %mul3A_744 : i32
        %swap3A_746 = arith.constant 5 : i32
        %swap3A_747 = arith.index_cast %swap3A_746 : i32 to index
        %swap3A_748 = arith.index_cast %mul3A_745 : i32 to index
        %swap3A_749 = tpu.vector_load %arg10[%swap3A_747, %swap3A_748] {strides = array<i32>} : memref<7x6144xf32, #tpu.memory_space<vmem>>, vector<16xf32>,
        tpu.vector_store %arg10[%swap3A_747, %swap3A_748], %broadcast_in_dim3A_317 {strides = array<i32>} : memref<7x6144xf32, #tpu.memory_space<vmem>>, vector<16xf32>,
        %mul3A_750 = arith.constant 16 : i32
        %mul3A_751 = arith.muli %add3A_713, %mul3A_750 : i32
        %swap3A_752 = arith.constant 6 : i32
        %swap3A_753 = arith.index_cast %swap3A_752 : i32 to index
        %swap3A_754 = arith.index_cast %mul3A_751 : i32 to index
        %swap3A_755 = tpu.vector_load %arg10[%swap3A_753, %swap3A_754] {strides = array<i32>} : memref<7x6144xf32, #tpu.memory_space<vmem>>, vector<16xf32>,
        tpu.vector_store %arg10[%swap3A_753, %swap3A_754], %broadcast_in_dim3A_317 {strides = array<i32>} : memref<7x6144xf32, #tpu.memory_space<vmem>>, vector<16xf32>,
        %mul3A_756 = arith.constant 8 : i32
        %mul3A_757 = arith.muli %scan3A_355, %mul3A_756 : i32
        %add3A_758 = arith.constant 7 : i32
        %add3A_759 = arith.addi %mul3A_757, %add3A_758 : i32
        %mul3A_760 = arith.constant 16 : i32
        %mul3A_761 = arith.muli %add3A_759, %mul3A_760 : i32
        %swap3A_762 = arith.constant 0 : i32
        %swap3A_763 = arith.index_cast %swap3A_762 : i32 to index
        %swap3A_764 = arith.index_cast %mul3A_761 : i32 to index
        %swap3A_765 = tpu.vector_load %arg10[%swap3A_763, %swap3A_764] {strides = array<i32>} : memref<7x6144xf32, #tpu.memory_space<vmem>>, vector<16xf32>,
        tpu.vector_store %arg10[%swap3A_763, %swap3A_764], %broadcast_in_dim3A_317 {strides = array<i32>} : memref<7x6144xf32, #tpu.memory_space<vmem>>, vector<16xf32>,
        %mul3A_766 = arith.constant 16 : i32
        %mul3A_767 = arith.muli %add3A_759, %mul3A_766 : i32
        %swap3A_768 = arith.constant 1 : i32
        %swap3A_769 = arith.index_cast %swap3A_768 : i32 to index
        %swap3A_770 = arith.index_cast %mul3A_767 : i32 to index
        %swap3A_771 = tpu.vector_load %arg10[%swap3A_769, %swap3A_770] {strides = array<i32>} : memref<7x6144xf32, #tpu.memory_space<vmem>>, vector<16xf32>,
        tpu.vector_store %arg10[%swap3A_769, %swap3A_770], %broadcast_in_dim3A_317 {strides = array<i32>} : memref<7x6144xf32, #tpu.memory_space<vmem>>, vector<16xf32>,
        %mul3A_772 = arith.constant 16 : i32
        %mul3A_773 = arith.muli %add3A_759, %mul3A_772 : i32
        %swap3A_774 = arith.constant 2 : i32
        %swap3A_775 = arith.index_cast %swap3A_774 : i32 to index
        %swap3A_776 = arith.index_cast %mul3A_773 : i32 to index
        %swap3A_777 = tpu.vector_load %arg10[%swap3A_775, %swap3A_776] {strides = array<i32>} : memref<7x6144xf32, #tpu.memory_space<vmem>>, vector<16xf32>,
        tpu.vector_store %arg10[%swap3A_775, %swap3A_776], %broadcast_in_dim3A_317 {strides = array<i32>} : memref<7x6144xf32, #tpu.memory_space<vmem>>, vector<16xf32>,
        %mul3A_778 = arith.constant 16 : i32
        %mul3A_779 = arith.muli %add3A_759, %mul3A_778 : i32
        %swap3A_780 = arith.constant 3 : i32
        %swap3A_781 = arith.index_cast %swap3A_780 : i32 to index
        %swap3A_782 = arith.index_cast %mul3A_779 : i32 to index
        %swap3A_783 = tpu.vector_load %arg10[%swap3A_781, %swap3A_782] {strides = array<i32>} : memref<7x6144xf32, #tpu.memory_space<vmem>>, vector<16xf32>,
        tpu.vector_store %arg10[%swap3A_781, %swap3A_782], %broadcast_in_dim3A_317 {strides = array<i32>} : memref<7x6144xf32, #tpu.memory_space<vmem>>, vector<16xf32>,
        %mul3A_784 = arith.constant 16 : i32
        %mul3A_785 = arith.muli %add3A_759, %mul3A_784 : i32
        %swap3A_786 = arith.constant 4 : i32
        %swap3A_787 = arith.index_cast %swap3A_786 : i32 to index
        %swap3A_788 = arith.index_cast %mul3A_785 : i32 to index
        %swap3A_789 = tpu.vector_load %arg10[%swap3A_787, %swap3A_788] {strides = array<i32>} : memref<7x6144xf32, #tpu.memory_space<vmem>>, vector<16xf32>,
        tpu.vector_store %arg10[%swap3A_787, %swap3A_788], %broadcast_in_dim3A_317 {strides = array<i32>} : memref<7x6144xf32, #tpu.memory_space<vmem>>, vector<16xf32>,
        %mul3A_790 = arith.constant 16 : i32
        %mul3A_791 = arith.muli %add3A_759, %mul3A_790 : i32
        %swap3A_792 = arith.constant 5 : i32
        %swap3A_793 = arith.index_cast %swap3A_792 : i32 to index
        %swap3A_794 = arith.index_cast %mul3A_791 : i32 to index
        %swap3A_795 = tpu.vector_load %arg10[%swap3A_793, %swap3A_794] {strides = array<i32>} : memref<7x6144xf32, #tpu.memory_space<vmem>>, vector<16xf32>,
        tpu.vector_store %arg10[%swap3A_793, %swap3A_794], %broadcast_in_dim3A_317 {strides = array<i32>} : memref<7x6144xf32, #tpu.memory_space<vmem>>, vector<16xf32>,
        %mul3A_796 = arith.constant 16 : i32
        %mul3A_797 = arith.muli %add3A_759, %mul3A_796 : i32
        %swap3A_798 = arith.constant 6 : i32
        %swap3A_799 = arith.index_cast %swap3A_798 : i32 to index
        %swap3A_800 = arith.index_cast %mul3A_797 : i32 to index
        %swap3A_801 = tpu.vector_load %arg10[%swap3A_799, %swap3A_800] {strides = array<i32>} : memref<7x6144xf32, #tpu.memory_space<vmem>>, vector<16xf32>,
        tpu.vector_store %arg10[%swap3A_799, %swap3A_800], %broadcast_in_dim3A_317 {strides = array<i32>} : memref<7x6144xf32, #tpu.memory_space<vmem>>, vector<16xf32>,
        %add3A_802 = arith.constant 0 : i32
        %add3A_803 = vector.broadcast %add3A_802 : i32 to vector<16xi32>
        %add3A_804 = arith.addi %scan3A_356, %add3A_803 : vector<16xi32>
        tpu.vector_store_idx %arg10[%gather3A, %add3A_804], %gather3A_364 : memref<7x6144xf32, #tpu.memory_space<vmem>>[vector<16xi32>, vector<16xi32>], vector<16xf32>,
        %add3A_805 = arith.constant 16 : i32
        %add3A_806 = vector.broadcast %add3A_805 : i32 to vector<16xi32>
        %add3A_807 = arith.addi %scan3A_356, %add3A_806 : vector<16xi32>
        tpu.vector_store_idx %arg10[%gather3A_373, %add3A_807], %gather3A_374 : memref<7x6144xf32, #tpu.memory_space<vmem>>[vector<16xi32>, vector<16xi32>], vector<16xf32>,
        %add3A_808 = arith.constant 32 : i32
        %add3A_809 = vector.broadcast %add3A_808 : i32 to vector<16xi32>
        %add3A_810 = arith.addi %scan3A_356, %add3A_809 : vector<16xi32>
        tpu.vector_store_idx %arg10[%gather3A_383, %add3A_810], %gather3A_384 : memref<7x6144xf32, #tpu.memory_space<vmem>>[vector<16xi32>, vector<16xi32>], vector<16xf32>,
        %add3A_811 = arith.constant 48 : i32
        %add3A_812 = vector.broadcast %add3A_811 : i32 to vector<16xi32>
        %add3A_813 = arith.addi %scan3A_356, %add3A_812 : vector<16xi32>
        tpu.vector_store_idx %arg10[%gather3A_393, %add3A_813], %gather3A_394 : memref<7x6144xf32, #tpu.memory_space<vmem>>[vector<16xi32>, vector<16xi32>], vector<16xf32>,
        %add3A_814 = arith.constant 64 : i32
        %add3A_815 = vector.broadcast %add3A_814 : i32 to vector<16xi32>
        %add3A_816 = arith.addi %scan3A_356, %add3A_815 : vector<16xi32>
        tpu.vector_store_idx %arg10[%gather3A_403, %add3A_816], %gather3A_404 : memref<7x6144xf32, #tpu.memory_space<vmem>>[vector<16xi32>, vector<16xi32>], vector<16xf32>,
        %add3A_817 = arith.constant 80 : i32
        %add3A_818 = vector.broadcast %add3A_817 : i32 to vector<16xi32>
        %add3A_819 = arith.addi %scan3A_356, %add3A_818 : vector<16xi32>
        tpu.vector_store_idx %arg10[%gather3A_413, %add3A_819], %gather3A_414 : memref<7x6144xf32, #tpu.memory_space<vmem>>[vector<16xi32>, vector<16xi32>], vector<16xf32>,
        %add3A_820 = arith.constant 96 : i32
        %add3A_821 = vector.broadcast %add3A_820 : i32 to vector<16xi32>
        %add3A_822 = arith.addi %scan3A_356, %add3A_821 : vector<16xi32>
        tpu.vector_store_idx %arg10[%gather3A_423, %add3A_822], %gather3A_424 : memref<7x6144xf32, #tpu.memory_space<vmem>>[vector<16xi32>, vector<16xi32>], vector<16xf32>,
        %add3A_823 = arith.constant 112 : i32
        %add3A_824 = vector.broadcast %add3A_823 : i32 to vector<16xi32>
        %add3A_825 = arith.addi %scan3A_356, %add3A_824 : vector<16xi32>
        tpu.vector_store_idx %arg10[%gather3A_433, %add3A_825], %gather3A_434 : memref<7x6144xf32, #tpu.memory_space<vmem>>[vector<16xi32>, vector<16xi32>], vector<16xf32>,
        %add3A_826 = arith.constant 128 : i32
        %add3A_827 = vector.broadcast %add3A_826 : i32 to vector<16xi32>
        %add3A_828 = arith.addi %scan3A_356, %add3A_827 : vector<16xi32>
        scf.yield %add3A_828 : vector<16xi32>
      }
      %scan3A_324 = arith.constant 4 : i32
      %dma_start3A_325 = arith.constant 0 : i32
      %dma_start3A_326 = arith.constant 0 : i32
      %dma_start3A_327 = tpu.memref_slice %arg10[%dma_start3A_325, %dma_start3A_326] : memref<7x6144xf32, #tpu.memory_space<vmem>> -> memref<7x512xf32, #tpu.memory_space<vmem>>
      %dma_start3A_328 = arith.constant 0 : i32
      %dma_start3A_329 = arith.constant 999424 : i32
      %dma_start3A_330 = tpu.memref_slice %arg5[%dma_start3A_328, %dma_start3A_329] : memref<7x1000000xf32, #tpu.memory_space<hbm>> -> memref<7x512xf32, #tpu.memory_space<hbm>>
      %dma_start3A_331 = arith.constant 0 : i32
      %dma_start3A_332 = arith.constant 999424 : i32
      %dma_start3A_333 = tpu.memref_slice %arg5[%dma_start3A_331, %dma_start3A_332] : memref<7x1000000xf32, #tpu.memory_space<hbm>> -> memref<7x512xf32, #tpu.memory_space<hbm>>
      %dma_start3A_334 = arith.constant 0 : i32
      %dma_start3A_335 = arith.constant 0 : i32
      %dma_start3A_336 = tpu.memref_slice %arg10[%dma_start3A_334, %dma_start3A_335] : memref<7x6144xf32, #tpu.memory_space<vmem>> -> memref<7x512xf32, #tpu.memory_space<vmem>>
      tpu.enqueue_dma source(%dma_start3A_336 : memref<7x512xf32, #tpu.memory_space<vmem>>) target(%dma_start3A_333 : memref<7x512xf32, #tpu.memory_space<hbm>>) target_semaphore(%arg20 : memref<!tpu.dma_semaphore, #tpu.memory_space<semaphore_mem>>)
      %dma_wait3A_337 = arith.constant 0 : i32
      %dma_wait3A_338 = arith.constant 0 : i32
      %dma_wait3A_339 = tpu.memref_slice %arg10[%dma_wait3A_337, %dma_wait3A_338] : memref<7x6144xf32, #tpu.memory_space<vmem>> -> memref<7x512xf32, #tpu.memory_space<vmem>>
      %dma_wait3A_340 = arith.constant 0 : i32
      %dma_wait3A_341 = arith.constant 999424 : i32
      %dma_wait3A_342 = tpu.memref_slice %arg5[%dma_wait3A_340, %dma_wait3A_341] : memref<7x1000000xf32, #tpu.memory_space<hbm>> -> memref<7x512xf32, #tpu.memory_space<hbm>>
      %dma_wait3A_343 = arith.constant 0 : i32
      %dma_wait3A_344 = arith.constant 999424 : i32
      %dma_wait3A_345 = tpu.memref_slice %arg5[%dma_wait3A_343, %dma_wait3A_344] : memref<7x1000000xf32, #tpu.memory_space<hbm>> -> memref<7x512xf32, #tpu.memory_space<hbm>>
      %dma_wait3A_346 = arith.constant 0 : i32
      %dma_wait3A_347 = arith.constant 0 : i32
      %dma_wait3A_348 = tpu.memref_slice %arg10[%dma_wait3A_346, %dma_wait3A_347] : memref<7x6144xf32, #tpu.memory_space<vmem>> -> memref<7x512xf32, #tpu.memory_space<vmem>>
      tpu.wait_dma2 semaphore(%arg20 : memref<!tpu.dma_semaphore, #tpu.memory_space<semaphore_mem>>) src(%dma_wait3A_348 : memref<7x512xf32, #tpu.memory_space<vmem>>) dst(%dma_wait3A_345 : memref<7x512xf32, #tpu.memory_space<hbm>>)
      %dma_wait3A_349 = arith.constant 0 : i32
      %dma_wait3A_350 = arith.constant 999936 : i32
      %dma_wait3A_351 = tpu.memref_slice %arg5[%dma_wait3A_349, %dma_wait3A_350] : memref<7x1000000xf32, #tpu.memory_space<hbm>> -> memref<7x64xf32, #tpu.memory_space<hbm>>
      %dma_wait3A_352 = arith.constant 0 : i32
      %dma_wait3A_353 = arith.constant 999936 : i32
      %dma_wait3A_354 = tpu.memref_slice %arg5[%dma_wait3A_352, %dma_wait3A_353] : memref<7x1000000xf32, #tpu.memory_space<hbm>> -> memref<7x64xf32, #tpu.memory_space<hbm>>
      tpu.wait_dma2 semaphore(%arg21 : memref<!tpu.dma_semaphore, #tpu.memory_space<semaphore_mem>>) src(%arg15 : memref<7x64xf32, #tpu.memory_space<vmem>>) dst(%dma_wait3A_354 : memref<7x64xf32, #tpu.memory_space<hbm>>)
    } else {
    }
    %dma_wait3A_306 = arith.constant 0 : i32
    %dma_wait3A_307 = arith.constant 0 : i32
    %dma_wait3A_308 = tpu.memref_slice %arg11[%dma_wait3A_306, %dma_wait3A_307] : memref<7x6144xf32, #tpu.memory_space<vmem>> -> memref<7x512xf32, #tpu.memory_space<vmem>>
    %dma_wait3A_309 = arith.constant 0 : i32
    %dma_wait3A_310 = tpu.memref_slice %arg5[%dma_wait3A_309, %add3A_279] : memref<7x1000000xf32, #tpu.memory_space<hbm>> -> memref<7x512xf32, #tpu.memory_space<hbm>>
    %dma_wait3A_311 = arith.constant 0 : i32
    %dma_wait3A_312 = tpu.memref_slice %arg5[%dma_wait3A_311, %add3A_279] : memref<7x1000000xf32, #tpu.memory_space<hbm>> -> memref<7x512xf32, #tpu.memory_space<hbm>>
    %dma_wait3A_313 = arith.constant 0 : i32
    %dma_wait3A_314 = arith.constant 0 : i32
    %dma_wait3A_315 = tpu.memref_slice %arg11[%dma_wait3A_313, %dma_wait3A_314] : memref<7x6144xf32, #tpu.memory_space<vmem>> -> memref<7x512xf32, #tpu.memory_space<vmem>>
    tpu.wait_dma2 semaphore(%arg19 : memref<!tpu.dma_semaphore, #tpu.memory_space<semaphore_mem>>) src(%dma_wait3A_315 : memref<7x512xf32, #tpu.memory_space<vmem>>) dst(%dma_wait3A_312 : memref<7x512xf32, #tpu.memory_space<hbm>>)
    return
  }
}

</mosaic_0001>

<sc_bundles>
// kernel: _onehot_sc.3.cloned.1.call-start
scs
__scs_entry_jumppad:
0x0: {  	(pc) =	sbr.rel $0x88, $3  }
0x1: {  	(tag) =	ssettag $0x0;
	lr =	simm.s32 $0x1  }
0x2: {  	[smem:$0x3F9E] =	sst lr;
	_ =	strace $0xD0000000  }
0x3: {  	_ = 	snop  }
0x4: {  	_ = 	snop  }
0x5: {  	_ = 	snop  }
0x6: {  	_ = 	snop  }
0x7: {  	_ = 	snop  }
__scs_overlays_trampoline_lowered:
0x8: {  	[smem:$0x3FAD] =	sst s0  }
0x9: {  	[smem:$0x3FAE] =	sst s1  }
0xa: {  	[smem:$0x3FAF] =	sst s2  }
0xb: {  	[smem:$0x3FB0] =	sst s3  }
0xc: {  	[smem:$0x3FB1] =	sst s4  }
0xd: {  	[smem:$0x3FB2] =	sst s5  }
0xe: {  	[smem:$0x3FB3] =	sst s6  }
0xf: {  	[smem:$0x3FB4] =	sst s7  }
0x10: {  	[smem:$0x3FB5] =	sst s8  }
0x11: {  	[smem:$0x3FB6] =	sst s9;
	s0 =	simm.s32 @!p0 $0x0  }
0x12: {  	s1 =	sld [smem:$0x3F9C];
	s0 =	simm.s32 @p0 $0x1  }
0x13: {  	[smem:$0x3FB7] =	sst s0;
	s0 =	simm.s32 @!p1 $0x0  }
0x14: {  	s2 =	sld [smem:$0x3F9B];
	s0 =	simm.s32 @p1 $0x1  }
0x15: {  	[smem:$0x3FB8] =	sst s0;
	s0 =	simm.s32 @!p2 $0x0  }
0x16: {  	s3 =	sld [smem:$0x3FDB];
	s0 =	simm.s32 @p2 $0x1  }
0x17: {  	s4 =	simm.s32 $0x1BF5;
	[smem:$0x3FBA] =	sst s0  }
0x18: {  	s0 =	sld [smem:$0x3F9D];
	_ =	swait.ge [sflag:s4], $0x0  }
0x19: {  	s7 =	sld [smem:$0x3F9E]  }
0x1a: {  	s8 =	sadd.s32 $0xFFFFE003, lr  }
0x1b: {  	s9 =	sadd.s32 $0xFFFFFEF7, lr;
	s5 =	simm.s32 $0xFFFFFFFF;
	p2 =	slt.u32 s8, $0xFFFFF086  }
0x1c: {  	p1 =	slt.u32 s9, $0xF7A;
	s5 =	simm.s32 @!p2 $0x0  }
0x1d: {  	s5 =	simm.s32 @p1 $0x1;
	p0 =	seq.s32 s7, s2  }
0x1e: {  	s7 =	smul.u32 @!p0 $0xF7A, s2;
	p2 =	seq.s32 @!p0 s5, $0x0  }
0x1f: {  	s9 =	smul.u32 $0xF7A, s1;
	s8 =	simm.s32 @!p0 $0x1BF5;
	p2 =	por !p2, p0  }
0x20: {  	[sflag:s8] =	ssyncset.s32 @!p0 $0xFFFFF086;
	s6 =	sadd.s32 @!p0 s3, s7;
	s7 =	simm.s32 @!p0 $0x108  }
0x21: {  	s3 =	sadd.s32 s3, s9;
	s6 =	sadd.s32 @!p0 $0x88, s6;
	s7 =	simm.s32 @p2 $0x1082  }
0x22: {  	[simem:s7], [sflag:s8] =	dma.local @!p0 [hbm:s6], $0xF7A  }
0x23: {  	s9 =	sor.u32 $0xD0000000, s2;
	s6 =	simm.s32 $0x108;
	_ =	swait.ge @!p0 [sflag:s8], $0x0  }
0x24: {  	s3 =	sadd.s32 $0x88, s3;
	s6 =	simm.s32 @!p1 $0x1082;
	[sflag:s4] =	ssyncset.s32 $0xFFFFF086  }
0x25: {  	[simem:s6], [sflag:s4] =	dma.local [hbm:s3], $0xF7A  }
0x26: {  	[smem:$0x3F9E] =	sst s1;
	(tag) =	ssettag s2;
	_ =	strace s9  }
0x27: {  	s1 =	sld [smem:$0x3FAE]  }
0x28: {  	s2 =	sld [smem:$0x3FAF]  }
0x29: {  	s4 =	sld [smem:$0x3FB1]  }
0x2a: {  	p0 =	seq.s32 s5, $0x0;
	s5 =	sld [smem:$0x3FB2]  }
0x2b: {  	s6 =	sld [smem:$0x3FB3]  }
0x2c: {  	s7 =	sld [smem:$0x3FB4]  }
0x2d: {  	s3 =	simm.s32 $0x108;
	s8 =	sld [smem:$0x3FB5]  }
0x2e: {  	s3 =	simm.s32 @!p0 $0x1082;
	s9 =	sld [smem:$0x3FB6]  }
0x2f: {  	lr =	sadd.s32 s0, s3;
	s0 =	sld [smem:$0x3FAD]  }
0x30: {  	s3 =	sld [smem:$0x3FB0]  }
0x31: {  	[smem:$0x3FB9] =	sst s10  }
0x32: {  	s10 =	sld [smem:$0x3FB7];
	_ =	sdelay $0x3  }
0x33: {  	p0 =	seq.s32 s10, $0x1;
	s10 =	sld [smem:$0x3FB9];
	_ =	sdelay $0x3  }
0x34: {  	[smem:$0x3FB9] =	sst s10  }
0x35: {  	s10 =	sld [smem:$0x3FB8];
	_ =	sdelay $0x3  }
0x36: {  	p1 =	seq.s32 s10, $0x1;
	s10 =	sld [smem:$0x3FB9];
	_ =	sdelay $0x3  }
0x37: {  	[smem:$0x3FB9] =	sst s10  }
0x38: {  	s10 =	sld [smem:$0x3FBA]  }
0x39: {  	_ = 	snop;
	(pc) =	sbr.ind lr, $3  }
0x3a: {  	_ = 	snop  }
0x3b: {  	_ = 	snop  }
0x3c: {  	p2 =	seq.s32 s10, $0x1;
	s10 =	sld [smem:$0x3FB9]  }
0x3d: {  	_ =	shalt  }
0x3e: {  	_ =	shalt  }
0x3f: {  	_ =	shalt  }
0x40: {  	_ =	shalt  }
0x41: {  	_ =	shalt  }
0x42: {  	_ =	shalt  }
0x43: {  	_ =	shalt  }
0x44: {  	_ =	shalt  }
0x45: {  	_ =	shalt  }
0x46: {  	_ =	shalt  }
0x47: {  	_ =	shalt  }
0x48: {  	_ =	shalt  }
0x49: {  	_ =	shalt  }
0x4a: {  	_ =	shalt  }
0x4b: {  	_ =	shalt  }
0x4c: {  	_ =	shalt  }
0x4d: {  	_ =	shalt  }
0x4e: {  	_ =	shalt  }
0x4f: {  	_ =	shalt  }
0x50: {  	_ =	shalt  }
0x51: {  	_ =	shalt  }
0x52: {  	_ =	shalt  }
0x53: {  	_ =	shalt  }
0x54: {  	_ =	shalt  }
0x55: {  	_ =	shalt  }
0x56: {  	_ =	shalt  }
0x57: {  	_ =	shalt  }
0x58: {  	_ =	shalt  }
0x59: {  	_ =	shalt  }
0x5a: {  	_ =	shalt  }
0x5b: {  	_ =	shalt  }
0x5c: {  	_ =	shalt  }
0x5d: {  	_ =	shalt  }
0x5e: {  	_ =	shalt  }
0x5f: {  	_ =	shalt  }
0x60: {  	_ =	shalt  }
0x61: {  	_ =	shalt  }
0x62: {  	_ =	shalt  }
0x63: {  	_ =	shalt  }
0x64: {  	_ =	shalt  }
0x65: {  	_ =	shalt  }
0x66: {  	_ =	shalt  }
0x67: {  	_ =	shalt  }
0x68: {  	_ =	shalt  }
0x69: {  	_ =	shalt  }
0x6a: {  	_ =	shalt  }
0x6b: {  	_ =	shalt  }
0x6c: {  	_ =	shalt  }
0x6d: {  	_ =	shalt  }
0x6e: {  	_ =	shalt  }
0x6f: {  	_ =	shalt  }
0x70: {  	_ =	shalt  }
0x71: {  	_ =	shalt  }
0x72: {  	_ =	shalt  }
0x73: {  	_ =	shalt  }
0x74: {  	_ =	shalt  }
0x75: {  	_ =	shalt  }
0x76: {  	_ =	shalt  }
0x77: {  	_ =	shalt  }
0x78: {  	_ =	shalt  }
0x79: {  	_ =	shalt  }
0x7a: {  	_ =	shalt  }
0x7b: {  	_ =	shalt  }
0x7c: {  	_ =	shalt  }
0x7d: {  	_ =	shalt  }
0x7e: {  	_ =	shalt  }
0x7f: {  	_ =	shalt  }
0x80: {  	_ =	shalt  }
0x81: {  	_ =	shalt  }
0x82: {  	_ =	shalt  }
0x83: {  	_ =	shalt  }
0x84: {  	_ =	shalt  }
0x85: {  	_ =	shalt  }
0x86: {  	_ =	shalt  }
0x87: {  	_ =	shalt  }
.Lfunc_end0:
.L_simem_size_0:
called_computation_lowered:
.L_overlay_start_0:
0x88: {  	s2 =	sld [smem:$0x3FD9]  }
0x89: {  	s3 =	sld [smem:$0x3FFE];
	_ =	sdelay $0x1  }
0x8a: {  	s1 =	srdreg.scid  }
0x8b: {  	s0 =	sand.u32 $0x1, s1  }
0x8c: {  	s18 =	sshll.u32 s0, $0xA;
	s2 =	sadd.s32 s3, s2  }
0x8d: {  	s2 =	sadd.s32 s2, s18  }
0x8e: {  	[smem:$0x3FC5] =	sst s2  }
0x8f: {  	_ = 	snop  }
0x90: {  	s2 =	sld [smem:$0x3FC9]  }
0x91: {  	s19 =	sld [smem:$0x3FC8]  }
0x92: {  	s4 =	sld [smem:$0x3FC7]  }
0x93: {  	s5 =	sld [smem:$0x3FD0];
	(tm) =	ssettm $0x1  }
0x94: {  	s6 =	sld [smem:$0x3FFB];
	_ =	sdelay $0x3  }
0x95: {  	_ =	strace s6  }
0x96: {  	s6 =	sld [smem:$0x3FFC];
	_ =	sdelay $0x3  }
0x97: {  	_ =	strace s6  }
0x98: {  	s6 =	sld [smem:$0x3FFD];
	_ =	sdelay $0x3  }
0x99: {  	_ =	strace s6  }
0x9a: {  	_ =	strace $0x8FFFFFFF  }
0x9b: {  	s20 =	sld [smem:$0x3FDB];
	_ =	sdelay $0x1  }
0x9c: {  	s7 =	simm.s32 $_scs_section_size  }
0x9d: {  	s8 =	simm.s32 $_size__tile_overlayer_lowered;
	s9 =	simm.s32 $_tile_overlayer_lowered  }
0x9e: {  	s23 =	simm.s32 $0x1BFF;
	s22 =	sshll.u32 s9, $0x1;
	s6 =	sadd.s32 s7, s20  }
0x9f: {  	s10 =	simm.s32 $0x0;
	s21 =	sshll.u32 s8, $0x1;
	s8 =	sadd.s32 s22, s6  }
0xa0: {  	[timem:s10], [sflag:s23] =	dma.local [hbm:s8], s21  }
0xa1: {  	_ =	swait.ge [sflag:s23], s21  }
0xa2: {  	s7 =	ssub.s32 $0x0, s21;
	[sflag:s23] =	ssyncset.done $0x0  }
0xa3: {  	[sflag:s23] =	ssyncadd.s32 s7;
	_ =	sdelay $0x1  }
0xa4: {  	s24 =	simm.s32 $0x1B8B  }
0xa5: {  	_ =	swait.ge [sflag:s24], $0x1  }
0xa6: {  	[sflag:s24] =	ssyncset.done $0x0  }
0xa7: {  	s25 =	simm.s32 $0x1B8E;
	[sflag:s24] =	ssyncadd.s32 $0xFFFFFFFF  }
0xa8: {  	s26 =	simm.s32 $execute0_lowered;
	[smem:$0x3FD2] =	sst s25  }
0xa9: {  	s7 =	sshll.u32 s26, $0x1;
	_ =	strace $0x80000046;
	[dreg:$0x1] =	wrdreg $0xFFFFFFFF  }
0xaa: {  	s28 =	simm.s32 $_size_execute0_lowered;
	s6 =	sadd.s32 s6, s7;
	[dreg:$0x0] =	wrdreg $0x0  }
0xab: {  	s7 =	sshll.u32 s28, $0x1;
	[dreg:$0x2] =	wrdreg s6  }
0xac: {  	[dreg:$0x3] =	wrdreg s7  }
0xad: {  	[dreg:$0x4] =	wrdreg $0xC0  }
0xae: {  	_ =	task [dreg:s10], $0x5FFFF  }
0xaf: {  	[dreg:$0x1] =	wrdreg $0xFFFFFFFF  }
0xb0: {  	[dreg:$0x0] =	wrdreg $0x60  }
0xb1: {  	[dreg:$0x2] =	wrdreg s2  }
0xb2: {  	[dreg:$0x3] =	wrdreg s19  }
0xb3: {  	[dreg:$0x4] =	wrdreg s4  }
0xb4: {  	[dreg:$0x5] =	wrdreg s5  }
0xb5: {  	[dreg:$0x6] =	wrdreg $0x9  }
0xb6: {  	_ =	task.clear_ibuf [dreg:s10], $0x7FFFF;
	_ =	strace $0x90000046  }
0xb7: {  	s29 =	simm.s32 $0x9;
	_ =	strace $0x80000048  }
0xb8: {  	_ =	swait.ge [sflag:s29], $0x1  }
0xb9: {  	[sflag:s29] =	ssyncadd.s32 $0xFFFFFFFF  }
0xba: {  	_ =	strace $0x90000048  }
0xbb: {  	_ =	sfence  }
0xbc: {  	s30 =	sld [smem:$0x0];
	_ =	sdelay $0x2  }
0xbd: {  	s31 =	sshll.u32 s1, $0xD;
	s1 =	sshrl.u32 s1, $0x2  }
0xbe: {  	s3 =	sand.u32 $0x4000, s31;
	s1 =	sadd.s32 s1, s30  }
0xbf: {  	s0 =	sor.u32 s3, s0;
	s1 =	sshll.u32 s1, $0x11  }
0xc0: {  	s0 =	sor.u32 s1, s0  }
0xc1: {  	s0 =	sadd.s32 $0x8F2B, s0  }
0xc2: {  	[sflag:s0] =	ssyncadd.remote.s32 $0x1  }
0xc3: {  	_ =	sfence.sel $0xFFFF  }
0xc4: {  	[dreg:$0x0] =	wrdreg $0xFFFFFFFF;
	(pc) =	sbr.abs _section_cstart, $3  }
0xc5: {  	[dreg:$0x1] =	wrdreg $0xFFFFFFFF  }
0xc6: {  	_ =	task.clear_ibuf [dreg:s10], $0x2FFFF;
	_ =	strace $0x9FFFFFFF  }
0xc7: {  	(tm) =	ssettm $0x7FFFFFFF  }
tec
execute0_lowered:
.L_overlay_start_1:
0x0: {  	(tag) =	ssettag $0x1  }
0x1: {  	s0 =	rddreg [dreg:$0x0]  }
0x2: {  	s1 =	srdreg.scid;
	s3 =	stileid.u32  }
0x3: {  	s2 =	rddreg [dreg:$0x3];
	s4 =	simm.s32 $0x0;
	s28 =	simm.s32 $0x2  }
0x4: {  	s29 =	simm.s32 $0xF100;
	s30 =	simm.s32 $0x3;
	s31 =	simm.s32 $0x4  }
0x5: {  	s1 =	sand.u32 $0x1, s1;
	s3 =	sshll.u32 s3, $0x1;
	[smem:$0x7FF] =	sst s4  }
0x6: {  	s20 =	sadd.s32 $0x1E800, s0;
	s26 =	sadd.s32 $0xF4000, s2;
	s3 =	sor.u32 s1, s3  }
0x7: {  	s1 =	ssub.s32 $0x2, s1;
	_ =	strace $0x80000047;
	[dreg:$0x7] =	wrdreg s20  }
0x8: {  	[dreg:$0x8] =	wrdreg s26;
	s26 =	simm.s32 $0x3100;
	s5 =	smul.u32 $0x7A00, s3  }
0x9: {  	s6 =	sshrl.u32 s1, $0x1;
	p0 =	sne.s32 s3, $0x1F;
	s3 =	simm.s32 $0x0  }
0xa: {  	s1 =	ssub.s32 s1, s6;
	s18 =	sshrl.u32 s5, $0x3;
	s7 =	sadd.s32 $0x1800, s5  }
0xb: {  	s12 =	sadd.s32 $0x3000, s5;
	s8 =	sadd.s32 s2, s5;
	s22 =	sadd.s32 $0x4800, s5  }
0xc: {  	s16 =	sadd.s32 $0x6000, s5;
	s5 =	sadd.s32 $0x7800, s5;
	s20 =	smax.u32 s1, $0x1  }
0xd: {  	s6 =	sadd.s32 s0, s18;
	s19 =	sshrl.u32 s7, $0x3;
	s21 =	sshrl.u32 s12, $0x3  }
0xe: {  	s10 =	sadd.s32 s2, s7;
	s23 =	sshrl.u32 s22, $0x3;
	s24 =	sshrl.u32 s16, $0x3  }
0xf: {  	s12 =	sadd.s32 s2, s12;
	s25 =	sshrl.u32 s5, $0x3;
	s14 =	sadd.s32 s2, s22  }
0x10: {  	s16 =	sadd.s32 s2, s16;
	s17 =	sadd.s32 s2, s5;
	s18 =	sadd.s32 $0xF4200, s2  }
.Ltmp0:
0x11: {  	s22 =	simm.s32 $0x80;
	s2 =	simm.s32 $0x5;
	(pc) =	sbr.rel .LBB2_1-.Ltmp0, $4  }
0x12: {  	[dreg:$0x5] =	wrdreg s6;
	s6 =	sadd.s32 s0, s19;
	s9 =	sadd.s32 s0, s21  }
0x13: {  	s11 =	sadd.s32 s0, s23;
	s13 =	sadd.s32 s0, s24;
	s15 =	sadd.s32 s0, s25  }
0x14: {  	s21 =	simm.s32 $0x7;
	s23 =	simm.s32 $0x100;
	s24 =	simm.s32 $0x1900  }
0x15: {  	v0 =	vimm.f32 $0.0e+00;
	s25 =	simm.s32 $0x1;
	s0 =	simm.s32 $0x1E380;
	[dreg:$0x6] =	wrdreg s6  }
.LBB2_29:
0x16: {  	_ =	swait.ge [sflag:s30], $0xC000  }
0x17: {  	[sflag:s30] =	ssyncset.done $0x0  }
0x18: {  	[sflag:s30] =	ssyncadd.s32 $0xFFFF4000  }
.LBB2_30:
0x19: {  	s3 =	sadd.s32 $0x1, s3  }
0x1a: {  	p1 =	sne.s32 s3, s20  }
.Ltmp1:
0x1b: {  	_ = 	snop;
	(pc) =	sbr.rel @!p1 .LBB2_31-.Ltmp1, $4  }
0x1c: {  	_ = 	snop  }
0x1d: {  	_ =	swait.ge [sflag:s31], $0x1000  }
0x1e: {  	[sflag:s31] =	ssyncset.done $0x0  }
0x1f: {  	[sflag:s31] =	ssyncadd.s32 $0xFFFFF000  }
.LBB2_1:
0x20: {  	s1 =	rddreg [dreg:$0x1]  }
0x21: {  	[tilespmem:s4], [sflag:$0x7] =	stream.linear.gather [hbm4b:s1+s4], $0x80, $0x38;
	[tilespmem:$0x1E780] =	vst v63  }
0x22: {  	_ =	swait.ge [sflag:s21], $0x80  }
0x23: {  	[sflag:s21] =	ssyncset.done $0x0  }
0x24: {  	[sflag:s21] =	ssyncadd.s32 $0xFFFFFF80  }
0x25: {  	s6 =	rddreg [dreg:$0x2]  }
0x26: {  	[tilespmem:s22], [sflag:$0x7] =	stream.linear.gather [hbm4b:s6+s4], $0x80, $0x38;
	[tilespmem:$0x1E780] =	vst v63  }
0x27: {  	_ =	swait.ge [sflag:s21], $0x80  }
0x28: {  	[sflag:s21] =	ssyncset.done $0x0  }
0x29: {  	s7 =	rddreg [dreg:$0x5];
	[sflag:s21] =	ssyncadd.s32 $0xFFFFFF80  }
0x2a: {  	[tilespmem:s23], [sflag:$0x1] =	stream.linear.gather [hbm4b:s7+s4], $0x1800, $0x38;
	[tilespmem:$0x1E780] =	vst v63  }
0x2b: {  	s19 =	rddreg [dreg:$0x6]  }
0x2c: {  	[tilespmem:s24], [sflag:$0x2] =	stream.linear.gather [hbm4b:s19+s4], $0x1800, $0x38;
	[tilespmem:$0x1E780] =	vst v63  }
0x2d: {  	s5 =	simm.s32 @!p0 $0x1E100;
	s1 =	simm.s32 @!p0 $0x0;
	s6 =	rddreg [dreg:$0x7]  }
0x2e: {  	[tilespmem:s5], [sflag:$0x5] =	stream.linear.gather @!p0 [hbm4b:s6+s1], $0x240, $0x38;
	[tilespmem:$0x1E780] =	vst v63  }
0x2f: {  	s5 =	sand.u32 $0x70, s4;
	s6 =	sand.u32 $0xFC00, s4  }
0x30: {  	s1 =	sor.u32 s5, s6  }
0x31: {  	[tilespmem:s1+$0x3400] =	vst v0  }
0x32: {  	[tilespmem:s1+$0x3100] =	vst v0  }
0x33: {  	[tilespmem:s1+$0x3180] =	vst v0  }
0x34: {  	[tilespmem:s1+$0x3200] =	vst v0  }
0x35: {  	s7 =	simm.s32 $0x10;
	s19 =	simm.s32 $0x80;
	[tilespmem:s1+$0x3280] =	vst v0  }
0x36: {  	s6 =	sand.u32 $0x70, s7;
	s7 =	sand.u32 $0xFC00, s19;
	s5 =	simm.s32 $0x20;
	[tilespmem:s1+$0x3300] =	vst v0  }
.LBB2_2:
0x37: {  	p1 =	sne.s32 s5, $0x17F0;
	[tilespmem:s1+$0x3380] =	vst v0;
	s1 =	sor.u32 s6, s7  }
0x38: {  	[tilespmem:s1+$0x3400] =	vst v0  }
.Ltmp2:
0x39: {  	[tilespmem:s1+$0x3100] =	vst v0;
	(pc) =	sbr.rel @p1 .LBB2_2-.Ltmp2, $4  }
0x3a: {  	[tilespmem:s1+$0x3180] =	vst v0  }
0x3b: {  	[tilespmem:s1+$0x3200] =	vst v0  }
0x3c: {  	s19 =	sadd.s32 $0x80, s19;
	[tilespmem:s1+$0x3280] =	vst v0  }
0x3d: {  	s6 =	sand.u32 $0x70, s5;
	s5 =	sadd.s32 $0x10, s5;
	s7 =	sand.u32 $0xFC00, s19;
	[tilespmem:s1+$0x3300] =	vst v0  }
0x3e: {  	s5 =	sor.u32 s6, s7;
	[tilespmem:s1+$0x3380] =	vst v0  }
0x3f: {  	[tilespmem:s5+$0x3400] =	vst v0  }
0x40: {  	[tilespmem:s5+$0x3100] =	vst v0  }
0x41: {  	[tilespmem:s5+$0x3180] =	vst v0  }
0x42: {  	[tilespmem:s5+$0x3200] =	vst v0  }
0x43: {  	[tilespmem:s5+$0x3280] =	vst v0  }
0x44: {  	[tilespmem:s5+$0x3300] =	vst v0  }
0x45: {  	[tilespmem:s5+$0x3380] =	vst v0  }
0x46: {  	_ =	swait.ge [sflag:s25], $0x1800  }
0x47: {  	[sflag:s25] =	ssyncset.done $0x0  }
0x48: {  	s19 =	simm.s32 $0x0;
	[sflag:s25] =	ssyncadd.s32 $0xFFFFE800  }
0x49: {  	v23 =	vld [tilespmem:s19+$0x100]  }
0x4a: {  	v4 =	vld [tilespmem:s19+$0x150]  }
0x4b: {  	v5 =	vld [tilespmem:s19+$0x110]  }
0x4c: {  	v26 =	vld [tilespmem:s19+$0x140]  }
0x4d: {  	v8 =	vlaneseq.u32;
	v20 =	vld [tilespmem:s19+$0x170]  }
0x4e: {  	v11 =	vadd.s32 $0x40, v8;
	v12 =	vadd.s32 $0x50, v8;
	v25 =	vld [tilespmem:s19+$0x160]  }
0x4f: {  	v2 =	vadd.s32 $0x60, v8;
	v1 =	vadd.s32 $0x70, v8;
	v17 =	vadd.s32 $0x20, v8;
	v29 =	vld [tilespmem:s19+$0x120]  }
0x50: {  	v7 =	vadd.s32 $0x30, v8;
	v10 =	vshll.u32 v8, $0x3;
	v18 =	vadd.s32 $0x10, v8;
	v28 =	vld [tilespmem:s19+$0x130]  }
0x51: {  	v19 =	vand.u32 $0x7F, v8;
	v3 =	vshll.u32 v11, $0x3;
	v6 =	vshll.u32 v12, $0x3;
	v22 =	vld.idx.msk [tilespmem:v23+s4+$0x0], $0xffff  }
0x52: {  	v27 =	vshll.u32 v2, $0x3;
	v9 =	vand.u32 $0x7F, v7;
	v7 =	vshll.u32 v7, $0x3;
	v14 =	vld.idx.msk [tilespmem:v4+s4+$0x0], $0xffff  }
0x53: {  	v16 =	vshll.u32 v1, $0x3;
	v13 =	vand.u32 $0x7F, v17;
	v15 =	vand.u32 $0xFFFFFC00, v7;
	v7 =	vld.idx.msk [tilespmem:v5+s22+$0x0], $0xffff  }
0x54: {  	v31 =	vand.u32 $0xFFFFFC00, v10;
	v10 =	vand.u32 $0x7F, v18;
	v17 =	vshll.u32 v17, $0x3;
	v24 =	vld.idx.msk [tilespmem:v5+s4+$0x0], $0xffff  }
0x55: {  	v18 =	vshll.u32 v18, $0x3;
	v11 =	vand.u32 $0x7F, v11;
	v21 =	vand.u32 $0xFFFFFC00, v17;
	v5 =	vld.idx.msk [tilespmem:v4+s22+$0x0], $0xffff  }
0x56: {  	s1 =	simm.s32 $0x200;
	v30 =	vand.u32 $0xFFFFFC00, v18;
	v18 =	vand.u32 $0x7F, v12;
	v12 =	vand.u32 $0xFFFFFC00, v16;
	v4 =	vld.idx.msk [tilespmem:v20+s22+$0x0], $0xffff  }
.LBB2_4:
0x57: {  	p1 =	sne.s32 s1, $0x5E00;
	v32 =	vld.idx.msk [tilespmem:v26+s4+$0x0], $0xffff;
	v33 =	vshrl.u32 v22, $0x3;
	v27 =	vand.u32 $0xFFFFFC00, v27;
	v8 =	vadd.s32 $0x80, v8;
	s5 =	smov.u32 s1;
	s1 =	sadd.s32 $0x200, s1  }
0x58: {  	v17 =	vadd.s32 $0x40, v8;
	v16 =	vadd.s32 $0x50, v8;
	v34 =	vld.idx.msk [tilespmem:v29+s22+$0x0], $0xffff;
	v33 =	vmul.u32 $0xC000, v33  }
0x59: {  	v38 =	vshll.u32 v22, $0x7;
	v35 =	vshll.u32 v17, $0x3;
	v36 =	vshll.u32 v16, $0x3;
	v37 =	vld.idx.msk [tilespmem:v25+s4+$0x0], $0xffff  }
0x5a: {  	v29 =	vld.idx.msk [tilespmem:v29+s4+$0x0], $0xffff;
	v31 =	vadd.s32 v31, v33;
	v33 =	vand.u32 $0x380, v38;
	v38 =	vshrl.u32 v24, $0x3  }
0x5b: {  	v39 =	vld.idx.msk [tilespmem:v28+s4+$0x0], $0xffff;
	v31 =	vor.u32 v33, v31;
	v33 =	vmul.u32 $0xC000, v38;
	v38 =	vshll.u32 v24, $0x7  }
0x5c: {  	v41 =	vand.u32 $0xFFFFFC00, v6;
	v40 =	vadd.s32 $0x60, v8;
	v6 =	vmovc v36;
	v26 =	vld.idx.msk [tilespmem:v26+s22+$0x0], $0xffff;
	v38 =	vand.u32 $0x380, v38  }
0x5d: {  	v36 =	vshll.u32 v32, $0x7;
	v23 =	vld.idx.msk [tilespmem:v23+s22+$0x0], $0xffff;
	v30 =	vadd.s32 v30, v33;
	v33 =	vshrl.u32 v32, $0x3  }
0x5e: {  	v42 =	vshrl.u32 v14, $0x3;
	v43 =	vshll.u32 v14, $0x7;
	v28 =	vld.idx.msk [tilespmem:v28+s22+$0x0], $0xffff;
	v33 =	vmul.u32 $0xC000, v33  }
0x5f: {  	v43 =	vand.u32 $0x380, v43;
	v36 =	vand.u32 $0x380, v36;
	v44 =	vshrl.u32 v37, $0x3;
	v25 =	vld.idx.msk [tilespmem:v25+s22+$0x0], $0xffff  }
0x60: {  	v42 =	vmul.u32 $0xC000, v42;
	v45 =	vshrl.u32 v29, $0x3;
	v46 =	vshll.u32 v29, $0x7;
	v20 =	vld.idx.msk [tilespmem:v20+s4+$0x0], $0xffff  }
0x61: {  	v45 =	vmul.u32 $0xC000, v45;
	v47 =	vshrl.u32 v39, $0x3;
	[tilespmem:s19+$0x1B130] =	vst v39;
	v39 =	vshll.u32 v39, $0x7  }
0x62: {  	s5 =	sshra.s32 s5, $0x2;
	v41 =	vadd.s32 v41, v42;
	[tilespmem:s19+$0x1B100] =	vst v22;
	v22 =	vmul.u32 $0xC000, v47;
	v47 =	vand.u32 $0xFFFFFC00, v3;
	v3 =	vmovc v35  }
0x63: {  	v21 =	vadd.s32 v21, v45;
	v35 =	vor.u32 v43, v41;
	[tilespmem:s19+$0x1B110] =	vst v24;
	v24 =	vand.u32 $0x380, v46  }
0x64: {  	[tilespmem:s19+$0x1B120] =	vst v29;
	v21 =	vor.u32 v24, v21;
	v15 =	vadd.s32 v15, v22;
	v22 =	vand.u32 $0x380, v39  }
0x65: {  	[tilespmem:s19+$0x1B140] =	vst v32;
	v13 =	vor.u32 v13, v21;
	v15 =	vor.u32 v22, v15;
	v21 =	vadd.s32 v47, v33  }
0x66: {  	v22 =	vshll.u32 v37, $0x7;
	[tilespmem:s19+$0x1B170] =	vst v20;
	v9 =	vor.u32 v9, v15;
	v15 =	vmul.u32 $0xC000, v44  }
0x67: {  	v22 =	vand.u32 $0x380, v22;
	[tilespmem:s19+$0x1B150] =	vst v14;
	v14 =	vor.u32 v19, v31;
	v19 =	vor.u32 v38, v30  }
0x68: {  	v18 =	vor.u32 v18, v35;
	[tilespmem:s19+$0x1B160] =	vst v37;
	v10 =	vor.u32 v10, v19;
	v15 =	vadd.s32 v27, v15;
	s19 =	smov.u32 s5  }
0x69: {  	v19 =	vor.u32 v36, v21;
	v21 =	vshrl.u32 v20, $0x3;
	v15 =	vor.u32 v22, v15  }
0x6a: {  	v27 =	vshll.u32 v40, $0x3;
	v22 =	vadd.s32 $0x70, v8;
	v21 =	vmul.u32 $0xC000, v21  }
0x6b: {  	v11 =	vor.u32 v11, v19;
	v19 =	vshll.u32 v20, $0x7;
	v32 =	vshll.u32 v22, $0x3  }
0x6c: {  	v19 =	vand.u32 $0x380, v19;
	v12 =	vadd.s32 v12, v21;
	[tilespmem:v14+s26+$0x0] =	vst.idx.msk $0xffff, v23;
	v14 =	vand.u32 $0x7F, v2;
	v2 =	vmovc v40  }
0x6d: {  	[tilespmem:v10+s26+$0x0] =	vst.idx.msk $0xffff, v7;
	v7 =	vor.u32 v14, v15;
	v14 =	vand.u32 $0x7F, v1;
	v10 =	vor.u32 v19, v12  }
0x6e: {  	v1 =	vmov v22;
	[tilespmem:v13+s26+$0x0] =	vst.idx.msk $0xffff, v34;
	v10 =	vor.u32 v14, v10  }
0x6f: {  	v12 =	vadd.s32 $0x20, v8;
	v13 =	vadd.s32 $0x30, v8;
	[tilespmem:v9+s26+$0x0] =	vst.idx.msk $0xffff, v28  }
0x70: {  	v19 =	vadd.s32 $0x10, v8;
	v14 =	vshll.u32 v8, $0x3;
	v9 =	vand.u32 $0x7F, v13;
	[tilespmem:v11+s26+$0x0] =	vst.idx.msk $0xffff, v26  }
0x71: {  	v11 =	vshll.u32 v13, $0x3;
	[tilespmem:v18+s26+$0x0] =	vst.idx.msk $0xffff, v5  }
0x72: {  	v13 =	vand.u32 $0x7F, v12;
	[tilespmem:v7+s26+$0x0] =	vst.idx.msk $0xffff, v25  }
0x73: {  	v15 =	vand.u32 $0xFFFFFC00, v11;
	[tilespmem:v10+s26+$0x0] =	vst.idx.msk $0xffff, v4  }
0x74: {  	v31 =	vand.u32 $0xFFFFFC00, v14;
	v10 =	vand.u32 $0x7F, v19;
	v23 =	vld [tilespmem:s19+$0x100]  }
0x75: {  	v5 =	vshll.u32 v12, $0x3;
	v4 =	vld [tilespmem:s19+$0x150]  }
0x76: {  	v7 =	vshll.u32 v19, $0x3;
	v21 =	vand.u32 $0xFFFFFC00, v5;
	v11 =	vld [tilespmem:s19+$0x110]  }
0x77: {  	v26 =	vld [tilespmem:s19+$0x140]  }
0x78: {  	v30 =	vand.u32 $0xFFFFFC00, v7;
	v20 =	vld [tilespmem:s19+$0x170]  }
0x79: {  	v25 =	vld [tilespmem:s19+$0x160]  }
0x7a: {  	v29 =	vld [tilespmem:s19+$0x120]  }
0x7b: {  	v28 =	vld [tilespmem:s19+$0x130]  }
0x7c: {  	v22 =	vld.idx.msk [tilespmem:v23+s4+$0x0], $0xffff  }
.Ltmp3:
0x7d: {  	v14 =	vld.idx.msk [tilespmem:v4+s4+$0x0], $0xffff;
	(pc) =	sbr.rel @p1 .LBB2_4-.Ltmp3, $4  }
0x7e: {  	v7 =	vld.idx.msk [tilespmem:v11+s22+$0x0], $0xffff  }
0x7f: {  	v24 =	vld.idx.msk [tilespmem:v11+s4+$0x0], $0xffff  }
0x80: {  	v11 =	vand.u32 $0x7F, v17;
	v5 =	vld.idx.msk [tilespmem:v4+s22+$0x0], $0xffff  }
0x81: {  	v18 =	vand.u32 $0x7F, v16;
	v12 =	vand.u32 $0xFFFFFC00, v32;
	v19 =	vand.u32 $0x7F, v8;
	v4 =	vld.idx.msk [tilespmem:v20+s22+$0x0], $0xffff  }
0x82: {  	_ =	sdelay $0x3  }
0x83: {  	v8 =	vshrl.u32 v22, $0x3;
	v16 =	vld.idx.msk [tilespmem:v26+s4+$0x0], $0xffff;
	v17 =	vand.u32 $0xFFFFFC00, v27;
	v32 =	vshll.u32 v22, $0x7  }
0x84: {  	v63 =	vld.idx.msk [tilespmem:v25+s4+$0x0], $0xffff;
	v6 =	vand.u32 $0xFFFFFC00, v6;
	v36 =	vshrl.u32 v14, $0x3;
	v37 =	vshll.u32 v14, $0x7  }
0x85: {  	v33 =	vld.idx.msk [tilespmem:v29+s4+$0x0], $0xffff;
	v3 =	vand.u32 $0xFFFFFC00, v3;
	v2 =	vand.u32 $0x7F, v2;
	v8 =	vmul.u32 $0xC000, v8  }
0x86: {  	v35 =	vld.idx.msk [tilespmem:v28+s4+$0x0], $0xffff;
	v32 =	vand.u32 $0x380, v32;
	v36 =	vmul.u32 $0xC000, v36;
	v43 =	vshrl.u32 v24, $0x3  }
0x87: {  	v34 =	vshll.u32 v24, $0x7;
	v8 =	vadd.s32 v31, v8;
	v31 =	vmul.u32 $0xC000, v43  }
0x88: {  	v20 =	vld.idx.msk [tilespmem:v20+s4+$0x0], $0xffff;
	v37 =	vand.u32 $0x380, v37;
	v44 =	vand.u32 $0x380, v34;
	v6 =	vadd.s32 v6, v36  }
0x89: {  	v45 =	vld.idx.msk [tilespmem:v29+s22+$0x0], $0xffff;
	v8 =	vor.u32 v32, v8;
	v6 =	vor.u32 v37, v6;
	v30 =	vadd.s32 v30, v31  }
0x8a: {  	v48 =	vld.idx.msk [tilespmem:v26+s22+$0x0], $0xffff;
	v46 =	vshrl.u32 v16, $0x3;
	v47 =	vshll.u32 v16, $0x7;
	v38 =	vshrl.u32 v63, $0x3  }
0x8b: {  	v23 =	vld.idx.msk [tilespmem:v23+s22+$0x0], $0xffff;
	v39 =	vshrl.u32 v33, $0x3;
	v40 =	vshll.u32 v33, $0x7;
	v41 =	vshrl.u32 v35, $0x3  }
0x8c: {  	v49 =	vld.idx.msk [tilespmem:v28+s22+$0x0], $0xffff;
	v51 =	vshll.u32 v35, $0x7;
	v8 =	vor.u32 v19, v8;
	v56 =	vshll.u32 v63, $0x7  }
0x8d: {  	v50 =	vld.idx.msk [tilespmem:v25+s22+$0x0], $0xffff;
	[tilespmem:s19+$0x1B100] =	vst v22;
	v6 =	vor.u32 v18, v6;
	v58 =	vshrl.u32 v20, $0x3;
	v61 =	vshll.u32 v20, $0x7  }
0x8e: {  	[tilespmem:s19+$0x1B150] =	vst v14;
	v31 =	vmul.u32 $0xC000, v46;
	v34 =	vand.u32 $0x380, v47;
	v39 =	vmul.u32 $0xC000, v39  }
0x8f: {  	[tilespmem:s19+$0x1B110] =	vst v24;
	v41 =	vmul.u32 $0xC000, v41;
	v52 =	vand.u32 $0x380, v40;
	v53 =	vand.u32 $0x380, v51  }
0x90: {  	[tilespmem:s19+$0x1B130] =	vst v35;
	v54 =	vor.u32 v44, v30;
	v55 =	vmul.u32 $0xC000, v38;
	v21 =	vadd.s32 v21, v39  }
0x91: {  	[tilespmem:s19+$0x1B120] =	vst v33;
	v10 =	vor.u32 v10, v54;
	v15 =	vadd.s32 v15, v41;
	v21 =	vor.u32 v52, v21  }
0x92: {  	[tilespmem:s19+$0x1B140] =	vst v16;
	v3 =	vadd.s32 v3, v31;
	v15 =	vor.u32 v53, v15;
	v13 =	vor.u32 v13, v21  }
0x93: {  	[tilespmem:s19+$0x1B170] =	vst v20;
	v60 =	vmul.u32 $0xC000, v58;
	v3 =	vor.u32 v34, v3;
	v9 =	vor.u32 v9, v15  }
0x94: {  	[tilespmem:s19+$0x1B160] =	vst v63;
	v57 =	vand.u32 $0x380, v56;
	v59 =	vadd.s32 v17, v55;
	v3 =	vor.u32 v11, v3  }
0x95: {  	v62 =	vadd.s32 v12, v60;
	v14 =	vor.u32 v57, v59;
	[tilespmem:v8+s26+$0x0] =	vst.idx.msk $0xffff, v23;
	v11 =	vand.u32 $0x380, v61  }
0x96: {  	v1 =	vand.u32 $0x7F, v1;
	v2 =	vor.u32 v2, v14;
	v63 =	vor.u32 v11, v62;
	[tilespmem:v10+s26+$0x0] =	vst.idx.msk $0xffff, v7  }
0x97: {  	v1 =	vor.u32 v1, v63;
	[tilespmem:v13+s26+$0x0] =	vst.idx.msk $0xffff, v45  }
0x98: {  	[tilespmem:v9+s26+$0x0] =	vst.idx.msk $0xffff, v49  }
0x99: {  	[tilespmem:v3+s26+$0x0] =	vst.idx.msk $0xffff, v48  }
0x9a: {  	[tilespmem:v6+s26+$0x0] =	vst.idx.msk $0xffff, v5  }
0x9b: {  	[tilespmem:v2+s26+$0x0] =	vst.idx.msk $0xffff, v50  }
0x9c: {  	s1 =	simm.s32 $0x0;
	[tilespmem:v1+s26+$0x0] =	vst.idx.msk $0xffff, v4  }
0x9d: {  	[hbm4b:s8+s1] =	stream.linear.scatter [tilespmem:s26], [sflag:$0x3], $0xC000, $0x38;
	[tilespmem:$0x1E780] =	vst v63  }
0x9e: {  	s5 =	sand.u32 $0x70, s1;
	s1 =	sand.u32 $0xFC00, s1  }
0x9f: {  	s1 =	sor.u32 s5, s1  }
0xa0: {  	[tilespmem:s1+$0xF400] =	vst v0  }
0xa1: {  	[tilespmem:s1+$0xF100] =	vst v0  }
0xa2: {  	[tilespmem:s1+$0xF180] =	vst v0  }
0xa3: {  	[tilespmem:s1+$0xF200] =	vst v0  }
0xa4: {  	s7 =	simm.s32 $0x10;
	s19 =	simm.s32 $0x80;
	[tilespmem:s1+$0xF280] =	vst v0  }
0xa5: {  	s6 =	sand.u32 $0x70, s7;
	s7 =	sand.u32 $0xFC00, s19;
	s5 =	simm.s32 $0x20;
	[tilespmem:s1+$0xF300] =	vst v0  }
.LBB2_6:
0xa6: {  	p1 =	sne.s32 s5, $0x17F0;
	[tilespmem:s1+$0xF380] =	vst v0;
	s1 =	sor.u32 s6, s7  }
0xa7: {  	[tilespmem:s1+$0xF400] =	vst v0  }
.Ltmp4:
0xa8: {  	[tilespmem:s1+$0xF100] =	vst v0;
	(pc) =	sbr.rel @p1 .LBB2_6-.Ltmp4, $4  }
0xa9: {  	[tilespmem:s1+$0xF180] =	vst v0  }
0xaa: {  	[tilespmem:s1+$0xF200] =	vst v0  }
0xab: {  	s19 =	sadd.s32 $0x80, s19;
	[tilespmem:s1+$0xF280] =	vst v0  }
0xac: {  	s6 =	sand.u32 $0x70, s5;
	s5 =	sadd.s32 $0x10, s5;
	s7 =	sand.u32 $0xFC00, s19;
	[tilespmem:s1+$0xF300] =	vst v0  }
0xad: {  	s5 =	sor.u32 s6, s7;
	[tilespmem:s1+$0xF380] =	vst v0  }
0xae: {  	[tilespmem:s5+$0xF400] =	vst v0  }
0xaf: {  	[tilespmem:s5+$0xF100] =	vst v0  }
0xb0: {  	[tilespmem:s5+$0xF180] =	vst v0  }
0xb1: {  	[tilespmem:s5+$0xF200] =	vst v0  }
0xb2: {  	[tilespmem:s5+$0xF280] =	vst v0  }
0xb3: {  	[tilespmem:s5+$0xF300] =	vst v0  }
0xb4: {  	s19 =	simm.s32 $0x0;
	[tilespmem:s5+$0xF380] =	vst v0  }
0xb5: {  	[tilespmem:s23], [sflag:$0x1] =	stream.linear.gather [hbm4b:s9+s19], $0x1800, $0x38;
	[tilespmem:$0x1E780] =	vst v63  }
0xb6: {  	_ =	swait.ge [sflag:s28], $0x1800  }
0xb7: {  	[sflag:s28] =	ssyncset.done $0x0  }
0xb8: {  	s19 =	simm.s32 $0x0;
	[sflag:s28] =	ssyncadd.s32 $0xFFFFE800  }
0xb9: {  	v23 =	vld [tilespmem:s19+$0x1900]  }
0xba: {  	v4 =	vld [tilespmem:s19+$0x1950]  }
0xbb: {  	v5 =	vld [tilespmem:s19+$0x1910]  }
0xbc: {  	v26 =	vld [tilespmem:s19+$0x1940]  }
0xbd: {  	v8 =	vlaneseq.u32;
	v20 =	vld [tilespmem:s19+$0x1970]  }
0xbe: {  	v11 =	vadd.s32 $0x40, v8;
	v12 =	vadd.s32 $0x50, v8;
	v25 =	vld [tilespmem:s19+$0x1960]  }
0xbf: {  	v2 =	vadd.s32 $0x60, v8;
	v1 =	vadd.s32 $0x70, v8;
	v17 =	vadd.s32 $0x20, v8;
	v29 =	vld [tilespmem:s19+$0x1920]  }
0xc0: {  	v7 =	vadd.s32 $0x30, v8;
	v10 =	vshll.u32 v8, $0x3;
	v18 =	vadd.s32 $0x10, v8;
	v28 =	vld [tilespmem:s19+$0x1930]  }
0xc1: {  	v19 =	vand.u32 $0x7F, v8;
	v3 =	vshll.u32 v11, $0x3;
	v6 =	vshll.u32 v12, $0x3;
	v22 =	vld.idx.msk [tilespmem:v23+s4+$0x0], $0xffff  }
0xc2: {  	v27 =	vshll.u32 v2, $0x3;
	v9 =	vand.u32 $0x7F, v7;
	v7 =	vshll.u32 v7, $0x3;
	v14 =	vld.idx.msk [tilespmem:v4+s4+$0x0], $0xffff  }
0xc3: {  	v16 =	vshll.u32 v1, $0x3;
	v13 =	vand.u32 $0x7F, v17;
	v15 =	vand.u32 $0xFFFFFC00, v7;
	v7 =	vld.idx.msk [tilespmem:v5+s22+$0x0], $0xffff  }
0xc4: {  	v31 =	vand.u32 $0xFFFFFC00, v10;
	v10 =	vand.u32 $0x7F, v18;
	v17 =	vshll.u32 v17, $0x3;
	v24 =	vld.idx.msk [tilespmem:v5+s4+$0x0], $0xffff  }
0xc5: {  	v18 =	vshll.u32 v18, $0x3;
	v11 =	vand.u32 $0x7F, v11;
	v21 =	vand.u32 $0xFFFFFC00, v17;
	v5 =	vld.idx.msk [tilespmem:v4+s22+$0x0], $0xffff  }
0xc6: {  	s1 =	simm.s32 $0x200;
	v30 =	vand.u32 $0xFFFFFC00, v18;
	v18 =	vand.u32 $0x7F, v12;
	v12 =	vand.u32 $0xFFFFFC00, v16;
	v4 =	vld.idx.msk [tilespmem:v20+s22+$0x0], $0xffff  }
.LBB2_8:
0xc7: {  	p1 =	sne.s32 s1, $0x5E00;
	v32 =	vld.idx.msk [tilespmem:v26+s4+$0x0], $0xffff;
	v33 =	vshrl.u32 v22, $0x3;
	v27 =	vand.u32 $0xFFFFFC00, v27;
	v8 =	vadd.s32 $0x80, v8;
	s5 =	smov.u32 s1;
	s1 =	sadd.s32 $0x200, s1  }
0xc8: {  	v17 =	vadd.s32 $0x40, v8;
	v16 =	vadd.s32 $0x50, v8;
	v34 =	vld.idx.msk [tilespmem:v29+s22+$0x0], $0xffff;
	v33 =	vmul.u32 $0xC000, v33  }
0xc9: {  	v38 =	vshll.u32 v22, $0x7;
	v35 =	vshll.u32 v17, $0x3;
	v36 =	vshll.u32 v16, $0x3;
	v37 =	vld.idx.msk [tilespmem:v25+s4+$0x0], $0xffff  }
0xca: {  	v29 =	vld.idx.msk [tilespmem:v29+s4+$0x0], $0xffff;
	v31 =	vadd.s32 v31, v33;
	v33 =	vand.u32 $0x380, v38;
	v38 =	vshrl.u32 v24, $0x3  }
0xcb: {  	v39 =	vld.idx.msk [tilespmem:v28+s4+$0x0], $0xffff;
	v31 =	vor.u32 v33, v31;
	v33 =	vmul.u32 $0xC000, v38;
	v38 =	vshll.u32 v24, $0x7  }
0xcc: {  	v41 =	vand.u32 $0xFFFFFC00, v6;
	v40 =	vadd.s32 $0x60, v8;
	v6 =	vmovc v36;
	v26 =	vld.idx.msk [tilespmem:v26+s22+$0x0], $0xffff;
	v38 =	vand.u32 $0x380, v38  }
0xcd: {  	v36 =	vshll.u32 v32, $0x7;
	v23 =	vld.idx.msk [tilespmem:v23+s22+$0x0], $0xffff;
	v30 =	vadd.s32 v30, v33;
	v33 =	vshrl.u32 v32, $0x3  }
0xce: {  	v42 =	vshrl.u32 v14, $0x3;
	v43 =	vshll.u32 v14, $0x7;
	v28 =	vld.idx.msk [tilespmem:v28+s22+$0x0], $0xffff;
	v33 =	vmul.u32 $0xC000, v33  }
0xcf: {  	v43 =	vand.u32 $0x380, v43;
	v36 =	vand.u32 $0x380, v36;
	v44 =	vshrl.u32 v37, $0x3;
	v25 =	vld.idx.msk [tilespmem:v25+s22+$0x0], $0xffff  }
0xd0: {  	v42 =	vmul.u32 $0xC000, v42;
	v45 =	vshrl.u32 v29, $0x3;
	v46 =	vshll.u32 v29, $0x7;
	v20 =	vld.idx.msk [tilespmem:v20+s4+$0x0], $0xffff  }
0xd1: {  	v45 =	vmul.u32 $0xC000, v45;
	v47 =	vshrl.u32 v39, $0x3;
	[tilespmem:s19+$0x1C930] =	vst v39;
	v39 =	vshll.u32 v39, $0x7  }
0xd2: {  	s5 =	sshra.s32 s5, $0x2;
	v41 =	vadd.s32 v41, v42;
	[tilespmem:s19+$0x1C900] =	vst v22;
	v22 =	vmul.u32 $0xC000, v47;
	v47 =	vand.u32 $0xFFFFFC00, v3;
	v3 =	vmovc v35  }
0xd3: {  	v21 =	vadd.s32 v21, v45;
	v35 =	vor.u32 v43, v41;
	[tilespmem:s19+$0x1C910] =	vst v24;
	v24 =	vand.u32 $0x380, v46  }
0xd4: {  	[tilespmem:s19+$0x1C920] =	vst v29;
	v21 =	vor.u32 v24, v21;
	v15 =	vadd.s32 v15, v22;
	v22 =	vand.u32 $0x380, v39  }
0xd5: {  	[tilespmem:s19+$0x1C940] =	vst v32;
	v13 =	vor.u32 v13, v21;
	v15 =	vor.u32 v22, v15;
	v21 =	vadd.s32 v47, v33  }
0xd6: {  	v22 =	vshll.u32 v37, $0x7;
	[tilespmem:s19+$0x1C970] =	vst v20;
	v9 =	vor.u32 v9, v15;
	v15 =	vmul.u32 $0xC000, v44  }
0xd7: {  	v22 =	vand.u32 $0x380, v22;
	[tilespmem:s19+$0x1C950] =	vst v14;
	v14 =	vor.u32 v19, v31;
	v19 =	vor.u32 v38, v30  }
0xd8: {  	v18 =	vor.u32 v18, v35;
	[tilespmem:s19+$0x1C960] =	vst v37;
	v10 =	vor.u32 v10, v19;
	v15 =	vadd.s32 v27, v15;
	s19 =	smov.u32 s5  }
0xd9: {  	v19 =	vor.u32 v36, v21;
	v21 =	vshrl.u32 v20, $0x3;
	v15 =	vor.u32 v22, v15  }
0xda: {  	v27 =	vshll.u32 v40, $0x3;
	v22 =	vadd.s32 $0x70, v8;
	v21 =	vmul.u32 $0xC000, v21  }
0xdb: {  	v11 =	vor.u32 v11, v19;
	v19 =	vshll.u32 v20, $0x7;
	v32 =	vshll.u32 v22, $0x3  }
0xdc: {  	v19 =	vand.u32 $0x380, v19;
	v12 =	vadd.s32 v12, v21;
	[tilespmem:v14+s29+$0x0] =	vst.idx.msk $0xffff, v23;
	v14 =	vand.u32 $0x7F, v2;
	v2 =	vmovc v40  }
0xdd: {  	[tilespmem:v10+s29+$0x0] =	vst.idx.msk $0xffff, v7;
	v7 =	vor.u32 v14, v15;
	v14 =	vand.u32 $0x7F, v1;
	v10 =	vor.u32 v19, v12  }
0xde: {  	v1 =	vmov v22;
	[tilespmem:v13+s29+$0x0] =	vst.idx.msk $0xffff, v34;
	v10 =	vor.u32 v14, v10  }
0xdf: {  	v12 =	vadd.s32 $0x20, v8;
	v13 =	vadd.s32 $0x30, v8;
	[tilespmem:v9+s29+$0x0] =	vst.idx.msk $0xffff, v28  }
0xe0: {  	v19 =	vadd.s32 $0x10, v8;
	v14 =	vshll.u32 v8, $0x3;
	v9 =	vand.u32 $0x7F, v13;
	[tilespmem:v11+s29+$0x0] =	vst.idx.msk $0xffff, v26  }
0xe1: {  	v11 =	vshll.u32 v13, $0x3;
	[tilespmem:v18+s29+$0x0] =	vst.idx.msk $0xffff, v5  }
0xe2: {  	v13 =	vand.u32 $0x7F, v12;
	[tilespmem:v7+s29+$0x0] =	vst.idx.msk $0xffff, v25  }
0xe3: {  	v15 =	vand.u32 $0xFFFFFC00, v11;
	[tilespmem:v10+s29+$0x0] =	vst.idx.msk $0xffff, v4  }
0xe4: {  	v31 =	vand.u32 $0xFFFFFC00, v14;
	v10 =	vand.u32 $0x7F, v19;
	v23 =	vld [tilespmem:s19+$0x1900]  }
0xe5: {  	v5 =	vshll.u32 v12, $0x3;
	v4 =	vld [tilespmem:s19+$0x1950]  }
0xe6: {  	v7 =	vshll.u32 v19, $0x3;
	v21 =	vand.u32 $0xFFFFFC00, v5;
	v11 =	vld [tilespmem:s19+$0x1910]  }
0xe7: {  	v26 =	vld [tilespmem:s19+$0x1940]  }
0xe8: {  	v30 =	vand.u32 $0xFFFFFC00, v7;
	v20 =	vld [tilespmem:s19+$0x1970]  }
0xe9: {  	v25 =	vld [tilespmem:s19+$0x1960]  }
0xea: {  	v29 =	vld [tilespmem:s19+$0x1920]  }
0xeb: {  	v28 =	vld [tilespmem:s19+$0x1930]  }
0xec: {  	v22 =	vld.idx.msk [tilespmem:v23+s4+$0x0], $0xffff  }
.Ltmp5:
0xed: {  	v14 =	vld.idx.msk [tilespmem:v4+s4+$0x0], $0xffff;
	(pc) =	sbr.rel @p1 .LBB2_8-.Ltmp5, $4  }
0xee: {  	v7 =	vld.idx.msk [tilespmem:v11+s22+$0x0], $0xffff  }
0xef: {  	v24 =	vld.idx.msk [tilespmem:v11+s4+$0x0], $0xffff  }
0xf0: {  	v11 =	vand.u32 $0x7F, v17;
	v5 =	vld.idx.msk [tilespmem:v4+s22+$0x0], $0xffff  }
0xf1: {  	v18 =	vand.u32 $0x7F, v16;
	v12 =	vand.u32 $0xFFFFFC00, v32;
	v19 =	vand.u32 $0x7F, v8;
	v4 =	vld.idx.msk [tilespmem:v20+s22+$0x0], $0xffff  }
0xf2: {  	_ =	sdelay $0x3  }
0xf3: {  	v8 =	vshrl.u32 v22, $0x3;
	v16 =	vld.idx.msk [tilespmem:v26+s4+$0x0], $0xffff;
	v17 =	vand.u32 $0xFFFFFC00, v27;
	v32 =	vshll.u32 v22, $0x7  }
0xf4: {  	v27 =	vld.idx.msk [tilespmem:v25+s4+$0x0], $0xffff;
	v6 =	vand.u32 $0xFFFFFC00, v6;
	v36 =	vshrl.u32 v14, $0x3;
	v37 =	vshll.u32 v14, $0x7  }
0xf5: {  	v33 =	vld.idx.msk [tilespmem:v29+s4+$0x0], $0xffff;
	v3 =	vand.u32 $0xFFFFFC00, v3;
	v2 =	vand.u32 $0x7F, v2;
	v8 =	vmul.u32 $0xC000, v8  }
0xf6: {  	v35 =	vld.idx.msk [tilespmem:v28+s4+$0x0], $0xffff;
	v32 =	vand.u32 $0x380, v32;
	v37 =	vand.u32 $0x380, v37;
	v36 =	vmul.u32 $0xC000, v36  }
0xf7: {  	v34 =	vshll.u32 v24, $0x7;
	v8 =	vadd.s32 v31, v8;
	v31 =	vshrl.u32 v24, $0x3  }
0xf8: {  	v20 =	vld.idx.msk [tilespmem:v20+s4+$0x0], $0xffff;
	v46 =	vand.u32 $0x380, v34;
	v6 =	vadd.s32 v6, v36;
	v31 =	vmul.u32 $0xC000, v31  }
0xf9: {  	v29 =	vld.idx.msk [tilespmem:v29+s22+$0x0], $0xffff;
	v8 =	vor.u32 v32, v8;
	v6 =	vor.u32 v37, v6;
	v47 =	vshll.u32 v16, $0x7  }
0xfa: {  	v26 =	vld.idx.msk [tilespmem:v26+s22+$0x0], $0xffff;
	v38 =	vshrl.u32 v27, $0x3;
	v39 =	vshrl.u32 v33, $0x3;
	v40 =	vshll.u32 v33, $0x7  }
0xfb: {  	v23 =	vld.idx.msk [tilespmem:v23+s22+$0x0], $0xffff;
	v41 =	vshrl.u32 v35, $0x3;
	v48 =	vshll.u32 v35, $0x7;
	v8 =	vor.u32 v19, v8  }
0xfc: {  	v28 =	vld.idx.msk [tilespmem:v28+s22+$0x0], $0xffff;
	v19 =	vshll.u32 v27, $0x7;
	v6 =	vor.u32 v18, v6;
	v41 =	vmul.u32 $0xC000, v41  }
0xfd: {  	v25 =	vld.idx.msk [tilespmem:v25+s22+$0x0], $0xffff;
	[tilespmem:s19+$0x1C900] =	vst v22;
	v18 =	vshrl.u32 v20, $0x3;
	v30 =	vadd.s32 v30, v31;
	v31 =	vshrl.u32 v16, $0x3  }
0xfe: {  	[tilespmem:s19+$0x1C950] =	vst v14;
	v39 =	vmul.u32 $0xC000, v39;
	v22 =	vand.u32 $0x380, v48;
	v15 =	vadd.s32 v15, v41  }
0xff: {  	[tilespmem:s19+$0x1C910] =	vst v24;
	v49 =	vand.u32 $0x380, v40;
	v31 =	vmul.u32 $0xC000, v31;
	v15 =	vor.u32 v22, v15  }
0x100: {  	[tilespmem:s19+$0x1C930] =	vst v35;
	v21 =	vadd.s32 v21, v39;
	v9 =	vor.u32 v9, v15;
	v15 =	vor.u32 v46, v30  }
0x101: {  	[tilespmem:s19+$0x1C940] =	vst v16;
	v16 =	vmul.u32 $0xC000, v38;
	v21 =	vor.u32 v49, v21;
	v10 =	vor.u32 v10, v15  }
0x102: {  	[tilespmem:s19+$0x1C920] =	vst v33;
	v34 =	vand.u32 $0x380, v47;
	v3 =	vadd.s32 v3, v31;
	v13 =	vor.u32 v13, v21  }
0x103: {  	[tilespmem:s19+$0x1C970] =	vst v20;
	v14 =	vadd.s32 v17, v16;
	v16 =	vmul.u32 $0xC000, v18;
	v3 =	vor.u32 v34, v3  }
0x104: {  	[tilespmem:s19+$0x1C960] =	vst v27;
	v15 =	vand.u32 $0x380, v19;
	v3 =	vor.u32 v11, v3;
	v11 =	vshll.u32 v20, $0x7  }
0x105: {  	[tilespmem:v8+s29+$0x0] =	vst.idx.msk $0xffff, v23;
	v8 =	vadd.s32 v12, v16;
	v14 =	vor.u32 v15, v14;
	v11 =	vand.u32 $0x380, v11  }
0x106: {  	v1 =	vand.u32 $0x7F, v1;
	v2 =	vor.u32 v2, v14;
	[tilespmem:v10+s29+$0x0] =	vst.idx.msk $0xffff, v7;
	v7 =	vor.u32 v11, v8  }
0x107: {  	[tilespmem:v13+s29+$0x0] =	vst.idx.msk $0xffff, v29;
	v1 =	vor.u32 v1, v7  }
0x108: {  	[tilespmem:v9+s29+$0x0] =	vst.idx.msk $0xffff, v28  }
0x109: {  	[tilespmem:v3+s29+$0x0] =	vst.idx.msk $0xffff, v26  }
0x10a: {  	[tilespmem:v6+s29+$0x0] =	vst.idx.msk $0xffff, v5  }
0x10b: {  	[tilespmem:v2+s29+$0x0] =	vst.idx.msk $0xffff, v25  }
0x10c: {  	s1 =	simm.s32 $0x0;
	[tilespmem:v1+s29+$0x0] =	vst.idx.msk $0xffff, v4  }
0x10d: {  	[hbm4b:s10+s1] =	stream.linear.scatter [tilespmem:s29], [sflag:$0x4], $0xC000, $0x38;
	[tilespmem:$0x1E780] =	vst v63  }
0x10e: {  	_ = 	snop  }
0x10f: {  	[tilespmem:s24], [sflag:$0x2] =	stream.linear.gather [hbm4b:s11+s1], $0x1800, $0x38;
	[tilespmem:$0x1E780] =	vst v63  }
0x110: {  	_ =	swait.ge [sflag:s25], $0x1800  }
0x111: {  	[sflag:s25] =	ssyncset.done $0x0  }
0x112: {  	[sflag:s25] =	ssyncadd.s32 $0xFFFFE800  }
0x113: {  	v3 =	vlaneseq.u32;
	_ =	swait.ge [sflag:s30], $0xC000  }
0x114: {  	v13 =	vadd.s32 $0x40, v3;
	v6 =	vand.u32 $0x7F, v3;
	[sflag:s30] =	ssyncset.done $0x0  }
0x115: {  	s19 =	simm.s32 $0x0;
	v7 =	vadd.s32 $0x10, v3;
	v15 =	vadd.s32 $0x30, v3;
	v5 =	vadd.s32 $0x20, v3;
	[sflag:s30] =	ssyncadd.s32 $0xFFFF4000  }
0x116: {  	v16 =	vadd.s32 $0x50, v3;
	v17 =	vadd.s32 $0x70, v3;
	v14 =	vadd.s32 $0x80, v3;
	v24 =	vld [tilespmem:s19+$0x1B110]  }
0x117: {  	v2 =	vshll.u32 v13, $0x3;
	v8 =	vshll.u32 v5, $0x3;
	v18 =	vand.u32 $0x7F, v13;
	v23 =	vld [tilespmem:s19+$0x1B100]  }
0x118: {  	v5 =	vand.u32 $0x7F, v5;
	v12 =	vshll.u32 v17, $0x3;
	v21 =	vand.u32 $0x7F, v15;
	v26 =	vld [tilespmem:s19+$0x1B170]  }
0x119: {  	v20 =	vand.u32 $0x7F, v16;
	v1 =	vshll.u32 v3, $0x3;
	v25 =	vand.u32 $0xFFFFFC00, v2;
	v30 =	vld [tilespmem:s19+$0x1B160]  }
0x11a: {  	v4 =	vshll.u32 v16, $0x3;
	v11 =	vand.u32 $0xFFFFFC00, v1;
	v1 =	vshll.u32 v7, $0x3;
	v27 =	vld [tilespmem:s19+$0x1B120]  }
0x11b: {  	v9 =	vand.u32 $0xFFFFFC00, v8;
	v10 =	vand.u32 $0xFFFFFC00, v1;
	v1 =	vshll.u32 v15, $0x3;
	v28 =	vld [tilespmem:s19+$0x1B140]  }
0x11c: {  	v31 =	vand.u32 $0xFFFFFC00, v12;
	v8 =	vand.u32 $0xFFFFFC00, v1;
	v1 =	vadd.s32 $0x60, v3;
	v29 =	vld [tilespmem:s19+$0x1B130]  }
0x11d: {  	v19 =	vand.u32 $0xFFFFFC00, v4;
	v7 =	vand.u32 $0x7F, v7;
	v12 =	vshll.u32 v1, $0x3  }
0x11e: {  	v22 =	vand.u32 $0x7F, v1;
	v53 =	vand.u32 $0xFFFFFC00, v12;
	v50 =	vshrl.u32 v23, $0x3  }
0x11f: {  	v51 =	vshll.u32 v23, $0x7;
	v52 =	vshrl.u32 v24, $0x3;
	v23 =	vshll.u32 v26, $0x7  }
0x120: {  	v24 =	vshll.u32 v24, $0x7;
	v54 =	vshrl.u32 v30, $0x3;
	v55 =	vshrl.u32 v27, $0x3  }
0x121: {  	v58 =	vshrl.u32 v29, $0x3;
	v59 =	vshrl.u32 v28, $0x3;
	v27 =	vshll.u32 v27, $0x7  }
0x122: {  	v60 =	vshll.u32 v28, $0x7;
	v29 =	vshll.u32 v29, $0x7;
	v32 =	vmul.u32 $0xC000, v50  }
0x123: {  	v26 =	vshrl.u32 v26, $0x3;
	v33 =	vand.u32 $0x380, v51;
	v56 =	vmul.u32 $0xC000, v52  }
0x124: {  	v57 =	vand.u32 $0x380, v24;
	v37 =	vmul.u32 $0xC000, v55;
	v32 =	vadd.s32 v11, v32  }
0x125: {  	v39 =	vmul.u32 $0xC000, v59;
	v32 =	vor.u32 v33, v32;
	v33 =	vadd.s32 v10, v56  }
0x126: {  	v27 =	vand.u32 $0x380, v27;
	v32 =	vor.u32 v6, v32;
	v33 =	vor.u32 v57, v33  }
0x127: {  	v24 =	vld [tilespmem:s19+$0x1B150];
	v39 =	vadd.s32 v25, v39;
	v25 =	vadd.s32 v9, v37;
	v33 =	vor.u32 v7, v33  }
0x128: {  	v61 =	vmul.u32 $0xC000, v26;
	v26 =	vmul.u32 $0xC000, v54;
	v25 =	vor.u32 v27, v25  }
0x129: {  	v30 =	vshll.u32 v30, $0x7;
	v29 =	vand.u32 $0x380, v29;
	v25 =	vor.u32 v5, v25  }
0x12a: {  	v62 =	vand.u32 $0x380, v60;
	v26 =	vadd.s32 v53, v26;
	v27 =	vmul.u32 $0xC000, v58  }
0x12b: {  	v63 =	vand.u32 $0x380, v30;
	v31 =	vadd.s32 v31, v61;
	v30 =	vor.u32 v62, v39;
	[tilespmem:v32+s26+$0x0] =	vst.idx.msk $0xffff, v0  }
0x12c: {  	s1 =	simm.s32 $0x200;
	v26 =	vor.u32 v63, v26;
	v28 =	vshrl.u32 v24, $0x3;
	v27 =	vadd.s32 v8, v27;
	[tilespmem:v33+s26+$0x0] =	vst.idx.msk $0xffff, v0  }
.LBB2_10:
0x12d: {  	s19 =	sshra.s32 s1, $0x2;
	p1 =	sne.s32 s1, $0x5E00;
	s1 =	sadd.s32 $0x200, s1;
	v28 =	vmul.u32 $0xC000, v28;
	v24 =	vshll.u32 v24, $0x7;
	v23 =	vand.u32 $0x380, v23  }
0x12e: {  	[tilespmem:v25+s26+$0x0] =	vst.idx.msk $0xffff, v0;
	v25 =	vor.u32 v29, v27;
	v24 =	vand.u32 $0x380, v24;
	v23 =	vor.u32 v23, v31  }
0x12f: {  	v17 =	vand.u32 $0x7F, v17;
	v21 =	vor.u32 v21, v25;
	v19 =	vadd.s32 v19, v28  }
0x130: {  	v18 =	vor.u32 v18, v30;
	v22 =	vor.u32 v22, v26;
	v19 =	vor.u32 v24, v19  }
0x131: {  	v25 =	vadd.s32 $0x40, v14;
	v24 =	vshll.u32 v14, $0x3;
	v19 =	vor.u32 v20, v19  }
0x132: {  	v26 =	vand.u32 $0x7F, v14;
	v27 =	vadd.s32 $0x10, v14;
	v20 =	vshll.u32 v25, $0x3  }
0x133: {  	v28 =	vshll.u32 v27, $0x3;
	v23 =	vor.u32 v17, v23;
	v24 =	vand.u32 $0xFFFFFC00, v24  }
0x134: {  	v29 =	vadd.s32 $0x30, v14;
	v28 =	vand.u32 $0xFFFFFC00, v28;
	[tilespmem:v21+s26+$0x0] =	vst.idx.msk $0xffff, v0  }
0x135: {  	v30 =	vand.u32 $0xFFFFFC00, v20;
	v21 =	vshll.u32 v29, $0x3;
	[tilespmem:v18+s26+$0x0] =	vst.idx.msk $0xffff, v0  }
0x136: {  	v31 =	vadd.s32 $0x50, v14;
	v20 =	vadd.s32 $0x20, v14;
	[tilespmem:v19+s26+$0x0] =	vst.idx.msk $0xffff, v0  }
0x137: {  	v17 =	vshll.u32 v20, $0x3;
	v19 =	vshll.u32 v31, $0x3;
	[tilespmem:v22+s26+$0x0] =	vst.idx.msk $0xffff, v0  }
0x138: {  	v32 =	vand.u32 $0xFFFFFC00, v17;
	v17 =	vadd.s32 $0x70, v14;
	v18 =	vand.u32 $0x7F, v25;
	[tilespmem:v23+s26+$0x0] =	vst.idx.msk $0xffff, v0  }
0x139: {  	v33 =	vand.u32 $0x7F, v20;
	v20 =	vshll.u32 v17, $0x3;
	v25 =	vld [tilespmem:s19+$0x1B110]  }
0x13a: {  	v34 =	vand.u32 $0xFFFFFC00, v21;
	v35 =	vand.u32 $0xFFFFFC00, v20;
	v19 =	vand.u32 $0xFFFFFC00, v19;
	v23 =	vld [tilespmem:s19+$0x1B100]  }
0x13b: {  	v36 =	vld [tilespmem:s19+$0x1B170]  }
0x13c: {  	v21 =	vand.u32 $0x7F, v29;
	v29 =	vadd.s32 $0x60, v14;
	v37 =	vld [tilespmem:s19+$0x1B160]  }
0x13d: {  	v14 =	vadd.s32 $0x80, v14;
	v38 =	vld [tilespmem:s19+$0x1B120]  }
0x13e: {  	v20 =	vand.u32 $0x7F, v31;
	v22 =	vand.u32 $0x7F, v29;
	v29 =	vshll.u32 v29, $0x3;
	v39 =	vld [tilespmem:s19+$0x1B140]  }
0x13f: {  	v42 =	vshrl.u32 v25, $0x3;
	v31 =	vld [tilespmem:s19+$0x1B130];
	v40 =	vshrl.u32 v23, $0x3;
	v41 =	vshll.u32 v23, $0x7  }
0x140: {  	v43 =	vand.u32 $0xFFFFFC00, v29;
	v40 =	vmul.u32 $0xC000, v40;
	v23 =	vshll.u32 v36, $0x7  }
0x141: {  	v25 =	vshll.u32 v25, $0x7;
	v29 =	vand.u32 $0x380, v41;
	v41 =	vshrl.u32 v37, $0x3  }
0x142: {  	v27 =	vand.u32 $0x7F, v27;
	v24 =	vadd.s32 v24, v40;
	v40 =	vshrl.u32 v38, $0x3  }
0x143: {  	v25 =	vand.u32 $0x380, v25;
	v24 =	vor.u32 v29, v24;
	v29 =	vmul.u32 $0xC000, v42  }
0x144: {  	v44 =	vshrl.u32 v39, $0x3;
	v26 =	vor.u32 v26, v24;
	v42 =	vshrl.u32 v31, $0x3  }
0x145: {  	v24 =	vld [tilespmem:s19+$0x1B150];
	v28 =	vadd.s32 v28, v29;
	v29 =	vmul.u32 $0xC000, v40;
	v40 =	vmul.u32 $0xC000, v44  }
0x146: {  	v25 =	vor.u32 v25, v28;
	v28 =	vshll.u32 v38, $0x7;
	v38 =	vshll.u32 v39, $0x7  }
0x147: {  	v39 =	vor.u32 v27, v25;
	v25 =	vand.u32 $0x380, v28;
	v30 =	vadd.s32 v30, v40  }
0x148: {  	v27 =	vadd.s32 v32, v29;
	v29 =	vshll.u32 v31, $0x7;
	v28 =	vshrl.u32 v36, $0x3  }
.Ltmp6:
0x149: {  	v25 =	vor.u32 v25, v27;
	v31 =	vmul.u32 $0xC000, v28;
	[tilespmem:v26+s26+$0x0] =	vst.idx.msk $0xffff, v0;
	v26 =	vmul.u32 $0xC000, v42;
	(pc) =	sbr.rel @p1 .LBB2_10-.Ltmp6, $4  }
0x14a: {  	v32 =	vmul.u32 $0xC000, v41;
	v25 =	vor.u32 v33, v25;
	v28 =	vshrl.u32 v24, $0x3  }
0x14b: {  	v29 =	vand.u32 $0x380, v29;
	v27 =	vadd.s32 v34, v26;
	v26 =	vshll.u32 v37, $0x7  }
0x14c: {  	v33 =	vand.u32 $0x380, v38;
	v32 =	vadd.s32 v43, v32;
	[tilespmem:v39+s26+$0x0] =	vst.idx.msk $0xffff, v0;
	v26 =	vand.u32 $0x380, v26  }
0x14d: {  	v30 =	vor.u32 v33, v30;
	v31 =	vadd.s32 v35, v31;
	v26 =	vor.u32 v26, v32  }
0x14e: {  	v14 =	vmul.u32 $0xC000, v28  }
0x14f: {  	v24 =	vshll.u32 v24, $0x7;
	v27 =	vor.u32 v29, v27  }
0x150: {  	v24 =	vand.u32 $0x380, v24;
	v21 =	vor.u32 v21, v27;
	v14 =	vadd.s32 v19, v14  }
0x151: {  	v18 =	vor.u32 v18, v30;
	v14 =	vor.u32 v24, v14  }
0x152: {  	v19 =	vand.u32 $0x380, v23;
	v14 =	vor.u32 v20, v14  }
0x153: {  	v17 =	vand.u32 $0x7F, v17;
	v19 =	vor.u32 v19, v31;
	v20 =	vor.u32 v22, v26  }
0x154: {  	[tilespmem:v25+s26+$0x0] =	vst.idx.msk $0xffff, v0;
	v17 =	vor.u32 v17, v19  }
0x155: {  	[tilespmem:v21+s26+$0x0] =	vst.idx.msk $0xffff, v0  }
0x156: {  	[tilespmem:v18+s26+$0x0] =	vst.idx.msk $0xffff, v0  }
0x157: {  	[tilespmem:v14+s26+$0x0] =	vst.idx.msk $0xffff, v0  }
0x158: {  	[tilespmem:v20+s26+$0x0] =	vst.idx.msk $0xffff, v0  }
0x159: {  	s19 =	simm.s32 $0x0;
	[tilespmem:v17+s26+$0x0] =	vst.idx.msk $0xffff, v0  }
0x15a: {  	v27 =	vld [tilespmem:s19+$0x100]  }
0x15b: {  	v19 =	vld [tilespmem:s19+$0x150]  }
0x15c: {  	v18 =	vld [tilespmem:s19+$0x110]  }
0x15d: {  	v30 =	vld [tilespmem:s19+$0x140]  }
0x15e: {  	v26 =	vld [tilespmem:s19+$0x170]  }
0x15f: {  	v28 =	vld [tilespmem:s19+$0x160]  }
0x160: {  	v31 =	vld [tilespmem:s19+$0x120]  }
0x161: {  	v29 =	vld [tilespmem:s19+$0x130]  }
0x162: {  	v24 =	vld.idx.msk [tilespmem:v27+s4+$0x0], $0xffff  }
0x163: {  	v20 =	vld.idx.msk [tilespmem:v19+s4+$0x0], $0xffff  }
0x164: {  	v17 =	vld.idx.msk [tilespmem:v18+s22+$0x0], $0xffff  }
0x165: {  	v14 =	vadd.s32 $0x70, v3;
	v25 =	vld.idx.msk [tilespmem:v18+s4+$0x0], $0xffff  }
0x166: {  	v21 =	vshll.u32 v14, $0x3;
	v18 =	vand.u32 $0x7F, v15;
	v15 =	vld.idx.msk [tilespmem:v19+s22+$0x0], $0xffff  }
0x167: {  	s1 =	simm.s32 $0x200;
	v23 =	vand.u32 $0x7F, v16;
	v16 =	vand.u32 $0xFFFFFC00, v21;
	v19 =	vand.u32 $0x7F, v13;
	v13 =	vld.idx.msk [tilespmem:v26+s22+$0x0], $0xffff  }
.LBB2_12:
0x168: {  	p1 =	sne.s32 s1, $0x5E00;
	v32 =	vld.idx.msk [tilespmem:v30+s4+$0x0], $0xffff;
	v33 =	vshrl.u32 v24, $0x3;
	v12 =	vand.u32 $0xFFFFFC00, v12;
	v3 =	vadd.s32 $0x80, v3;
	s5 =	smov.u32 s1;
	s1 =	sadd.s32 $0x200, s1  }
0x169: {  	v22 =	vadd.s32 $0x40, v3;
	v21 =	vadd.s32 $0x50, v3;
	v34 =	vld.idx.msk [tilespmem:v31+s22+$0x0], $0xffff;
	v33 =	vmul.u32 $0xC000, v33  }
0x16a: {  	v38 =	vshll.u32 v24, $0x7;
	v35 =	vshll.u32 v22, $0x3;
	v36 =	vshll.u32 v21, $0x3;
	v37 =	vld.idx.msk [tilespmem:v28+s4+$0x0], $0xffff  }
0x16b: {  	v31 =	vld.idx.msk [tilespmem:v31+s4+$0x0], $0xffff;
	v11 =	vadd.s32 v11, v33;
	v33 =	vand.u32 $0x380, v38;
	v38 =	vshrl.u32 v25, $0x3  }
0x16c: {  	v39 =	vld.idx.msk [tilespmem:v29+s4+$0x0], $0xffff;
	v11 =	vor.u32 v33, v11;
	v33 =	vmul.u32 $0xC000, v38;
	v38 =	vshll.u32 v25, $0x7  }
0x16d: {  	v41 =	vand.u32 $0xFFFFFC00, v4;
	v40 =	vadd.s32 $0x60, v3;
	v4 =	vmovc v36;
	v30 =	vld.idx.msk [tilespmem:v30+s22+$0x0], $0xffff;
	v38 =	vand.u32 $0x380, v38  }
0x16e: {  	v36 =	vshll.u32 v32, $0x7;
	v27 =	vld.idx.msk [tilespmem:v27+s22+$0x0], $0xffff;
	v10 =	vadd.s32 v10, v33;
	v33 =	vshrl.u32 v32, $0x3  }
0x16f: {  	v42 =	vshrl.u32 v20, $0x3;
	v43 =	vshll.u32 v20, $0x7;
	v29 =	vld.idx.msk [tilespmem:v29+s22+$0x0], $0xffff;
	v33 =	vmul.u32 $0xC000, v33  }
0x170: {  	v43 =	vand.u32 $0x380, v43;
	v36 =	vand.u32 $0x380, v36;
	v44 =	vshrl.u32 v37, $0x3;
	v28 =	vld.idx.msk [tilespmem:v28+s22+$0x0], $0xffff  }
0x171: {  	v42 =	vmul.u32 $0xC000, v42;
	v45 =	vshrl.u32 v31, $0x3;
	v46 =	vshll.u32 v31, $0x7;
	v26 =	vld.idx.msk [tilespmem:v26+s4+$0x0], $0xffff  }
0x172: {  	v45 =	vmul.u32 $0xC000, v45;
	v47 =	vshrl.u32 v39, $0x3;
	[tilespmem:s19+$0x1B130] =	vst v39;
	v39 =	vshll.u32 v39, $0x7  }
0x173: {  	s5 =	sshra.s32 s5, $0x2;
	v41 =	vadd.s32 v41, v42;
	[tilespmem:s19+$0x1B100] =	vst v24;
	v24 =	vmul.u32 $0xC000, v47;
	v47 =	vand.u32 $0xFFFFFC00, v2;
	v2 =	vmovc v35  }
0x174: {  	v9 =	vadd.s32 v9, v45;
	v35 =	vor.u32 v43, v41;
	[tilespmem:s19+$0x1B110] =	vst v25;
	v25 =	vand.u32 $0x380, v46  }
0x175: {  	[tilespmem:s19+$0x1B120] =	vst v31;
	v9 =	vor.u32 v25, v9;
	v8 =	vadd.s32 v8, v24;
	v24 =	vand.u32 $0x380, v39  }
0x176: {  	[tilespmem:s19+$0x1B140] =	vst v32;
	v5 =	vor.u32 v5, v9;
	v8 =	vor.u32 v24, v8;
	v9 =	vadd.s32 v47, v33  }
0x177: {  	v24 =	vshll.u32 v37, $0x7;
	[tilespmem:s19+$0x1B170] =	vst v26;
	v8 =	vor.u32 v18, v8;
	v18 =	vmul.u32 $0xC000, v44  }
0x178: {  	v6 =	vor.u32 v6, v11;
	v10 =	vor.u32 v38, v10;
	v11 =	vand.u32 $0x380, v24;
	[tilespmem:s19+$0x1B150] =	vst v20  }
0x179: {  	v7 =	vor.u32 v7, v10;
	v10 =	vor.u32 v23, v35;
	[tilespmem:s19+$0x1B160] =	vst v37;
	v12 =	vadd.s32 v12, v18;
	s19 =	smov.u32 s5  }
0x17a: {  	v9 =	vor.u32 v36, v9;
	v18 =	vshrl.u32 v26, $0x3;
	v11 =	vor.u32 v11, v12  }
0x17b: {  	v20 =	vadd.s32 $0x70, v3;
	v12 =	vshll.u32 v40, $0x3;
	v18 =	vmul.u32 $0xC000, v18  }
0x17c: {  	v9 =	vor.u32 v19, v9;
	v19 =	vshll.u32 v26, $0x7;
	v32 =	vshll.u32 v20, $0x3  }
0x17d: {  	v16 =	vadd.s32 v16, v18;
	v18 =	vand.u32 $0x380, v19;
	[tilespmem:v6+s26+$0x0] =	vst.idx.msk $0xffff, v27;
	v6 =	vand.u32 $0x7F, v1;
	v1 =	vmovc v40  }
0x17e: {  	[tilespmem:v7+s26+$0x0] =	vst.idx.msk $0xffff, v17;
	v6 =	vor.u32 v6, v11;
	v7 =	vand.u32 $0x7F, v14;
	v11 =	vor.u32 v18, v16  }
0x17f: {  	v14 =	vmov v20;
	[tilespmem:v5+s26+$0x0] =	vst.idx.msk $0xffff, v34;
	v7 =	vor.u32 v7, v11  }
0x180: {  	v16 =	vadd.s32 $0x20, v3;
	v5 =	vadd.s32 $0x30, v3;
	[tilespmem:v8+s26+$0x0] =	vst.idx.msk $0xffff, v29  }
0x181: {  	v17 =	vadd.s32 $0x10, v3;
	v11 =	vshll.u32 v3, $0x3;
	v18 =	vand.u32 $0x7F, v5;
	[tilespmem:v9+s26+$0x0] =	vst.idx.msk $0xffff, v30  }
0x182: {  	v8 =	vshll.u32 v5, $0x3;
	[tilespmem:v10+s26+$0x0] =	vst.idx.msk $0xffff, v15  }
0x183: {  	v5 =	vand.u32 $0x7F, v16;
	[tilespmem:v6+s26+$0x0] =	vst.idx.msk $0xffff, v28  }
0x184: {  	v8 =	vand.u32 $0xFFFFFC00, v8;
	[tilespmem:v7+s26+$0x0] =	vst.idx.msk $0xffff, v13  }
0x185: {  	v11 =	vand.u32 $0xFFFFFC00, v11;
	v7 =	vand.u32 $0x7F, v17;
	v27 =	vld [tilespmem:s19+$0x100]  }
0x186: {  	v9 =	vshll.u32 v16, $0x3;
	v6 =	vld [tilespmem:s19+$0x150]  }
0x187: {  	v10 =	vshll.u32 v17, $0x3;
	v9 =	vand.u32 $0xFFFFFC00, v9;
	v13 =	vld [tilespmem:s19+$0x110]  }
0x188: {  	v30 =	vld [tilespmem:s19+$0x140]  }
0x189: {  	v10 =	vand.u32 $0xFFFFFC00, v10;
	v26 =	vld [tilespmem:s19+$0x170]  }
0x18a: {  	v28 =	vld [tilespmem:s19+$0x160]  }
0x18b: {  	v31 =	vld [tilespmem:s19+$0x120]  }
0x18c: {  	v29 =	vld [tilespmem:s19+$0x130]  }
0x18d: {  	v24 =	vld.idx.msk [tilespmem:v27+s4+$0x0], $0xffff  }
.Ltmp7:
0x18e: {  	v20 =	vld.idx.msk [tilespmem:v6+s4+$0x0], $0xffff;
	(pc) =	sbr.rel @p1 .LBB2_12-.Ltmp7, $4  }
0x18f: {  	v17 =	vld.idx.msk [tilespmem:v13+s22+$0x0], $0xffff  }
0x190: {  	v25 =	vld.idx.msk [tilespmem:v13+s4+$0x0], $0xffff  }
0x191: {  	v19 =	vand.u32 $0x7F, v22;
	v15 =	vld.idx.msk [tilespmem:v6+s22+$0x0], $0xffff  }
0x192: {  	v23 =	vand.u32 $0x7F, v21;
	v16 =	vand.u32 $0xFFFFFC00, v32;
	v6 =	vand.u32 $0x7F, v3;
	v13 =	vld.idx.msk [tilespmem:v26+s22+$0x0], $0xffff  }
0x193: {  	_ =	sdelay $0x3  }
0x194: {  	v3 =	vshrl.u32 v24, $0x3;
	v21 =	vld.idx.msk [tilespmem:v30+s4+$0x0], $0xffff;
	v12 =	vand.u32 $0xFFFFFC00, v12;
	v32 =	vshll.u32 v24, $0x7  }
0x195: {  	v22 =	vld.idx.msk [tilespmem:v28+s4+$0x0], $0xffff;
	v4 =	vand.u32 $0xFFFFFC00, v4;
	v36 =	vshrl.u32 v20, $0x3;
	v37 =	vshll.u32 v20, $0x7  }
0x196: {  	v33 =	vld.idx.msk [tilespmem:v31+s4+$0x0], $0xffff;
	v2 =	vand.u32 $0xFFFFFC00, v2;
	v1 =	vand.u32 $0x7F, v1;
	v3 =	vmul.u32 $0xC000, v3  }
0x197: {  	v35 =	vld.idx.msk [tilespmem:v29+s4+$0x0], $0xffff;
	v32 =	vand.u32 $0x380, v32;
	v37 =	vand.u32 $0x380, v37;
	v36 =	vmul.u32 $0xC000, v36  }
0x198: {  	v34 =	vshll.u32 v25, $0x7;
	v3 =	vadd.s32 v11, v3;
	v11 =	vshrl.u32 v25, $0x3  }
0x199: {  	v31 =	vld.idx.msk [tilespmem:v31+s22+$0x0], $0xffff;
	v46 =	vand.u32 $0x380, v34;
	v4 =	vadd.s32 v4, v36;
	v11 =	vmul.u32 $0xC000, v11  }
0x19a: {  	v30 =	vld.idx.msk [tilespmem:v30+s22+$0x0], $0xffff;
	v3 =	vor.u32 v32, v3;
	v4 =	vor.u32 v37, v4;
	v47 =	vshll.u32 v21, $0x7  }
0x19b: {  	v27 =	vld.idx.msk [tilespmem:v27+s22+$0x0], $0xffff;
	v38 =	vshrl.u32 v22, $0x3;
	v39 =	vshrl.u32 v33, $0x3;
	v40 =	vshll.u32 v33, $0x7  }
0x19c: {  	v29 =	vld.idx.msk [tilespmem:v29+s22+$0x0], $0xffff;
	v41 =	vshrl.u32 v35, $0x3;
	v48 =	vshll.u32 v35, $0x7;
	v3 =	vor.u32 v6, v3  }
0x19d: {  	v26 =	vld.idx.msk [tilespmem:v26+s4+$0x0], $0xffff;
	v10 =	vadd.s32 v10, v11;
	v11 =	vshrl.u32 v21, $0x3;
	v34 =	vand.u32 $0x380, v47  }
0x19e: {  	v28 =	vld.idx.msk [tilespmem:v28+s22+$0x0], $0xffff;
	[tilespmem:s19+$0x1B100] =	vst v24;
	v39 =	vmul.u32 $0xC000, v39;
	v41 =	vmul.u32 $0xC000, v41;
	v49 =	vand.u32 $0x380, v40  }
0x19f: {  	[tilespmem:s19+$0x1B150] =	vst v20;
	v24 =	vand.u32 $0x380, v48;
	v11 =	vmul.u32 $0xC000, v11;
	v6 =	vor.u32 v46, v10  }
0x1a0: {  	[tilespmem:s19+$0x1B110] =	vst v25;
	v10 =	vshll.u32 v22, $0x7;
	v9 =	vadd.s32 v9, v39;
	v8 =	vadd.s32 v8, v41  }
0x1a1: {  	[tilespmem:s19+$0x1B130] =	vst v35;
	v6 =	vor.u32 v7, v6;
	v7 =	vand.u32 $0x380, v10;
	v9 =	vor.u32 v49, v9  }
0x1a2: {  	[tilespmem:s19+$0x1B120] =	vst v33;
	v10 =	vshrl.u32 v26, $0x3;
	v5 =	vor.u32 v5, v9;
	v9 =	vmul.u32 $0xC000, v38  }
0x1a3: {  	[tilespmem:s19+$0x1B140] =	vst v21;
	v8 =	vor.u32 v24, v8;
	v2 =	vadd.s32 v2, v11;
	v10 =	vmul.u32 $0xC000, v10  }
0x1a4: {  	[tilespmem:s19+$0x1B170] =	vst v26;
	v8 =	vor.u32 v18, v8;
	v2 =	vor.u32 v34, v2;
	v9 =	vadd.s32 v12, v9  }
0x1a5: {  	[tilespmem:s19+$0x1B160] =	vst v22;
	v2 =	vor.u32 v19, v2;
	v7 =	vor.u32 v7, v9;
	v9 =	vshll.u32 v26, $0x7  }
0x1a6: {  	v4 =	vor.u32 v23, v4;
	[tilespmem:v3+s26+$0x0] =	vst.idx.msk $0xffff, v27;
	v3 =	vadd.s32 v16, v10;
	v9 =	vand.u32 $0x380, v9  }
0x1a7: {  	[tilespmem:v6+s26+$0x0] =	vst.idx.msk $0xffff, v17;
	v6 =	vand.u32 $0x7F, v14;
	v1 =	vor.u32 v1, v7;
	v3 =	vor.u32 v9, v3  }
0x1a8: {  	[tilespmem:v5+s26+$0x0] =	vst.idx.msk $0xffff, v31;
	v3 =	vor.u32 v6, v3  }
0x1a9: {  	[tilespmem:v8+s26+$0x0] =	vst.idx.msk $0xffff, v29  }
0x1aa: {  	[tilespmem:v2+s26+$0x0] =	vst.idx.msk $0xffff, v30  }
0x1ab: {  	[tilespmem:v4+s26+$0x0] =	vst.idx.msk $0xffff, v15  }
0x1ac: {  	[tilespmem:v1+s26+$0x0] =	vst.idx.msk $0xffff, v28  }
0x1ad: {  	s1 =	simm.s32 $0x0;
	[tilespmem:v3+s26+$0x0] =	vst.idx.msk $0xffff, v13  }
0x1ae: {  	[hbm4b:s12+s1] =	stream.linear.scatter [tilespmem:s26], [sflag:$0x3], $0xC000, $0x38;
	[tilespmem:$0x1E780] =	vst v63  }
0x1af: {  	_ = 	snop  }
0x1b0: {  	[tilespmem:s23], [sflag:$0x1] =	stream.linear.gather [hbm4b:s13+s1], $0x1800, $0x38;
	[tilespmem:$0x1E780] =	vst v63  }
0x1b1: {  	_ =	swait.ge [sflag:s28], $0x1800  }
0x1b2: {  	[sflag:s28] =	ssyncset.done $0x0  }
0x1b3: {  	[sflag:s28] =	ssyncadd.s32 $0xFFFFE800  }
0x1b4: {  	v3 =	vlaneseq.u32;
	_ =	swait.ge [sflag:s31], $0xC000  }
0x1b5: {  	v1 =	vshll.u32 v3, $0x3;
	v13 =	vadd.s32 $0x40, v3;
	[sflag:s31] =	ssyncset.done $0x0  }
0x1b6: {  	s19 =	simm.s32 $0x0;
	v6 =	vand.u32 $0x7F, v3;
	v7 =	vadd.s32 $0x10, v3;
	v15 =	vadd.s32 $0x30, v3;
	[sflag:s31] =	ssyncadd.s32 $0xFFFF4000  }
0x1b7: {  	v5 =	vadd.s32 $0x20, v3;
	v16 =	vadd.s32 $0x50, v3;
	v17 =	vadd.s32 $0x70, v3;
	v24 =	vld [tilespmem:s19+$0x1C910]  }
0x1b8: {  	v14 =	vadd.s32 $0x80, v3;
	v2 =	vshll.u32 v13, $0x3;
	v11 =	vand.u32 $0xFFFFFC00, v1;
	v23 =	vld [tilespmem:s19+$0x1C900]  }
0x1b9: {  	v1 =	vshll.u32 v7, $0x3;
	v8 =	vshll.u32 v5, $0x3;
	v4 =	vshll.u32 v16, $0x3;
	v26 =	vld [tilespmem:s19+$0x1C970]  }
0x1ba: {  	v18 =	vand.u32 $0x7F, v13;
	v5 =	vand.u32 $0x7F, v5;
	v12 =	vshll.u32 v17, $0x3;
	v30 =	vld [tilespmem:s19+$0x1C960]  }
0x1bb: {  	v21 =	vand.u32 $0x7F, v15;
	v20 =	vand.u32 $0x7F, v16;
	v7 =	vand.u32 $0x7F, v7;
	v27 =	vld [tilespmem:s19+$0x1C920]  }
0x1bc: {  	v10 =	vand.u32 $0xFFFFFC00, v1;
	v1 =	vshll.u32 v15, $0x3;
	v25 =	vand.u32 $0xFFFFFC00, v2;
	v28 =	vld [tilespmem:s19+$0x1C940]  }
0x1bd: {  	v9 =	vand.u32 $0xFFFFFC00, v8;
	v8 =	vand.u32 $0xFFFFFC00, v1;
	v1 =	vadd.s32 $0x60, v3;
	v29 =	vld [tilespmem:s19+$0x1C930]  }
0x1be: {  	v19 =	vand.u32 $0xFFFFFC00, v4;
	v31 =	vand.u32 $0xFFFFFC00, v12;
	v12 =	vshll.u32 v1, $0x3  }
0x1bf: {  	v22 =	vand.u32 $0x7F, v1;
	v53 =	vand.u32 $0xFFFFFC00, v12;
	v50 =	vshrl.u32 v23, $0x3  }
0x1c0: {  	v51 =	vshll.u32 v23, $0x7;
	v52 =	vshrl.u32 v24, $0x3;
	v23 =	vshll.u32 v26, $0x7  }
0x1c1: {  	v24 =	vshll.u32 v24, $0x7;
	v54 =	vshrl.u32 v30, $0x3;
	v55 =	vshrl.u32 v27, $0x3  }
0x1c2: {  	v58 =	vshrl.u32 v29, $0x3;
	v59 =	vshrl.u32 v28, $0x3;
	v27 =	vshll.u32 v27, $0x7  }
0x1c3: {  	v60 =	vshll.u32 v28, $0x7;
	v29 =	vshll.u32 v29, $0x7;
	v32 =	vmul.u32 $0xC000, v50  }
0x1c4: {  	v26 =	vshrl.u32 v26, $0x3;
	v33 =	vand.u32 $0x380, v51;
	v56 =	vmul.u32 $0xC000, v52  }
0x1c5: {  	v57 =	vand.u32 $0x380, v24;
	v37 =	vmul.u32 $0xC000, v55;
	v32 =	vadd.s32 v11, v32  }
0x1c6: {  	v39 =	vmul.u32 $0xC000, v59;
	v32 =	vor.u32 v33, v32;
	v33 =	vadd.s32 v10, v56  }
0x1c7: {  	v27 =	vand.u32 $0x380, v27;
	v32 =	vor.u32 v6, v32;
	v33 =	vor.u32 v57, v33  }
0x1c8: {  	v24 =	vld [tilespmem:s19+$0x1C950];
	v39 =	vadd.s32 v25, v39;
	v25 =	vadd.s32 v9, v37;
	v33 =	vor.u32 v7, v33  }
0x1c9: {  	v61 =	vmul.u32 $0xC000, v26;
	v26 =	vmul.u32 $0xC000, v54;
	v25 =	vor.u32 v27, v25  }
0x1ca: {  	v30 =	vshll.u32 v30, $0x7;
	v29 =	vand.u32 $0x380, v29;
	v25 =	vor.u32 v5, v25  }
0x1cb: {  	v62 =	vand.u32 $0x380, v60;
	v26 =	vadd.s32 v53, v26;
	v27 =	vmul.u32 $0xC000, v58  }
0x1cc: {  	v63 =	vand.u32 $0x380, v30;
	v31 =	vadd.s32 v31, v61;
	v30 =	vor.u32 v62, v39;
	[tilespmem:v32+s29+$0x0] =	vst.idx.msk $0xffff, v0  }
0x1cd: {  	s1 =	simm.s32 $0x200;
	v26 =	vor.u32 v63, v26;
	v28 =	vshrl.u32 v24, $0x3;
	v27 =	vadd.s32 v8, v27;
	[tilespmem:v33+s29+$0x0] =	vst.idx.msk $0xffff, v0  }
.LBB2_14:
0x1ce: {  	s19 =	sshra.s32 s1, $0x2;
	p1 =	sne.s32 s1, $0x5E00;
	s1 =	sadd.s32 $0x200, s1;
	v28 =	vmul.u32 $0xC000, v28;
	v24 =	vshll.u32 v24, $0x7;
	v23 =	vand.u32 $0x380, v23  }
0x1cf: {  	[tilespmem:v25+s29+$0x0] =	vst.idx.msk $0xffff, v0;
	v25 =	vor.u32 v29, v27;
	v24 =	vand.u32 $0x380, v24;
	v23 =	vor.u32 v23, v31  }
0x1d0: {  	v17 =	vand.u32 $0x7F, v17;
	v21 =	vor.u32 v21, v25;
	v19 =	vadd.s32 v19, v28  }
0x1d1: {  	v18 =	vor.u32 v18, v30;
	v22 =	vor.u32 v22, v26;
	v19 =	vor.u32 v24, v19  }
0x1d2: {  	v25 =	vadd.s32 $0x40, v14;
	v24 =	vshll.u32 v14, $0x3;
	v19 =	vor.u32 v20, v19  }
0x1d3: {  	v26 =	vand.u32 $0x7F, v14;
	v27 =	vadd.s32 $0x10, v14;
	v20 =	vshll.u32 v25, $0x3  }
0x1d4: {  	v28 =	vshll.u32 v27, $0x3;
	v23 =	vor.u32 v17, v23;
	v24 =	vand.u32 $0xFFFFFC00, v24  }
0x1d5: {  	v29 =	vadd.s32 $0x30, v14;
	v28 =	vand.u32 $0xFFFFFC00, v28;
	[tilespmem:v21+s29+$0x0] =	vst.idx.msk $0xffff, v0  }
0x1d6: {  	v30 =	vand.u32 $0xFFFFFC00, v20;
	v21 =	vshll.u32 v29, $0x3;
	[tilespmem:v18+s29+$0x0] =	vst.idx.msk $0xffff, v0  }
0x1d7: {  	v31 =	vadd.s32 $0x50, v14;
	v20 =	vadd.s32 $0x20, v14;
	[tilespmem:v19+s29+$0x0] =	vst.idx.msk $0xffff, v0  }
0x1d8: {  	v17 =	vshll.u32 v20, $0x3;
	v19 =	vshll.u32 v31, $0x3;
	[tilespmem:v22+s29+$0x0] =	vst.idx.msk $0xffff, v0  }
0x1d9: {  	v32 =	vand.u32 $0xFFFFFC00, v17;
	v17 =	vadd.s32 $0x70, v14;
	v18 =	vand.u32 $0x7F, v25;
	[tilespmem:v23+s29+$0x0] =	vst.idx.msk $0xffff, v0  }
0x1da: {  	v33 =	vand.u32 $0x7F, v20;
	v20 =	vshll.u32 v17, $0x3;
	v25 =	vld [tilespmem:s19+$0x1C910]  }
0x1db: {  	v34 =	vand.u32 $0xFFFFFC00, v21;
	v35 =	vand.u32 $0xFFFFFC00, v20;
	v19 =	vand.u32 $0xFFFFFC00, v19;
	v23 =	vld [tilespmem:s19+$0x1C900]  }
0x1dc: {  	v36 =	vld [tilespmem:s19+$0x1C970]  }
0x1dd: {  	v21 =	vand.u32 $0x7F, v29;
	v29 =	vadd.s32 $0x60, v14;
	v37 =	vld [tilespmem:s19+$0x1C960]  }
0x1de: {  	v14 =	vadd.s32 $0x80, v14;
	v38 =	vld [tilespmem:s19+$0x1C920]  }
0x1df: {  	v20 =	vand.u32 $0x7F, v31;
	v22 =	vand.u32 $0x7F, v29;
	v29 =	vshll.u32 v29, $0x3;
	v39 =	vld [tilespmem:s19+$0x1C940]  }
0x1e0: {  	v42 =	vshrl.u32 v25, $0x3;
	v31 =	vld [tilespmem:s19+$0x1C930];
	v40 =	vshrl.u32 v23, $0x3;
	v41 =	vshll.u32 v23, $0x7  }
0x1e1: {  	v43 =	vand.u32 $0xFFFFFC00, v29;
	v40 =	vmul.u32 $0xC000, v40;
	v23 =	vshll.u32 v36, $0x7  }
0x1e2: {  	v25 =	vshll.u32 v25, $0x7;
	v29 =	vand.u32 $0x380, v41;
	v41 =	vshrl.u32 v37, $0x3  }
0x1e3: {  	v27 =	vand.u32 $0x7F, v27;
	v24 =	vadd.s32 v24, v40;
	v40 =	vshrl.u32 v38, $0x3  }
0x1e4: {  	v25 =	vand.u32 $0x380, v25;
	v24 =	vor.u32 v29, v24;
	v29 =	vmul.u32 $0xC000, v42  }
0x1e5: {  	v44 =	vshrl.u32 v39, $0x3;
	v26 =	vor.u32 v26, v24;
	v42 =	vshrl.u32 v31, $0x3  }
0x1e6: {  	v24 =	vld [tilespmem:s19+$0x1C950];
	v28 =	vadd.s32 v28, v29;
	v29 =	vmul.u32 $0xC000, v40;
	v40 =	vmul.u32 $0xC000, v44  }
0x1e7: {  	v25 =	vor.u32 v25, v28;
	v28 =	vshll.u32 v38, $0x7;
	v38 =	vshll.u32 v39, $0x7  }
0x1e8: {  	v39 =	vor.u32 v27, v25;
	v25 =	vand.u32 $0x380, v28;
	v30 =	vadd.s32 v30, v40  }
0x1e9: {  	v27 =	vadd.s32 v32, v29;
	v29 =	vshll.u32 v31, $0x7;
	v28 =	vshrl.u32 v36, $0x3  }
.Ltmp8:
0x1ea: {  	v25 =	vor.u32 v25, v27;
	v31 =	vmul.u32 $0xC000, v28;
	[tilespmem:v26+s29+$0x0] =	vst.idx.msk $0xffff, v0;
	v26 =	vmul.u32 $0xC000, v42;
	(pc) =	sbr.rel @p1 .LBB2_14-.Ltmp8, $4  }
0x1eb: {  	v32 =	vmul.u32 $0xC000, v41;
	v25 =	vor.u32 v33, v25;
	v28 =	vshrl.u32 v24, $0x3  }
0x1ec: {  	v29 =	vand.u32 $0x380, v29;
	v27 =	vadd.s32 v34, v26;
	v26 =	vshll.u32 v37, $0x7  }
0x1ed: {  	v33 =	vand.u32 $0x380, v38;
	v32 =	vadd.s32 v43, v32;
	[tilespmem:v39+s29+$0x0] =	vst.idx.msk $0xffff, v0;
	v26 =	vand.u32 $0x380, v26  }
0x1ee: {  	v30 =	vor.u32 v33, v30;
	v31 =	vadd.s32 v35, v31;
	v26 =	vor.u32 v26, v32  }
0x1ef: {  	v14 =	vmul.u32 $0xC000, v28  }
0x1f0: {  	v24 =	vshll.u32 v24, $0x7;
	v27 =	vor.u32 v29, v27  }
0x1f1: {  	v24 =	vand.u32 $0x380, v24;
	v21 =	vor.u32 v21, v27;
	v14 =	vadd.s32 v19, v14  }
0x1f2: {  	v18 =	vor.u32 v18, v30;
	v14 =	vor.u32 v24, v14  }
0x1f3: {  	v19 =	vand.u32 $0x380, v23;
	v14 =	vor.u32 v20, v14  }
0x1f4: {  	v17 =	vand.u32 $0x7F, v17;
	v19 =	vor.u32 v19, v31;
	v20 =	vor.u32 v22, v26  }
0x1f5: {  	[tilespmem:v25+s29+$0x0] =	vst.idx.msk $0xffff, v0;
	v17 =	vor.u32 v17, v19  }
0x1f6: {  	[tilespmem:v21+s29+$0x0] =	vst.idx.msk $0xffff, v0  }
0x1f7: {  	[tilespmem:v18+s29+$0x0] =	vst.idx.msk $0xffff, v0  }
0x1f8: {  	[tilespmem:v14+s29+$0x0] =	vst.idx.msk $0xffff, v0  }
0x1f9: {  	[tilespmem:v20+s29+$0x0] =	vst.idx.msk $0xffff, v0  }
0x1fa: {  	s19 =	simm.s32 $0x0;
	[tilespmem:v17+s29+$0x0] =	vst.idx.msk $0xffff, v0  }
0x1fb: {  	v27 =	vld [tilespmem:s19+$0x1900]  }
0x1fc: {  	v19 =	vld [tilespmem:s19+$0x1950]  }
0x1fd: {  	v18 =	vld [tilespmem:s19+$0x1910]  }
0x1fe: {  	v30 =	vld [tilespmem:s19+$0x1940]  }
0x1ff: {  	v26 =	vld [tilespmem:s19+$0x1970]  }
0x200: {  	v28 =	vld [tilespmem:s19+$0x1960]  }
0x201: {  	v31 =	vld [tilespmem:s19+$0x1920]  }
0x202: {  	v29 =	vld [tilespmem:s19+$0x1930]  }
0x203: {  	v24 =	vld.idx.msk [tilespmem:v27+s4+$0x0], $0xffff  }
0x204: {  	v20 =	vld.idx.msk [tilespmem:v19+s4+$0x0], $0xffff  }
0x205: {  	v17 =	vld.idx.msk [tilespmem:v18+s22+$0x0], $0xffff  }
0x206: {  	v14 =	vadd.s32 $0x70, v3;
	v25 =	vld.idx.msk [tilespmem:v18+s4+$0x0], $0xffff  }
0x207: {  	v21 =	vshll.u32 v14, $0x3;
	v18 =	vand.u32 $0x7F, v15;
	v15 =	vld.idx.msk [tilespmem:v19+s22+$0x0], $0xffff  }
0x208: {  	s1 =	simm.s32 $0x200;
	v23 =	vand.u32 $0x7F, v16;
	v16 =	vand.u32 $0xFFFFFC00, v21;
	v19 =	vand.u32 $0x7F, v13;
	v13 =	vld.idx.msk [tilespmem:v26+s22+$0x0], $0xffff  }
.LBB2_16:
0x209: {  	p1 =	sne.s32 s1, $0x5E00;
	v32 =	vld.idx.msk [tilespmem:v30+s4+$0x0], $0xffff;
	v33 =	vshrl.u32 v24, $0x3;
	v12 =	vand.u32 $0xFFFFFC00, v12;
	v3 =	vadd.s32 $0x80, v3;
	s5 =	smov.u32 s1;
	s1 =	sadd.s32 $0x200, s1  }
0x20a: {  	v22 =	vadd.s32 $0x40, v3;
	v21 =	vadd.s32 $0x50, v3;
	v34 =	vld.idx.msk [tilespmem:v31+s22+$0x0], $0xffff;
	v33 =	vmul.u32 $0xC000, v33  }
0x20b: {  	v38 =	vshll.u32 v24, $0x7;
	v35 =	vshll.u32 v22, $0x3;
	v36 =	vshll.u32 v21, $0x3;
	v37 =	vld.idx.msk [tilespmem:v28+s4+$0x0], $0xffff  }
0x20c: {  	v31 =	vld.idx.msk [tilespmem:v31+s4+$0x0], $0xffff;
	v11 =	vadd.s32 v11, v33;
	v33 =	vand.u32 $0x380, v38;
	v38 =	vshrl.u32 v25, $0x3  }
0x20d: {  	v39 =	vld.idx.msk [tilespmem:v29+s4+$0x0], $0xffff;
	v11 =	vor.u32 v33, v11;
	v33 =	vmul.u32 $0xC000, v38;
	v38 =	vshll.u32 v25, $0x7  }
0x20e: {  	v41 =	vand.u32 $0xFFFFFC00, v4;
	v40 =	vadd.s32 $0x60, v3;
	v4 =	vmovc v36;
	v30 =	vld.idx.msk [tilespmem:v30+s22+$0x0], $0xffff;
	v38 =	vand.u32 $0x380, v38  }
0x20f: {  	v36 =	vshll.u32 v32, $0x7;
	v27 =	vld.idx.msk [tilespmem:v27+s22+$0x0], $0xffff;
	v10 =	vadd.s32 v10, v33;
	v33 =	vshrl.u32 v32, $0x3  }
0x210: {  	v42 =	vshrl.u32 v20, $0x3;
	v43 =	vshll.u32 v20, $0x7;
	v29 =	vld.idx.msk [tilespmem:v29+s22+$0x0], $0xffff;
	v33 =	vmul.u32 $0xC000, v33  }
0x211: {  	v43 =	vand.u32 $0x380, v43;
	v36 =	vand.u32 $0x380, v36;
	v44 =	vshrl.u32 v37, $0x3;
	v28 =	vld.idx.msk [tilespmem:v28+s22+$0x0], $0xffff  }
0x212: {  	v42 =	vmul.u32 $0xC000, v42;
	v45 =	vshrl.u32 v31, $0x3;
	v46 =	vshll.u32 v31, $0x7;
	v26 =	vld.idx.msk [tilespmem:v26+s4+$0x0], $0xffff  }
0x213: {  	v45 =	vmul.u32 $0xC000, v45;
	v47 =	vshrl.u32 v39, $0x3;
	[tilespmem:s19+$0x1C930] =	vst v39;
	v39 =	vshll.u32 v39, $0x7  }
0x214: {  	s5 =	sshra.s32 s5, $0x2;
	v41 =	vadd.s32 v41, v42;
	[tilespmem:s19+$0x1C900] =	vst v24;
	v24 =	vmul.u32 $0xC000, v47;
	v47 =	vand.u32 $0xFFFFFC00, v2;
	v2 =	vmovc v35  }
0x215: {  	v9 =	vadd.s32 v9, v45;
	v35 =	vor.u32 v43, v41;
	[tilespmem:s19+$0x1C910] =	vst v25;
	v25 =	vand.u32 $0x380, v46  }
0x216: {  	[tilespmem:s19+$0x1C920] =	vst v31;
	v9 =	vor.u32 v25, v9;
	v8 =	vadd.s32 v8, v24;
	v24 =	vand.u32 $0x380, v39  }
0x217: {  	[tilespmem:s19+$0x1C940] =	vst v32;
	v5 =	vor.u32 v5, v9;
	v8 =	vor.u32 v24, v8;
	v9 =	vadd.s32 v47, v33  }
0x218: {  	v24 =	vshll.u32 v37, $0x7;
	[tilespmem:s19+$0x1C970] =	vst v26;
	v8 =	vor.u32 v18, v8;
	v18 =	vmul.u32 $0xC000, v44  }
0x219: {  	v6 =	vor.u32 v6, v11;
	v10 =	vor.u32 v38, v10;
	v11 =	vand.u32 $0x380, v24;
	[tilespmem:s19+$0x1C950] =	vst v20  }
0x21a: {  	v7 =	vor.u32 v7, v10;
	v10 =	vor.u32 v23, v35;
	[tilespmem:s19+$0x1C960] =	vst v37;
	v12 =	vadd.s32 v12, v18;
	s19 =	smov.u32 s5  }
0x21b: {  	v9 =	vor.u32 v36, v9;
	v18 =	vshrl.u32 v26, $0x3;
	v11 =	vor.u32 v11, v12  }
0x21c: {  	v20 =	vadd.s32 $0x70, v3;
	v12 =	vshll.u32 v40, $0x3;
	v18 =	vmul.u32 $0xC000, v18  }
0x21d: {  	v9 =	vor.u32 v19, v9;
	v19 =	vshll.u32 v26, $0x7;
	v32 =	vshll.u32 v20, $0x3  }
0x21e: {  	v16 =	vadd.s32 v16, v18;
	v18 =	vand.u32 $0x380, v19;
	[tilespmem:v6+s29+$0x0] =	vst.idx.msk $0xffff, v27;
	v6 =	vand.u32 $0x7F, v1;
	v1 =	vmovc v40  }
0x21f: {  	[tilespmem:v7+s29+$0x0] =	vst.idx.msk $0xffff, v17;
	v6 =	vor.u32 v6, v11;
	v7 =	vand.u32 $0x7F, v14;
	v11 =	vor.u32 v18, v16  }
0x220: {  	v14 =	vmov v20;
	[tilespmem:v5+s29+$0x0] =	vst.idx.msk $0xffff, v34;
	v7 =	vor.u32 v7, v11  }
0x221: {  	v16 =	vadd.s32 $0x20, v3;
	v5 =	vadd.s32 $0x30, v3;
	[tilespmem:v8+s29+$0x0] =	vst.idx.msk $0xffff, v29  }
0x222: {  	v17 =	vadd.s32 $0x10, v3;
	v11 =	vshll.u32 v3, $0x3;
	v18 =	vand.u32 $0x7F, v5;
	[tilespmem:v9+s29+$0x0] =	vst.idx.msk $0xffff, v30  }
0x223: {  	v8 =	vshll.u32 v5, $0x3;
	[tilespmem:v10+s29+$0x0] =	vst.idx.msk $0xffff, v15  }
0x224: {  	v5 =	vand.u32 $0x7F, v16;
	[tilespmem:v6+s29+$0x0] =	vst.idx.msk $0xffff, v28  }
0x225: {  	v8 =	vand.u32 $0xFFFFFC00, v8;
	[tilespmem:v7+s29+$0x0] =	vst.idx.msk $0xffff, v13  }
0x226: {  	v11 =	vand.u32 $0xFFFFFC00, v11;
	v7 =	vand.u32 $0x7F, v17;
	v27 =	vld [tilespmem:s19+$0x1900]  }
0x227: {  	v9 =	vshll.u32 v16, $0x3;
	v6 =	vld [tilespmem:s19+$0x1950]  }
0x228: {  	v10 =	vshll.u32 v17, $0x3;
	v9 =	vand.u32 $0xFFFFFC00, v9;
	v13 =	vld [tilespmem:s19+$0x1910]  }
0x229: {  	v30 =	vld [tilespmem:s19+$0x1940]  }
0x22a: {  	v10 =	vand.u32 $0xFFFFFC00, v10;
	v26 =	vld [tilespmem:s19+$0x1970]  }
0x22b: {  	v28 =	vld [tilespmem:s19+$0x1960]  }
0x22c: {  	v31 =	vld [tilespmem:s19+$0x1920]  }
0x22d: {  	v29 =	vld [tilespmem:s19+$0x1930]  }
0x22e: {  	v24 =	vld.idx.msk [tilespmem:v27+s4+$0x0], $0xffff  }
.Ltmp9:
0x22f: {  	v20 =	vld.idx.msk [tilespmem:v6+s4+$0x0], $0xffff;
	(pc) =	sbr.rel @p1 .LBB2_16-.Ltmp9, $4  }
0x230: {  	v17 =	vld.idx.msk [tilespmem:v13+s22+$0x0], $0xffff  }
0x231: {  	v25 =	vld.idx.msk [tilespmem:v13+s4+$0x0], $0xffff  }
0x232: {  	v19 =	vand.u32 $0x7F, v22;
	v15 =	vld.idx.msk [tilespmem:v6+s22+$0x0], $0xffff  }
0x233: {  	v23 =	vand.u32 $0x7F, v21;
	v16 =	vand.u32 $0xFFFFFC00, v32;
	v6 =	vand.u32 $0x7F, v3;
	v13 =	vld.idx.msk [tilespmem:v26+s22+$0x0], $0xffff  }
0x234: {  	_ =	sdelay $0x3  }
0x235: {  	v3 =	vshrl.u32 v24, $0x3;
	v21 =	vld.idx.msk [tilespmem:v30+s4+$0x0], $0xffff;
	v12 =	vand.u32 $0xFFFFFC00, v12;
	v32 =	vshll.u32 v24, $0x7  }
0x236: {  	v22 =	vld.idx.msk [tilespmem:v28+s4+$0x0], $0xffff;
	v4 =	vand.u32 $0xFFFFFC00, v4;
	v36 =	vshrl.u32 v20, $0x3;
	v37 =	vshll.u32 v20, $0x7  }
0x237: {  	v33 =	vld.idx.msk [tilespmem:v31+s4+$0x0], $0xffff;
	v2 =	vand.u32 $0xFFFFFC00, v2;
	v1 =	vand.u32 $0x7F, v1;
	v3 =	vmul.u32 $0xC000, v3  }
0x238: {  	v35 =	vld.idx.msk [tilespmem:v29+s4+$0x0], $0xffff;
	v32 =	vand.u32 $0x380, v32;
	v37 =	vand.u32 $0x380, v37;
	v36 =	vmul.u32 $0xC000, v36  }
0x239: {  	v34 =	vshll.u32 v25, $0x7;
	v3 =	vadd.s32 v11, v3;
	v11 =	vshrl.u32 v25, $0x3  }
0x23a: {  	v31 =	vld.idx.msk [tilespmem:v31+s22+$0x0], $0xffff;
	v46 =	vand.u32 $0x380, v34;
	v4 =	vadd.s32 v4, v36;
	v11 =	vmul.u32 $0xC000, v11  }
0x23b: {  	v30 =	vld.idx.msk [tilespmem:v30+s22+$0x0], $0xffff;
	v3 =	vor.u32 v32, v3;
	v4 =	vor.u32 v37, v4;
	v47 =	vshll.u32 v21, $0x7  }
0x23c: {  	v27 =	vld.idx.msk [tilespmem:v27+s22+$0x0], $0xffff;
	v38 =	vshrl.u32 v22, $0x3;
	v39 =	vshrl.u32 v33, $0x3;
	v40 =	vshll.u32 v33, $0x7  }
0x23d: {  	v29 =	vld.idx.msk [tilespmem:v29+s22+$0x0], $0xffff;
	v41 =	vshrl.u32 v35, $0x3;
	v48 =	vshll.u32 v35, $0x7;
	v3 =	vor.u32 v6, v3  }
0x23e: {  	v26 =	vld.idx.msk [tilespmem:v26+s4+$0x0], $0xffff;
	v10 =	vadd.s32 v10, v11;
	v11 =	vshrl.u32 v21, $0x3;
	v34 =	vand.u32 $0x380, v47  }
0x23f: {  	v28 =	vld.idx.msk [tilespmem:v28+s22+$0x0], $0xffff;
	[tilespmem:s19+$0x1C900] =	vst v24;
	v39 =	vmul.u32 $0xC000, v39;
	v41 =	vmul.u32 $0xC000, v41;
	v49 =	vand.u32 $0x380, v40  }
0x240: {  	[tilespmem:s19+$0x1C950] =	vst v20;
	v24 =	vand.u32 $0x380, v48;
	v11 =	vmul.u32 $0xC000, v11;
	v6 =	vor.u32 v46, v10  }
0x241: {  	[tilespmem:s19+$0x1C910] =	vst v25;
	v10 =	vshll.u32 v22, $0x7;
	v9 =	vadd.s32 v9, v39;
	v8 =	vadd.s32 v8, v41  }
0x242: {  	[tilespmem:s19+$0x1C930] =	vst v35;
	v6 =	vor.u32 v7, v6;
	v7 =	vand.u32 $0x380, v10;
	v9 =	vor.u32 v49, v9  }
0x243: {  	[tilespmem:s19+$0x1C920] =	vst v33;
	v10 =	vshrl.u32 v26, $0x3;
	v5 =	vor.u32 v5, v9;
	v9 =	vmul.u32 $0xC000, v38  }
0x244: {  	[tilespmem:s19+$0x1C940] =	vst v21;
	v8 =	vor.u32 v24, v8;
	v2 =	vadd.s32 v2, v11;
	v10 =	vmul.u32 $0xC000, v10  }
0x245: {  	[tilespmem:s19+$0x1C970] =	vst v26;
	v8 =	vor.u32 v18, v8;
	v2 =	vor.u32 v34, v2;
	v9 =	vadd.s32 v12, v9  }
0x246: {  	[tilespmem:s19+$0x1C960] =	vst v22;
	v2 =	vor.u32 v19, v2;
	v7 =	vor.u32 v7, v9;
	v9 =	vshll.u32 v26, $0x7  }
0x247: {  	v4 =	vor.u32 v23, v4;
	[tilespmem:v3+s29+$0x0] =	vst.idx.msk $0xffff, v27;
	v3 =	vadd.s32 v16, v10;
	v9 =	vand.u32 $0x380, v9  }
0x248: {  	[tilespmem:v6+s29+$0x0] =	vst.idx.msk $0xffff, v17;
	v6 =	vand.u32 $0x7F, v14;
	v1 =	vor.u32 v1, v7;
	v3 =	vor.u32 v9, v3  }
0x249: {  	[tilespmem:v5+s29+$0x0] =	vst.idx.msk $0xffff, v31;
	v3 =	vor.u32 v6, v3  }
0x24a: {  	[tilespmem:v8+s29+$0x0] =	vst.idx.msk $0xffff, v29  }
0x24b: {  	[tilespmem:v2+s29+$0x0] =	vst.idx.msk $0xffff, v30  }
0x24c: {  	[tilespmem:v4+s29+$0x0] =	vst.idx.msk $0xffff, v15  }
0x24d: {  	[tilespmem:v1+s29+$0x0] =	vst.idx.msk $0xffff, v28  }
0x24e: {  	s1 =	simm.s32 $0x0;
	[tilespmem:v3+s29+$0x0] =	vst.idx.msk $0xffff, v13  }
0x24f: {  	[hbm4b:s14+s1] =	stream.linear.scatter [tilespmem:s29], [sflag:$0x4], $0xC000, $0x38;
	[tilespmem:$0x1E780] =	vst v63  }
0x250: {  	_ = 	snop  }
0x251: {  	[tilespmem:s24], [sflag:$0x2] =	stream.linear.gather [hbm4b:s15+s1], $0x200, $0x38;
	[tilespmem:$0x1E780] =	vst v63  }
0x252: {  	_ =	swait.ge [sflag:s25], $0x1800  }
0x253: {  	[sflag:s25] =	ssyncset.done $0x0  }
0x254: {  	[sflag:s25] =	ssyncadd.s32 $0xFFFFE800  }
0x255: {  	v3 =	vlaneseq.u32;
	_ =	swait.ge [sflag:s30], $0xC000  }
0x256: {  	v1 =	vshll.u32 v3, $0x3;
	v13 =	vadd.s32 $0x40, v3;
	[sflag:s30] =	ssyncset.done $0x0  }
0x257: {  	s19 =	simm.s32 $0x0;
	v6 =	vand.u32 $0x7F, v3;
	v7 =	vadd.s32 $0x10, v3;
	v15 =	vadd.s32 $0x30, v3;
	[sflag:s30] =	ssyncadd.s32 $0xFFFF4000  }
0x258: {  	v5 =	vadd.s32 $0x20, v3;
	v16 =	vadd.s32 $0x50, v3;
	v17 =	vadd.s32 $0x70, v3;
	v24 =	vld [tilespmem:s19+$0x1B110]  }
0x259: {  	v14 =	vadd.s32 $0x80, v3;
	v2 =	vshll.u32 v13, $0x3;
	v11 =	vand.u32 $0xFFFFFC00, v1;
	v23 =	vld [tilespmem:s19+$0x1B100]  }
0x25a: {  	v1 =	vshll.u32 v7, $0x3;
	v8 =	vshll.u32 v5, $0x3;
	v4 =	vshll.u32 v16, $0x3;
	v26 =	vld [tilespmem:s19+$0x1B170]  }
0x25b: {  	v18 =	vand.u32 $0x7F, v13;
	v5 =	vand.u32 $0x7F, v5;
	v12 =	vshll.u32 v17, $0x3;
	v30 =	vld [tilespmem:s19+$0x1B160]  }
0x25c: {  	v21 =	vand.u32 $0x7F, v15;
	v20 =	vand.u32 $0x7F, v16;
	v7 =	vand.u32 $0x7F, v7;
	v27 =	vld [tilespmem:s19+$0x1B120]  }
0x25d: {  	v10 =	vand.u32 $0xFFFFFC00, v1;
	v1 =	vshll.u32 v15, $0x3;
	v25 =	vand.u32 $0xFFFFFC00, v2;
	v28 =	vld [tilespmem:s19+$0x1B140]  }
0x25e: {  	v9 =	vand.u32 $0xFFFFFC00, v8;
	v8 =	vand.u32 $0xFFFFFC00, v1;
	v1 =	vadd.s32 $0x60, v3;
	v29 =	vld [tilespmem:s19+$0x1B130]  }
0x25f: {  	v19 =	vand.u32 $0xFFFFFC00, v4;
	v31 =	vand.u32 $0xFFFFFC00, v12;
	v12 =	vshll.u32 v1, $0x3  }
0x260: {  	v22 =	vand.u32 $0x7F, v1;
	v53 =	vand.u32 $0xFFFFFC00, v12;
	v50 =	vshrl.u32 v23, $0x3  }
0x261: {  	v51 =	vshll.u32 v23, $0x7;
	v52 =	vshrl.u32 v24, $0x3;
	v23 =	vshll.u32 v26, $0x7  }
0x262: {  	v24 =	vshll.u32 v24, $0x7;
	v54 =	vshrl.u32 v30, $0x3;
	v55 =	vshrl.u32 v27, $0x3  }
0x263: {  	v58 =	vshrl.u32 v29, $0x3;
	v59 =	vshrl.u32 v28, $0x3;
	v27 =	vshll.u32 v27, $0x7  }
0x264: {  	v60 =	vshll.u32 v28, $0x7;
	v29 =	vshll.u32 v29, $0x7;
	v32 =	vmul.u32 $0xC000, v50  }
0x265: {  	v26 =	vshrl.u32 v26, $0x3;
	v33 =	vand.u32 $0x380, v51;
	v56 =	vmul.u32 $0xC000, v52  }
0x266: {  	v57 =	vand.u32 $0x380, v24;
	v37 =	vmul.u32 $0xC000, v55;
	v32 =	vadd.s32 v11, v32  }
0x267: {  	v39 =	vmul.u32 $0xC000, v59;
	v32 =	vor.u32 v33, v32;
	v33 =	vadd.s32 v10, v56  }
0x268: {  	v27 =	vand.u32 $0x380, v27;
	v32 =	vor.u32 v6, v32;
	v33 =	vor.u32 v57, v33  }
0x269: {  	v24 =	vld [tilespmem:s19+$0x1B150];
	v39 =	vadd.s32 v25, v39;
	v25 =	vadd.s32 v9, v37;
	v33 =	vor.u32 v7, v33  }
0x26a: {  	v61 =	vmul.u32 $0xC000, v26;
	v26 =	vmul.u32 $0xC000, v54;
	v25 =	vor.u32 v27, v25  }
0x26b: {  	v30 =	vshll.u32 v30, $0x7;
	v29 =	vand.u32 $0x380, v29;
	v25 =	vor.u32 v5, v25  }
0x26c: {  	v62 =	vand.u32 $0x380, v60;
	v26 =	vadd.s32 v53, v26;
	v27 =	vmul.u32 $0xC000, v58  }
0x26d: {  	v63 =	vand.u32 $0x380, v30;
	v31 =	vadd.s32 v31, v61;
	v30 =	vor.u32 v62, v39;
	[tilespmem:v32+s26+$0x0] =	vst.idx.msk $0xffff, v0  }
0x26e: {  	s1 =	simm.s32 $0x200;
	v26 =	vor.u32 v63, v26;
	v28 =	vshrl.u32 v24, $0x3;
	v27 =	vadd.s32 v8, v27;
	[tilespmem:v33+s26+$0x0] =	vst.idx.msk $0xffff, v0  }
.LBB2_18:
0x26f: {  	s19 =	sshra.s32 s1, $0x2;
	p1 =	sne.s32 s1, $0x5E00;
	s1 =	sadd.s32 $0x200, s1;
	v28 =	vmul.u32 $0xC000, v28;
	v24 =	vshll.u32 v24, $0x7;
	v23 =	vand.u32 $0x380, v23  }
0x270: {  	[tilespmem:v25+s26+$0x0] =	vst.idx.msk $0xffff, v0;
	v25 =	vor.u32 v29, v27;
	v24 =	vand.u32 $0x380, v24;
	v23 =	vor.u32 v23, v31  }
0x271: {  	v17 =	vand.u32 $0x7F, v17;
	v21 =	vor.u32 v21, v25;
	v19 =	vadd.s32 v19, v28  }
0x272: {  	v18 =	vor.u32 v18, v30;
	v22 =	vor.u32 v22, v26;
	v19 =	vor.u32 v24, v19  }
0x273: {  	v25 =	vadd.s32 $0x40, v14;
	v24 =	vshll.u32 v14, $0x3;
	v19 =	vor.u32 v20, v19  }
0x274: {  	v26 =	vand.u32 $0x7F, v14;
	v27 =	vadd.s32 $0x10, v14;
	v20 =	vshll.u32 v25, $0x3  }
0x275: {  	v28 =	vshll.u32 v27, $0x3;
	v23 =	vor.u32 v17, v23;
	v24 =	vand.u32 $0xFFFFFC00, v24  }
0x276: {  	v29 =	vadd.s32 $0x30, v14;
	v28 =	vand.u32 $0xFFFFFC00, v28;
	[tilespmem:v21+s26+$0x0] =	vst.idx.msk $0xffff, v0  }
0x277: {  	v30 =	vand.u32 $0xFFFFFC00, v20;
	v21 =	vshll.u32 v29, $0x3;
	[tilespmem:v18+s26+$0x0] =	vst.idx.msk $0xffff, v0  }
0x278: {  	v31 =	vadd.s32 $0x50, v14;
	v20 =	vadd.s32 $0x20, v14;
	[tilespmem:v19+s26+$0x0] =	vst.idx.msk $0xffff, v0  }
0x279: {  	v17 =	vshll.u32 v20, $0x3;
	v19 =	vshll.u32 v31, $0x3;
	[tilespmem:v22+s26+$0x0] =	vst.idx.msk $0xffff, v0  }
0x27a: {  	v32 =	vand.u32 $0xFFFFFC00, v17;
	v17 =	vadd.s32 $0x70, v14;
	v18 =	vand.u32 $0x7F, v25;
	[tilespmem:v23+s26+$0x0] =	vst.idx.msk $0xffff, v0  }
0x27b: {  	v33 =	vand.u32 $0x7F, v20;
	v20 =	vshll.u32 v17, $0x3;
	v25 =	vld [tilespmem:s19+$0x1B110]  }
0x27c: {  	v34 =	vand.u32 $0xFFFFFC00, v21;
	v35 =	vand.u32 $0xFFFFFC00, v20;
	v19 =	vand.u32 $0xFFFFFC00, v19;
	v23 =	vld [tilespmem:s19+$0x1B100]  }
0x27d: {  	v36 =	vld [tilespmem:s19+$0x1B170]  }
0x27e: {  	v21 =	vand.u32 $0x7F, v29;
	v29 =	vadd.s32 $0x60, v14;
	v37 =	vld [tilespmem:s19+$0x1B160]  }
0x27f: {  	v14 =	vadd.s32 $0x80, v14;
	v38 =	vld [tilespmem:s19+$0x1B120]  }
0x280: {  	v20 =	vand.u32 $0x7F, v31;
	v22 =	vand.u32 $0x7F, v29;
	v29 =	vshll.u32 v29, $0x3;
	v39 =	vld [tilespmem:s19+$0x1B140]  }
0x281: {  	v42 =	vshrl.u32 v25, $0x3;
	v31 =	vld [tilespmem:s19+$0x1B130];
	v40 =	vshrl.u32 v23, $0x3;
	v41 =	vshll.u32 v23, $0x7  }
0x282: {  	v43 =	vand.u32 $0xFFFFFC00, v29;
	v40 =	vmul.u32 $0xC000, v40;
	v23 =	vshll.u32 v36, $0x7  }
0x283: {  	v25 =	vshll.u32 v25, $0x7;
	v29 =	vand.u32 $0x380, v41;
	v41 =	vshrl.u32 v37, $0x3  }
0x284: {  	v27 =	vand.u32 $0x7F, v27;
	v24 =	vadd.s32 v24, v40;
	v40 =	vshrl.u32 v38, $0x3  }
0x285: {  	v25 =	vand.u32 $0x380, v25;
	v24 =	vor.u32 v29, v24;
	v29 =	vmul.u32 $0xC000, v42  }
0x286: {  	v44 =	vshrl.u32 v39, $0x3;
	v26 =	vor.u32 v26, v24;
	v42 =	vshrl.u32 v31, $0x3  }
0x287: {  	v24 =	vld [tilespmem:s19+$0x1B150];
	v28 =	vadd.s32 v28, v29;
	v29 =	vmul.u32 $0xC000, v40;
	v40 =	vmul.u32 $0xC000, v44  }
0x288: {  	v25 =	vor.u32 v25, v28;
	v28 =	vshll.u32 v38, $0x7;
	v38 =	vshll.u32 v39, $0x7  }
0x289: {  	v39 =	vor.u32 v27, v25;
	v25 =	vand.u32 $0x380, v28;
	v30 =	vadd.s32 v30, v40  }
0x28a: {  	v27 =	vadd.s32 v32, v29;
	v29 =	vshll.u32 v31, $0x7;
	v28 =	vshrl.u32 v36, $0x3  }
.Ltmp10:
0x28b: {  	v25 =	vor.u32 v25, v27;
	v31 =	vmul.u32 $0xC000, v28;
	[tilespmem:v26+s26+$0x0] =	vst.idx.msk $0xffff, v0;
	v26 =	vmul.u32 $0xC000, v42;
	(pc) =	sbr.rel @p1 .LBB2_18-.Ltmp10, $4  }
0x28c: {  	v32 =	vmul.u32 $0xC000, v41;
	v25 =	vor.u32 v33, v25;
	v28 =	vshrl.u32 v24, $0x3  }
0x28d: {  	v29 =	vand.u32 $0x380, v29;
	v27 =	vadd.s32 v34, v26;
	v26 =	vshll.u32 v37, $0x7  }
0x28e: {  	v33 =	vand.u32 $0x380, v38;
	v32 =	vadd.s32 v43, v32;
	[tilespmem:v39+s26+$0x0] =	vst.idx.msk $0xffff, v0;
	v26 =	vand.u32 $0x380, v26  }
0x28f: {  	v30 =	vor.u32 v33, v30;
	v31 =	vadd.s32 v35, v31;
	v26 =	vor.u32 v26, v32  }
0x290: {  	v14 =	vmul.u32 $0xC000, v28  }
0x291: {  	v24 =	vshll.u32 v24, $0x7;
	v27 =	vor.u32 v29, v27  }
0x292: {  	v24 =	vand.u32 $0x380, v24;
	v21 =	vor.u32 v21, v27;
	v14 =	vadd.s32 v19, v14  }
0x293: {  	v18 =	vor.u32 v18, v30;
	v14 =	vor.u32 v24, v14  }
0x294: {  	v19 =	vand.u32 $0x380, v23;
	v14 =	vor.u32 v20, v14  }
0x295: {  	v17 =	vand.u32 $0x7F, v17;
	v19 =	vor.u32 v19, v31;
	v20 =	vor.u32 v22, v26  }
0x296: {  	[tilespmem:v25+s26+$0x0] =	vst.idx.msk $0xffff, v0;
	v17 =	vor.u32 v17, v19  }
0x297: {  	[tilespmem:v21+s26+$0x0] =	vst.idx.msk $0xffff, v0  }
0x298: {  	[tilespmem:v18+s26+$0x0] =	vst.idx.msk $0xffff, v0  }
0x299: {  	[tilespmem:v14+s26+$0x0] =	vst.idx.msk $0xffff, v0  }
0x29a: {  	[tilespmem:v20+s26+$0x0] =	vst.idx.msk $0xffff, v0  }
0x29b: {  	s19 =	simm.s32 $0x0;
	[tilespmem:v17+s26+$0x0] =	vst.idx.msk $0xffff, v0  }
0x29c: {  	v27 =	vld [tilespmem:s19+$0x100]  }
0x29d: {  	v19 =	vld [tilespmem:s19+$0x150]  }
0x29e: {  	v18 =	vld [tilespmem:s19+$0x110]  }
0x29f: {  	v30 =	vld [tilespmem:s19+$0x140]  }
0x2a0: {  	v26 =	vld [tilespmem:s19+$0x170]  }
0x2a1: {  	v28 =	vld [tilespmem:s19+$0x160]  }
0x2a2: {  	v31 =	vld [tilespmem:s19+$0x120]  }
0x2a3: {  	v29 =	vld [tilespmem:s19+$0x130]  }
0x2a4: {  	v24 =	vld.idx.msk [tilespmem:v27+s4+$0x0], $0xffff  }
0x2a5: {  	v20 =	vld.idx.msk [tilespmem:v19+s4+$0x0], $0xffff  }
0x2a6: {  	v17 =	vld.idx.msk [tilespmem:v18+s22+$0x0], $0xffff  }
0x2a7: {  	v14 =	vadd.s32 $0x70, v3;
	v25 =	vld.idx.msk [tilespmem:v18+s4+$0x0], $0xffff  }
0x2a8: {  	v21 =	vshll.u32 v14, $0x3;
	v18 =	vand.u32 $0x7F, v15;
	v15 =	vld.idx.msk [tilespmem:v19+s22+$0x0], $0xffff  }
0x2a9: {  	s1 =	simm.s32 $0x200;
	v23 =	vand.u32 $0x7F, v16;
	v16 =	vand.u32 $0xFFFFFC00, v21;
	v19 =	vand.u32 $0x7F, v13;
	v13 =	vld.idx.msk [tilespmem:v26+s22+$0x0], $0xffff  }
.LBB2_20:
0x2aa: {  	p1 =	sne.s32 s1, $0x5E00;
	v32 =	vld.idx.msk [tilespmem:v30+s4+$0x0], $0xffff;
	v33 =	vshrl.u32 v24, $0x3;
	v12 =	vand.u32 $0xFFFFFC00, v12;
	v3 =	vadd.s32 $0x80, v3;
	s5 =	smov.u32 s1;
	s1 =	sadd.s32 $0x200, s1  }
0x2ab: {  	v22 =	vadd.s32 $0x40, v3;
	v21 =	vadd.s32 $0x50, v3;
	v34 =	vld.idx.msk [tilespmem:v31+s22+$0x0], $0xffff;
	v33 =	vmul.u32 $0xC000, v33  }
0x2ac: {  	v38 =	vshll.u32 v24, $0x7;
	v35 =	vshll.u32 v22, $0x3;
	v36 =	vshll.u32 v21, $0x3;
	v37 =	vld.idx.msk [tilespmem:v28+s4+$0x0], $0xffff  }
0x2ad: {  	v31 =	vld.idx.msk [tilespmem:v31+s4+$0x0], $0xffff;
	v11 =	vadd.s32 v11, v33;
	v33 =	vand.u32 $0x380, v38;
	v38 =	vshrl.u32 v25, $0x3  }
0x2ae: {  	v39 =	vld.idx.msk [tilespmem:v29+s4+$0x0], $0xffff;
	v11 =	vor.u32 v33, v11;
	v33 =	vmul.u32 $0xC000, v38;
	v38 =	vshll.u32 v25, $0x7  }
0x2af: {  	v41 =	vand.u32 $0xFFFFFC00, v4;
	v40 =	vadd.s32 $0x60, v3;
	v4 =	vmovc v36;
	v30 =	vld.idx.msk [tilespmem:v30+s22+$0x0], $0xffff;
	v38 =	vand.u32 $0x380, v38  }
0x2b0: {  	v36 =	vshll.u32 v32, $0x7;
	v27 =	vld.idx.msk [tilespmem:v27+s22+$0x0], $0xffff;
	v10 =	vadd.s32 v10, v33;
	v33 =	vshrl.u32 v32, $0x3  }
0x2b1: {  	v42 =	vshrl.u32 v20, $0x3;
	v43 =	vshll.u32 v20, $0x7;
	v29 =	vld.idx.msk [tilespmem:v29+s22+$0x0], $0xffff;
	v33 =	vmul.u32 $0xC000, v33  }
0x2b2: {  	v43 =	vand.u32 $0x380, v43;
	v36 =	vand.u32 $0x380, v36;
	v44 =	vshrl.u32 v37, $0x3;
	v28 =	vld.idx.msk [tilespmem:v28+s22+$0x0], $0xffff  }
0x2b3: {  	v42 =	vmul.u32 $0xC000, v42;
	v45 =	vshrl.u32 v31, $0x3;
	v46 =	vshll.u32 v31, $0x7;
	v26 =	vld.idx.msk [tilespmem:v26+s4+$0x0], $0xffff  }
0x2b4: {  	v45 =	vmul.u32 $0xC000, v45;
	v47 =	vshrl.u32 v39, $0x3;
	[tilespmem:s19+$0x1B130] =	vst v39;
	v39 =	vshll.u32 v39, $0x7  }
0x2b5: {  	s5 =	sshra.s32 s5, $0x2;
	v41 =	vadd.s32 v41, v42;
	[tilespmem:s19+$0x1B100] =	vst v24;
	v24 =	vmul.u32 $0xC000, v47;
	v47 =	vand.u32 $0xFFFFFC00, v2;
	v2 =	vmovc v35  }
0x2b6: {  	v9 =	vadd.s32 v9, v45;
	v35 =	vor.u32 v43, v41;
	[tilespmem:s19+$0x1B110] =	vst v25;
	v25 =	vand.u32 $0x380, v46  }
0x2b7: {  	[tilespmem:s19+$0x1B120] =	vst v31;
	v9 =	vor.u32 v25, v9;
	v8 =	vadd.s32 v8, v24;
	v24 =	vand.u32 $0x380, v39  }
0x2b8: {  	[tilespmem:s19+$0x1B140] =	vst v32;
	v5 =	vor.u32 v5, v9;
	v8 =	vor.u32 v24, v8;
	v9 =	vadd.s32 v47, v33  }
0x2b9: {  	v24 =	vshll.u32 v37, $0x7;
	[tilespmem:s19+$0x1B170] =	vst v26;
	v8 =	vor.u32 v18, v8;
	v18 =	vmul.u32 $0xC000, v44  }
0x2ba: {  	v6 =	vor.u32 v6, v11;
	v10 =	vor.u32 v38, v10;
	v11 =	vand.u32 $0x380, v24;
	[tilespmem:s19+$0x1B150] =	vst v20  }
0x2bb: {  	v7 =	vor.u32 v7, v10;
	v10 =	vor.u32 v23, v35;
	[tilespmem:s19+$0x1B160] =	vst v37;
	v12 =	vadd.s32 v12, v18;
	s19 =	smov.u32 s5  }
0x2bc: {  	v9 =	vor.u32 v36, v9;
	v18 =	vshrl.u32 v26, $0x3;
	v11 =	vor.u32 v11, v12  }
0x2bd: {  	v20 =	vadd.s32 $0x70, v3;
	v12 =	vshll.u32 v40, $0x3;
	v18 =	vmul.u32 $0xC000, v18  }
0x2be: {  	v9 =	vor.u32 v19, v9;
	v19 =	vshll.u32 v26, $0x7;
	v32 =	vshll.u32 v20, $0x3  }
0x2bf: {  	v16 =	vadd.s32 v16, v18;
	v18 =	vand.u32 $0x380, v19;
	[tilespmem:v6+s26+$0x0] =	vst.idx.msk $0xffff, v27;
	v6 =	vand.u32 $0x7F, v1;
	v1 =	vmovc v40  }
0x2c0: {  	[tilespmem:v7+s26+$0x0] =	vst.idx.msk $0xffff, v17;
	v6 =	vor.u32 v6, v11;
	v7 =	vand.u32 $0x7F, v14;
	v11 =	vor.u32 v18, v16  }
0x2c1: {  	v14 =	vmov v20;
	[tilespmem:v5+s26+$0x0] =	vst.idx.msk $0xffff, v34;
	v7 =	vor.u32 v7, v11  }
0x2c2: {  	v16 =	vadd.s32 $0x20, v3;
	v5 =	vadd.s32 $0x30, v3;
	[tilespmem:v8+s26+$0x0] =	vst.idx.msk $0xffff, v29  }
0x2c3: {  	v17 =	vadd.s32 $0x10, v3;
	v11 =	vshll.u32 v3, $0x3;
	v18 =	vand.u32 $0x7F, v5;
	[tilespmem:v9+s26+$0x0] =	vst.idx.msk $0xffff, v30  }
0x2c4: {  	v8 =	vshll.u32 v5, $0x3;
	[tilespmem:v10+s26+$0x0] =	vst.idx.msk $0xffff, v15  }
0x2c5: {  	v5 =	vand.u32 $0x7F, v16;
	[tilespmem:v6+s26+$0x0] =	vst.idx.msk $0xffff, v28  }
0x2c6: {  	v8 =	vand.u32 $0xFFFFFC00, v8;
	[tilespmem:v7+s26+$0x0] =	vst.idx.msk $0xffff, v13  }
0x2c7: {  	v11 =	vand.u32 $0xFFFFFC00, v11;
	v7 =	vand.u32 $0x7F, v17;
	v27 =	vld [tilespmem:s19+$0x100]  }
0x2c8: {  	v9 =	vshll.u32 v16, $0x3;
	v6 =	vld [tilespmem:s19+$0x150]  }
0x2c9: {  	v10 =	vshll.u32 v17, $0x3;
	v9 =	vand.u32 $0xFFFFFC00, v9;
	v13 =	vld [tilespmem:s19+$0x110]  }
0x2ca: {  	v30 =	vld [tilespmem:s19+$0x140]  }
0x2cb: {  	v10 =	vand.u32 $0xFFFFFC00, v10;
	v26 =	vld [tilespmem:s19+$0x170]  }
0x2cc: {  	v28 =	vld [tilespmem:s19+$0x160]  }
0x2cd: {  	v31 =	vld [tilespmem:s19+$0x120]  }
0x2ce: {  	v29 =	vld [tilespmem:s19+$0x130]  }
0x2cf: {  	v24 =	vld.idx.msk [tilespmem:v27+s4+$0x0], $0xffff  }
.Ltmp11:
0x2d0: {  	v20 =	vld.idx.msk [tilespmem:v6+s4+$0x0], $0xffff;
	(pc) =	sbr.rel @p1 .LBB2_20-.Ltmp11, $4  }
0x2d1: {  	v17 =	vld.idx.msk [tilespmem:v13+s22+$0x0], $0xffff  }
0x2d2: {  	v25 =	vld.idx.msk [tilespmem:v13+s4+$0x0], $0xffff  }
0x2d3: {  	v19 =	vand.u32 $0x7F, v22;
	v15 =	vld.idx.msk [tilespmem:v6+s22+$0x0], $0xffff  }
0x2d4: {  	v23 =	vand.u32 $0x7F, v21;
	v16 =	vand.u32 $0xFFFFFC00, v32;
	v6 =	vand.u32 $0x7F, v3;
	v13 =	vld.idx.msk [tilespmem:v26+s22+$0x0], $0xffff  }
0x2d5: {  	_ =	sdelay $0x3  }
0x2d6: {  	v3 =	vshrl.u32 v24, $0x3;
	v21 =	vld.idx.msk [tilespmem:v30+s4+$0x0], $0xffff;
	v12 =	vand.u32 $0xFFFFFC00, v12;
	v32 =	vshll.u32 v24, $0x7  }
0x2d7: {  	v22 =	vld.idx.msk [tilespmem:v28+s4+$0x0], $0xffff;
	v4 =	vand.u32 $0xFFFFFC00, v4;
	v36 =	vshrl.u32 v20, $0x3;
	v37 =	vshll.u32 v20, $0x7  }
0x2d8: {  	v33 =	vld.idx.msk [tilespmem:v31+s4+$0x0], $0xffff;
	v2 =	vand.u32 $0xFFFFFC00, v2;
	v1 =	vand.u32 $0x7F, v1;
	v3 =	vmul.u32 $0xC000, v3  }
0x2d9: {  	v35 =	vld.idx.msk [tilespmem:v29+s4+$0x0], $0xffff;
	v32 =	vand.u32 $0x380, v32;
	v37 =	vand.u32 $0x380, v37;
	v36 =	vmul.u32 $0xC000, v36  }
0x2da: {  	v34 =	vshll.u32 v25, $0x7;
	v3 =	vadd.s32 v11, v3;
	v11 =	vshrl.u32 v25, $0x3  }
0x2db: {  	v31 =	vld.idx.msk [tilespmem:v31+s22+$0x0], $0xffff;
	v46 =	vand.u32 $0x380, v34;
	v4 =	vadd.s32 v4, v36;
	v11 =	vmul.u32 $0xC000, v11  }
0x2dc: {  	v30 =	vld.idx.msk [tilespmem:v30+s22+$0x0], $0xffff;
	v3 =	vor.u32 v32, v3;
	v4 =	vor.u32 v37, v4;
	v47 =	vshll.u32 v21, $0x7  }
0x2dd: {  	v27 =	vld.idx.msk [tilespmem:v27+s22+$0x0], $0xffff;
	v38 =	vshrl.u32 v22, $0x3;
	v39 =	vshrl.u32 v33, $0x3;
	v40 =	vshll.u32 v33, $0x7  }
0x2de: {  	v29 =	vld.idx.msk [tilespmem:v29+s22+$0x0], $0xffff;
	v41 =	vshrl.u32 v35, $0x3;
	v48 =	vshll.u32 v35, $0x7;
	v3 =	vor.u32 v6, v3  }
0x2df: {  	v26 =	vld.idx.msk [tilespmem:v26+s4+$0x0], $0xffff;
	v10 =	vadd.s32 v10, v11;
	v11 =	vshrl.u32 v21, $0x3;
	v34 =	vand.u32 $0x380, v47  }
0x2e0: {  	v28 =	vld.idx.msk [tilespmem:v28+s22+$0x0], $0xffff;
	[tilespmem:s19+$0x1B100] =	vst v24;
	v39 =	vmul.u32 $0xC000, v39;
	v41 =	vmul.u32 $0xC000, v41;
	v49 =	vand.u32 $0x380, v40  }
0x2e1: {  	[tilespmem:s19+$0x1B150] =	vst v20;
	v24 =	vand.u32 $0x380, v48;
	v11 =	vmul.u32 $0xC000, v11;
	v6 =	vor.u32 v46, v10  }
0x2e2: {  	[tilespmem:s19+$0x1B110] =	vst v25;
	v10 =	vshll.u32 v22, $0x7;
	v9 =	vadd.s32 v9, v39;
	v8 =	vadd.s32 v8, v41  }
0x2e3: {  	[tilespmem:s19+$0x1B130] =	vst v35;
	v6 =	vor.u32 v7, v6;
	v7 =	vand.u32 $0x380, v10;
	v9 =	vor.u32 v49, v9  }
0x2e4: {  	[tilespmem:s19+$0x1B120] =	vst v33;
	v10 =	vshrl.u32 v26, $0x3;
	v5 =	vor.u32 v5, v9;
	v9 =	vmul.u32 $0xC000, v38  }
0x2e5: {  	[tilespmem:s19+$0x1B140] =	vst v21;
	v8 =	vor.u32 v24, v8;
	v2 =	vadd.s32 v2, v11;
	v10 =	vmul.u32 $0xC000, v10  }
0x2e6: {  	[tilespmem:s19+$0x1B170] =	vst v26;
	v8 =	vor.u32 v18, v8;
	v2 =	vor.u32 v34, v2;
	v9 =	vadd.s32 v12, v9  }
0x2e7: {  	[tilespmem:s19+$0x1B160] =	vst v22;
	v2 =	vor.u32 v19, v2;
	v7 =	vor.u32 v7, v9;
	v9 =	vshll.u32 v26, $0x7  }
0x2e8: {  	v4 =	vor.u32 v23, v4;
	[tilespmem:v3+s26+$0x0] =	vst.idx.msk $0xffff, v27;
	v3 =	vadd.s32 v16, v10;
	v9 =	vand.u32 $0x380, v9  }
0x2e9: {  	[tilespmem:v6+s26+$0x0] =	vst.idx.msk $0xffff, v17;
	v6 =	vand.u32 $0x7F, v14;
	v1 =	vor.u32 v1, v7;
	v3 =	vor.u32 v9, v3  }
0x2ea: {  	[tilespmem:v5+s26+$0x0] =	vst.idx.msk $0xffff, v31;
	v3 =	vor.u32 v6, v3  }
0x2eb: {  	[tilespmem:v8+s26+$0x0] =	vst.idx.msk $0xffff, v29  }
0x2ec: {  	[tilespmem:v2+s26+$0x0] =	vst.idx.msk $0xffff, v30  }
0x2ed: {  	[tilespmem:v4+s26+$0x0] =	vst.idx.msk $0xffff, v15  }
0x2ee: {  	[tilespmem:v1+s26+$0x0] =	vst.idx.msk $0xffff, v28  }
0x2ef: {  	s1 =	simm.s32 $0x0;
	[tilespmem:v3+s26+$0x0] =	vst.idx.msk $0xffff, v13  }
0x2f0: {  	[hbm4b:s16+s1] =	stream.linear.scatter [tilespmem:s26], [sflag:$0x3], $0xC000, $0x38;
	[tilespmem:$0x1E780] =	vst v63  }
0x2f1: {  	_ =	swait.ge [sflag:s28], $0x200  }
0x2f2: {  	[sflag:s28] =	ssyncset.done $0x0  }
0x2f3: {  	[sflag:s28] =	ssyncadd.s32 $0xFFFFFE00  }
0x2f4: {  	v3 =	vlaneseq.u32;
	_ =	swait.ge [sflag:s31], $0xC000  }
0x2f5: {  	v1 =	vshll.u32 v3, $0x3;
	v13 =	vadd.s32 $0x40, v3;
	[sflag:s31] =	ssyncset.done $0x0  }
0x2f6: {  	s19 =	simm.s32 $0x0;
	v6 =	vand.u32 $0x7F, v3;
	v7 =	vadd.s32 $0x10, v3;
	v15 =	vadd.s32 $0x30, v3;
	[sflag:s31] =	ssyncadd.s32 $0xFFFF4000  }
0x2f7: {  	v5 =	vadd.s32 $0x20, v3;
	v16 =	vadd.s32 $0x50, v3;
	v17 =	vadd.s32 $0x70, v3;
	v24 =	vld [tilespmem:s19+$0x1C910]  }
0x2f8: {  	v14 =	vadd.s32 $0x80, v3;
	v2 =	vshll.u32 v13, $0x3;
	v11 =	vand.u32 $0xFFFFFC00, v1;
	v23 =	vld [tilespmem:s19+$0x1C900]  }
0x2f9: {  	v1 =	vshll.u32 v7, $0x3;
	v8 =	vshll.u32 v5, $0x3;
	v4 =	vshll.u32 v16, $0x3;
	v26 =	vld [tilespmem:s19+$0x1C970]  }
0x2fa: {  	v18 =	vand.u32 $0x7F, v13;
	v5 =	vand.u32 $0x7F, v5;
	v12 =	vshll.u32 v17, $0x3;
	v30 =	vld [tilespmem:s19+$0x1C960]  }
0x2fb: {  	v21 =	vand.u32 $0x7F, v15;
	v20 =	vand.u32 $0x7F, v16;
	v7 =	vand.u32 $0x7F, v7;
	v27 =	vld [tilespmem:s19+$0x1C920]  }
0x2fc: {  	v10 =	vand.u32 $0xFFFFFC00, v1;
	v1 =	vshll.u32 v15, $0x3;
	v25 =	vand.u32 $0xFFFFFC00, v2;
	v28 =	vld [tilespmem:s19+$0x1C940]  }
0x2fd: {  	v9 =	vand.u32 $0xFFFFFC00, v8;
	v8 =	vand.u32 $0xFFFFFC00, v1;
	v1 =	vadd.s32 $0x60, v3;
	v29 =	vld [tilespmem:s19+$0x1C930]  }
0x2fe: {  	v19 =	vand.u32 $0xFFFFFC00, v4;
	v31 =	vand.u32 $0xFFFFFC00, v12;
	v12 =	vshll.u32 v1, $0x3  }
0x2ff: {  	v22 =	vand.u32 $0x7F, v1;
	v53 =	vand.u32 $0xFFFFFC00, v12;
	v50 =	vshrl.u32 v23, $0x3  }
0x300: {  	v51 =	vshll.u32 v23, $0x7;
	v52 =	vshrl.u32 v24, $0x3;
	v23 =	vshll.u32 v26, $0x7  }
0x301: {  	v24 =	vshll.u32 v24, $0x7;
	v54 =	vshrl.u32 v30, $0x3;
	v55 =	vshrl.u32 v27, $0x3  }
0x302: {  	v58 =	vshrl.u32 v29, $0x3;
	v59 =	vshrl.u32 v28, $0x3;
	v27 =	vshll.u32 v27, $0x7  }
0x303: {  	v60 =	vshll.u32 v28, $0x7;
	v29 =	vshll.u32 v29, $0x7;
	v32 =	vmul.u32 $0xC000, v50  }
0x304: {  	v26 =	vshrl.u32 v26, $0x3;
	v33 =	vand.u32 $0x380, v51;
	v56 =	vmul.u32 $0xC000, v52  }
0x305: {  	v57 =	vand.u32 $0x380, v24;
	v37 =	vmul.u32 $0xC000, v55;
	v32 =	vadd.s32 v11, v32  }
0x306: {  	v39 =	vmul.u32 $0xC000, v59;
	v32 =	vor.u32 v33, v32;
	v33 =	vadd.s32 v10, v56  }
0x307: {  	v27 =	vand.u32 $0x380, v27;
	v32 =	vor.u32 v6, v32;
	v33 =	vor.u32 v57, v33  }
0x308: {  	v24 =	vld [tilespmem:s19+$0x1C950];
	v39 =	vadd.s32 v25, v39;
	v25 =	vadd.s32 v9, v37;
	v33 =	vor.u32 v7, v33  }
0x309: {  	v61 =	vmul.u32 $0xC000, v26;
	v26 =	vmul.u32 $0xC000, v54;
	v25 =	vor.u32 v27, v25  }
0x30a: {  	v30 =	vshll.u32 v30, $0x7;
	v29 =	vand.u32 $0x380, v29;
	v25 =	vor.u32 v5, v25  }
0x30b: {  	v62 =	vand.u32 $0x380, v60;
	v26 =	vadd.s32 v53, v26;
	v27 =	vmul.u32 $0xC000, v58  }
0x30c: {  	v63 =	vand.u32 $0x380, v30;
	v31 =	vadd.s32 v31, v61;
	v30 =	vor.u32 v62, v39;
	[tilespmem:v32+s29+$0x0] =	vst.idx.msk $0xffff, v0  }
0x30d: {  	s1 =	simm.s32 $0x200;
	v26 =	vor.u32 v63, v26;
	v28 =	vshrl.u32 v24, $0x3;
	v27 =	vadd.s32 v8, v27;
	[tilespmem:v33+s29+$0x0] =	vst.idx.msk $0xffff, v0  }
.LBB2_22:
0x30e: {  	s19 =	sshra.s32 s1, $0x2;
	p1 =	sne.s32 s1, $0x5E00;
	s1 =	sadd.s32 $0x200, s1;
	v28 =	vmul.u32 $0xC000, v28;
	v24 =	vshll.u32 v24, $0x7;
	v23 =	vand.u32 $0x380, v23  }
0x30f: {  	[tilespmem:v25+s29+$0x0] =	vst.idx.msk $0xffff, v0;
	v25 =	vor.u32 v29, v27;
	v24 =	vand.u32 $0x380, v24;
	v23 =	vor.u32 v23, v31  }
0x310: {  	v17 =	vand.u32 $0x7F, v17;
	v21 =	vor.u32 v21, v25;
	v19 =	vadd.s32 v19, v28  }
0x311: {  	v18 =	vor.u32 v18, v30;
	v22 =	vor.u32 v22, v26;
	v19 =	vor.u32 v24, v19  }
0x312: {  	v25 =	vadd.s32 $0x40, v14;
	v24 =	vshll.u32 v14, $0x3;
	v19 =	vor.u32 v20, v19  }
0x313: {  	v26 =	vand.u32 $0x7F, v14;
	v27 =	vadd.s32 $0x10, v14;
	v20 =	vshll.u32 v25, $0x3  }
0x314: {  	v28 =	vshll.u32 v27, $0x3;
	v23 =	vor.u32 v17, v23;
	v24 =	vand.u32 $0xFFFFFC00, v24  }
0x315: {  	v29 =	vadd.s32 $0x30, v14;
	v28 =	vand.u32 $0xFFFFFC00, v28;
	[tilespmem:v21+s29+$0x0] =	vst.idx.msk $0xffff, v0  }
0x316: {  	v30 =	vand.u32 $0xFFFFFC00, v20;
	v21 =	vshll.u32 v29, $0x3;
	[tilespmem:v18+s29+$0x0] =	vst.idx.msk $0xffff, v0  }
0x317: {  	v31 =	vadd.s32 $0x50, v14;
	v20 =	vadd.s32 $0x20, v14;
	[tilespmem:v19+s29+$0x0] =	vst.idx.msk $0xffff, v0  }
0x318: {  	v17 =	vshll.u32 v20, $0x3;
	v19 =	vshll.u32 v31, $0x3;
	[tilespmem:v22+s29+$0x0] =	vst.idx.msk $0xffff, v0  }
0x319: {  	v32 =	vand.u32 $0xFFFFFC00, v17;
	v17 =	vadd.s32 $0x70, v14;
	v18 =	vand.u32 $0x7F, v25;
	[tilespmem:v23+s29+$0x0] =	vst.idx.msk $0xffff, v0  }
0x31a: {  	v33 =	vand.u32 $0x7F, v20;
	v20 =	vshll.u32 v17, $0x3;
	v25 =	vld [tilespmem:s19+$0x1C910]  }
0x31b: {  	v34 =	vand.u32 $0xFFFFFC00, v21;
	v35 =	vand.u32 $0xFFFFFC00, v20;
	v19 =	vand.u32 $0xFFFFFC00, v19;
	v23 =	vld [tilespmem:s19+$0x1C900]  }
0x31c: {  	v36 =	vld [tilespmem:s19+$0x1C970]  }
0x31d: {  	v21 =	vand.u32 $0x7F, v29;
	v29 =	vadd.s32 $0x60, v14;
	v37 =	vld [tilespmem:s19+$0x1C960]  }
0x31e: {  	v14 =	vadd.s32 $0x80, v14;
	v38 =	vld [tilespmem:s19+$0x1C920]  }
0x31f: {  	v20 =	vand.u32 $0x7F, v31;
	v22 =	vand.u32 $0x7F, v29;
	v29 =	vshll.u32 v29, $0x3;
	v39 =	vld [tilespmem:s19+$0x1C940]  }
0x320: {  	v42 =	vshrl.u32 v25, $0x3;
	v31 =	vld [tilespmem:s19+$0x1C930];
	v40 =	vshrl.u32 v23, $0x3;
	v41 =	vshll.u32 v23, $0x7  }
0x321: {  	v43 =	vand.u32 $0xFFFFFC00, v29;
	v40 =	vmul.u32 $0xC000, v40;
	v23 =	vshll.u32 v36, $0x7  }
0x322: {  	v25 =	vshll.u32 v25, $0x7;
	v29 =	vand.u32 $0x380, v41;
	v41 =	vshrl.u32 v37, $0x3  }
0x323: {  	v27 =	vand.u32 $0x7F, v27;
	v24 =	vadd.s32 v24, v40;
	v40 =	vshrl.u32 v38, $0x3  }
0x324: {  	v25 =	vand.u32 $0x380, v25;
	v24 =	vor.u32 v29, v24;
	v29 =	vmul.u32 $0xC000, v42  }
0x325: {  	v44 =	vshrl.u32 v39, $0x3;
	v26 =	vor.u32 v26, v24;
	v42 =	vshrl.u32 v31, $0x3  }
0x326: {  	v24 =	vld [tilespmem:s19+$0x1C950];
	v28 =	vadd.s32 v28, v29;
	v29 =	vmul.u32 $0xC000, v40;
	v40 =	vmul.u32 $0xC000, v44  }
0x327: {  	v25 =	vor.u32 v25, v28;
	v28 =	vshll.u32 v38, $0x7;
	v38 =	vshll.u32 v39, $0x7  }
0x328: {  	v39 =	vor.u32 v27, v25;
	v25 =	vand.u32 $0x380, v28;
	v30 =	vadd.s32 v30, v40  }
0x329: {  	v27 =	vadd.s32 v32, v29;
	v29 =	vshll.u32 v31, $0x7;
	v28 =	vshrl.u32 v36, $0x3  }
.Ltmp12:
0x32a: {  	v25 =	vor.u32 v25, v27;
	v31 =	vmul.u32 $0xC000, v28;
	[tilespmem:v26+s29+$0x0] =	vst.idx.msk $0xffff, v0;
	v26 =	vmul.u32 $0xC000, v42;
	(pc) =	sbr.rel @p1 .LBB2_22-.Ltmp12, $4  }
0x32b: {  	v32 =	vmul.u32 $0xC000, v41;
	v25 =	vor.u32 v33, v25;
	v28 =	vshrl.u32 v24, $0x3  }
0x32c: {  	v29 =	vand.u32 $0x380, v29;
	v27 =	vadd.s32 v34, v26;
	v26 =	vshll.u32 v37, $0x7  }
0x32d: {  	v33 =	vand.u32 $0x380, v38;
	v32 =	vadd.s32 v43, v32;
	[tilespmem:v39+s29+$0x0] =	vst.idx.msk $0xffff, v0;
	v26 =	vand.u32 $0x380, v26  }
0x32e: {  	v30 =	vor.u32 v33, v30;
	v31 =	vadd.s32 v35, v31;
	v26 =	vor.u32 v26, v32  }
0x32f: {  	v14 =	vmul.u32 $0xC000, v28  }
0x330: {  	v24 =	vshll.u32 v24, $0x7;
	v27 =	vor.u32 v29, v27  }
0x331: {  	v24 =	vand.u32 $0x380, v24;
	v21 =	vor.u32 v21, v27;
	v14 =	vadd.s32 v19, v14  }
0x332: {  	v18 =	vor.u32 v18, v30;
	v14 =	vor.u32 v24, v14  }
0x333: {  	v19 =	vand.u32 $0x380, v23;
	v14 =	vor.u32 v20, v14  }
0x334: {  	v17 =	vand.u32 $0x7F, v17;
	v19 =	vor.u32 v19, v31;
	v20 =	vor.u32 v22, v26  }
0x335: {  	[tilespmem:v25+s29+$0x0] =	vst.idx.msk $0xffff, v0;
	v17 =	vor.u32 v17, v19  }
0x336: {  	[tilespmem:v21+s29+$0x0] =	vst.idx.msk $0xffff, v0  }
0x337: {  	[tilespmem:v18+s29+$0x0] =	vst.idx.msk $0xffff, v0  }
0x338: {  	[tilespmem:v14+s29+$0x0] =	vst.idx.msk $0xffff, v0  }
0x339: {  	[tilespmem:v20+s29+$0x0] =	vst.idx.msk $0xffff, v0  }
0x33a: {  	s19 =	simm.s32 $0x0;
	[tilespmem:v17+s29+$0x0] =	vst.idx.msk $0xffff, v0  }
0x33b: {  	v27 =	vld [tilespmem:s19+$0x1900]  }
0x33c: {  	v19 =	vld [tilespmem:s19+$0x1950]  }
0x33d: {  	v18 =	vld [tilespmem:s19+$0x1910]  }
0x33e: {  	v30 =	vld [tilespmem:s19+$0x1940]  }
0x33f: {  	v26 =	vld [tilespmem:s19+$0x1970]  }
0x340: {  	v28 =	vld [tilespmem:s19+$0x1960]  }
0x341: {  	v31 =	vld [tilespmem:s19+$0x1920]  }
0x342: {  	v29 =	vld [tilespmem:s19+$0x1930]  }
0x343: {  	v24 =	vld.idx.msk [tilespmem:v27+s4+$0x0], $0xffff  }
0x344: {  	v20 =	vld.idx.msk [tilespmem:v19+s4+$0x0], $0xffff  }
0x345: {  	v17 =	vld.idx.msk [tilespmem:v18+s22+$0x0], $0xffff  }
0x346: {  	v14 =	vadd.s32 $0x70, v3;
	v25 =	vld.idx.msk [tilespmem:v18+s4+$0x0], $0xffff  }
0x347: {  	v21 =	vshll.u32 v14, $0x3;
	v18 =	vand.u32 $0x7F, v15;
	v15 =	vld.idx.msk [tilespmem:v19+s22+$0x0], $0xffff  }
0x348: {  	s1 =	simm.s32 $0x200;
	v23 =	vand.u32 $0x7F, v16;
	v16 =	vand.u32 $0xFFFFFC00, v21;
	v19 =	vand.u32 $0x7F, v13;
	v13 =	vld.idx.msk [tilespmem:v26+s22+$0x0], $0xffff  }
.LBB2_24:
0x349: {  	p1 =	sne.s32 s1, $0x600;
	v32 =	vld.idx.msk [tilespmem:v30+s4+$0x0], $0xffff;
	v33 =	vshrl.u32 v24, $0x3;
	v12 =	vand.u32 $0xFFFFFC00, v12;
	v3 =	vadd.s32 $0x80, v3;
	s5 =	smov.u32 s1;
	s1 =	sadd.s32 $0x200, s1  }
0x34a: {  	v22 =	vadd.s32 $0x40, v3;
	v21 =	vadd.s32 $0x50, v3;
	v34 =	vld.idx.msk [tilespmem:v31+s22+$0x0], $0xffff;
	v33 =	vmul.u32 $0xC000, v33  }
0x34b: {  	v38 =	vshll.u32 v24, $0x7;
	v35 =	vshll.u32 v22, $0x3;
	v36 =	vshll.u32 v21, $0x3;
	v37 =	vld.idx.msk [tilespmem:v28+s4+$0x0], $0xffff  }
0x34c: {  	v31 =	vld.idx.msk [tilespmem:v31+s4+$0x0], $0xffff;
	v11 =	vadd.s32 v11, v33;
	v33 =	vand.u32 $0x380, v38;
	v38 =	vshrl.u32 v25, $0x3  }
0x34d: {  	v39 =	vld.idx.msk [tilespmem:v29+s4+$0x0], $0xffff;
	v11 =	vor.u32 v33, v11;
	v33 =	vmul.u32 $0xC000, v38;
	v38 =	vshll.u32 v25, $0x7  }
0x34e: {  	v41 =	vand.u32 $0xFFFFFC00, v4;
	v40 =	vadd.s32 $0x60, v3;
	v4 =	vmovc v36;
	v30 =	vld.idx.msk [tilespmem:v30+s22+$0x0], $0xffff;
	v38 =	vand.u32 $0x380, v38  }
0x34f: {  	v36 =	vshll.u32 v32, $0x7;
	v27 =	vld.idx.msk [tilespmem:v27+s22+$0x0], $0xffff;
	v10 =	vadd.s32 v10, v33;
	v33 =	vshrl.u32 v32, $0x3  }
0x350: {  	v42 =	vshrl.u32 v20, $0x3;
	v43 =	vshll.u32 v20, $0x7;
	v29 =	vld.idx.msk [tilespmem:v29+s22+$0x0], $0xffff;
	v33 =	vmul.u32 $0xC000, v33  }
0x351: {  	v43 =	vand.u32 $0x380, v43;
	v36 =	vand.u32 $0x380, v36;
	v44 =	vshrl.u32 v37, $0x3;
	v28 =	vld.idx.msk [tilespmem:v28+s22+$0x0], $0xffff  }
0x352: {  	v42 =	vmul.u32 $0xC000, v42;
	v45 =	vshrl.u32 v31, $0x3;
	v46 =	vshll.u32 v31, $0x7;
	v26 =	vld.idx.msk [tilespmem:v26+s4+$0x0], $0xffff  }
0x353: {  	v45 =	vmul.u32 $0xC000, v45;
	v47 =	vshrl.u32 v39, $0x3;
	[tilespmem:s19+$0x1C930] =	vst v39;
	v39 =	vshll.u32 v39, $0x7  }
0x354: {  	s5 =	sshra.s32 s5, $0x2;
	v41 =	vadd.s32 v41, v42;
	[tilespmem:s19+$0x1C900] =	vst v24;
	v24 =	vmul.u32 $0xC000, v47;
	v47 =	vand.u32 $0xFFFFFC00, v2;
	v2 =	vmovc v35  }
0x355: {  	v9 =	vadd.s32 v9, v45;
	v35 =	vor.u32 v43, v41;
	[tilespmem:s19+$0x1C910] =	vst v25;
	v25 =	vand.u32 $0x380, v46  }
0x356: {  	[tilespmem:s19+$0x1C920] =	vst v31;
	v9 =	vor.u32 v25, v9;
	v8 =	vadd.s32 v8, v24;
	v24 =	vand.u32 $0x380, v39  }
0x357: {  	[tilespmem:s19+$0x1C940] =	vst v32;
	v5 =	vor.u32 v5, v9;
	v8 =	vor.u32 v24, v8;
	v9 =	vadd.s32 v47, v33  }
0x358: {  	v24 =	vshll.u32 v37, $0x7;
	[tilespmem:s19+$0x1C970] =	vst v26;
	v8 =	vor.u32 v18, v8;
	v18 =	vmul.u32 $0xC000, v44  }
0x359: {  	v6 =	vor.u32 v6, v11;
	v10 =	vor.u32 v38, v10;
	v11 =	vand.u32 $0x380, v24;
	[tilespmem:s19+$0x1C950] =	vst v20  }
0x35a: {  	v7 =	vor.u32 v7, v10;
	v10 =	vor.u32 v23, v35;
	[tilespmem:s19+$0x1C960] =	vst v37;
	v12 =	vadd.s32 v12, v18;
	s19 =	smov.u32 s5  }
0x35b: {  	v9 =	vor.u32 v36, v9;
	v18 =	vshrl.u32 v26, $0x3;
	v11 =	vor.u32 v11, v12  }
0x35c: {  	v20 =	vadd.s32 $0x70, v3;
	v12 =	vshll.u32 v40, $0x3;
	v18 =	vmul.u32 $0xC000, v18  }
0x35d: {  	v9 =	vor.u32 v19, v9;
	v19 =	vshll.u32 v26, $0x7;
	v32 =	vshll.u32 v20, $0x3  }
0x35e: {  	v16 =	vadd.s32 v16, v18;
	v18 =	vand.u32 $0x380, v19;
	[tilespmem:v6+s29+$0x0] =	vst.idx.msk $0xffff, v27;
	v6 =	vand.u32 $0x7F, v1;
	v1 =	vmovc v40  }
0x35f: {  	[tilespmem:v7+s29+$0x0] =	vst.idx.msk $0xffff, v17;
	v6 =	vor.u32 v6, v11;
	v7 =	vand.u32 $0x7F, v14;
	v11 =	vor.u32 v18, v16  }
0x360: {  	v14 =	vmov v20;
	[tilespmem:v5+s29+$0x0] =	vst.idx.msk $0xffff, v34;
	v7 =	vor.u32 v7, v11  }
0x361: {  	v16 =	vadd.s32 $0x20, v3;
	v5 =	vadd.s32 $0x30, v3;
	[tilespmem:v8+s29+$0x0] =	vst.idx.msk $0xffff, v29  }
0x362: {  	v17 =	vadd.s32 $0x10, v3;
	v11 =	vshll.u32 v3, $0x3;
	v18 =	vand.u32 $0x7F, v5;
	[tilespmem:v9+s29+$0x0] =	vst.idx.msk $0xffff, v30  }
0x363: {  	v8 =	vshll.u32 v5, $0x3;
	[tilespmem:v10+s29+$0x0] =	vst.idx.msk $0xffff, v15  }
0x364: {  	v5 =	vand.u32 $0x7F, v16;
	[tilespmem:v6+s29+$0x0] =	vst.idx.msk $0xffff, v28  }
0x365: {  	v8 =	vand.u32 $0xFFFFFC00, v8;
	[tilespmem:v7+s29+$0x0] =	vst.idx.msk $0xffff, v13  }
0x366: {  	v11 =	vand.u32 $0xFFFFFC00, v11;
	v7 =	vand.u32 $0x7F, v17;
	v27 =	vld [tilespmem:s19+$0x1900]  }
0x367: {  	v9 =	vshll.u32 v16, $0x3;
	v6 =	vld [tilespmem:s19+$0x1950]  }
0x368: {  	v10 =	vshll.u32 v17, $0x3;
	v9 =	vand.u32 $0xFFFFFC00, v9;
	v13 =	vld [tilespmem:s19+$0x1910]  }
0x369: {  	v30 =	vld [tilespmem:s19+$0x1940]  }
0x36a: {  	v10 =	vand.u32 $0xFFFFFC00, v10;
	v26 =	vld [tilespmem:s19+$0x1970]  }
0x36b: {  	v28 =	vld [tilespmem:s19+$0x1960]  }
0x36c: {  	v31 =	vld [tilespmem:s19+$0x1920]  }
0x36d: {  	v29 =	vld [tilespmem:s19+$0x1930]  }
0x36e: {  	v24 =	vld.idx.msk [tilespmem:v27+s4+$0x0], $0xffff  }
.Ltmp13:
0x36f: {  	v20 =	vld.idx.msk [tilespmem:v6+s4+$0x0], $0xffff;
	(pc) =	sbr.rel @p1 .LBB2_24-.Ltmp13, $4  }
0x370: {  	v17 =	vld.idx.msk [tilespmem:v13+s22+$0x0], $0xffff  }
0x371: {  	v25 =	vld.idx.msk [tilespmem:v13+s4+$0x0], $0xffff  }
0x372: {  	v19 =	vand.u32 $0x7F, v22;
	v15 =	vld.idx.msk [tilespmem:v6+s22+$0x0], $0xffff  }
0x373: {  	v23 =	vand.u32 $0x7F, v21;
	v16 =	vand.u32 $0xFFFFFC00, v32;
	v6 =	vand.u32 $0x7F, v3;
	v13 =	vld.idx.msk [tilespmem:v26+s22+$0x0], $0xffff  }
0x374: {  	_ =	sdelay $0x3  }
0x375: {  	v3 =	vshrl.u32 v24, $0x3;
	v21 =	vld.idx.msk [tilespmem:v30+s4+$0x0], $0xffff;
	v12 =	vand.u32 $0xFFFFFC00, v12;
	v32 =	vshll.u32 v24, $0x7  }
0x376: {  	v22 =	vld.idx.msk [tilespmem:v28+s4+$0x0], $0xffff;
	v4 =	vand.u32 $0xFFFFFC00, v4;
	v36 =	vshrl.u32 v20, $0x3;
	v37 =	vshll.u32 v20, $0x7  }
0x377: {  	v33 =	vld.idx.msk [tilespmem:v31+s4+$0x0], $0xffff;
	v2 =	vand.u32 $0xFFFFFC00, v2;
	v1 =	vand.u32 $0x7F, v1;
	v3 =	vmul.u32 $0xC000, v3  }
0x378: {  	v35 =	vld.idx.msk [tilespmem:v29+s4+$0x0], $0xffff;
	v32 =	vand.u32 $0x380, v32;
	v36 =	vmul.u32 $0xC000, v36;
	v46 =	vshrl.u32 v25, $0x3  }
0x379: {  	v34 =	vshll.u32 v25, $0x7;
	v3 =	vadd.s32 v11, v3;
	v11 =	vmul.u32 $0xC000, v46  }
0x37a: {  	v26 =	vld.idx.msk [tilespmem:v26+s4+$0x0], $0xffff;
	v37 =	vand.u32 $0x380, v37;
	v47 =	vand.u32 $0x380, v34;
	v4 =	vadd.s32 v4, v36  }
0x37b: {  	v48 =	vld.idx.msk [tilespmem:v31+s22+$0x0], $0xffff;
	v3 =	vor.u32 v32, v3;
	v4 =	vor.u32 v37, v4;
	v10 =	vadd.s32 v10, v11  }
0x37c: {  	v51 =	vld.idx.msk [tilespmem:v30+s22+$0x0], $0xffff;
	v49 =	vshrl.u32 v21, $0x3;
	v50 =	vshll.u32 v21, $0x7;
	v38 =	vshrl.u32 v22, $0x3  }
0x37d: {  	v27 =	vld.idx.msk [tilespmem:v27+s22+$0x0], $0xffff;
	v39 =	vshrl.u32 v33, $0x3;
	v40 =	vshll.u32 v33, $0x7;
	v41 =	vshrl.u32 v35, $0x3  }
0x37e: {  	v52 =	vld.idx.msk [tilespmem:v29+s22+$0x0], $0xffff;
	v54 =	vshll.u32 v35, $0x7;
	v3 =	vor.u32 v6, v3;
	v59 =	vshll.u32 v22, $0x7  }
0x37f: {  	v53 =	vld.idx.msk [tilespmem:v28+s22+$0x0], $0xffff;
	[tilespmem:s19+$0x1C900] =	vst v24;
	v4 =	vor.u32 v23, v4;
	v61 =	vshrl.u32 v26, $0x3;
	v62 =	vshll.u32 v26, $0x7  }
0x380: {  	[tilespmem:s19+$0x1C950] =	vst v20;
	v11 =	vmul.u32 $0xC000, v49;
	v34 =	vand.u32 $0x380, v50;
	v39 =	vmul.u32 $0xC000, v39  }
0x381: {  	[tilespmem:s19+$0x1C910] =	vst v25;
	v41 =	vmul.u32 $0xC000, v41;
	v55 =	vand.u32 $0x380, v40;
	v56 =	vand.u32 $0x380, v54  }
0x382: {  	[tilespmem:s19+$0x1C930] =	vst v35;
	v57 =	vor.u32 v47, v10;
	v58 =	vmul.u32 $0xC000, v38;
	v9 =	vadd.s32 v9, v39  }
0x383: {  	[tilespmem:s19+$0x1C920] =	vst v33;
	v6 =	vor.u32 v7, v57;
	v8 =	vadd.s32 v8, v41;
	v9 =	vor.u32 v55, v9  }
0x384: {  	[tilespmem:s19+$0x1C940] =	vst v21;
	v2 =	vadd.s32 v2, v11;
	v8 =	vor.u32 v56, v8;
	v5 =	vor.u32 v5, v9  }
0x385: {  	[tilespmem:s19+$0x1C970] =	vst v26;
	v10 =	vmul.u32 $0xC000, v61;
	v2 =	vor.u32 v34, v2;
	v8 =	vor.u32 v18, v8  }
0x386: {  	[tilespmem:s19+$0x1C960] =	vst v22;
	v60 =	vand.u32 $0x380, v59;
	v9 =	vadd.s32 v12, v58;
	v2 =	vor.u32 v19, v2  }
0x387: {  	[tilespmem:v3+s29+$0x0] =	vst.idx.msk $0xffff, v27;
	v3 =	vadd.s32 v16, v10;
	v7 =	vor.u32 v60, v9;
	v9 =	vand.u32 $0x380, v62  }
0x388: {  	v63 =	vand.u32 $0x7F, v14;
	[tilespmem:v6+s29+$0x0] =	vst.idx.msk $0xffff, v17;
	v1 =	vor.u32 v1, v7;
	v3 =	vor.u32 v9, v3  }
0x389: {  	v3 =	vor.u32 v63, v3;
	[tilespmem:v5+s29+$0x0] =	vst.idx.msk $0xffff, v48  }
0x38a: {  	[tilespmem:v8+s29+$0x0] =	vst.idx.msk $0xffff, v52  }
.Ltmp14:
0x38b: {  	[tilespmem:v2+s29+$0x0] =	vst.idx.msk $0xffff, v51;
	(pc) =	sbr.rel @p0 .LBB2_29-.Ltmp14, $4  }
0x38c: {  	[tilespmem:v4+s29+$0x0] =	vst.idx.msk $0xffff, v15  }
0x38d: {  	[tilespmem:v1+s29+$0x0] =	vst.idx.msk $0xffff, v53  }
0x38e: {  	[tilespmem:v3+s29+$0x0] =	vst.idx.msk $0xffff, v13  }
0x38f: {  	[hbm4b:s17+s4] =	stream.linear.scatter [tilespmem:s29], [sflag:$0x4], $0x1000, $0x38;
	[tilespmem:$0x1E780] =	vst v63  }
0x390: {  	_ =	swait.ge [sflag:s2], $0x240  }
0x391: {  	[sflag:s2] =	ssyncset.done $0x0  }
0x392: {  	[sflag:s2] =	ssyncadd.s32 $0xFFFFFDC0  }
0x393: {  	v1 =	vld [tilespmem:$0x1E300];
	_ =	sdelay $0x6  }
0x394: {  	s19 =	simm.s32 $0x0  }
0x395: {  	v2 =	vld.idx.msk [tilespmem:v1+s19+$0x0], $0xffff;
	_ =	sdelay $0x3  }
0x396: {  	v3 =	vld.idx.msk [tilespmem:v1+s22+$0x0], $0xffff;
	[tilespmem:$0x1E380] =	vst v0  }
0x397: {  	[tilespmem:$0x1E400] =	vst v0;
	v1 =	vlaneseq.u32;
	v2 =	vshll.u32 v2, $0x7  }
0x398: {  	[tilespmem:$0x1E480] =	vst v0;
	v2 =	vor.u32 v1, v2  }
0x399: {  	[tilespmem:$0x1E500] =	vst v0  }
0x39a: {  	[tilespmem:$0x1E580] =	vst v0  }
0x39b: {  	[tilespmem:$0x1E600] =	vst v0  }
0x39c: {  	[tilespmem:$0x1E680] =	vst v0  }
0x39d: {  	[tilespmem:v2+s0+$0x0] =	vst.idx.msk $0xffff, v3  }
0x39e: {  	v2 =	vld [tilespmem:$0x1E310];
	_ =	sdelay $0x7  }
0x39f: {  	v3 =	vld.idx.msk [tilespmem:v2+s19+$0x0], $0xffff;
	_ =	sdelay $0x3  }
0x3a0: {  	v2 =	vld.idx.msk [tilespmem:v2+s22+$0x0], $0xffff;
	[tilespmem:$0x1E390] =	vst v0  }
0x3a1: {  	v4 =	vor.u32 $0x10, v1;
	[tilespmem:$0x1E410] =	vst v0;
	v3 =	vshll.u32 v3, $0x7  }
0x3a2: {  	[tilespmem:$0x1E490] =	vst v0;
	v3 =	vor.u32 v4, v3  }
0x3a3: {  	[tilespmem:$0x1E510] =	vst v0  }
0x3a4: {  	[tilespmem:$0x1E590] =	vst v0  }
0x3a5: {  	[tilespmem:$0x1E610] =	vst v0  }
0x3a6: {  	[tilespmem:$0x1E690] =	vst v0  }
0x3a7: {  	[tilespmem:v3+s0+$0x0] =	vst.idx.msk $0xffff, v2  }
0x3a8: {  	v2 =	vld [tilespmem:$0x1E320];
	_ =	sdelay $0x7  }
0x3a9: {  	v3 =	vld.idx.msk [tilespmem:v2+s19+$0x0], $0xffff;
	_ =	sdelay $0x3  }
0x3aa: {  	v2 =	vld.idx.msk [tilespmem:v2+s22+$0x0], $0xffff;
	[tilespmem:$0x1E3A0] =	vst v0  }
0x3ab: {  	v62 =	vor.u32 $0x20, v1;
	[tilespmem:$0x1E420] =	vst v0;
	v3 =	vshll.u32 v3, $0x7  }
0x3ac: {  	[tilespmem:$0x1E4A0] =	vst v0;
	v3 =	vor.u32 v62, v3  }
0x3ad: {  	[tilespmem:$0x1E520] =	vst v0  }
0x3ae: {  	[tilespmem:$0x1E5A0] =	vst v0  }
0x3af: {  	[tilespmem:$0x1E620] =	vst v0  }
0x3b0: {  	[tilespmem:$0x1E6A0] =	vst v0  }
0x3b1: {  	[tilespmem:v3+s0+$0x0] =	vst.idx.msk $0xffff, v2  }
0x3b2: {  	v2 =	vld [tilespmem:$0x1E330];
	_ =	sdelay $0x7  }
0x3b3: {  	v3 =	vld.idx.msk [tilespmem:v2+s19+$0x0], $0xffff;
	_ =	sdelay $0x3  }
0x3b4: {  	v2 =	vld.idx.msk [tilespmem:v2+s22+$0x0], $0xffff;
	[tilespmem:$0x1E3B0] =	vst v0  }
0x3b5: {  	v63 =	vor.u32 $0x30, v1;
	[tilespmem:$0x1E430] =	vst v0;
	v3 =	vshll.u32 v3, $0x7  }
0x3b6: {  	[tilespmem:$0x1E4B0] =	vst v0;
	v3 =	vor.u32 v63, v3  }
0x3b7: {  	[tilespmem:$0x1E530] =	vst v0  }
0x3b8: {  	[tilespmem:$0x1E5B0] =	vst v0  }
0x3b9: {  	[tilespmem:$0x1E630] =	vst v0  }
0x3ba: {  	[tilespmem:$0x1E6B0] =	vst v0  }
0x3bb: {  	s1 =	simm.s32 $0x400;
	s5 =	simm.s32 $0x7A1400;
	[tilespmem:v3+s0+$0x0] =	vst.idx.msk $0xffff, v2  }
0x3bc: {  	[hbm4b:s18+s1] =	stream.strided.scatter [tilespmem:s0], [sflag:$0x6], $0x0, s5, s1, $0x38;
	[tilespmem:$0x1E780] =	vst v63  }
0x3bd: {  	_ = 	snop  }
0x3be: {  	[hbm4b:s18+s19] =	stream.linear.scatter [tilespmem:s0], [sflag:$0x6], $0x380, $0x38;
	[tilespmem:$0x1E780] =	vst v63  }
0x3bf: {  	_ =	swait.ge [sflag:s30], $0xC000  }
0x3c0: {  	[sflag:s30] =	ssyncset.done $0x0  }
0x3c1: {  	s1 =	simm.s32 $0x32C0;
	[sflag:s30] =	ssyncadd.s32 $0xFFFF4000  }
.LBB2_27:
0x3c2: {  	s5 =	sshra.s32 s19, $0x2  }
0x3c3: {  	v2 =	vld [tilespmem:s5+$0x1E100]  }
0x3c4: {  	v3 =	vld [tilespmem:s5+$0x1E110]  }
0x3c5: {  	v5 =	vld [tilespmem:s5+$0x1E120]  }
0x3c6: {  	v6 =	vld [tilespmem:s5+$0x1E130]  }
0x3c7: {  	v7 =	vld [tilespmem:s5+$0x1E140]  }
0x3c8: {  	v8 =	vld [tilespmem:s5+$0x1E150]  }
0x3c9: {  	v9 =	vld [tilespmem:s5+$0x1E160]  }
0x3ca: {  	v16 =	vld [tilespmem:s5+$0x1E170]  }
0x3cb: {  	v12 =	vld.idx.msk [tilespmem:v2+s4+$0x0], $0xffff  }
0x3cc: {  	v4 =	vld.idx.msk [tilespmem:v2+s22+$0x0], $0xffff  }
0x3cd: {  	v13 =	vld.idx.msk [tilespmem:v3+s4+$0x0], $0xffff  }
0x3ce: {  	v2 =	vld.idx.msk [tilespmem:v3+s22+$0x0], $0xffff  }
0x3cf: {  	v14 =	vld.idx.msk [tilespmem:v5+s4+$0x0], $0xffff  }
0x3d0: {  	v3 =	vld.idx.msk [tilespmem:v5+s22+$0x0], $0xffff  }
0x3d1: {  	v15 =	vld.idx.msk [tilespmem:v6+s4+$0x0], $0xffff  }
0x3d2: {  	v27 =	vld.idx.msk [tilespmem:v6+s22+$0x0], $0xffff  }
0x3d3: {  	v17 =	vld.idx.msk [tilespmem:v7+s4+$0x0], $0xffff  }
0x3d4: {  	v28 =	vld.idx.msk [tilespmem:v7+s22+$0x0], $0xffff  }
0x3d5: {  	v18 =	vld.idx.msk [tilespmem:v8+s4+$0x0], $0xffff  }
0x3d6: {  	v29 =	vld.idx.msk [tilespmem:v8+s22+$0x0], $0xffff  }
0x3d7: {  	v11 =	vld.idx.msk [tilespmem:v9+s4+$0x0], $0xffff  }
0x3d8: {  	v30 =	vld.idx.msk [tilespmem:v9+s22+$0x0], $0xffff  }
0x3d9: {  	v10 =	vld.idx.msk [tilespmem:v16+s4+$0x0], $0xffff  }
0x3da: {  	v31 =	vld.idx.msk [tilespmem:v16+s22+$0x0], $0xffff;
	[tilespmem:s1+$0xFFFFFE40] =	vst v0  }
0x3db: {  	[tilespmem:s1+$0xFFFFFEC0] =	vst v0  }
0x3dc: {  	[tilespmem:s1+$0xFFFFFF40] =	vst v0  }
0x3dd: {  	[tilespmem:s1+$0xFFFFFFC0] =	vst v0  }
0x3de: {  	[tilespmem:s1+$0x40] =	vst v0  }
0x3df: {  	[tilespmem:s1+$0xC0] =	vst v0  }
0x3e0: {  	[tilespmem:s1+$0x140] =	vst v0  }
0x3e1: {  	[tilespmem:s1+$0xFFFFFE50] =	vst v0  }
0x3e2: {  	[tilespmem:s1+$0xFFFFFED0] =	vst v0  }
0x3e3: {  	[tilespmem:s1+$0xFFFFFF50] =	vst v0  }
0x3e4: {  	[tilespmem:s1+$0xFFFFFFD0] =	vst v0  }
0x3e5: {  	[tilespmem:s1+$0x50] =	vst v0  }
0x3e6: {  	[tilespmem:s1+$0xD0] =	vst v0  }
0x3e7: {  	[tilespmem:s1+$0x150] =	vst v0  }
0x3e8: {  	[tilespmem:s1+$0xFFFFFE60] =	vst v0  }
0x3e9: {  	[tilespmem:s1+$0xFFFFFEE0] =	vst v0  }
0x3ea: {  	[tilespmem:s1+$0xFFFFFF60] =	vst v0  }
0x3eb: {  	[tilespmem:s1+$0xFFFFFFE0] =	vst v0  }
0x3ec: {  	[tilespmem:s1+$0x60] =	vst v0  }
0x3ed: {  	[tilespmem:s1+$0xE0] =	vst v0  }
0x3ee: {  	[tilespmem:s1+$0x160] =	vst v0  }
0x3ef: {  	[tilespmem:s1+$0xFFFFFE70] =	vst v0  }
0x3f0: {  	[tilespmem:s1+$0xFFFFFEF0] =	vst v0  }
0x3f1: {  	[tilespmem:s1+$0xFFFFFF70] =	vst v0  }
0x3f2: {  	[tilespmem:s1+$0xFFFFFFF0] =	vst v0  }
0x3f3: {  	[tilespmem:s1+$0x70] =	vst v0  }
0x3f4: {  	[tilespmem:s1+$0xF0] =	vst v0  }
0x3f5: {  	[tilespmem:s1+$0x170] =	vst v0  }
0x3f6: {  	[tilespmem:s1+$0xFFFFFE80] =	vst v0  }
0x3f7: {  	[tilespmem:s1+$0xFFFFFF00] =	vst v0  }
0x3f8: {  	v19 =	vshll.u32 v1, $0x3;
	v20 =	vand.u32 $0x7F, v1;
	[tilespmem:s1+$0xFFFFFF80] =	vst v0  }
0x3f9: {  	v33 =	vadd.s32 $0x10, v1;
	v21 =	vadd.s32 $0x20, v1;
	v38 =	vadd.s32 $0x30, v1;
	[tilespmem:s1+$0x0] =	vst v0  }
0x3fa: {  	v43 =	vadd.s32 $0x40, v1;
	v47 =	vadd.s32 $0x50, v1;
	v53 =	vadd.s32 $0x60, v1;
	[tilespmem:s1+$0x80] =	vst v0  }
0x3fb: {  	v58 =	vadd.s32 $0x70, v1;
	v19 =	vand.u32 $0xFFFFFC00, v19;
	v35 =	vshll.u32 v33, $0x3;
	[tilespmem:s1+$0x100] =	vst v0  }
0x3fc: {  	v23 =	vshll.u32 v21, $0x3;
	v41 =	vshll.u32 v38, $0x3;
	v21 =	vand.u32 $0x7F, v21;
	[tilespmem:s1+$0x180] =	vst v0  }
0x3fd: {  	v45 =	vshll.u32 v43, $0x3;
	v50 =	vshll.u32 v47, $0x3;
	v52 =	vand.u32 $0x7F, v47;
	[tilespmem:s1+$0xFFFFFE90] =	vst v0  }
0x3fe: {  	v56 =	vshll.u32 v53, $0x3;
	v60 =	vshll.u32 v58, $0x3;
	v36 =	vand.u32 $0xFFFFFC00, v23;
	[tilespmem:s1+$0xFFFFFF10] =	vst v0  }
0x3ff: {  	v46 =	vand.u32 $0xFFFFFC00, v45;
	v51 =	vand.u32 $0xFFFFFC00, v50;
	v57 =	vand.u32 $0xFFFFFC00, v56;
	[tilespmem:s1+$0xFFFFFF90] =	vst v0  }
0x400: {  	[tilespmem:s1+$0x10] =	vst v0;
	v32 =	vshrl.u32 v12, $0x3;
	v12 =	vshll.u32 v12, $0x7;
	v34 =	vshrl.u32 v13, $0x3  }
0x401: {  	[tilespmem:s1+$0x90] =	vst v0;
	v22 =	vshrl.u32 v14, $0x3;
	v13 =	vshll.u32 v13, $0x7;
	v14 =	vshll.u32 v14, $0x7  }
0x402: {  	[tilespmem:s1+$0x110] =	vst v0;
	v39 =	vshrl.u32 v15, $0x3;
	v15 =	vshll.u32 v15, $0x7;
	v44 =	vshrl.u32 v17, $0x3  }
0x403: {  	[tilespmem:s1+$0x190] =	vst v0;
	v17 =	vshll.u32 v17, $0x7;
	v48 =	vshrl.u32 v18, $0x3;
	v18 =	vshll.u32 v18, $0x7  }
0x404: {  	[tilespmem:s1+$0xFFFFFEA0] =	vst v0;
	v54 =	vshrl.u32 v11, $0x3;
	v59 =	vshrl.u32 v10, $0x3;
	v11 =	vshll.u32 v11, $0x7  }
0x405: {  	[tilespmem:s1+$0xFFFFFF20] =	vst v0;
	v10 =	vshll.u32 v10, $0x7;
	v16 =	vmul.u32 $0xC000, v32;
	v12 =	vand.u32 $0x380, v12  }
0x406: {  	[tilespmem:s1+$0xFFFFFFA0] =	vst v0;
	v22 =	vmul.u32 $0xC000, v22;
	v13 =	vand.u32 $0x380, v13;
	v14 =	vand.u32 $0x380, v14  }
0x407: {  	[tilespmem:s1+$0x20] =	vst v0;
	v40 =	vmul.u32 $0xC000, v39;
	v15 =	vand.u32 $0x380, v15;
	v17 =	vand.u32 $0x380, v17  }
0x408: {  	[tilespmem:s1+$0xA0] =	vst v0;
	v49 =	vmul.u32 $0xC000, v48;
	v18 =	vand.u32 $0x380, v18;
	v55 =	vmul.u32 $0xC000, v54  }
0x409: {  	[tilespmem:s1+$0x120] =	vst v0;
	v11 =	vand.u32 $0x380, v11;
	v10 =	vand.u32 $0x380, v10;
	v16 =	vadd.s32 v19, v16  }
0x40a: {  	[tilespmem:s1+$0x1A0] =	vst v0;
	v19 =	vmul.u32 $0xC000, v34;
	v37 =	vadd.s32 v36, v22;
	v22 =	vand.u32 $0xFFFFFC00, v41  }
0x40b: {  	[tilespmem:s1+$0xFFFFFEB0] =	vst v0;
	v12 =	vor.u32 v12, v16;
	v14 =	vor.u32 v14, v37;
	v16 =	vand.u32 $0x7F, v33  }
0x40c: {  	[tilespmem:s1+$0xFFFFFF30] =	vst v0;
	v42 =	vadd.s32 v22, v40;
	v12 =	vor.u32 v20, v12;
	v20 =	vand.u32 $0xFFFFFC00, v35  }
0x40d: {  	[tilespmem:s1+$0xFFFFFFB0] =	vst v0;
	v14 =	vor.u32 v21, v14;
	v21 =	vmul.u32 $0xC000, v44;
	v19 =	vadd.s32 v20, v19  }
0x40e: {  	[tilespmem:s1+$0x30] =	vst v0;
	v22 =	vand.u32 $0xFFFFFC00, v60;
	v15 =	vor.u32 v15, v42;
	v13 =	vor.u32 v13, v19  }
0x40f: {  	[tilespmem:s1+$0xB0] =	vst v0;
	v20 =	vand.u32 $0x7F, v38;
	v13 =	vor.u32 v16, v13;
	v16 =	vadd.s32 v46, v21  }
0x410: {  	[tilespmem:s1+$0x130] =	vst v0;
	v19 =	vand.u32 $0x7F, v43;
	v15 =	vor.u32 v20, v15;
	v16 =	vor.u32 v17, v16  }
0x411: {  	[tilespmem:s1+$0x1B0] =	vst v0;
	v21 =	vmul.u32 $0xC000, v59;
	v17 =	vadd.s32 v51, v49;
	v16 =	vor.u32 v19, v16  }
0x412: {  	v17 =	vor.u32 v18, v17;
	v19 =	vand.u32 $0x7F, v53;
	v18 =	vadd.s32 v57, v55;
	[tilespmem:v12+s26+$0x0] =	vst.idx.msk $0xffff, v4  }
0x413: {  	v62 =	vadd.s32 v22, v21;
	v17 =	vor.u32 v52, v17;
	v61 =	vor.u32 v11, v18  }
0x414: {  	v63 =	vand.u32 $0x7F, v58;
	v10 =	vor.u32 v10, v62;
	[tilespmem:v13+s26+$0x0] =	vst.idx.msk $0xffff, v2;
	v2 =	vor.u32 v19, v61  }
0x415: {  	p1 =	sne.s32 s19, $0x600;
	[tilespmem:v14+s26+$0x0] =	vst.idx.msk $0xffff, v3;
	v3 =	vor.u32 v63, v10  }
.Ltmp15:
0x416: {  	[tilespmem:v15+s26+$0x0] =	vst.idx.msk $0xffff, v27;
	(pc) =	sbr.rel @p1 .LBB2_27-.Ltmp15, $4  }
0x417: {  	[tilespmem:v16+s26+$0x0] =	vst.idx.msk $0xffff, v28  }
0x418: {  	[tilespmem:v17+s26+$0x0] =	vst.idx.msk $0xffff, v29  }
0x419: {  	[tilespmem:v2+s26+$0x0] =	vst.idx.msk $0xffff, v30  }
0x41a: {  	v1 =	vadd.s32 $0x80, v1;
	s19 =	sadd.s32 $0x200, s19;
	s1 =	sadd.s32 $0x400, s1;
	[tilespmem:v3+s26+$0x0] =	vst.idx.msk $0xffff, v31  }
0x41b: {  	s1 =	rddreg [dreg:$0x8]  }
0x41c: {  	[hbm4b:s1+s4] =	stream.linear.scatter [tilespmem:s26], [sflag:$0x5], $0x1000, $0x38;
	[tilespmem:$0x1E780] =	vst v63  }
0x41d: {  	_ =	swait.ge [sflag:s2], $0x1000  }
.Ltmp16:
0x41e: {  	[sflag:s2] =	ssyncset.done $0x0;
	(pc) =	sbr.rel .LBB2_30-.Ltmp16, $4  }
0x41f: {  	s19 =	simm.s32 $0x6;
	[sflag:s2] =	ssyncadd.s32 $0xFFFFF000  }
0x420: {  	_ =	swait.ge [sflag:s19], $0x380  }
0x421: {  	[sflag:s19] =	ssyncset.done $0x0  }
0x422: {  	[sflag:s19] =	ssyncadd.s32 $0xFFFFFC80  }
.LBB2_31:
0x423: {  	_ =	sfence.sel $0x180000  }
0x424: {  	[bflag:$0x0] =	sbarrier.arrive $0xFFFF  }
0x425: {  	_ =	strace $0x90000047  }
0x426: {  	s0 =	stileid.u32;
	[bflag:$0x2] =	sbarrier.arrive $0xFFFF  }
0x427: {  	p0 =	sne.s32 s0, $0x0;
	s0 =	rddreg [dreg:$0x4]  }
0x428: {  	s0 =	sadd.s32 @!p0 $0x100000, s0  }
0x429: {  	[sflag:s0] =	ssyncadd.tile.s32 @!p0 $0x1;
	_ =	shalt  }
.Lfunc_end2:
_tile_overlayer_lowered:
.L_overlay_start_2:
0x42a: {  	(tag) =	ssettag $0x2  }
0x42b: {  	s0 =	rddreg [dreg:$0x0];
	s2 =	stileid.u32  }
0x42c: {  	s1 =	rddreg [dreg:$0x1];
	p0 =	sne.s32 s2, $0x0  }
0x42d: {  	s3 =	rddreg [dreg:$0x2];
	[bflag:$0x3] =	sbarrier.arrive $0xFFFF;
	s2 =	simm.s32 @!p0 $0x1C07  }
0x42e: {  	[timem:s3], [sflag:s2] =	dma.local @!p0 [hbm:s0], s1  }
0x42f: {  	s0 =	simm.s32 @!p0 $0x7  }
0x430: {  	_ =	swait.ge @!p0 [sflag:s0], s1  }
0x431: {  	s1 =	ssub.s32 @!p0 $0x0, s1;
	[sflag:s0] =	ssyncset.done @!p0 $0x0  }
0x432: {  	[sflag:s0] =	ssyncadd.s32 @!p0 s1  }
0x433: {  	[bflag:$0x3] =	sbarrier.arrive $0xFFFF  }
0x434: {  	_ =	shalt  }

</sc_bundles>
